<compile_context>
chip_gen: v7x
topology: tpu7x:2x2x1
jax: 0.10.2.dev20260603
libtpu: 0.0.44.dev20260713+nightly
codegen_flags: <defaults>
</compile_context>

<pallas_src>
import jax
import jax.numpy as jnp
from jax import lax
from jax.experimental import pallas as pl
from jax.experimental.pallas import tpu as pltpu
from jax.experimental.pallas import tpu_sc as plsc

B, H, W = 4, 1024, 1920
N = H * W
NC, NS, L = 2, 16, 16
ROWS_PER_TILE = H // NS
CHUNK = ROWS_PER_TILE * W
WIN = 640
SUBW = W // WIN
NWIN = ROWS_PER_TILE * SUBW
NJ = WIN // 128
GROUPS = WIN // L
ZCHUNK = CHUNK // 8
NB = 2


def _splat_body(px_hbm, v0_hbm, v1_hbm, v2_hbm, zeros_hbm,
                cnt_hbm, o0_hbm, o1_hbm,
                acc, pxb, valb, idxb, sem_in, sem_sc):
    c = lax.axis_index("c")
    t = lax.axis_index("s")
    toff = t * CHUNK

    def fire_inputs(val_hbm, b, w, p):
        base = b * N + (t * ROWS_PER_TILE + w // SUBW) * W + (w % SUBW) * WIN
        pltpu.async_copy(px_hbm.at[pl.ds(base, WIN)], pxb.at[p], sem_in)
        pltpu.async_copy(val_hbm.at[pl.ds(base, WIN)], valb.at[p], sem_in)

    def wait_inputs(p):
        pltpu.make_async_copy(px_hbm.at[pl.ds(0, WIN)], pxb.at[p],
                              sem_in).wait()
        pltpu.make_async_copy(v0_hbm.at[pl.ds(0, WIN)], valb.at[p],
                              sem_in).wait()

    def drain_scatters():
        for _ in range(4):
            pltpu.make_async_copy(
                zeros_hbm.at[pl.ds(0, WIN)], valb.at[0], sem_sc).wait()

    def do_round(val_hbm, b, out_ref):
        def zero_body(z, carry):
            pltpu.sync_copy(zeros_hbm, acc.at[pl.ds(toff + z * ZCHUNK, ZCHUNK)])
            return carry

        lax.fori_loop(0, CHUNK // ZCHUNK, zero_body, 0)
        plsc.subcore_barrier()

        fire_inputs(val_hbm, b, 0, 0)

        def win_loop(w, carry):
            p = lax.rem(w, 2)
            wait_inputs(p)
            pxw = pxb.at[p]
            valw = valb.at[p]
            po = p * 4 * NJ

            def group(g, gcarry):
                s = g * L
                pxv = pxw[pl.ds(s, L)]
                i0 = lax.shift_right_logical(pxv, 2)
                dx = pxv & 1
                dwv = (pxv & 2) * (W // 2)
                i2 = i0 + dwv
                j = po + g // 8
                col = (g % 8) * L
                idxb[j, pl.ds(col, L)] = i0
                idxb[NJ + j, pl.ds(col, L)] = i0 + dx
                idxb[2 * NJ + j, pl.ds(col, L)] = i2
                idxb[3 * NJ + j, pl.ds(col, L)] = i2 + dx
                return gcarry

            lax.fori_loop(0, GROUPS, group, 0)

            @pl.when(w >= 1)
            def _():
                drain_scatters()

            @pl.when(w + 1 < NWIN)
            def _():
                fire_inputs(val_hbm, b, w + 1, 1 - p)

            def scat(j, scarry):
                src = valw.at[pl.ds(j * 128, 128)]
                jj = po + j
                pltpu.async_copy(src, acc.at[idxb.at[jj]], sem_sc, add=True)
                pltpu.async_copy(src, acc.at[idxb.at[NJ + jj]], sem_sc,
                                 add=True)
                pltpu.async_copy(src, acc.at[idxb.at[2 * NJ + jj]], sem_sc,
                                 add=True)
                pltpu.async_copy(src, acc.at[idxb.at[3 * NJ + jj]], sem_sc,
                                 add=True)
                return scarry

            lax.fori_loop(0, NJ, scat, 0)
            return carry

        lax.fori_loop(0, NWIN, win_loop, 0)
        drain_scatters()
        plsc.subcore_barrier()

        def copyout(z, carry):
            pltpu.sync_copy(
                acc.at[pl.ds(toff + z * ZCHUNK, ZCHUNK)],
                out_ref.at[pl.ds(b * N + toff + z * ZCHUNK, ZCHUNK)])
            return carry

        lax.fori_loop(0, CHUNK // ZCHUNK, copyout, 0)

    for val_hbm, out_ref in ((v0_hbm, cnt_hbm), (v1_hbm, o0_hbm),
                             (v2_hbm, o1_hbm)):
        do_round(val_hbm, c, out_ref)


HC = 128


def _rec_body(fx_ref, fy_ref, w_ref, px_ref, v0_ref, v1_ref, v2_ref):
    h = pl.program_id(1)
    fx = fx_ref[0]
    fy = fy_ref[0]
    wv = w_ref[0]
    xs = lax.broadcasted_iota(jnp.int32, (HC, W), 1).astype(jnp.float32)
    ys = (lax.broadcasted_iota(jnp.int32, (HC, W), 0) + h * HC
          ).astype(jnp.float32)
    x2 = xs + fx
    y2 = ys + fy
    valid = ((x2 >= 0.0) & (y2 >= 0.0)
             & (x2 <= float(W - 1)) & (y2 <= float(H - 1)))
    x2c = jnp.clip(x2, 0.0, float(W - 1))
    y2c = jnp.clip(y2, 0.0, float(H - 1))
    ixL = x2c.astype(jnp.int32)
    iyT = y2c.astype(jnp.int32)
    dx = jnp.minimum(ixL + 1, W - 1) - ixL
    dy = jnp.minimum(iyT + 1, H - 1) - iyT
    i0 = iyT * W + ixL
    px_ref[0] = i0 * 4 + dy * 2 + dx
    wd = jnp.where(valid, wv, 0.0)
    v0_ref[0] = wd
    v1_ref[0] = -fx * wd
    v2_ref[0] = -fy * wd


def _records(fx, fy, wv):
    spec = pl.BlockSpec((1, HC, W), lambda b, h: (b, h, 0))
    return pl.pallas_call(
        _rec_body,
        grid=(NB, H // HC),
        in_specs=[spec, spec, spec],
        out_specs=[spec, spec, spec, spec],
        out_shape=[jax.ShapeDtypeStruct((NB, H, W), jnp.int32)]
        + [jax.ShapeDtypeStruct((NB, H, W), jnp.float32)] * 3,
    )(fx, fy, wv)


def _norm_body(cnt_ref, o0_ref, o1_ref, out_ref):
    cv = cnt_ref[0]
    m = cv > 0.0
    d = jnp.where(m, cv, 1.0)
    o0 = o0_ref[0]
    o1 = o1_ref[0]
    out_ref[0, 0] = jnp.where(m, o0 / d, o0)
    out_ref[0, 1] = jnp.where(m, o1 / d, o1)


def _normalize(cnt, o0, o1):
    spec3 = pl.BlockSpec((1, HC, W), lambda b, h: (b, h, 0))
    return pl.pallas_call(
        _norm_body,
        grid=(NB, H // HC),
        in_specs=[spec3, spec3, spec3],
        out_specs=pl.BlockSpec((1, 2, HC, W), lambda b, h: (b, 0, h, 0)),
        out_shape=jax.ShapeDtypeStruct((NB, 2, H, W), jnp.float32),
    )(cnt, o0, o1)


def _splat(px, v0, v1, v2, zeros):
    mesh = plsc.VectorSubcoreMesh(core_axis_name="c", subcore_axis_name="s")
    return pl.kernel(
        _splat_body,
        out_type=[jax.ShapeDtypeStruct((NB * N,), jnp.float32)] * 3,
        mesh=mesh,
        scratch_types=[
            pltpu.VMEM_SHARED((N,), jnp.float32),
            pltpu.VMEM((2, WIN), jnp.int32),
            pltpu.VMEM((2, WIN), jnp.float32),
            pltpu.VMEM((8 * NJ, 128), jnp.int32),
            pltpu.SemaphoreType.DMA,
            pltpu.SemaphoreType.DMA,
        ],
    )(px.reshape(-1), v0.reshape(-1), v1.reshape(-1), v2.reshape(-1), zeros)


def _half(input1, input2, zeros, lo):
    px, v0, v1, v2 = _records(input1[lo:lo + NB, 0], input1[lo:lo + NB, 1],
                              input2[lo:lo + NB, 0])
    cnt, o0, o1 = _splat(px, v0, v1, v2, zeros)
    return _normalize(cnt.reshape(NB, H, W), o0.reshape(NB, H, W),
                      o1.reshape(NB, H, W))


@jax.jit
def kernel(input1, input2):
    zeros = jnp.zeros((ZCHUNK,), jnp.float32)
    out01 = _half(input1, input2, zeros, 0)
    out23 = _half(input1, input2, zeros, 2)
    return jnp.concatenate([out01, out23], axis=0)

# --- scband reference (transcript-rebuilt; emitter-appended) ---
"""Pipeline reference for scband-depth-flow-projection-module-15393162789089 (READ-ONLY COPY).

The authoritative reference and input builder live on the scoring server;
editing this copy changes nothing except your own understanding.
"""

import jax, jax.numpy as jnp
import numpy as np


def setup_inputs(seed: int = 0) -> dict:
    key = jax.random.key(seed)
    k1, k2 = jax.random.split(key)
    B, H, W = 4, 1024, 1920
    # optical flow (scaled to realistic pixel displacements)
    input1 = jax.random.normal(k1, (B, 2, H, W), dtype=jnp.float32) * 8.0
    # inverse-depth weights (strictly positive)
    input2 = jax.random.uniform(k2, (B, 1, H, W), dtype=jnp.float32) + 1e-3
    return {"input1": input1, "input2": input2}


def reference(input1, input2):
    # Depth-weighted flow projection (DAIN DepthFlowProjectionLayer, fillhole=0
    # since requires_grad=True).
    B, C, H, W = input1.shape
    fx = input1[:, 0]
    fy = input1[:, 1]
    xs = jnp.arange(W, dtype=input1.dtype)[None, None, :]
    ys = jnp.arange(H, dtype=input1.dtype)[None, :, None]
    x2 = xs + fx
    y2 = ys + fy
    valid = (x2 >= 0.0) & (y2 >= 0.0) & (x2 <= W - 1.0) & (y2 <= H - 1.0)
    # C kernel uses (int)(x2); x2 >= 0 on valid pixels so trunc == floor
    ix_L = jnp.clip(jnp.floor(x2).astype(jnp.int32), 0, W - 1)
    iy_T = jnp.clip(jnp.floor(y2).astype(jnp.int32), 0, H - 1)
    ix_R = jnp.minimum(ix_L + 1, W - 1)
    iy_B = jnp.minimum(iy_T + 1, H - 1)
    w_d = jnp.where(valid, input2[:, 0], 0.0)
    bidx = jnp.arange(B, dtype=jnp.int32)[:, None, None] * (H * W)

    def flat(iy, ix):
        return (bidx + iy * W + ix).reshape(-1)

    idx = jnp.concatenate([flat(iy_T, ix_L), flat(iy_T, ix_R),
                           flat(iy_B, ix_L), flat(iy_B, ix_R)])
    wflat = jnp.tile(w_d.reshape(-1), 4)
    cnt = jnp.zeros(B * H * W, dtype=input1.dtype).at[idx].add(wflat)
    v0 = jnp.tile((-fx * w_d).reshape(-1), 4)
    v1 = jnp.tile((-fy * w_d).reshape(-1), 4)
    o0 = jnp.zeros(B * H * W, dtype=input1.dtype).at[idx].add(v0)
    o1 = jnp.zeros(B * H * W, dtype=input1.dtype).at[idx].add(v1)
    cnt = cnt.reshape(B, 1, H, W)
    out = jnp.stack([o0.reshape(B, H, W), o1.reshape(B, H, W)], axis=1)
    mask = cnt > 0.0
    out = jnp.where(mask, out / jnp.where(mask, cnt, 1.0), out)
    return out

if __name__ == "__main__":
    import jax
    _d = setup_inputs()
    print(jax.jit(kernel)(*tuple(_d.values())))

</pallas_src>

<mosaic_0001>
#map = affine_map<(d0, d1) -> (0)>
module attributes {stable_mosaic.version = 14 : i64} {
  func.func @_splat_body(%arg0: i32, %arg1: i32, %arg2: memref<3932160xi32, #tpu.memory_space<hbm>>, %arg3: memref<3932160xf32, #tpu.memory_space<hbm>>, %arg4: memref<3932160xf32, #tpu.memory_space<hbm>>, %arg5: memref<3932160xf32, #tpu.memory_space<hbm>>, %arg6: memref<15360xf32, #tpu.memory_space<hbm>>, %arg7: memref<3932160xf32, #tpu.memory_space<hbm>>, %arg8: memref<3932160xf32, #tpu.memory_space<hbm>>, %arg9: memref<3932160xf32, #tpu.memory_space<hbm>>, %arg10: memref<1966080xf32, #tpu.memory_space<vmem_shared>>, %arg11: memref<2x640xi32, #tpu.memory_space<vmem>>, %arg12: memref<2x640xf32, #tpu.memory_space<vmem>>, %arg13: memref<40x128xi32, #tpu.memory_space<vmem>>, %arg14: memref<!tpu.dma_semaphore, #tpu.memory_space<semaphore_mem>>, %arg15: memref<!tpu.dma_semaphore, #tpu.memory_space<semaphore_mem>>) attributes {dimension_semantics = [#tpu.dimension_semantics<core_parallel>, #tpu.dimension_semantics<subcore_parallel>], iteration_bounds = array<i64: 2, 16>, scalar_prefetch = 0 : i64, scratch_operands = 6 : i64, tpu.core_type = #tpu.core_type<sc_vector_subcore>, window_params = [{transform_indices = #map}, {transform_indices = #map}, {transform_indices = #map}, {transform_indices = #map}, {transform_indices = #map}, {transform_indices = #map}, {transform_indices = #map}, {transform_indices = #map}]} {
    %mul3A = arith.constant 122880 : i32
    %mul3A_0 = arith.muli %arg1, %mul3A : i32
    %scan3A = arith.constant 0 : i32
    %scan3A_1 = arith.constant 0 : i32
    %scan3A_2 = arith.constant 8 : i32
    %scan3A_3 = arith.addi %scan3A_1, %scan3A_2 : i32
    %scan3A_4 = arith.constant 1 : i32
    scf.for %scan3A_275 = %scan3A_1 to %scan3A_3 step %scan3A_4  : i32 {
      %mul3A_276 = arith.constant 15360 : i32
      %mul3A_277 = arith.muli %scan3A_275, %mul3A_276 : i32
      %add3A_278 = arith.addi %mul3A_0, %mul3A_277 : i32
      "tpu.region"() ({
        %run_scoped3A = tpu.sem_alloc : memref<!tpu.dma_semaphore, #tpu.memory_space<semaphore_mem>>
        %dma_start3A_279 = tpu.memref_slice %arg10[%add3A_278] : memref<1966080xf32, #tpu.memory_space<vmem_shared>> -> memref<15360xf32, #tpu.memory_space<vmem_shared>>
        tpu.enqueue_dma source(%arg6 : memref<15360xf32, #tpu.memory_space<hbm>>) target(%dma_start3A_279 : memref<15360xf32, #tpu.memory_space<vmem_shared>>) target_semaphore(%run_scoped3A : memref<!tpu.dma_semaphore, #tpu.memory_space<semaphore_mem>>)
        %dma_wait3A_280 = tpu.memref_slice %arg10[%add3A_278] : memref<1966080xf32, #tpu.memory_space<vmem_shared>> -> memref<15360xf32, #tpu.memory_space<vmem_shared>>
        tpu.wait_dma2 semaphore(%run_scoped3A : memref<!tpu.dma_semaphore, #tpu.memory_space<semaphore_mem>>) src(%arg6 : memref<15360xf32, #tpu.memory_space<hbm>>) dst(%dma_wait3A_280 : memref<15360xf32, #tpu.memory_space<vmem_shared>>)
        tpu.yield
      }) : () -> ()
    }
    %scan3A_5 = arith.constant 8 : i32
    %barrier3A = arith.constant 0 : index
    tpu.barrier barrier_id(%barrier3A)
    %mul3A_6 = arith.constant 1966080 : i32
    %mul3A_7 = arith.muli %arg0, %mul3A_6 : i32
    %mul3A_8 = arith.constant 64 : i32
    %mul3A_9 = arith.muli %arg1, %mul3A_8 : i32
    %add3A = arith.constant 0 : i32
    %add3A_10 = arith.addi %mul3A_9, %add3A : i32
    %mul3A_11 = arith.constant 1920 : i32
    %mul3A_12 = arith.muli %add3A_10, %mul3A_11 : i32
    %add3A_13 = arith.addi %mul3A_7, %mul3A_12 : i32
    %add3A_14 = arith.constant 0 : i32
    %add3A_15 = arith.addi %add3A_13, %add3A_14 : i32
    %dma_start3A = arith.constant 0 : i32
    %dma_start3A_16 = arith.constant 0 : i32
    %dma_start3A_17 = tpu.memref_slice %arg11[%dma_start3A, %dma_start3A_16] : memref<2x640xi32, #tpu.memory_space<vmem>> -> memref<1x640xi32, #tpu.memory_space<vmem>>
    %dma_start3A_18 = tpu.memref_squeeze %dma_start3A_17 : memref<1x640xi32, #tpu.memory_space<vmem>> -> memref<640xi32, #tpu.memory_space<vmem>>
    %dma_start3A_19 = tpu.memref_slice %arg2[%add3A_15] : memref<3932160xi32, #tpu.memory_space<hbm>> -> memref<640xi32, #tpu.memory_space<hbm>>
    %dma_start3A_20 = arith.constant 0 : i32
    %dma_start3A_21 = tpu.memref_slice %arg11[%dma_start3A, %dma_start3A_20] : memref<2x640xi32, #tpu.memory_space<vmem>> -> memref<1x640xi32, #tpu.memory_space<vmem>>
    %dma_start3A_22 = tpu.memref_squeeze %dma_start3A_21 : memref<1x640xi32, #tpu.memory_space<vmem>> -> memref<640xi32, #tpu.memory_space<vmem>>
    %dma_start3A_23 = tpu.memref_slice %arg2[%add3A_15] : memref<3932160xi32, #tpu.memory_space<hbm>> -> memref<640xi32, #tpu.memory_space<hbm>>
    tpu.enqueue_dma source(%dma_start3A_23 : memref<640xi32, #tpu.memory_space<hbm>>) target(%dma_start3A_22 : memref<640xi32, #tpu.memory_space<vmem>>) target_semaphore(%arg14 : memref<!tpu.dma_semaphore, #tpu.memory_space<semaphore_mem>>)
    %dma_start3A_24 = arith.constant 0 : i32
    %dma_start3A_25 = arith.constant 0 : i32
    %dma_start3A_26 = tpu.memref_slice %arg12[%dma_start3A_24, %dma_start3A_25] : memref<2x640xf32, #tpu.memory_space<vmem>> -> memref<1x640xf32, #tpu.memory_space<vmem>>
    %dma_start3A_27 = tpu.memref_squeeze %dma_start3A_26 : memref<1x640xf32, #tpu.memory_space<vmem>> -> memref<640xf32, #tpu.memory_space<vmem>>
    %dma_start3A_28 = tpu.memref_slice %arg3[%add3A_15] : memref<3932160xf32, #tpu.memory_space<hbm>> -> memref<640xf32, #tpu.memory_space<hbm>>
    %dma_start3A_29 = arith.constant 0 : i32
    %dma_start3A_30 = tpu.memref_slice %arg12[%dma_start3A_24, %dma_start3A_29] : memref<2x640xf32, #tpu.memory_space<vmem>> -> memref<1x640xf32, #tpu.memory_space<vmem>>
    %dma_start3A_31 = tpu.memref_squeeze %dma_start3A_30 : memref<1x640xf32, #tpu.memory_space<vmem>> -> memref<640xf32, #tpu.memory_space<vmem>>
    %dma_start3A_32 = tpu.memref_slice %arg3[%add3A_15] : memref<3932160xf32, #tpu.memory_space<hbm>> -> memref<640xf32, #tpu.memory_space<hbm>>
    tpu.enqueue_dma source(%dma_start3A_32 : memref<640xf32, #tpu.memory_space<hbm>>) target(%dma_start3A_31 : memref<640xf32, #tpu.memory_space<vmem>>) target_semaphore(%arg14 : memref<!tpu.dma_semaphore, #tpu.memory_space<semaphore_mem>>)
    %scan3A_33 = arith.constant 0 : i32
    %scan3A_34 = arith.constant 0 : i32
    %scan3A_35 = arith.constant 192 : i32
    %scan3A_36 = arith.addi %scan3A_34, %scan3A_35 : i32
    %scan3A_37 = arith.constant 1 : i32
    scf.for %scan3A_275 = %scan3A_34 to %scan3A_36 step %scan3A_37  : i32 {
      %rem3A = arith.constant 2 : i32
      %rem3A_276 = arith.remsi %scan3A_275, %rem3A : i32
      %dma_wait3A_277 = arith.constant 0 : i32
      %dma_wait3A_278 = tpu.memref_slice %arg11[%rem3A_276, %dma_wait3A_277] : memref<2x640xi32, #tpu.memory_space<vmem>> -> memref<1x640xi32, #tpu.memory_space<vmem>>
      %dma_wait3A_279 = tpu.memref_squeeze %dma_wait3A_278 : memref<1x640xi32, #tpu.memory_space<vmem>> -> memref<640xi32, #tpu.memory_space<vmem>>
      %dma_wait3A_280 = arith.constant 0 : i32
      %dma_wait3A_281 = tpu.memref_slice %arg2[%dma_wait3A_280] : memref<3932160xi32, #tpu.memory_space<hbm>> -> memref<640xi32, #tpu.memory_space<hbm>>
      %dma_wait3A_282 = arith.constant 0 : i32
      %dma_wait3A_283 = tpu.memref_slice %arg11[%rem3A_276, %dma_wait3A_282] : memref<2x640xi32, #tpu.memory_space<vmem>> -> memref<1x640xi32, #tpu.memory_space<vmem>>
      %dma_wait3A_284 = tpu.memref_squeeze %dma_wait3A_283 : memref<1x640xi32, #tpu.memory_space<vmem>> -> memref<640xi32, #tpu.memory_space<vmem>>
      %dma_wait3A_285 = arith.constant 0 : i32
      %dma_wait3A_286 = tpu.memref_slice %arg2[%dma_wait3A_285] : memref<3932160xi32, #tpu.memory_space<hbm>> -> memref<640xi32, #tpu.memory_space<hbm>>
      tpu.wait_dma2 semaphore(%arg14 : memref<!tpu.dma_semaphore, #tpu.memory_space<semaphore_mem>>) src(%dma_wait3A_286 : memref<640xi32, #tpu.memory_space<hbm>>) dst(%dma_wait3A_284 : memref<640xi32, #tpu.memory_space<vmem>>)
      %dma_wait3A_287 = arith.constant 0 : i32
      %dma_wait3A_288 = tpu.memref_slice %arg12[%rem3A_276, %dma_wait3A_287] : memref<2x640xf32, #tpu.memory_space<vmem>> -> memref<1x640xf32, #tpu.memory_space<vmem>>
      %dma_wait3A_289 = tpu.memref_squeeze %dma_wait3A_288 : memref<1x640xf32, #tpu.memory_space<vmem>> -> memref<640xf32, #tpu.memory_space<vmem>>
      %dma_wait3A_290 = arith.constant 0 : i32
      %dma_wait3A_291 = tpu.memref_slice %arg3[%dma_wait3A_290] : memref<3932160xf32, #tpu.memory_space<hbm>> -> memref<640xf32, #tpu.memory_space<hbm>>
      %dma_wait3A_292 = arith.constant 0 : i32
      %dma_wait3A_293 = tpu.memref_slice %arg12[%rem3A_276, %dma_wait3A_292] : memref<2x640xf32, #tpu.memory_space<vmem>> -> memref<1x640xf32, #tpu.memory_space<vmem>>
      %dma_wait3A_294 = tpu.memref_squeeze %dma_wait3A_293 : memref<1x640xf32, #tpu.memory_space<vmem>> -> memref<640xf32, #tpu.memory_space<vmem>>
      %dma_wait3A_295 = arith.constant 0 : i32
      %dma_wait3A_296 = tpu.memref_slice %arg3[%dma_wait3A_295] : memref<3932160xf32, #tpu.memory_space<hbm>> -> memref<640xf32, #tpu.memory_space<hbm>>
      tpu.wait_dma2 semaphore(%arg14 : memref<!tpu.dma_semaphore, #tpu.memory_space<semaphore_mem>>) src(%dma_wait3A_296 : memref<640xf32, #tpu.memory_space<hbm>>) dst(%dma_wait3A_294 : memref<640xf32, #tpu.memory_space<vmem>>)
      %mul3A_297 = arith.constant 4 : i32
      %mul3A_298 = arith.muli %rem3A_276, %mul3A_297 : i32
      %mul3A_299 = arith.constant 5 : i32
      %mul3A_300 = arith.muli %mul3A_298, %mul3A_299 : i32
      %scan3A_301 = arith.constant 0 : i32
      %scan3A_302 = arith.constant 0 : i32
      %scan3A_303 = arith.constant 40 : i32
      %scan3A_304 = arith.addi %scan3A_302, %scan3A_303 : i32
      %scan3A_305 = arith.constant 1 : i32
      scf.for %scan3A_321 = %scan3A_302 to %scan3A_304 step %scan3A_305  : i32 {
        %mul3A_322 = arith.constant 16 : i32
        %mul3A_323 = arith.muli %scan3A_321, %mul3A_322 : i32
        %get3A = arith.constant 0 : i32
        %get3A_324 = tpu.memref_slice %arg11[%rem3A_276, %get3A] : memref<2x640xi32, #tpu.memory_space<vmem>> -> memref<1x640xi32, #tpu.memory_space<vmem>>
        %get3A_325 = tpu.memref_squeeze %get3A_324 : memref<1x640xi32, #tpu.memory_space<vmem>> -> memref<640xi32, #tpu.memory_space<vmem>>
        %get3A_326 = arith.index_cast %mul3A_323 : i32 to index
        %get3A_327 = tpu.vector_load %get3A_325[%get3A_326] {strides = array<i32>} : memref<640xi32, #tpu.memory_space<vmem>>, vector<16xi32>,
        %get3A_328 = vector.shape_cast %get3A_327 : vector<16xi32> to vector<16xi32>
        %shift_right_logical3A = arith.constant 2 : i32
        %shift_right_logical3A_329 = vector.broadcast %shift_right_logical3A : i32 to vector<16xi32>
        %shift_right_logical3A_330 = arith.shrui %get3A_328, %shift_right_logical3A_329 : vector<16xi32>
        %and3A = arith.constant 1 : i32
        %and3A_331 = vector.broadcast %and3A : i32 to vector<16xi32>
        %and3A_332 = arith.andi %get3A_328, %and3A_331 : vector<16xi32>
        %and3A_333 = arith.constant 2 : i32
        %and3A_334 = vector.broadcast %and3A_333 : i32 to vector<16xi32>
        %and3A_335 = arith.andi %get3A_328, %and3A_334 : vector<16xi32>
        %mul3A_336 = arith.constant 960 : i32
        %mul3A_337 = vector.broadcast %mul3A_336 : i32 to vector<16xi32>
        %mul3A_338 = arith.muli %and3A_335, %mul3A_337 : vector<16xi32>
        %add3A_339 = arith.addi %shift_right_logical3A_330, %mul3A_338 : vector<16xi32>
        %jit3A = arith.constant 8 : i32
        %div3A = arith.divsi %scan3A_321, %jit3A : i32
        %sign3A = arith.constant 0 : i32
        %sign3A_340 = arith.cmpi sgt, %scan3A_321, %sign3A : i32
        %sign3A_341 = arith.extui %sign3A_340 : i1 to i32
        %sign3A_342 = arith.constant 0 : i32
        %sign3A_343 = arith.cmpi slt, %scan3A_321, %sign3A_342 : i32
        %sign3A_344 = arith.extui %sign3A_343 : i1 to i32
        %sign3A_345 = arith.subi %sign3A_341, %sign3A_344 : i32
        %sign3A_346 = arith.constant 0 : i32
        %sign3A_347 = arith.cmpi sgt, %jit3A, %sign3A_346 : i32
        %sign3A_348 = arith.extui %sign3A_347 : i1 to i32
        %sign3A_349 = arith.constant 0 : i32
        %sign3A_350 = arith.cmpi slt, %jit3A, %sign3A_349 : i32
        %sign3A_351 = arith.extui %sign3A_350 : i1 to i32
        %sign3A_352 = arith.subi %sign3A_348, %sign3A_351 : i32
        %ne3A = arith.cmpi ne, %sign3A_345, %sign3A_352 : i32
        %rem3A_353 = arith.remsi %scan3A_321, %jit3A : i32
        %ne3A_354 = arith.constant 0 : i32
        %ne3A_355 = arith.cmpi ne, %rem3A_353, %ne3A_354 : i32
        %and3A_356 = arith.andi %ne3A, %ne3A_355 : i1
        %sub3A = arith.constant 1 : i32
        %sub3A_357 = arith.subi %div3A, %sub3A : i32
        %select_n3A = arith.select %and3A_356, %sub3A_357, %div3A : i32
        %add3A_358 = arith.addi %mul3A_300, %select_n3A : i32
        %jit3A_359 = arith.constant 8 : i32
        %eq3A = arith.constant 0 : i32
        %eq3A_360 = arith.cmpi eq, %jit3A_359, %eq3A : i32
        %jit3A_361 = arith.constant 1 : i32
        %select_n3A_362 = arith.select %eq3A_360, %jit3A_361, %jit3A_359 : i32
        %rem3A_363 = arith.remsi %scan3A_321, %select_n3A_362 : i32
        %ne3A_364 = arith.constant 0 : i32
        %ne3A_365 = arith.cmpi ne, %rem3A_363, %ne3A_364 : i32
        %lt3A_366 = arith.constant 0 : i32
        %lt3A_367 = arith.cmpi slt, %rem3A_363, %lt3A_366 : i32
        %lt3A_368 = arith.constant 0 : i32
        %lt3A_369 = arith.cmpi slt, %select_n3A_362, %lt3A_368 : i32
        %ne3A_370 = arith.xori %lt3A_367, %lt3A_369 : i1
        %and3A_371 = arith.andi %ne3A_370, %ne3A_365 : i1
        %add3A_372 = arith.addi %rem3A_363, %select_n3A_362 : i32
        %select_n3A_373 = arith.select %and3A_371, %add3A_372, %rem3A_363 : i32
        %mul3A_374 = arith.constant 16 : i32
        %mul3A_375 = arith.muli %select_n3A_373, %mul3A_374 : i32
        %swap3A = arith.index_cast %add3A_358 : i32 to index
        %swap3A_376 = arith.index_cast %mul3A_375 : i32 to index
        %swap3A_377 = tpu.vector_load %arg13[%swap3A, %swap3A_376] {strides = array<i32>} : memref<40x128xi32, #tpu.memory_space<vmem>>, vector<1x16xi32>,
        %swap3A_378 = vector.shape_cast %swap3A_377 : vector<1x16xi32> to vector<16xi32>
        %swap3A_379 = vector.shape_cast %shift_right_logical3A_330 : vector<16xi32> to vector<1x16xi32>
        tpu.vector_store %arg13[%swap3A, %swap3A_376], %swap3A_379 {strides = array<i32>} : memref<40x128xi32, #tpu.memory_space<vmem>>, vector<1x16xi32>,
        %add3A_380 = arith.addi %shift_right_logical3A_330, %and3A_332 : vector<16xi32>
        %add3A_381 = arith.constant 5 : i32
        %add3A_382 = arith.addi %add3A_381, %add3A_358 : i32
        %swap3A_383 = arith.index_cast %add3A_382 : i32 to index
        %swap3A_384 = arith.index_cast %mul3A_375 : i32 to index
        %swap3A_385 = tpu.vector_load %arg13[%swap3A_383, %swap3A_384] {strides = array<i32>} : memref<40x128xi32, #tpu.memory_space<vmem>>, vector<1x16xi32>,
        %swap3A_386 = vector.shape_cast %swap3A_385 : vector<1x16xi32> to vector<16xi32>
        %swap3A_387 = vector.shape_cast %add3A_380 : vector<16xi32> to vector<1x16xi32>
        tpu.vector_store %arg13[%swap3A_383, %swap3A_384], %swap3A_387 {strides = array<i32>} : memref<40x128xi32, #tpu.memory_space<vmem>>, vector<1x16xi32>,
        %add3A_388 = arith.constant 10 : i32
        %add3A_389 = arith.addi %add3A_388, %add3A_358 : i32
        %swap3A_390 = arith.index_cast %add3A_389 : i32 to index
        %swap3A_391 = arith.index_cast %mul3A_375 : i32 to index
        %swap3A_392 = tpu.vector_load %arg13[%swap3A_390, %swap3A_391] {strides = array<i32>} : memref<40x128xi32, #tpu.memory_space<vmem>>, vector<1x16xi32>,
        %swap3A_393 = vector.shape_cast %swap3A_392 : vector<1x16xi32> to vector<16xi32>
        %swap3A_394 = vector.shape_cast %add3A_339 : vector<16xi32> to vector<1x16xi32>
        tpu.vector_store %arg13[%swap3A_390, %swap3A_391], %swap3A_394 {strides = array<i32>} : memref<40x128xi32, #tpu.memory_space<vmem>>, vector<1x16xi32>,
        %add3A_395 = arith.addi %add3A_339, %and3A_332 : vector<16xi32>
        %add3A_396 = arith.constant 15 : i32
        %add3A_397 = arith.addi %add3A_396, %add3A_358 : i32
        %swap3A_398 = arith.index_cast %add3A_397 : i32 to index
        %swap3A_399 = arith.index_cast %mul3A_375 : i32 to index
        %swap3A_400 = tpu.vector_load %arg13[%swap3A_398, %swap3A_399] {strides = array<i32>} : memref<40x128xi32, #tpu.memory_space<vmem>>, vector<1x16xi32>,
        %swap3A_401 = vector.shape_cast %swap3A_400 : vector<1x16xi32> to vector<16xi32>
        %swap3A_402 = vector.shape_cast %add3A_395 : vector<16xi32> to vector<1x16xi32>
        tpu.vector_store %arg13[%swap3A_398, %swap3A_399], %swap3A_402 {strides = array<i32>} : memref<40x128xi32, #tpu.memory_space<vmem>>, vector<1x16xi32>,
      }
      %scan3A_306 = arith.constant 40 : i32
      %ge3A = arith.constant 1 : i32
      %ge3A_307 = arith.cmpi sge, %scan3A_275, %ge3A : i32
      %convert_element_type3A = arith.extui %ge3A_307 : i1 to i32
      %cond3A = arith.constant 0 : i32
      %cond3A_308 = arith.cmpi ne, %convert_element_type3A, %cond3A : i32
      scf.if %cond3A_308 {
        %dma_wait3A_321 = arith.constant 0 : i32
        %dma_wait3A_322 = arith.constant 0 : i32
        %dma_wait3A_323 = tpu.memref_slice %arg12[%dma_wait3A_321, %dma_wait3A_322] : memref<2x640xf32, #tpu.memory_space<vmem>> -> memref<1x640xf32, #tpu.memory_space<vmem>>
        %dma_wait3A_324 = tpu.memref_squeeze %dma_wait3A_323 : memref<1x640xf32, #tpu.memory_space<vmem>> -> memref<640xf32, #tpu.memory_space<vmem>>
        %dma_wait3A_325 = arith.constant 0 : i32
        %dma_wait3A_326 = tpu.memref_slice %arg6[%dma_wait3A_325] : memref<15360xf32, #tpu.memory_space<hbm>> -> memref<640xf32, #tpu.memory_space<hbm>>
        %dma_wait3A_327 = arith.constant 0 : i32
        %dma_wait3A_328 = tpu.memref_slice %arg12[%dma_wait3A_321, %dma_wait3A_327] : memref<2x640xf32, #tpu.memory_space<vmem>> -> memref<1x640xf32, #tpu.memory_space<vmem>>
        %dma_wait3A_329 = tpu.memref_squeeze %dma_wait3A_328 : memref<1x640xf32, #tpu.memory_space<vmem>> -> memref<640xf32, #tpu.memory_space<vmem>>
        %dma_wait3A_330 = arith.constant 0 : i32
        %dma_wait3A_331 = tpu.memref_slice %arg6[%dma_wait3A_330] : memref<15360xf32, #tpu.memory_space<hbm>> -> memref<640xf32, #tpu.memory_space<hbm>>
        tpu.wait_dma2 semaphore(%arg15 : memref<!tpu.dma_semaphore, #tpu.memory_space<semaphore_mem>>) src(%dma_wait3A_331 : memref<640xf32, #tpu.memory_space<hbm>>) dst(%dma_wait3A_329 : memref<640xf32, #tpu.memory_space<vmem>>)
        %dma_wait3A_332 = arith.constant 0 : i32
        %dma_wait3A_333 = arith.constant 0 : i32
        %dma_wait3A_334 = tpu.memref_slice %arg12[%dma_wait3A_332, %dma_wait3A_333] : memref<2x640xf32, #tpu.memory_space<vmem>> -> memref<1x640xf32, #tpu.memory_space<vmem>>
        %dma_wait3A_335 = tpu.memref_squeeze %dma_wait3A_334 : memref<1x640xf32, #tpu.memory_space<vmem>> -> memref<640xf32, #tpu.memory_space<vmem>>
        %dma_wait3A_336 = arith.constant 0 : i32
        %dma_wait3A_337 = tpu.memref_slice %arg6[%dma_wait3A_336] : memref<15360xf32, #tpu.memory_space<hbm>> -> memref<640xf32, #tpu.memory_space<hbm>>
        %dma_wait3A_338 = arith.constant 0 : i32
        %dma_wait3A_339 = tpu.memref_slice %arg12[%dma_wait3A_332, %dma_wait3A_338] : memref<2x640xf32, #tpu.memory_space<vmem>> -> memref<1x640xf32, #tpu.memory_space<vmem>>
        %dma_wait3A_340 = tpu.memref_squeeze %dma_wait3A_339 : memref<1x640xf32, #tpu.memory_space<vmem>> -> memref<640xf32, #tpu.memory_space<vmem>>
        %dma_wait3A_341 = arith.constant 0 : i32
        %dma_wait3A_342 = tpu.memref_slice %arg6[%dma_wait3A_341] : memref<15360xf32, #tpu.memory_space<hbm>> -> memref<640xf32, #tpu.memory_space<hbm>>
        tpu.wait_dma2 semaphore(%arg15 : memref<!tpu.dma_semaphore, #tpu.memory_space<semaphore_mem>>) src(%dma_wait3A_342 : memref<640xf32, #tpu.memory_space<hbm>>) dst(%dma_wait3A_340 : memref<640xf32, #tpu.memory_space<vmem>>)
        %dma_wait3A_343 = arith.constant 0 : i32
        %dma_wait3A_344 = arith.constant 0 : i32
        %dma_wait3A_345 = tpu.memref_slice %arg12[%dma_wait3A_343, %dma_wait3A_344] : memref<2x640xf32, #tpu.memory_space<vmem>> -> memref<1x640xf32, #tpu.memory_space<vmem>>
        %dma_wait3A_346 = tpu.memref_squeeze %dma_wait3A_345 : memref<1x640xf32, #tpu.memory_space<vmem>> -> memref<640xf32, #tpu.memory_space<vmem>>
        %dma_wait3A_347 = arith.constant 0 : i32
        %dma_wait3A_348 = tpu.memref_slice %arg6[%dma_wait3A_347] : memref<15360xf32, #tpu.memory_space<hbm>> -> memref<640xf32, #tpu.memory_space<hbm>>
        %dma_wait3A_349 = arith.constant 0 : i32
        %dma_wait3A_350 = tpu.memref_slice %arg12[%dma_wait3A_343, %dma_wait3A_349] : memref<2x640xf32, #tpu.memory_space<vmem>> -> memref<1x640xf32, #tpu.memory_space<vmem>>
        %dma_wait3A_351 = tpu.memref_squeeze %dma_wait3A_350 : memref<1x640xf32, #tpu.memory_space<vmem>> -> memref<640xf32, #tpu.memory_space<vmem>>
        %dma_wait3A_352 = arith.constant 0 : i32
        %dma_wait3A_353 = tpu.memref_slice %arg6[%dma_wait3A_352] : memref<15360xf32, #tpu.memory_space<hbm>> -> memref<640xf32, #tpu.memory_space<hbm>>
        tpu.wait_dma2 semaphore(%arg15 : memref<!tpu.dma_semaphore, #tpu.memory_space<semaphore_mem>>) src(%dma_wait3A_353 : memref<640xf32, #tpu.memory_space<hbm>>) dst(%dma_wait3A_351 : memref<640xf32, #tpu.memory_space<vmem>>)
        %dma_wait3A_354 = arith.constant 0 : i32
        %dma_wait3A_355 = arith.constant 0 : i32
        %dma_wait3A_356 = tpu.memref_slice %arg12[%dma_wait3A_354, %dma_wait3A_355] : memref<2x640xf32, #tpu.memory_space<vmem>> -> memref<1x640xf32, #tpu.memory_space<vmem>>
        %dma_wait3A_357 = tpu.memref_squeeze %dma_wait3A_356 : memref<1x640xf32, #tpu.memory_space<vmem>> -> memref<640xf32, #tpu.memory_space<vmem>>
        %dma_wait3A_358 = arith.constant 0 : i32
        %dma_wait3A_359 = tpu.memref_slice %arg6[%dma_wait3A_358] : memref<15360xf32, #tpu.memory_space<hbm>> -> memref<640xf32, #tpu.memory_space<hbm>>
        %dma_wait3A_360 = arith.constant 0 : i32
        %dma_wait3A_361 = tpu.memref_slice %arg12[%dma_wait3A_354, %dma_wait3A_360] : memref<2x640xf32, #tpu.memory_space<vmem>> -> memref<1x640xf32, #tpu.memory_space<vmem>>
        %dma_wait3A_362 = tpu.memref_squeeze %dma_wait3A_361 : memref<1x640xf32, #tpu.memory_space<vmem>> -> memref<640xf32, #tpu.memory_space<vmem>>
        %dma_wait3A_363 = arith.constant 0 : i32
        %dma_wait3A_364 = tpu.memref_slice %arg6[%dma_wait3A_363] : memref<15360xf32, #tpu.memory_space<hbm>> -> memref<640xf32, #tpu.memory_space<hbm>>
        tpu.wait_dma2 semaphore(%arg15 : memref<!tpu.dma_semaphore, #tpu.memory_space<semaphore_mem>>) src(%dma_wait3A_364 : memref<640xf32, #tpu.memory_space<hbm>>) dst(%dma_wait3A_362 : memref<640xf32, #tpu.memory_space<vmem>>)
      } else {
      }
      %add3A_309 = arith.constant 1 : i32
      %add3A_310 = arith.addi %scan3A_275, %add3A_309 : i32
      %lt3A = arith.constant 192 : i32
      %lt3A_311 = arith.cmpi slt, %add3A_310, %lt3A : i32
      %convert_element_type3A_312 = arith.extui %lt3A_311 : i1 to i32
      %cond3A_313 = arith.constant 0 : i32
      %cond3A_314 = arith.cmpi ne, %convert_element_type3A_312, %cond3A_313 : i32
      scf.if %cond3A_314 {
        %add3A_321 = arith.constant 1 : i32
        %add3A_322 = arith.addi %scan3A_275, %add3A_321 : i32
        %sub3A = arith.constant 1 : i32
        %sub3A_323 = arith.subi %sub3A, %rem3A_276 : i32
        %mul3A_324 = arith.constant 1966080 : i32
        %mul3A_325 = arith.muli %arg0, %mul3A_324 : i32
        %mul3A_326 = arith.constant 64 : i32
        %mul3A_327 = arith.muli %arg1, %mul3A_326 : i32
        %jit3A = arith.constant 3 : i32
        %div3A = arith.divsi %add3A_322, %jit3A : i32
        %sign3A = arith.constant 0 : i32
        %sign3A_328 = arith.cmpi sgt, %add3A_322, %sign3A : i32
        %sign3A_329 = arith.extui %sign3A_328 : i1 to i32
        %sign3A_330 = arith.constant 0 : i32
        %sign3A_331 = arith.cmpi slt, %add3A_322, %sign3A_330 : i32
        %sign3A_332 = arith.extui %sign3A_331 : i1 to i32
        %sign3A_333 = arith.subi %sign3A_329, %sign3A_332 : i32
        %sign3A_334 = arith.constant 0 : i32
        %sign3A_335 = arith.cmpi sgt, %jit3A, %sign3A_334 : i32
        %sign3A_336 = arith.extui %sign3A_335 : i1 to i32
        %sign3A_337 = arith.constant 0 : i32
        %sign3A_338 = arith.cmpi slt, %jit3A, %sign3A_337 : i32
        %sign3A_339 = arith.extui %sign3A_338 : i1 to i32
        %sign3A_340 = arith.subi %sign3A_336, %sign3A_339 : i32
        %ne3A = arith.cmpi ne, %sign3A_333, %sign3A_340 : i32
        %rem3A_341 = arith.remsi %add3A_322, %jit3A : i32
        %ne3A_342 = arith.constant 0 : i32
        %ne3A_343 = arith.cmpi ne, %rem3A_341, %ne3A_342 : i32
        %and3A = arith.andi %ne3A, %ne3A_343 : i1
        %sub3A_344 = arith.constant 1 : i32
        %sub3A_345 = arith.subi %div3A, %sub3A_344 : i32
        %select_n3A = arith.select %and3A, %sub3A_345, %div3A : i32
        %add3A_346 = arith.addi %mul3A_327, %select_n3A : i32
        %mul3A_347 = arith.constant 1920 : i32
        %mul3A_348 = arith.muli %add3A_346, %mul3A_347 : i32
        %add3A_349 = arith.addi %mul3A_325, %mul3A_348 : i32
        %jit3A_350 = arith.constant 3 : i32
        %eq3A = arith.constant 0 : i32
        %eq3A_351 = arith.cmpi eq, %jit3A_350, %eq3A : i32
        %jit3A_352 = arith.constant 1 : i32
        %select_n3A_353 = arith.select %eq3A_351, %jit3A_352, %jit3A_350 : i32
        %rem3A_354 = arith.remsi %add3A_322, %select_n3A_353 : i32
        %ne3A_355 = arith.constant 0 : i32
        %ne3A_356 = arith.cmpi ne, %rem3A_354, %ne3A_355 : i32
        %lt3A_357 = arith.constant 0 : i32
        %lt3A_358 = arith.cmpi slt, %rem3A_354, %lt3A_357 : i32
        %lt3A_359 = arith.constant 0 : i32
        %lt3A_360 = arith.cmpi slt, %select_n3A_353, %lt3A_359 : i32
        %ne3A_361 = arith.xori %lt3A_358, %lt3A_360 : i1
        %and3A_362 = arith.andi %ne3A_361, %ne3A_356 : i1
        %add3A_363 = arith.addi %rem3A_354, %select_n3A_353 : i32
        %select_n3A_364 = arith.select %and3A_362, %add3A_363, %rem3A_354 : i32
        %mul3A_365 = arith.constant 640 : i32
        %mul3A_366 = arith.muli %select_n3A_364, %mul3A_365 : i32
        %add3A_367 = arith.addi %add3A_349, %mul3A_366 : i32
        %dma_start3A_368 = arith.constant 0 : i32
        %dma_start3A_369 = tpu.memref_slice %arg11[%sub3A_323, %dma_start3A_368] : memref<2x640xi32, #tpu.memory_space<vmem>> -> memref<1x640xi32, #tpu.memory_space<vmem>>
        %dma_start3A_370 = tpu.memref_squeeze %dma_start3A_369 : memref<1x640xi32, #tpu.memory_space<vmem>> -> memref<640xi32, #tpu.memory_space<vmem>>
        %dma_start3A_371 = tpu.memref_slice %arg2[%add3A_367] : memref<3932160xi32, #tpu.memory_space<hbm>> -> memref<640xi32, #tpu.memory_space<hbm>>
        %dma_start3A_372 = arith.constant 0 : i32
        %dma_start3A_373 = tpu.memref_slice %arg11[%sub3A_323, %dma_start3A_372] : memref<2x640xi32, #tpu.memory_space<vmem>> -> memref<1x640xi32, #tpu.memory_space<vmem>>
        %dma_start3A_374 = tpu.memref_squeeze %dma_start3A_373 : memref<1x640xi32, #tpu.memory_space<vmem>> -> memref<640xi32, #tpu.memory_space<vmem>>
        %dma_start3A_375 = tpu.memref_slice %arg2[%add3A_367] : memref<3932160xi32, #tpu.memory_space<hbm>> -> memref<640xi32, #tpu.memory_space<hbm>>
        tpu.enqueue_dma source(%dma_start3A_375 : memref<640xi32, #tpu.memory_space<hbm>>) target(%dma_start3A_374 : memref<640xi32, #tpu.memory_space<vmem>>) target_semaphore(%arg14 : memref<!tpu.dma_semaphore, #tpu.memory_space<semaphore_mem>>)
        %dma_start3A_376 = arith.constant 0 : i32
        %dma_start3A_377 = tpu.memref_slice %arg12[%sub3A_323, %dma_start3A_376] : memref<2x640xf32, #tpu.memory_space<vmem>> -> memref<1x640xf32, #tpu.memory_space<vmem>>
        %dma_start3A_378 = tpu.memref_squeeze %dma_start3A_377 : memref<1x640xf32, #tpu.memory_space<vmem>> -> memref<640xf32, #tpu.memory_space<vmem>>
        %dma_start3A_379 = tpu.memref_slice %arg3[%add3A_367] : memref<3932160xf32, #tpu.memory_space<hbm>> -> memref<640xf32, #tpu.memory_space<hbm>>
        %dma_start3A_380 = arith.constant 0 : i32
        %dma_start3A_381 = tpu.memref_slice %arg12[%sub3A_323, %dma_start3A_380] : memref<2x640xf32, #tpu.memory_space<vmem>> -> memref<1x640xf32, #tpu.memory_space<vmem>>
        %dma_start3A_382 = tpu.memref_squeeze %dma_start3A_381 : memref<1x640xf32, #tpu.memory_space<vmem>> -> memref<640xf32, #tpu.memory_space<vmem>>
        %dma_start3A_383 = tpu.memref_slice %arg3[%add3A_367] : memref<3932160xf32, #tpu.memory_space<hbm>> -> memref<640xf32, #tpu.memory_space<hbm>>
        tpu.enqueue_dma source(%dma_start3A_383 : memref<640xf32, #tpu.memory_space<hbm>>) target(%dma_start3A_382 : memref<640xf32, #tpu.memory_space<vmem>>) target_semaphore(%arg14 : memref<!tpu.dma_semaphore, #tpu.memory_space<semaphore_mem>>)
      } else {
      }
      %scan3A_315 = arith.constant 0 : i32
      %scan3A_316 = arith.constant 0 : i32
      %scan3A_317 = arith.constant 5 : i32
      %scan3A_318 = arith.addi %scan3A_316, %scan3A_317 : i32
      %scan3A_319 = arith.constant 1 : i32
      scf.for %scan3A_321 = %scan3A_316 to %scan3A_318 step %scan3A_319  : i32 {
        %mul3A_322 = arith.constant 128 : i32
        %mul3A_323 = arith.muli %scan3A_321, %mul3A_322 : i32
        %add3A_324 = arith.addi %mul3A_300, %scan3A_321 : i32
        %dma_start3A_325 = arith.constant 0 : i32
        %dma_start3A_326 = tpu.memref_slice %arg12[%rem3A_276, %dma_start3A_325] : memref<2x640xf32, #tpu.memory_space<vmem>> -> memref<1x640xf32, #tpu.memory_space<vmem>>
        %dma_start3A_327 = tpu.memref_squeeze %dma_start3A_326 : memref<1x640xf32, #tpu.memory_space<vmem>> -> memref<640xf32, #tpu.memory_space<vmem>>
        %dma_start3A_328 = tpu.memref_slice %dma_start3A_327[%mul3A_323] : memref<640xf32, #tpu.memory_space<vmem>> -> memref<128xf32, #tpu.memory_space<vmem>>
        %dma_start3A_329 = arith.constant 0 : i32
        %dma_start3A_330 = tpu.memref_slice %arg13[%add3A_324, %dma_start3A_329] : memref<40x128xi32, #tpu.memory_space<vmem>> -> memref<1x128xi32, #tpu.memory_space<vmem>>
        %dma_start3A_331 = tpu.memref_squeeze %dma_start3A_330 : memref<1x128xi32, #tpu.memory_space<vmem>> -> memref<128xi32, #tpu.memory_space<vmem>>
        %dma_start3A_332 = arith.constant 0 : i32
        %dma_start3A_333 = tpu.memref_slice %arg10[%dma_start3A_332] : memref<1966080xf32, #tpu.memory_space<vmem_shared>> -> memref<1966080xf32, #tpu.memory_space<vmem_shared>>
        tpu.enqueue_indirect_dma source(%dma_start3A_328 : memref<128xf32, #tpu.memory_space<vmem>>) target(%dma_start3A_333 : memref<1966080xf32, #tpu.memory_space<vmem_shared>>) offsets(%dma_start3A_331 : memref<128xi32, #tpu.memory_space<vmem>>) semaphore(%arg15 : memref<!tpu.dma_semaphore, #tpu.memory_space<semaphore_mem>>) {add = true}
        %add3A_334 = arith.constant 5 : i32
        %add3A_335 = arith.addi %add3A_334, %add3A_324 : i32
        %dma_start3A_336 = arith.constant 0 : i32
        %dma_start3A_337 = tpu.memref_slice %arg12[%rem3A_276, %dma_start3A_336] : memref<2x640xf32, #tpu.memory_space<vmem>> -> memref<1x640xf32, #tpu.memory_space<vmem>>
        %dma_start3A_338 = tpu.memref_squeeze %dma_start3A_337 : memref<1x640xf32, #tpu.memory_space<vmem>> -> memref<640xf32, #tpu.memory_space<vmem>>
        %dma_start3A_339 = tpu.memref_slice %dma_start3A_338[%mul3A_323] : memref<640xf32, #tpu.memory_space<vmem>> -> memref<128xf32, #tpu.memory_space<vmem>>
        %dma_start3A_340 = arith.constant 0 : i32
        %dma_start3A_341 = tpu.memref_slice %arg13[%add3A_335, %dma_start3A_340] : memref<40x128xi32, #tpu.memory_space<vmem>> -> memref<1x128xi32, #tpu.memory_space<vmem>>
        %dma_start3A_342 = tpu.memref_squeeze %dma_start3A_341 : memref<1x128xi32, #tpu.memory_space<vmem>> -> memref<128xi32, #tpu.memory_space<vmem>>
        %dma_start3A_343 = arith.constant 0 : i32
        %dma_start3A_344 = tpu.memref_slice %arg10[%dma_start3A_343] : memref<1966080xf32, #tpu.memory_space<vmem_shared>> -> memref<1966080xf32, #tpu.memory_space<vmem_shared>>
        tpu.enqueue_indirect_dma source(%dma_start3A_339 : memref<128xf32, #tpu.memory_space<vmem>>) target(%dma_start3A_344 : memref<1966080xf32, #tpu.memory_space<vmem_shared>>) offsets(%dma_start3A_342 : memref<128xi32, #tpu.memory_space<vmem>>) semaphore(%arg15 : memref<!tpu.dma_semaphore, #tpu.memory_space<semaphore_mem>>) {add = true}
        %add3A_345 = arith.constant 10 : i32
        %add3A_346 = arith.addi %add3A_345, %add3A_324 : i32
        %dma_start3A_347 = arith.constant 0 : i32
        %dma_start3A_348 = tpu.memref_slice %arg12[%rem3A_276, %dma_start3A_347] : memref<2x640xf32, #tpu.memory_space<vmem>> -> memref<1x640xf32, #tpu.memory_space<vmem>>
        %dma_start3A_349 = tpu.memref_squeeze %dma_start3A_348 : memref<1x640xf32, #tpu.memory_space<vmem>> -> memref<640xf32, #tpu.memory_space<vmem>>
        %dma_start3A_350 = tpu.memref_slice %dma_start3A_349[%mul3A_323] : memref<640xf32, #tpu.memory_space<vmem>> -> memref<128xf32, #tpu.memory_space<vmem>>
        %dma_start3A_351 = arith.constant 0 : i32
        %dma_start3A_352 = tpu.memref_slice %arg13[%add3A_346, %dma_start3A_351] : memref<40x128xi32, #tpu.memory_space<vmem>> -> memref<1x128xi32, #tpu.memory_space<vmem>>
        %dma_start3A_353 = tpu.memref_squeeze %dma_start3A_352 : memref<1x128xi32, #tpu.memory_space<vmem>> -> memref<128xi32, #tpu.memory_space<vmem>>
        %dma_start3A_354 = arith.constant 0 : i32
        %dma_start3A_355 = tpu.memref_slice %arg10[%dma_start3A_354] : memref<1966080xf32, #tpu.memory_space<vmem_shared>> -> memref<1966080xf32, #tpu.memory_space<vmem_shared>>
        tpu.enqueue_indirect_dma source(%dma_start3A_350 : memref<128xf32, #tpu.memory_space<vmem>>) target(%dma_start3A_355 : memref<1966080xf32, #tpu.memory_space<vmem_shared>>) offsets(%dma_start3A_353 : memref<128xi32, #tpu.memory_space<vmem>>) semaphore(%arg15 : memref<!tpu.dma_semaphore, #tpu.memory_space<semaphore_mem>>) {add = true}
        %add3A_356 = arith.constant 15 : i32
        %add3A_357 = arith.addi %add3A_356, %add3A_324 : i32
        %dma_start3A_358 = arith.constant 0 : i32
        %dma_start3A_359 = tpu.memref_slice %arg12[%rem3A_276, %dma_start3A_358] : memref<2x640xf32, #tpu.memory_space<vmem>> -> memref<1x640xf32, #tpu.memory_space<vmem>>
        %dma_start3A_360 = tpu.memref_squeeze %dma_start3A_359 : memref<1x640xf32, #tpu.memory_space<vmem>> -> memref<640xf32, #tpu.memory_space<vmem>>
        %dma_start3A_361 = tpu.memref_slice %dma_start3A_360[%mul3A_323] : memref<640xf32, #tpu.memory_space<vmem>> -> memref<128xf32, #tpu.memory_space<vmem>>
        %dma_start3A_362 = arith.constant 0 : i32
        %dma_start3A_363 = tpu.memref_slice %arg13[%add3A_357, %dma_start3A_362] : memref<40x128xi32, #tpu.memory_space<vmem>> -> memref<1x128xi32, #tpu.memory_space<vmem>>
        %dma_start3A_364 = tpu.memref_squeeze %dma_start3A_363 : memref<1x128xi32, #tpu.memory_space<vmem>> -> memref<128xi32, #tpu.memory_space<vmem>>
        %dma_start3A_365 = arith.constant 0 : i32
        %dma_start3A_366 = tpu.memref_slice %arg10[%dma_start3A_365] : memref<1966080xf32, #tpu.memory_space<vmem_shared>> -> memref<1966080xf32, #tpu.memory_space<vmem_shared>>
        tpu.enqueue_indirect_dma source(%dma_start3A_361 : memref<128xf32, #tpu.memory_space<vmem>>) target(%dma_start3A_366 : memref<1966080xf32, #tpu.memory_space<vmem_shared>>) offsets(%dma_start3A_364 : memref<128xi32, #tpu.memory_space<vmem>>) semaphore(%arg15 : memref<!tpu.dma_semaphore, #tpu.memory_space<semaphore_mem>>) {add = true}
      }
      %scan3A_320 = arith.constant 5 : i32
    }
    %scan3A_38 = arith.constant 192 : i32
    %dma_wait3A = arith.constant 0 : i32
    %dma_wait3A_39 = arith.constant 0 : i32
    %dma_wait3A_40 = tpu.memref_slice %arg12[%dma_wait3A, %dma_wait3A_39] : memref<2x640xf32, #tpu.memory_space<vmem>> -> memref<1x640xf32, #tpu.memory_space<vmem>>
    %dma_wait3A_41 = tpu.memref_squeeze %dma_wait3A_40 : memref<1x640xf32, #tpu.memory_space<vmem>> -> memref<640xf32, #tpu.memory_space<vmem>>
    %dma_wait3A_42 = arith.constant 0 : i32
    %dma_wait3A_43 = tpu.memref_slice %arg6[%dma_wait3A_42] : memref<15360xf32, #tpu.memory_space<hbm>> -> memref<640xf32, #tpu.memory_space<hbm>>
    %dma_wait3A_44 = arith.constant 0 : i32
    %dma_wait3A_45 = tpu.memref_slice %arg12[%dma_wait3A, %dma_wait3A_44] : memref<2x640xf32, #tpu.memory_space<vmem>> -> memref<1x640xf32, #tpu.memory_space<vmem>>
    %dma_wait3A_46 = tpu.memref_squeeze %dma_wait3A_45 : memref<1x640xf32, #tpu.memory_space<vmem>> -> memref<640xf32, #tpu.memory_space<vmem>>
    %dma_wait3A_47 = arith.constant 0 : i32
    %dma_wait3A_48 = tpu.memref_slice %arg6[%dma_wait3A_47] : memref<15360xf32, #tpu.memory_space<hbm>> -> memref<640xf32, #tpu.memory_space<hbm>>
    tpu.wait_dma2 semaphore(%arg15 : memref<!tpu.dma_semaphore, #tpu.memory_space<semaphore_mem>>) src(%dma_wait3A_48 : memref<640xf32, #tpu.memory_space<hbm>>) dst(%dma_wait3A_46 : memref<640xf32, #tpu.memory_space<vmem>>)
    %dma_wait3A_49 = arith.constant 0 : i32
    %dma_wait3A_50 = arith.constant 0 : i32
    %dma_wait3A_51 = tpu.memref_slice %arg12[%dma_wait3A_49, %dma_wait3A_50] : memref<2x640xf32, #tpu.memory_space<vmem>> -> memref<1x640xf32, #tpu.memory_space<vmem>>
    %dma_wait3A_52 = tpu.memref_squeeze %dma_wait3A_51 : memref<1x640xf32, #tpu.memory_space<vmem>> -> memref<640xf32, #tpu.memory_space<vmem>>
    %dma_wait3A_53 = arith.constant 0 : i32
    %dma_wait3A_54 = tpu.memref_slice %arg6[%dma_wait3A_53] : memref<15360xf32, #tpu.memory_space<hbm>> -> memref<640xf32, #tpu.memory_space<hbm>>
    %dma_wait3A_55 = arith.constant 0 : i32
    %dma_wait3A_56 = tpu.memref_slice %arg12[%dma_wait3A_49, %dma_wait3A_55] : memref<2x640xf32, #tpu.memory_space<vmem>> -> memref<1x640xf32, #tpu.memory_space<vmem>>
    %dma_wait3A_57 = tpu.memref_squeeze %dma_wait3A_56 : memref<1x640xf32, #tpu.memory_space<vmem>> -> memref<640xf32, #tpu.memory_space<vmem>>
    %dma_wait3A_58 = arith.constant 0 : i32
    %dma_wait3A_59 = tpu.memref_slice %arg6[%dma_wait3A_58] : memref<15360xf32, #tpu.memory_space<hbm>> -> memref<640xf32, #tpu.memory_space<hbm>>
    tpu.wait_dma2 semaphore(%arg15 : memref<!tpu.dma_semaphore, #tpu.memory_space<semaphore_mem>>) src(%dma_wait3A_59 : memref<640xf32, #tpu.memory_space<hbm>>) dst(%dma_wait3A_57 : memref<640xf32, #tpu.memory_space<vmem>>)
    %dma_wait3A_60 = arith.constant 0 : i32
    %dma_wait3A_61 = arith.constant 0 : i32
    %dma_wait3A_62 = tpu.memref_slice %arg12[%dma_wait3A_60, %dma_wait3A_61] : memref<2x640xf32, #tpu.memory_space<vmem>> -> memref<1x640xf32, #tpu.memory_space<vmem>>
    %dma_wait3A_63 = tpu.memref_squeeze %dma_wait3A_62 : memref<1x640xf32, #tpu.memory_space<vmem>> -> memref<640xf32, #tpu.memory_space<vmem>>
    %dma_wait3A_64 = arith.constant 0 : i32
    %dma_wait3A_65 = tpu.memref_slice %arg6[%dma_wait3A_64] : memref<15360xf32, #tpu.memory_space<hbm>> -> memref<640xf32, #tpu.memory_space<hbm>>
    %dma_wait3A_66 = arith.constant 0 : i32
    %dma_wait3A_67 = tpu.memref_slice %arg12[%dma_wait3A_60, %dma_wait3A_66] : memref<2x640xf32, #tpu.memory_space<vmem>> -> memref<1x640xf32, #tpu.memory_space<vmem>>
    %dma_wait3A_68 = tpu.memref_squeeze %dma_wait3A_67 : memref<1x640xf32, #tpu.memory_space<vmem>> -> memref<640xf32, #tpu.memory_space<vmem>>
    %dma_wait3A_69 = arith.constant 0 : i32
    %dma_wait3A_70 = tpu.memref_slice %arg6[%dma_wait3A_69] : memref<15360xf32, #tpu.memory_space<hbm>> -> memref<640xf32, #tpu.memory_space<hbm>>
    tpu.wait_dma2 semaphore(%arg15 : memref<!tpu.dma_semaphore, #tpu.memory_space<semaphore_mem>>) src(%dma_wait3A_70 : memref<640xf32, #tpu.memory_space<hbm>>) dst(%dma_wait3A_68 : memref<640xf32, #tpu.memory_space<vmem>>)
    %dma_wait3A_71 = arith.constant 0 : i32
    %dma_wait3A_72 = arith.constant 0 : i32
    %dma_wait3A_73 = tpu.memref_slice %arg12[%dma_wait3A_71, %dma_wait3A_72] : memref<2x640xf32, #tpu.memory_space<vmem>> -> memref<1x640xf32, #tpu.memory_space<vmem>>
    %dma_wait3A_74 = tpu.memref_squeeze %dma_wait3A_73 : memref<1x640xf32, #tpu.memory_space<vmem>> -> memref<640xf32, #tpu.memory_space<vmem>>
    %dma_wait3A_75 = arith.constant 0 : i32
    %dma_wait3A_76 = tpu.memref_slice %arg6[%dma_wait3A_75] : memref<15360xf32, #tpu.memory_space<hbm>> -> memref<640xf32, #tpu.memory_space<hbm>>
    %dma_wait3A_77 = arith.constant 0 : i32
    %dma_wait3A_78 = tpu.memref_slice %arg12[%dma_wait3A_71, %dma_wait3A_77] : memref<2x640xf32, #tpu.memory_space<vmem>> -> memref<1x640xf32, #tpu.memory_space<vmem>>
    %dma_wait3A_79 = tpu.memref_squeeze %dma_wait3A_78 : memref<1x640xf32, #tpu.memory_space<vmem>> -> memref<640xf32, #tpu.memory_space<vmem>>
    %dma_wait3A_80 = arith.constant 0 : i32
    %dma_wait3A_81 = tpu.memref_slice %arg6[%dma_wait3A_80] : memref<15360xf32, #tpu.memory_space<hbm>> -> memref<640xf32, #tpu.memory_space<hbm>>
    tpu.wait_dma2 semaphore(%arg15 : memref<!tpu.dma_semaphore, #tpu.memory_space<semaphore_mem>>) src(%dma_wait3A_81 : memref<640xf32, #tpu.memory_space<hbm>>) dst(%dma_wait3A_79 : memref<640xf32, #tpu.memory_space<vmem>>)
    %barrier3A_82 = arith.constant 0 : index
    tpu.barrier barrier_id(%barrier3A_82)
    %scan3A_83 = arith.constant 0 : i32
    %scan3A_84 = arith.constant 0 : i32
    %scan3A_85 = arith.constant 8 : i32
    %scan3A_86 = arith.addi %scan3A_84, %scan3A_85 : i32
    %scan3A_87 = arith.constant 1 : i32
    scf.for %scan3A_275 = %scan3A_84 to %scan3A_86 step %scan3A_87  : i32 {
      %mul3A_276 = arith.constant 15360 : i32
      %mul3A_277 = arith.muli %scan3A_275, %mul3A_276 : i32
      %add3A_278 = arith.addi %mul3A_0, %mul3A_277 : i32
      %mul3A_279 = arith.constant 1966080 : i32
      %mul3A_280 = arith.muli %arg0, %mul3A_279 : i32
      %add3A_281 = arith.addi %mul3A_280, %mul3A_0 : i32
      %mul3A_282 = arith.constant 15360 : i32
      %mul3A_283 = arith.muli %scan3A_275, %mul3A_282 : i32
      %add3A_284 = arith.addi %add3A_281, %mul3A_283 : i32
      "tpu.region"() ({
        %run_scoped3A = tpu.sem_alloc : memref<!tpu.dma_semaphore, #tpu.memory_space<semaphore_mem>>
        %dma_start3A_285 = tpu.memref_slice %arg7[%add3A_284] : memref<3932160xf32, #tpu.memory_space<hbm>> -> memref<15360xf32, #tpu.memory_space<hbm>>
        %dma_start3A_286 = tpu.memref_slice %arg10[%add3A_278] : memref<1966080xf32, #tpu.memory_space<vmem_shared>> -> memref<15360xf32, #tpu.memory_space<vmem_shared>>
        tpu.enqueue_dma source(%dma_start3A_286 : memref<15360xf32, #tpu.memory_space<vmem_shared>>) target(%dma_start3A_285 : memref<15360xf32, #tpu.memory_space<hbm>>) target_semaphore(%run_scoped3A : memref<!tpu.dma_semaphore, #tpu.memory_space<semaphore_mem>>)
        %dma_wait3A_287 = tpu.memref_slice %arg7[%add3A_284] : memref<3932160xf32, #tpu.memory_space<hbm>> -> memref<15360xf32, #tpu.memory_space<hbm>>
        %dma_wait3A_288 = tpu.memref_slice %arg10[%add3A_278] : memref<1966080xf32, #tpu.memory_space<vmem_shared>> -> memref<15360xf32, #tpu.memory_space<vmem_shared>>
        tpu.wait_dma2 semaphore(%run_scoped3A : memref<!tpu.dma_semaphore, #tpu.memory_space<semaphore_mem>>) src(%dma_wait3A_288 : memref<15360xf32, #tpu.memory_space<vmem_shared>>) dst(%dma_wait3A_287 : memref<15360xf32, #tpu.memory_space<hbm>>)
        tpu.yield
      }) : () -> ()
    }
    %scan3A_88 = arith.constant 8 : i32
    %scan3A_89 = arith.constant 0 : i32
    %scan3A_90 = arith.constant 0 : i32
    %scan3A_91 = arith.constant 8 : i32
    %scan3A_92 = arith.addi %scan3A_90, %scan3A_91 : i32
    %scan3A_93 = arith.constant 1 : i32
    scf.for %scan3A_275 = %scan3A_90 to %scan3A_92 step %scan3A_93  : i32 {
      %mul3A_276 = arith.constant 15360 : i32
      %mul3A_277 = arith.muli %scan3A_275, %mul3A_276 : i32
      %add3A_278 = arith.addi %mul3A_0, %mul3A_277 : i32
      "tpu.region"() ({
        %run_scoped3A = tpu.sem_alloc : memref<!tpu.dma_semaphore, #tpu.memory_space<semaphore_mem>>
        %dma_start3A_279 = tpu.memref_slice %arg10[%add3A_278] : memref<1966080xf32, #tpu.memory_space<vmem_shared>> -> memref<15360xf32, #tpu.memory_space<vmem_shared>>
        tpu.enqueue_dma source(%arg6 : memref<15360xf32, #tpu.memory_space<hbm>>) target(%dma_start3A_279 : memref<15360xf32, #tpu.memory_space<vmem_shared>>) target_semaphore(%run_scoped3A : memref<!tpu.dma_semaphore, #tpu.memory_space<semaphore_mem>>)
        %dma_wait3A_280 = tpu.memref_slice %arg10[%add3A_278] : memref<1966080xf32, #tpu.memory_space<vmem_shared>> -> memref<15360xf32, #tpu.memory_space<vmem_shared>>
        tpu.wait_dma2 semaphore(%run_scoped3A : memref<!tpu.dma_semaphore, #tpu.memory_space<semaphore_mem>>) src(%arg6 : memref<15360xf32, #tpu.memory_space<hbm>>) dst(%dma_wait3A_280 : memref<15360xf32, #tpu.memory_space<vmem_shared>>)
        tpu.yield
      }) : () -> ()
    }
    %scan3A_94 = arith.constant 8 : i32
    %barrier3A_95 = arith.constant 0 : index
    tpu.barrier barrier_id(%barrier3A_95)
    %mul3A_96 = arith.constant 1966080 : i32
    %mul3A_97 = arith.muli %arg0, %mul3A_96 : i32
    %mul3A_98 = arith.constant 64 : i32
    %mul3A_99 = arith.muli %arg1, %mul3A_98 : i32
    %add3A_100 = arith.constant 0 : i32
    %add3A_101 = arith.addi %mul3A_99, %add3A_100 : i32
    %mul3A_102 = arith.constant 1920 : i32
    %mul3A_103 = arith.muli %add3A_101, %mul3A_102 : i32
    %add3A_104 = arith.addi %mul3A_97, %mul3A_103 : i32
    %add3A_105 = arith.constant 0 : i32
    %add3A_106 = arith.addi %add3A_104, %add3A_105 : i32
    %dma_start3A_107 = arith.constant 0 : i32
    %dma_start3A_108 = arith.constant 0 : i32
    %dma_start3A_109 = tpu.memref_slice %arg11[%dma_start3A_107, %dma_start3A_108] : memref<2x640xi32, #tpu.memory_space<vmem>> -> memref<1x640xi32, #tpu.memory_space<vmem>>
    %dma_start3A_110 = tpu.memref_squeeze %dma_start3A_109 : memref<1x640xi32, #tpu.memory_space<vmem>> -> memref<640xi32, #tpu.memory_space<vmem>>
    %dma_start3A_111 = tpu.memref_slice %arg2[%add3A_106] : memref<3932160xi32, #tpu.memory_space<hbm>> -> memref<640xi32, #tpu.memory_space<hbm>>
    %dma_start3A_112 = arith.constant 0 : i32
    %dma_start3A_113 = tpu.memref_slice %arg11[%dma_start3A_107, %dma_start3A_112] : memref<2x640xi32, #tpu.memory_space<vmem>> -> memref<1x640xi32, #tpu.memory_space<vmem>>
    %dma_start3A_114 = tpu.memref_squeeze %dma_start3A_113 : memref<1x640xi32, #tpu.memory_space<vmem>> -> memref<640xi32, #tpu.memory_space<vmem>>
    %dma_start3A_115 = tpu.memref_slice %arg2[%add3A_106] : memref<3932160xi32, #tpu.memory_space<hbm>> -> memref<640xi32, #tpu.memory_space<hbm>>
    tpu.enqueue_dma source(%dma_start3A_115 : memref<640xi32, #tpu.memory_space<hbm>>) target(%dma_start3A_114 : memref<640xi32, #tpu.memory_space<vmem>>) target_semaphore(%arg14 : memref<!tpu.dma_semaphore, #tpu.memory_space<semaphore_mem>>)
    %dma_start3A_116 = arith.constant 0 : i32
    %dma_start3A_117 = arith.constant 0 : i32
    %dma_start3A_118 = tpu.memref_slice %arg12[%dma_start3A_116, %dma_start3A_117] : memref<2x640xf32, #tpu.memory_space<vmem>> -> memref<1x640xf32, #tpu.memory_space<vmem>>
    %dma_start3A_119 = tpu.memref_squeeze %dma_start3A_118 : memref<1x640xf32, #tpu.memory_space<vmem>> -> memref<640xf32, #tpu.memory_space<vmem>>
    %dma_start3A_120 = tpu.memref_slice %arg4[%add3A_106] : memref<3932160xf32, #tpu.memory_space<hbm>> -> memref<640xf32, #tpu.memory_space<hbm>>
    %dma_start3A_121 = arith.constant 0 : i32
    %dma_start3A_122 = tpu.memref_slice %arg12[%dma_start3A_116, %dma_start3A_121] : memref<2x640xf32, #tpu.memory_space<vmem>> -> memref<1x640xf32, #tpu.memory_space<vmem>>
    %dma_start3A_123 = tpu.memref_squeeze %dma_start3A_122 : memref<1x640xf32, #tpu.memory_space<vmem>> -> memref<640xf32, #tpu.memory_space<vmem>>
    %dma_start3A_124 = tpu.memref_slice %arg4[%add3A_106] : memref<3932160xf32, #tpu.memory_space<hbm>> -> memref<640xf32, #tpu.memory_space<hbm>>
    tpu.enqueue_dma source(%dma_start3A_124 : memref<640xf32, #tpu.memory_space<hbm>>) target(%dma_start3A_123 : memref<640xf32, #tpu.memory_space<vmem>>) target_semaphore(%arg14 : memref<!tpu.dma_semaphore, #tpu.memory_space<semaphore_mem>>)
    %scan3A_125 = arith.constant 0 : i32
    %scan3A_126 = arith.constant 0 : i32
    %scan3A_127 = arith.constant 192 : i32
    %scan3A_128 = arith.addi %scan3A_126, %scan3A_127 : i32
    %scan3A_129 = arith.constant 1 : i32
    scf.for %scan3A_275 = %scan3A_126 to %scan3A_128 step %scan3A_129  : i32 {
      %rem3A = arith.constant 2 : i32
      %rem3A_276 = arith.remsi %scan3A_275, %rem3A : i32
      %dma_wait3A_277 = arith.constant 0 : i32
      %dma_wait3A_278 = tpu.memref_slice %arg11[%rem3A_276, %dma_wait3A_277] : memref<2x640xi32, #tpu.memory_space<vmem>> -> memref<1x640xi32, #tpu.memory_space<vmem>>
      %dma_wait3A_279 = tpu.memref_squeeze %dma_wait3A_278 : memref<1x640xi32, #tpu.memory_space<vmem>> -> memref<640xi32, #tpu.memory_space<vmem>>
      %dma_wait3A_280 = arith.constant 0 : i32
      %dma_wait3A_281 = tpu.memref_slice %arg2[%dma_wait3A_280] : memref<3932160xi32, #tpu.memory_space<hbm>> -> memref<640xi32, #tpu.memory_space<hbm>>
      %dma_wait3A_282 = arith.constant 0 : i32
      %dma_wait3A_283 = tpu.memref_slice %arg11[%rem3A_276, %dma_wait3A_282] : memref<2x640xi32, #tpu.memory_space<vmem>> -> memref<1x640xi32, #tpu.memory_space<vmem>>
      %dma_wait3A_284 = tpu.memref_squeeze %dma_wait3A_283 : memref<1x640xi32, #tpu.memory_space<vmem>> -> memref<640xi32, #tpu.memory_space<vmem>>
      %dma_wait3A_285 = arith.constant 0 : i32
      %dma_wait3A_286 = tpu.memref_slice %arg2[%dma_wait3A_285] : memref<3932160xi32, #tpu.memory_space<hbm>> -> memref<640xi32, #tpu.memory_space<hbm>>
      tpu.wait_dma2 semaphore(%arg14 : memref<!tpu.dma_semaphore, #tpu.memory_space<semaphore_mem>>) src(%dma_wait3A_286 : memref<640xi32, #tpu.memory_space<hbm>>) dst(%dma_wait3A_284 : memref<640xi32, #tpu.memory_space<vmem>>)
      %dma_wait3A_287 = arith.constant 0 : i32
      %dma_wait3A_288 = tpu.memref_slice %arg12[%rem3A_276, %dma_wait3A_287] : memref<2x640xf32, #tpu.memory_space<vmem>> -> memref<1x640xf32, #tpu.memory_space<vmem>>
      %dma_wait3A_289 = tpu.memref_squeeze %dma_wait3A_288 : memref<1x640xf32, #tpu.memory_space<vmem>> -> memref<640xf32, #tpu.memory_space<vmem>>
      %dma_wait3A_290 = arith.constant 0 : i32
      %dma_wait3A_291 = tpu.memref_slice %arg3[%dma_wait3A_290] : memref<3932160xf32, #tpu.memory_space<hbm>> -> memref<640xf32, #tpu.memory_space<hbm>>
      %dma_wait3A_292 = arith.constant 0 : i32
      %dma_wait3A_293 = tpu.memref_slice %arg12[%rem3A_276, %dma_wait3A_292] : memref<2x640xf32, #tpu.memory_space<vmem>> -> memref<1x640xf32, #tpu.memory_space<vmem>>
      %dma_wait3A_294 = tpu.memref_squeeze %dma_wait3A_293 : memref<1x640xf32, #tpu.memory_space<vmem>> -> memref<640xf32, #tpu.memory_space<vmem>>
      %dma_wait3A_295 = arith.constant 0 : i32
      %dma_wait3A_296 = tpu.memref_slice %arg3[%dma_wait3A_295] : memref<3932160xf32, #tpu.memory_space<hbm>> -> memref<640xf32, #tpu.memory_space<hbm>>
      tpu.wait_dma2 semaphore(%arg14 : memref<!tpu.dma_semaphore, #tpu.memory_space<semaphore_mem>>) src(%dma_wait3A_296 : memref<640xf32, #tpu.memory_space<hbm>>) dst(%dma_wait3A_294 : memref<640xf32, #tpu.memory_space<vmem>>)
      %mul3A_297 = arith.constant 4 : i32
      %mul3A_298 = arith.muli %rem3A_276, %mul3A_297 : i32
      %mul3A_299 = arith.constant 5 : i32
      %mul3A_300 = arith.muli %mul3A_298, %mul3A_299 : i32
      %scan3A_301 = arith.constant 0 : i32
      %scan3A_302 = arith.constant 0 : i32
      %scan3A_303 = arith.constant 40 : i32
      %scan3A_304 = arith.addi %scan3A_302, %scan3A_303 : i32
      %scan3A_305 = arith.constant 1 : i32
      scf.for %scan3A_321 = %scan3A_302 to %scan3A_304 step %scan3A_305  : i32 {
        %mul3A_322 = arith.constant 16 : i32
        %mul3A_323 = arith.muli %scan3A_321, %mul3A_322 : i32
        %get3A = arith.constant 0 : i32
        %get3A_324 = tpu.memref_slice %arg11[%rem3A_276, %get3A] : memref<2x640xi32, #tpu.memory_space<vmem>> -> memref<1x640xi32, #tpu.memory_space<vmem>>
        %get3A_325 = tpu.memref_squeeze %get3A_324 : memref<1x640xi32, #tpu.memory_space<vmem>> -> memref<640xi32, #tpu.memory_space<vmem>>
        %get3A_326 = arith.index_cast %mul3A_323 : i32 to index
        %get3A_327 = tpu.vector_load %get3A_325[%get3A_326] {strides = array<i32>} : memref<640xi32, #tpu.memory_space<vmem>>, vector<16xi32>,
        %get3A_328 = vector.shape_cast %get3A_327 : vector<16xi32> to vector<16xi32>
        %shift_right_logical3A = arith.constant 2 : i32
        %shift_right_logical3A_329 = vector.broadcast %shift_right_logical3A : i32 to vector<16xi32>
        %shift_right_logical3A_330 = arith.shrui %get3A_328, %shift_right_logical3A_329 : vector<16xi32>
        %and3A = arith.constant 1 : i32
        %and3A_331 = vector.broadcast %and3A : i32 to vector<16xi32>
        %and3A_332 = arith.andi %get3A_328, %and3A_331 : vector<16xi32>
        %and3A_333 = arith.constant 2 : i32
        %and3A_334 = vector.broadcast %and3A_333 : i32 to vector<16xi32>
        %and3A_335 = arith.andi %get3A_328, %and3A_334 : vector<16xi32>
        %mul3A_336 = arith.constant 960 : i32
        %mul3A_337 = vector.broadcast %mul3A_336 : i32 to vector<16xi32>
        %mul3A_338 = arith.muli %and3A_335, %mul3A_337 : vector<16xi32>
        %add3A_339 = arith.addi %shift_right_logical3A_330, %mul3A_338 : vector<16xi32>
        %jit3A = arith.constant 8 : i32
        %div3A = arith.divsi %scan3A_321, %jit3A : i32
        %sign3A = arith.constant 0 : i32
        %sign3A_340 = arith.cmpi sgt, %scan3A_321, %sign3A : i32
        %sign3A_341 = arith.extui %sign3A_340 : i1 to i32
        %sign3A_342 = arith.constant 0 : i32
        %sign3A_343 = arith.cmpi slt, %scan3A_321, %sign3A_342 : i32
        %sign3A_344 = arith.extui %sign3A_343 : i1 to i32
        %sign3A_345 = arith.subi %sign3A_341, %sign3A_344 : i32
        %sign3A_346 = arith.constant 0 : i32
        %sign3A_347 = arith.cmpi sgt, %jit3A, %sign3A_346 : i32
        %sign3A_348 = arith.extui %sign3A_347 : i1 to i32
        %sign3A_349 = arith.constant 0 : i32
        %sign3A_350 = arith.cmpi slt, %jit3A, %sign3A_349 : i32
        %sign3A_351 = arith.extui %sign3A_350 : i1 to i32
        %sign3A_352 = arith.subi %sign3A_348, %sign3A_351 : i32
        %ne3A = arith.cmpi ne, %sign3A_345, %sign3A_352 : i32
        %rem3A_353 = arith.remsi %scan3A_321, %jit3A : i32
        %ne3A_354 = arith.constant 0 : i32
        %ne3A_355 = arith.cmpi ne, %rem3A_353, %ne3A_354 : i32
        %and3A_356 = arith.andi %ne3A, %ne3A_355 : i1
        %sub3A = arith.constant 1 : i32
        %sub3A_357 = arith.subi %div3A, %sub3A : i32
        %select_n3A = arith.select %and3A_356, %sub3A_357, %div3A : i32
        %add3A_358 = arith.addi %mul3A_300, %select_n3A : i32
        %jit3A_359 = arith.constant 8 : i32
        %eq3A = arith.constant 0 : i32
        %eq3A_360 = arith.cmpi eq, %jit3A_359, %eq3A : i32
        %jit3A_361 = arith.constant 1 : i32
        %select_n3A_362 = arith.select %eq3A_360, %jit3A_361, %jit3A_359 : i32
        %rem3A_363 = arith.remsi %scan3A_321, %select_n3A_362 : i32
        %ne3A_364 = arith.constant 0 : i32
        %ne3A_365 = arith.cmpi ne, %rem3A_363, %ne3A_364 : i32
        %lt3A_366 = arith.constant 0 : i32
        %lt3A_367 = arith.cmpi slt, %rem3A_363, %lt3A_366 : i32
        %lt3A_368 = arith.constant 0 : i32
        %lt3A_369 = arith.cmpi slt, %select_n3A_362, %lt3A_368 : i32
        %ne3A_370 = arith.xori %lt3A_367, %lt3A_369 : i1
        %and3A_371 = arith.andi %ne3A_370, %ne3A_365 : i1
        %add3A_372 = arith.addi %rem3A_363, %select_n3A_362 : i32
        %select_n3A_373 = arith.select %and3A_371, %add3A_372, %rem3A_363 : i32
        %mul3A_374 = arith.constant 16 : i32
        %mul3A_375 = arith.muli %select_n3A_373, %mul3A_374 : i32
        %swap3A = arith.index_cast %add3A_358 : i32 to index
        %swap3A_376 = arith.index_cast %mul3A_375 : i32 to index
        %swap3A_377 = tpu.vector_load %arg13[%swap3A, %swap3A_376] {strides = array<i32>} : memref<40x128xi32, #tpu.memory_space<vmem>>, vector<1x16xi32>,
        %swap3A_378 = vector.shape_cast %swap3A_377 : vector<1x16xi32> to vector<16xi32>
        %swap3A_379 = vector.shape_cast %shift_right_logical3A_330 : vector<16xi32> to vector<1x16xi32>
        tpu.vector_store %arg13[%swap3A, %swap3A_376], %swap3A_379 {strides = array<i32>} : memref<40x128xi32, #tpu.memory_space<vmem>>, vector<1x16xi32>,
        %add3A_380 = arith.addi %shift_right_logical3A_330, %and3A_332 : vector<16xi32>
        %add3A_381 = arith.constant 5 : i32
        %add3A_382 = arith.addi %add3A_381, %add3A_358 : i32
        %swap3A_383 = arith.index_cast %add3A_382 : i32 to index
        %swap3A_384 = arith.index_cast %mul3A_375 : i32 to index
        %swap3A_385 = tpu.vector_load %arg13[%swap3A_383, %swap3A_384] {strides = array<i32>} : memref<40x128xi32, #tpu.memory_space<vmem>>, vector<1x16xi32>,
        %swap3A_386 = vector.shape_cast %swap3A_385 : vector<1x16xi32> to vector<16xi32>
        %swap3A_387 = vector.shape_cast %add3A_380 : vector<16xi32> to vector<1x16xi32>
        tpu.vector_store %arg13[%swap3A_383, %swap3A_384], %swap3A_387 {strides = array<i32>} : memref<40x128xi32, #tpu.memory_space<vmem>>, vector<1x16xi32>,
        %add3A_388 = arith.constant 10 : i32
        %add3A_389 = arith.addi %add3A_388, %add3A_358 : i32
        %swap3A_390 = arith.index_cast %add3A_389 : i32 to index
        %swap3A_391 = arith.index_cast %mul3A_375 : i32 to index
        %swap3A_392 = tpu.vector_load %arg13[%swap3A_390, %swap3A_391] {strides = array<i32>} : memref<40x128xi32, #tpu.memory_space<vmem>>, vector<1x16xi32>,
        %swap3A_393 = vector.shape_cast %swap3A_392 : vector<1x16xi32> to vector<16xi32>
        %swap3A_394 = vector.shape_cast %add3A_339 : vector<16xi32> to vector<1x16xi32>
        tpu.vector_store %arg13[%swap3A_390, %swap3A_391], %swap3A_394 {strides = array<i32>} : memref<40x128xi32, #tpu.memory_space<vmem>>, vector<1x16xi32>,
        %add3A_395 = arith.addi %add3A_339, %and3A_332 : vector<16xi32>
        %add3A_396 = arith.constant 15 : i32
        %add3A_397 = arith.addi %add3A_396, %add3A_358 : i32
        %swap3A_398 = arith.index_cast %add3A_397 : i32 to index
        %swap3A_399 = arith.index_cast %mul3A_375 : i32 to index
        %swap3A_400 = tpu.vector_load %arg13[%swap3A_398, %swap3A_399] {strides = array<i32>} : memref<40x128xi32, #tpu.memory_space<vmem>>, vector<1x16xi32>,
        %swap3A_401 = vector.shape_cast %swap3A_400 : vector<1x16xi32> to vector<16xi32>
        %swap3A_402 = vector.shape_cast %add3A_395 : vector<16xi32> to vector<1x16xi32>
        tpu.vector_store %arg13[%swap3A_398, %swap3A_399], %swap3A_402 {strides = array<i32>} : memref<40x128xi32, #tpu.memory_space<vmem>>, vector<1x16xi32>,
      }
      %scan3A_306 = arith.constant 40 : i32
      %ge3A = arith.constant 1 : i32
      %ge3A_307 = arith.cmpi sge, %scan3A_275, %ge3A : i32
      %convert_element_type3A = arith.extui %ge3A_307 : i1 to i32
      %cond3A = arith.constant 0 : i32
      %cond3A_308 = arith.cmpi ne, %convert_element_type3A, %cond3A : i32
      scf.if %cond3A_308 {
        %dma_wait3A_321 = arith.constant 0 : i32
        %dma_wait3A_322 = arith.constant 0 : i32
        %dma_wait3A_323 = tpu.memref_slice %arg12[%dma_wait3A_321, %dma_wait3A_322] : memref<2x640xf32, #tpu.memory_space<vmem>> -> memref<1x640xf32, #tpu.memory_space<vmem>>
        %dma_wait3A_324 = tpu.memref_squeeze %dma_wait3A_323 : memref<1x640xf32, #tpu.memory_space<vmem>> -> memref<640xf32, #tpu.memory_space<vmem>>
        %dma_wait3A_325 = arith.constant 0 : i32
        %dma_wait3A_326 = tpu.memref_slice %arg6[%dma_wait3A_325] : memref<15360xf32, #tpu.memory_space<hbm>> -> memref<640xf32, #tpu.memory_space<hbm>>
        %dma_wait3A_327 = arith.constant 0 : i32
        %dma_wait3A_328 = tpu.memref_slice %arg12[%dma_wait3A_321, %dma_wait3A_327] : memref<2x640xf32, #tpu.memory_space<vmem>> -> memref<1x640xf32, #tpu.memory_space<vmem>>
        %dma_wait3A_329 = tpu.memref_squeeze %dma_wait3A_328 : memref<1x640xf32, #tpu.memory_space<vmem>> -> memref<640xf32, #tpu.memory_space<vmem>>
        %dma_wait3A_330 = arith.constant 0 : i32
        %dma_wait3A_331 = tpu.memref_slice %arg6[%dma_wait3A_330] : memref<15360xf32, #tpu.memory_space<hbm>> -> memref<640xf32, #tpu.memory_space<hbm>>
        tpu.wait_dma2 semaphore(%arg15 : memref<!tpu.dma_semaphore, #tpu.memory_space<semaphore_mem>>) src(%dma_wait3A_331 : memref<640xf32, #tpu.memory_space<hbm>>) dst(%dma_wait3A_329 : memref<640xf32, #tpu.memory_space<vmem>>)
        %dma_wait3A_332 = arith.constant 0 : i32
        %dma_wait3A_333 = arith.constant 0 : i32
        %dma_wait3A_334 = tpu.memref_slice %arg12[%dma_wait3A_332, %dma_wait3A_333] : memref<2x640xf32, #tpu.memory_space<vmem>> -> memref<1x640xf32, #tpu.memory_space<vmem>>
        %dma_wait3A_335 = tpu.memref_squeeze %dma_wait3A_334 : memref<1x640xf32, #tpu.memory_space<vmem>> -> memref<640xf32, #tpu.memory_space<vmem>>
        %dma_wait3A_336 = arith.constant 0 : i32
        %dma_wait3A_337 = tpu.memref_slice %arg6[%dma_wait3A_336] : memref<15360xf32, #tpu.memory_space<hbm>> -> memref<640xf32, #tpu.memory_space<hbm>>
        %dma_wait3A_338 = arith.constant 0 : i32
        %dma_wait3A_339 = tpu.memref_slice %arg12[%dma_wait3A_332, %dma_wait3A_338] : memref<2x640xf32, #tpu.memory_space<vmem>> -> memref<1x640xf32, #tpu.memory_space<vmem>>
        %dma_wait3A_340 = tpu.memref_squeeze %dma_wait3A_339 : memref<1x640xf32, #tpu.memory_space<vmem>> -> memref<640xf32, #tpu.memory_space<vmem>>
        %dma_wait3A_341 = arith.constant 0 : i32
        %dma_wait3A_342 = tpu.memref_slice %arg6[%dma_wait3A_341] : memref<15360xf32, #tpu.memory_space<hbm>> -> memref<640xf32, #tpu.memory_space<hbm>>
        tpu.wait_dma2 semaphore(%arg15 : memref<!tpu.dma_semaphore, #tpu.memory_space<semaphore_mem>>) src(%dma_wait3A_342 : memref<640xf32, #tpu.memory_space<hbm>>) dst(%dma_wait3A_340 : memref<640xf32, #tpu.memory_space<vmem>>)
        %dma_wait3A_343 = arith.constant 0 : i32
        %dma_wait3A_344 = arith.constant 0 : i32
        %dma_wait3A_345 = tpu.memref_slice %arg12[%dma_wait3A_343, %dma_wait3A_344] : memref<2x640xf32, #tpu.memory_space<vmem>> -> memref<1x640xf32, #tpu.memory_space<vmem>>
        %dma_wait3A_346 = tpu.memref_squeeze %dma_wait3A_345 : memref<1x640xf32, #tpu.memory_space<vmem>> -> memref<640xf32, #tpu.memory_space<vmem>>
        %dma_wait3A_347 = arith.constant 0 : i32
        %dma_wait3A_348 = tpu.memref_slice %arg6[%dma_wait3A_347] : memref<15360xf32, #tpu.memory_space<hbm>> -> memref<640xf32, #tpu.memory_space<hbm>>
        %dma_wait3A_349 = arith.constant 0 : i32
        %dma_wait3A_350 = tpu.memref_slice %arg12[%dma_wait3A_343, %dma_wait3A_349] : memref<2x640xf32, #tpu.memory_space<vmem>> -> memref<1x640xf32, #tpu.memory_space<vmem>>
        %dma_wait3A_351 = tpu.memref_squeeze %dma_wait3A_350 : memref<1x640xf32, #tpu.memory_space<vmem>> -> memref<640xf32, #tpu.memory_space<vmem>>
        %dma_wait3A_352 = arith.constant 0 : i32
        %dma_wait3A_353 = tpu.memref_slice %arg6[%dma_wait3A_352] : memref<15360xf32, #tpu.memory_space<hbm>> -> memref<640xf32, #tpu.memory_space<hbm>>
        tpu.wait_dma2 semaphore(%arg15 : memref<!tpu.dma_semaphore, #tpu.memory_space<semaphore_mem>>) src(%dma_wait3A_353 : memref<640xf32, #tpu.memory_space<hbm>>) dst(%dma_wait3A_351 : memref<640xf32, #tpu.memory_space<vmem>>)
        %dma_wait3A_354 = arith.constant 0 : i32
        %dma_wait3A_355 = arith.constant 0 : i32
        %dma_wait3A_356 = tpu.memref_slice %arg12[%dma_wait3A_354, %dma_wait3A_355] : memref<2x640xf32, #tpu.memory_space<vmem>> -> memref<1x640xf32, #tpu.memory_space<vmem>>
        %dma_wait3A_357 = tpu.memref_squeeze %dma_wait3A_356 : memref<1x640xf32, #tpu.memory_space<vmem>> -> memref<640xf32, #tpu.memory_space<vmem>>
        %dma_wait3A_358 = arith.constant 0 : i32
        %dma_wait3A_359 = tpu.memref_slice %arg6[%dma_wait3A_358] : memref<15360xf32, #tpu.memory_space<hbm>> -> memref<640xf32, #tpu.memory_space<hbm>>
        %dma_wait3A_360 = arith.constant 0 : i32
        %dma_wait3A_361 = tpu.memref_slice %arg12[%dma_wait3A_354, %dma_wait3A_360] : memref<2x640xf32, #tpu.memory_space<vmem>> -> memref<1x640xf32, #tpu.memory_space<vmem>>
        %dma_wait3A_362 = tpu.memref_squeeze %dma_wait3A_361 : memref<1x640xf32, #tpu.memory_space<vmem>> -> memref<640xf32, #tpu.memory_space<vmem>>
        %dma_wait3A_363 = arith.constant 0 : i32
        %dma_wait3A_364 = tpu.memref_slice %arg6[%dma_wait3A_363] : memref<15360xf32, #tpu.memory_space<hbm>> -> memref<640xf32, #tpu.memory_space<hbm>>
        tpu.wait_dma2 semaphore(%arg15 : memref<!tpu.dma_semaphore, #tpu.memory_space<semaphore_mem>>) src(%dma_wait3A_364 : memref<640xf32, #tpu.memory_space<hbm>>) dst(%dma_wait3A_362 : memref<640xf32, #tpu.memory_space<vmem>>)
      } else {
      }
      %add3A_309 = arith.constant 1 : i32
      %add3A_310 = arith.addi %scan3A_275, %add3A_309 : i32
      %lt3A = arith.constant 192 : i32
      %lt3A_311 = arith.cmpi slt, %add3A_310, %lt3A : i32
      %convert_element_type3A_312 = arith.extui %lt3A_311 : i1 to i32
      %cond3A_313 = arith.constant 0 : i32
      %cond3A_314 = arith.cmpi ne, %convert_element_type3A_312, %cond3A_313 : i32
      scf.if %cond3A_314 {
        %add3A_321 = arith.constant 1 : i32
        %add3A_322 = arith.addi %scan3A_275, %add3A_321 : i32
        %sub3A = arith.constant 1 : i32
        %sub3A_323 = arith.subi %sub3A, %rem3A_276 : i32
        %mul3A_324 = arith.constant 1966080 : i32
        %mul3A_325 = arith.muli %arg0, %mul3A_324 : i32
        %mul3A_326 = arith.constant 64 : i32
        %mul3A_327 = arith.muli %arg1, %mul3A_326 : i32
        %jit3A = arith.constant 3 : i32
        %div3A = arith.divsi %add3A_322, %jit3A : i32
        %sign3A = arith.constant 0 : i32
        %sign3A_328 = arith.cmpi sgt, %add3A_322, %sign3A : i32
        %sign3A_329 = arith.extui %sign3A_328 : i1 to i32
        %sign3A_330 = arith.constant 0 : i32
        %sign3A_331 = arith.cmpi slt, %add3A_322, %sign3A_330 : i32
        %sign3A_332 = arith.extui %sign3A_331 : i1 to i32
        %sign3A_333 = arith.subi %sign3A_329, %sign3A_332 : i32
        %sign3A_334 = arith.constant 0 : i32
        %sign3A_335 = arith.cmpi sgt, %jit3A, %sign3A_334 : i32
        %sign3A_336 = arith.extui %sign3A_335 : i1 to i32
        %sign3A_337 = arith.constant 0 : i32
        %sign3A_338 = arith.cmpi slt, %jit3A, %sign3A_337 : i32
        %sign3A_339 = arith.extui %sign3A_338 : i1 to i32
        %sign3A_340 = arith.subi %sign3A_336, %sign3A_339 : i32
        %ne3A = arith.cmpi ne, %sign3A_333, %sign3A_340 : i32
        %rem3A_341 = arith.remsi %add3A_322, %jit3A : i32
        %ne3A_342 = arith.constant 0 : i32
        %ne3A_343 = arith.cmpi ne, %rem3A_341, %ne3A_342 : i32
        %and3A = arith.andi %ne3A, %ne3A_343 : i1
        %sub3A_344 = arith.constant 1 : i32
        %sub3A_345 = arith.subi %div3A, %sub3A_344 : i32
        %select_n3A = arith.select %and3A, %sub3A_345, %div3A : i32
        %add3A_346 = arith.addi %mul3A_327, %select_n3A : i32
        %mul3A_347 = arith.constant 1920 : i32
        %mul3A_348 = arith.muli %add3A_346, %mul3A_347 : i32
        %add3A_349 = arith.addi %mul3A_325, %mul3A_348 : i32
        %jit3A_350 = arith.constant 3 : i32
        %eq3A = arith.constant 0 : i32
        %eq3A_351 = arith.cmpi eq, %jit3A_350, %eq3A : i32
        %jit3A_352 = arith.constant 1 : i32
        %select_n3A_353 = arith.select %eq3A_351, %jit3A_352, %jit3A_350 : i32
        %rem3A_354 = arith.remsi %add3A_322, %select_n3A_353 : i32
        %ne3A_355 = arith.constant 0 : i32
        %ne3A_356 = arith.cmpi ne, %rem3A_354, %ne3A_355 : i32
        %lt3A_357 = arith.constant 0 : i32
        %lt3A_358 = arith.cmpi slt, %rem3A_354, %lt3A_357 : i32
        %lt3A_359 = arith.constant 0 : i32
        %lt3A_360 = arith.cmpi slt, %select_n3A_353, %lt3A_359 : i32
        %ne3A_361 = arith.xori %lt3A_358, %lt3A_360 : i1
        %and3A_362 = arith.andi %ne3A_361, %ne3A_356 : i1
        %add3A_363 = arith.addi %rem3A_354, %select_n3A_353 : i32
        %select_n3A_364 = arith.select %and3A_362, %add3A_363, %rem3A_354 : i32
        %mul3A_365 = arith.constant 640 : i32
        %mul3A_366 = arith.muli %select_n3A_364, %mul3A_365 : i32
        %add3A_367 = arith.addi %add3A_349, %mul3A_366 : i32
        %dma_start3A_368 = arith.constant 0 : i32
        %dma_start3A_369 = tpu.memref_slice %arg11[%sub3A_323, %dma_start3A_368] : memref<2x640xi32, #tpu.memory_space<vmem>> -> memref<1x640xi32, #tpu.memory_space<vmem>>
        %dma_start3A_370 = tpu.memref_squeeze %dma_start3A_369 : memref<1x640xi32, #tpu.memory_space<vmem>> -> memref<640xi32, #tpu.memory_space<vmem>>
        %dma_start3A_371 = tpu.memref_slice %arg2[%add3A_367] : memref<3932160xi32, #tpu.memory_space<hbm>> -> memref<640xi32, #tpu.memory_space<hbm>>
        %dma_start3A_372 = arith.constant 0 : i32
        %dma_start3A_373 = tpu.memref_slice %arg11[%sub3A_323, %dma_start3A_372] : memref<2x640xi32, #tpu.memory_space<vmem>> -> memref<1x640xi32, #tpu.memory_space<vmem>>
        %dma_start3A_374 = tpu.memref_squeeze %dma_start3A_373 : memref<1x640xi32, #tpu.memory_space<vmem>> -> memref<640xi32, #tpu.memory_space<vmem>>
        %dma_start3A_375 = tpu.memref_slice %arg2[%add3A_367] : memref<3932160xi32, #tpu.memory_space<hbm>> -> memref<640xi32, #tpu.memory_space<hbm>>
        tpu.enqueue_dma source(%dma_start3A_375 : memref<640xi32, #tpu.memory_space<hbm>>) target(%dma_start3A_374 : memref<640xi32, #tpu.memory_space<vmem>>) target_semaphore(%arg14 : memref<!tpu.dma_semaphore, #tpu.memory_space<semaphore_mem>>)
        %dma_start3A_376 = arith.constant 0 : i32
        %dma_start3A_377 = tpu.memref_slice %arg12[%sub3A_323, %dma_start3A_376] : memref<2x640xf32, #tpu.memory_space<vmem>> -> memref<1x640xf32, #tpu.memory_space<vmem>>
        %dma_start3A_378 = tpu.memref_squeeze %dma_start3A_377 : memref<1x640xf32, #tpu.memory_space<vmem>> -> memref<640xf32, #tpu.memory_space<vmem>>
        %dma_start3A_379 = tpu.memref_slice %arg4[%add3A_367] : memref<3932160xf32, #tpu.memory_space<hbm>> -> memref<640xf32, #tpu.memory_space<hbm>>
        %dma_start3A_380 = arith.constant 0 : i32
        %dma_start3A_381 = tpu.memref_slice %arg12[%sub3A_323, %dma_start3A_380] : memref<2x640xf32, #tpu.memory_space<vmem>> -> memref<1x640xf32, #tpu.memory_space<vmem>>
        %dma_start3A_382 = tpu.memref_squeeze %dma_start3A_381 : memref<1x640xf32, #tpu.memory_space<vmem>> -> memref<640xf32, #tpu.memory_space<vmem>>
        %dma_start3A_383 = tpu.memref_slice %arg4[%add3A_367] : memref<3932160xf32, #tpu.memory_space<hbm>> -> memref<640xf32, #tpu.memory_space<hbm>>
        tpu.enqueue_dma source(%dma_start3A_383 : memref<640xf32, #tpu.memory_space<hbm>>) target(%dma_start3A_382 : memref<640xf32, #tpu.memory_space<vmem>>) target_semaphore(%arg14 : memref<!tpu.dma_semaphore, #tpu.memory_space<semaphore_mem>>)
      } else {
      }
      %scan3A_315 = arith.constant 0 : i32
      %scan3A_316 = arith.constant 0 : i32
      %scan3A_317 = arith.constant 5 : i32
      %scan3A_318 = arith.addi %scan3A_316, %scan3A_317 : i32
      %scan3A_319 = arith.constant 1 : i32
      scf.for %scan3A_321 = %scan3A_316 to %scan3A_318 step %scan3A_319  : i32 {
        %mul3A_322 = arith.constant 128 : i32
        %mul3A_323 = arith.muli %scan3A_321, %mul3A_322 : i32
        %add3A_324 = arith.addi %mul3A_300, %scan3A_321 : i32
        %dma_start3A_325 = arith.constant 0 : i32
        %dma_start3A_326 = tpu.memref_slice %arg12[%rem3A_276, %dma_start3A_325] : memref<2x640xf32, #tpu.memory_space<vmem>> -> memref<1x640xf32, #tpu.memory_space<vmem>>
        %dma_start3A_327 = tpu.memref_squeeze %dma_start3A_326 : memref<1x640xf32, #tpu.memory_space<vmem>> -> memref<640xf32, #tpu.memory_space<vmem>>
        %dma_start3A_328 = tpu.memref_slice %dma_start3A_327[%mul3A_323] : memref<640xf32, #tpu.memory_space<vmem>> -> memref<128xf32, #tpu.memory_space<vmem>>
        %dma_start3A_329 = arith.constant 0 : i32
        %dma_start3A_330 = tpu.memref_slice %arg13[%add3A_324, %dma_start3A_329] : memref<40x128xi32, #tpu.memory_space<vmem>> -> memref<1x128xi32, #tpu.memory_space<vmem>>
        %dma_start3A_331 = tpu.memref_squeeze %dma_start3A_330 : memref<1x128xi32, #tpu.memory_space<vmem>> -> memref<128xi32, #tpu.memory_space<vmem>>
        %dma_start3A_332 = arith.constant 0 : i32
        %dma_start3A_333 = tpu.memref_slice %arg10[%dma_start3A_332] : memref<1966080xf32, #tpu.memory_space<vmem_shared>> -> memref<1966080xf32, #tpu.memory_space<vmem_shared>>
        tpu.enqueue_indirect_dma source(%dma_start3A_328 : memref<128xf32, #tpu.memory_space<vmem>>) target(%dma_start3A_333 : memref<1966080xf32, #tpu.memory_space<vmem_shared>>) offsets(%dma_start3A_331 : memref<128xi32, #tpu.memory_space<vmem>>) semaphore(%arg15 : memref<!tpu.dma_semaphore, #tpu.memory_space<semaphore_mem>>) {add = true}
        %add3A_334 = arith.constant 5 : i32
        %add3A_335 = arith.addi %add3A_334, %add3A_324 : i32
        %dma_start3A_336 = arith.constant 0 : i32
        %dma_start3A_337 = tpu.memref_slice %arg12[%rem3A_276, %dma_start3A_336] : memref<2x640xf32, #tpu.memory_space<vmem>> -> memref<1x640xf32, #tpu.memory_space<vmem>>
        %dma_start3A_338 = tpu.memref_squeeze %dma_start3A_337 : memref<1x640xf32, #tpu.memory_space<vmem>> -> memref<640xf32, #tpu.memory_space<vmem>>
        %dma_start3A_339 = tpu.memref_slice %dma_start3A_338[%mul3A_323] : memref<640xf32, #tpu.memory_space<vmem>> -> memref<128xf32, #tpu.memory_space<vmem>>
        %dma_start3A_340 = arith.constant 0 : i32
        %dma_start3A_341 = tpu.memref_slice %arg13[%add3A_335, %dma_start3A_340] : memref<40x128xi32, #tpu.memory_space<vmem>> -> memref<1x128xi32, #tpu.memory_space<vmem>>
        %dma_start3A_342 = tpu.memref_squeeze %dma_start3A_341 : memref<1x128xi32, #tpu.memory_space<vmem>> -> memref<128xi32, #tpu.memory_space<vmem>>
        %dma_start3A_343 = arith.constant 0 : i32
        %dma_start3A_344 = tpu.memref_slice %arg10[%dma_start3A_343] : memref<1966080xf32, #tpu.memory_space<vmem_shared>> -> memref<1966080xf32, #tpu.memory_space<vmem_shared>>
        tpu.enqueue_indirect_dma source(%dma_start3A_339 : memref<128xf32, #tpu.memory_space<vmem>>) target(%dma_start3A_344 : memref<1966080xf32, #tpu.memory_space<vmem_shared>>) offsets(%dma_start3A_342 : memref<128xi32, #tpu.memory_space<vmem>>) semaphore(%arg15 : memref<!tpu.dma_semaphore, #tpu.memory_space<semaphore_mem>>) {add = true}
        %add3A_345 = arith.constant 10 : i32
        %add3A_346 = arith.addi %add3A_345, %add3A_324 : i32
        %dma_start3A_347 = arith.constant 0 : i32
        %dma_start3A_348 = tpu.memref_slice %arg12[%rem3A_276, %dma_start3A_347] : memref<2x640xf32, #tpu.memory_space<vmem>> -> memref<1x640xf32, #tpu.memory_space<vmem>>
        %dma_start3A_349 = tpu.memref_squeeze %dma_start3A_348 : memref<1x640xf32, #tpu.memory_space<vmem>> -> memref<640xf32, #tpu.memory_space<vmem>>
        %dma_start3A_350 = tpu.memref_slice %dma_start3A_349[%mul3A_323] : memref<640xf32, #tpu.memory_space<vmem>> -> memref<128xf32, #tpu.memory_space<vmem>>
        %dma_start3A_351 = arith.constant 0 : i32
        %dma_start3A_352 = tpu.memref_slice %arg13[%add3A_346, %dma_start3A_351] : memref<40x128xi32, #tpu.memory_space<vmem>> -> memref<1x128xi32, #tpu.memory_space<vmem>>
        %dma_start3A_353 = tpu.memref_squeeze %dma_start3A_352 : memref<1x128xi32, #tpu.memory_space<vmem>> -> memref<128xi32, #tpu.memory_space<vmem>>
        %dma_start3A_354 = arith.constant 0 : i32
        %dma_start3A_355 = tpu.memref_slice %arg10[%dma_start3A_354] : memref<1966080xf32, #tpu.memory_space<vmem_shared>> -> memref<1966080xf32, #tpu.memory_space<vmem_shared>>
        tpu.enqueue_indirect_dma source(%dma_start3A_350 : memref<128xf32, #tpu.memory_space<vmem>>) target(%dma_start3A_355 : memref<1966080xf32, #tpu.memory_space<vmem_shared>>) offsets(%dma_start3A_353 : memref<128xi32, #tpu.memory_space<vmem>>) semaphore(%arg15 : memref<!tpu.dma_semaphore, #tpu.memory_space<semaphore_mem>>) {add = true}
        %add3A_356 = arith.constant 15 : i32
        %add3A_357 = arith.addi %add3A_356, %add3A_324 : i32
        %dma_start3A_358 = arith.constant 0 : i32
        %dma_start3A_359 = tpu.memref_slice %arg12[%rem3A_276, %dma_start3A_358] : memref<2x640xf32, #tpu.memory_space<vmem>> -> memref<1x640xf32, #tpu.memory_space<vmem>>
        %dma_start3A_360 = tpu.memref_squeeze %dma_start3A_359 : memref<1x640xf32, #tpu.memory_space<vmem>> -> memref<640xf32, #tpu.memory_space<vmem>>
        %dma_start3A_361 = tpu.memref_slice %dma_start3A_360[%mul3A_323] : memref<640xf32, #tpu.memory_space<vmem>> -> memref<128xf32, #tpu.memory_space<vmem>>
        %dma_start3A_362 = arith.constant 0 : i32
        %dma_start3A_363 = tpu.memref_slice %arg13[%add3A_357, %dma_start3A_362] : memref<40x128xi32, #tpu.memory_space<vmem>> -> memref<1x128xi32, #tpu.memory_space<vmem>>
        %dma_start3A_364 = tpu.memref_squeeze %dma_start3A_363 : memref<1x128xi32, #tpu.memory_space<vmem>> -> memref<128xi32, #tpu.memory_space<vmem>>
        %dma_start3A_365 = arith.constant 0 : i32
        %dma_start3A_366 = tpu.memref_slice %arg10[%dma_start3A_365] : memref<1966080xf32, #tpu.memory_space<vmem_shared>> -> memref<1966080xf32, #tpu.memory_space<vmem_shared>>
        tpu.enqueue_indirect_dma source(%dma_start3A_361 : memref<128xf32, #tpu.memory_space<vmem>>) target(%dma_start3A_366 : memref<1966080xf32, #tpu.memory_space<vmem_shared>>) offsets(%dma_start3A_364 : memref<128xi32, #tpu.memory_space<vmem>>) semaphore(%arg15 : memref<!tpu.dma_semaphore, #tpu.memory_space<semaphore_mem>>) {add = true}
      }
      %scan3A_320 = arith.constant 5 : i32
    }
    %scan3A_130 = arith.constant 192 : i32
    %dma_wait3A_131 = arith.constant 0 : i32
    %dma_wait3A_132 = arith.constant 0 : i32
    %dma_wait3A_133 = tpu.memref_slice %arg12[%dma_wait3A_131, %dma_wait3A_132] : memref<2x640xf32, #tpu.memory_space<vmem>> -> memref<1x640xf32, #tpu.memory_space<vmem>>
    %dma_wait3A_134 = tpu.memref_squeeze %dma_wait3A_133 : memref<1x640xf32, #tpu.memory_space<vmem>> -> memref<640xf32, #tpu.memory_space<vmem>>
    %dma_wait3A_135 = arith.constant 0 : i32
    %dma_wait3A_136 = tpu.memref_slice %arg6[%dma_wait3A_135] : memref<15360xf32, #tpu.memory_space<hbm>> -> memref<640xf32, #tpu.memory_space<hbm>>
    %dma_wait3A_137 = arith.constant 0 : i32
    %dma_wait3A_138 = tpu.memref_slice %arg12[%dma_wait3A_131, %dma_wait3A_137] : memref<2x640xf32, #tpu.memory_space<vmem>> -> memref<1x640xf32, #tpu.memory_space<vmem>>
    %dma_wait3A_139 = tpu.memref_squeeze %dma_wait3A_138 : memref<1x640xf32, #tpu.memory_space<vmem>> -> memref<640xf32, #tpu.memory_space<vmem>>
    %dma_wait3A_140 = arith.constant 0 : i32
    %dma_wait3A_141 = tpu.memref_slice %arg6[%dma_wait3A_140] : memref<15360xf32, #tpu.memory_space<hbm>> -> memref<640xf32, #tpu.memory_space<hbm>>
    tpu.wait_dma2 semaphore(%arg15 : memref<!tpu.dma_semaphore, #tpu.memory_space<semaphore_mem>>) src(%dma_wait3A_141 : memref<640xf32, #tpu.memory_space<hbm>>) dst(%dma_wait3A_139 : memref<640xf32, #tpu.memory_space<vmem>>)
    %dma_wait3A_142 = arith.constant 0 : i32
    %dma_wait3A_143 = arith.constant 0 : i32
    %dma_wait3A_144 = tpu.memref_slice %arg12[%dma_wait3A_142, %dma_wait3A_143] : memref<2x640xf32, #tpu.memory_space<vmem>> -> memref<1x640xf32, #tpu.memory_space<vmem>>
    %dma_wait3A_145 = tpu.memref_squeeze %dma_wait3A_144 : memref<1x640xf32, #tpu.memory_space<vmem>> -> memref<640xf32, #tpu.memory_space<vmem>>
    %dma_wait3A_146 = arith.constant 0 : i32
    %dma_wait3A_147 = tpu.memref_slice %arg6[%dma_wait3A_146] : memref<15360xf32, #tpu.memory_space<hbm>> -> memref<640xf32, #tpu.memory_space<hbm>>
    %dma_wait3A_148 = arith.constant 0 : i32
    %dma_wait3A_149 = tpu.memref_slice %arg12[%dma_wait3A_142, %dma_wait3A_148] : memref<2x640xf32, #tpu.memory_space<vmem>> -> memref<1x640xf32, #tpu.memory_space<vmem>>
    %dma_wait3A_150 = tpu.memref_squeeze %dma_wait3A_149 : memref<1x640xf32, #tpu.memory_space<vmem>> -> memref<640xf32, #tpu.memory_space<vmem>>
    %dma_wait3A_151 = arith.constant 0 : i32
    %dma_wait3A_152 = tpu.memref_slice %arg6[%dma_wait3A_151] : memref<15360xf32, #tpu.memory_space<hbm>> -> memref<640xf32, #tpu.memory_space<hbm>>
    tpu.wait_dma2 semaphore(%arg15 : memref<!tpu.dma_semaphore, #tpu.memory_space<semaphore_mem>>) src(%dma_wait3A_152 : memref<640xf32, #tpu.memory_space<hbm>>) dst(%dma_wait3A_150 : memref<640xf32, #tpu.memory_space<vmem>>)
    %dma_wait3A_153 = arith.constant 0 : i32
    %dma_wait3A_154 = arith.constant 0 : i32
    %dma_wait3A_155 = tpu.memref_slice %arg12[%dma_wait3A_153, %dma_wait3A_154] : memref<2x640xf32, #tpu.memory_space<vmem>> -> memref<1x640xf32, #tpu.memory_space<vmem>>
    %dma_wait3A_156 = tpu.memref_squeeze %dma_wait3A_155 : memref<1x640xf32, #tpu.memory_space<vmem>> -> memref<640xf32, #tpu.memory_space<vmem>>
    %dma_wait3A_157 = arith.constant 0 : i32
    %dma_wait3A_158 = tpu.memref_slice %arg6[%dma_wait3A_157] : memref<15360xf32, #tpu.memory_space<hbm>> -> memref<640xf32, #tpu.memory_space<hbm>>
    %dma_wait3A_159 = arith.constant 0 : i32
    %dma_wait3A_160 = tpu.memref_slice %arg12[%dma_wait3A_153, %dma_wait3A_159] : memref<2x640xf32, #tpu.memory_space<vmem>> -> memref<1x640xf32, #tpu.memory_space<vmem>>
    %dma_wait3A_161 = tpu.memref_squeeze %dma_wait3A_160 : memref<1x640xf32, #tpu.memory_space<vmem>> -> memref<640xf32, #tpu.memory_space<vmem>>
    %dma_wait3A_162 = arith.constant 0 : i32
    %dma_wait3A_163 = tpu.memref_slice %arg6[%dma_wait3A_162] : memref<15360xf32, #tpu.memory_space<hbm>> -> memref<640xf32, #tpu.memory_space<hbm>>
    tpu.wait_dma2 semaphore(%arg15 : memref<!tpu.dma_semaphore, #tpu.memory_space<semaphore_mem>>) src(%dma_wait3A_163 : memref<640xf32, #tpu.memory_space<hbm>>) dst(%dma_wait3A_161 : memref<640xf32, #tpu.memory_space<vmem>>)
    %dma_wait3A_164 = arith.constant 0 : i32
    %dma_wait3A_165 = arith.constant 0 : i32
    %dma_wait3A_166 = tpu.memref_slice %arg12[%dma_wait3A_164, %dma_wait3A_165] : memref<2x640xf32, #tpu.memory_space<vmem>> -> memref<1x640xf32, #tpu.memory_space<vmem>>
    %dma_wait3A_167 = tpu.memref_squeeze %dma_wait3A_166 : memref<1x640xf32, #tpu.memory_space<vmem>> -> memref<640xf32, #tpu.memory_space<vmem>>
    %dma_wait3A_168 = arith.constant 0 : i32
    %dma_wait3A_169 = tpu.memref_slice %arg6[%dma_wait3A_168] : memref<15360xf32, #tpu.memory_space<hbm>> -> memref<640xf32, #tpu.memory_space<hbm>>
    %dma_wait3A_170 = arith.constant 0 : i32
    %dma_wait3A_171 = tpu.memref_slice %arg12[%dma_wait3A_164, %dma_wait3A_170] : memref<2x640xf32, #tpu.memory_space<vmem>> -> memref<1x640xf32, #tpu.memory_space<vmem>>
    %dma_wait3A_172 = tpu.memref_squeeze %dma_wait3A_171 : memref<1x640xf32, #tpu.memory_space<vmem>> -> memref<640xf32, #tpu.memory_space<vmem>>
    %dma_wait3A_173 = arith.constant 0 : i32
    %dma_wait3A_174 = tpu.memref_slice %arg6[%dma_wait3A_173] : memref<15360xf32, #tpu.memory_space<hbm>> -> memref<640xf32, #tpu.memory_space<hbm>>
    tpu.wait_dma2 semaphore(%arg15 : memref<!tpu.dma_semaphore, #tpu.memory_space<semaphore_mem>>) src(%dma_wait3A_174 : memref<640xf32, #tpu.memory_space<hbm>>) dst(%dma_wait3A_172 : memref<640xf32, #tpu.memory_space<vmem>>)
    %barrier3A_175 = arith.constant 0 : index
    tpu.barrier barrier_id(%barrier3A_175)
    %scan3A_176 = arith.constant 0 : i32
    %scan3A_177 = arith.constant 0 : i32
    %scan3A_178 = arith.constant 8 : i32
    %scan3A_179 = arith.addi %scan3A_177, %scan3A_178 : i32
    %scan3A_180 = arith.constant 1 : i32
    scf.for %scan3A_275 = %scan3A_177 to %scan3A_179 step %scan3A_180  : i32 {
      %mul3A_276 = arith.constant 15360 : i32
      %mul3A_277 = arith.muli %scan3A_275, %mul3A_276 : i32
      %add3A_278 = arith.addi %mul3A_0, %mul3A_277 : i32
      %mul3A_279 = arith.constant 1966080 : i32
      %mul3A_280 = arith.muli %arg0, %mul3A_279 : i32
      %add3A_281 = arith.addi %mul3A_280, %mul3A_0 : i32
      %mul3A_282 = arith.constant 15360 : i32
      %mul3A_283 = arith.muli %scan3A_275, %mul3A_282 : i32
      %add3A_284 = arith.addi %add3A_281, %mul3A_283 : i32
      "tpu.region"() ({
        %run_scoped3A = tpu.sem_alloc : memref<!tpu.dma_semaphore, #tpu.memory_space<semaphore_mem>>
        %dma_start3A_285 = tpu.memref_slice %arg8[%add3A_284] : memref<3932160xf32, #tpu.memory_space<hbm>> -> memref<15360xf32, #tpu.memory_space<hbm>>
        %dma_start3A_286 = tpu.memref_slice %arg10[%add3A_278] : memref<1966080xf32, #tpu.memory_space<vmem_shared>> -> memref<15360xf32, #tpu.memory_space<vmem_shared>>
        tpu.enqueue_dma source(%dma_start3A_286 : memref<15360xf32, #tpu.memory_space<vmem_shared>>) target(%dma_start3A_285 : memref<15360xf32, #tpu.memory_space<hbm>>) target_semaphore(%run_scoped3A : memref<!tpu.dma_semaphore, #tpu.memory_space<semaphore_mem>>)
        %dma_wait3A_287 = tpu.memref_slice %arg8[%add3A_284] : memref<3932160xf32, #tpu.memory_space<hbm>> -> memref<15360xf32, #tpu.memory_space<hbm>>
        %dma_wait3A_288 = tpu.memref_slice %arg10[%add3A_278] : memref<1966080xf32, #tpu.memory_space<vmem_shared>> -> memref<15360xf32, #tpu.memory_space<vmem_shared>>
        tpu.wait_dma2 semaphore(%run_scoped3A : memref<!tpu.dma_semaphore, #tpu.memory_space<semaphore_mem>>) src(%dma_wait3A_288 : memref<15360xf32, #tpu.memory_space<vmem_shared>>) dst(%dma_wait3A_287 : memref<15360xf32, #tpu.memory_space<hbm>>)
        tpu.yield
      }) : () -> ()
    }
    %scan3A_181 = arith.constant 8 : i32
    %scan3A_182 = arith.constant 0 : i32
    %scan3A_183 = arith.constant 0 : i32
    %scan3A_184 = arith.constant 8 : i32
    %scan3A_185 = arith.addi %scan3A_183, %scan3A_184 : i32
    %scan3A_186 = arith.constant 1 : i32
    scf.for %scan3A_275 = %scan3A_183 to %scan3A_185 step %scan3A_186  : i32 {
      %mul3A_276 = arith.constant 15360 : i32
      %mul3A_277 = arith.muli %scan3A_275, %mul3A_276 : i32
      %add3A_278 = arith.addi %mul3A_0, %mul3A_277 : i32
      "tpu.region"() ({
        %run_scoped3A = tpu.sem_alloc : memref<!tpu.dma_semaphore, #tpu.memory_space<semaphore_mem>>
        %dma_start3A_279 = tpu.memref_slice %arg10[%add3A_278] : memref<1966080xf32, #tpu.memory_space<vmem_shared>> -> memref<15360xf32, #tpu.memory_space<vmem_shared>>
        tpu.enqueue_dma source(%arg6 : memref<15360xf32, #tpu.memory_space<hbm>>) target(%dma_start3A_279 : memref<15360xf32, #tpu.memory_space<vmem_shared>>) target_semaphore(%run_scoped3A : memref<!tpu.dma_semaphore, #tpu.memory_space<semaphore_mem>>)
        %dma_wait3A_280 = tpu.memref_slice %arg10[%add3A_278] : memref<1966080xf32, #tpu.memory_space<vmem_shared>> -> memref<15360xf32, #tpu.memory_space<vmem_shared>>
        tpu.wait_dma2 semaphore(%run_scoped3A : memref<!tpu.dma_semaphore, #tpu.memory_space<semaphore_mem>>) src(%arg6 : memref<15360xf32, #tpu.memory_space<hbm>>) dst(%dma_wait3A_280 : memref<15360xf32, #tpu.memory_space<vmem_shared>>)
        tpu.yield
      }) : () -> ()
    }
    %scan3A_187 = arith.constant 8 : i32
    %barrier3A_188 = arith.constant 0 : index
    tpu.barrier barrier_id(%barrier3A_188)
    %mul3A_189 = arith.constant 1966080 : i32
    %mul3A_190 = arith.muli %arg0, %mul3A_189 : i32
    %mul3A_191 = arith.constant 64 : i32
    %mul3A_192 = arith.muli %arg1, %mul3A_191 : i32
    %add3A_193 = arith.constant 0 : i32
    %add3A_194 = arith.addi %mul3A_192, %add3A_193 : i32
    %mul3A_195 = arith.constant 1920 : i32
    %mul3A_196 = arith.muli %add3A_194, %mul3A_195 : i32
    %add3A_197 = arith.addi %mul3A_190, %mul3A_196 : i32
    %add3A_198 = arith.constant 0 : i32
    %add3A_199 = arith.addi %add3A_197, %add3A_198 : i32
    %dma_start3A_200 = arith.constant 0 : i32
    %dma_start3A_201 = arith.constant 0 : i32
    %dma_start3A_202 = tpu.memref_slice %arg11[%dma_start3A_200, %dma_start3A_201] : memref<2x640xi32, #tpu.memory_space<vmem>> -> memref<1x640xi32, #tpu.memory_space<vmem>>
    %dma_start3A_203 = tpu.memref_squeeze %dma_start3A_202 : memref<1x640xi32, #tpu.memory_space<vmem>> -> memref<640xi32, #tpu.memory_space<vmem>>
    %dma_start3A_204 = tpu.memref_slice %arg2[%add3A_199] : memref<3932160xi32, #tpu.memory_space<hbm>> -> memref<640xi32, #tpu.memory_space<hbm>>
    %dma_start3A_205 = arith.constant 0 : i32
    %dma_start3A_206 = tpu.memref_slice %arg11[%dma_start3A_200, %dma_start3A_205] : memref<2x640xi32, #tpu.memory_space<vmem>> -> memref<1x640xi32, #tpu.memory_space<vmem>>
    %dma_start3A_207 = tpu.memref_squeeze %dma_start3A_206 : memref<1x640xi32, #tpu.memory_space<vmem>> -> memref<640xi32, #tpu.memory_space<vmem>>
    %dma_start3A_208 = tpu.memref_slice %arg2[%add3A_199] : memref<3932160xi32, #tpu.memory_space<hbm>> -> memref<640xi32, #tpu.memory_space<hbm>>
    tpu.enqueue_dma source(%dma_start3A_208 : memref<640xi32, #tpu.memory_space<hbm>>) target(%dma_start3A_207 : memref<640xi32, #tpu.memory_space<vmem>>) target_semaphore(%arg14 : memref<!tpu.dma_semaphore, #tpu.memory_space<semaphore_mem>>)
    %dma_start3A_209 = arith.constant 0 : i32
    %dma_start3A_210 = arith.constant 0 : i32
    %dma_start3A_211 = tpu.memref_slice %arg12[%dma_start3A_209, %dma_start3A_210] : memref<2x640xf32, #tpu.memory_space<vmem>> -> memref<1x640xf32, #tpu.memory_space<vmem>>
    %dma_start3A_212 = tpu.memref_squeeze %dma_start3A_211 : memref<1x640xf32, #tpu.memory_space<vmem>> -> memref<640xf32, #tpu.memory_space<vmem>>
    %dma_start3A_213 = tpu.memref_slice %arg5[%add3A_199] : memref<3932160xf32, #tpu.memory_space<hbm>> -> memref<640xf32, #tpu.memory_space<hbm>>
    %dma_start3A_214 = arith.constant 0 : i32
    %dma_start3A_215 = tpu.memref_slice %arg12[%dma_start3A_209, %dma_start3A_214] : memref<2x640xf32, #tpu.memory_space<vmem>> -> memref<1x640xf32, #tpu.memory_space<vmem>>
    %dma_start3A_216 = tpu.memref_squeeze %dma_start3A_215 : memref<1x640xf32, #tpu.memory_space<vmem>> -> memref<640xf32, #tpu.memory_space<vmem>>
    %dma_start3A_217 = tpu.memref_slice %arg5[%add3A_199] : memref<3932160xf32, #tpu.memory_space<hbm>> -> memref<640xf32, #tpu.memory_space<hbm>>
    tpu.enqueue_dma source(%dma_start3A_217 : memref<640xf32, #tpu.memory_space<hbm>>) target(%dma_start3A_216 : memref<640xf32, #tpu.memory_space<vmem>>) target_semaphore(%arg14 : memref<!tpu.dma_semaphore, #tpu.memory_space<semaphore_mem>>)
    %scan3A_218 = arith.constant 0 : i32
    %scan3A_219 = arith.constant 0 : i32
    %scan3A_220 = arith.constant 192 : i32
    %scan3A_221 = arith.addi %scan3A_219, %scan3A_220 : i32
    %scan3A_222 = arith.constant 1 : i32
    scf.for %scan3A_275 = %scan3A_219 to %scan3A_221 step %scan3A_222  : i32 {
      %rem3A = arith.constant 2 : i32
      %rem3A_276 = arith.remsi %scan3A_275, %rem3A : i32
      %dma_wait3A_277 = arith.constant 0 : i32
      %dma_wait3A_278 = tpu.memref_slice %arg11[%rem3A_276, %dma_wait3A_277] : memref<2x640xi32, #tpu.memory_space<vmem>> -> memref<1x640xi32, #tpu.memory_space<vmem>>
      %dma_wait3A_279 = tpu.memref_squeeze %dma_wait3A_278 : memref<1x640xi32, #tpu.memory_space<vmem>> -> memref<640xi32, #tpu.memory_space<vmem>>
      %dma_wait3A_280 = arith.constant 0 : i32
      %dma_wait3A_281 = tpu.memref_slice %arg2[%dma_wait3A_280] : memref<3932160xi32, #tpu.memory_space<hbm>> -> memref<640xi32, #tpu.memory_space<hbm>>
      %dma_wait3A_282 = arith.constant 0 : i32
      %dma_wait3A_283 = tpu.memref_slice %arg11[%rem3A_276, %dma_wait3A_282] : memref<2x640xi32, #tpu.memory_space<vmem>> -> memref<1x640xi32, #tpu.memory_space<vmem>>
      %dma_wait3A_284 = tpu.memref_squeeze %dma_wait3A_283 : memref<1x640xi32, #tpu.memory_space<vmem>> -> memref<640xi32, #tpu.memory_space<vmem>>
      %dma_wait3A_285 = arith.constant 0 : i32
      %dma_wait3A_286 = tpu.memref_slice %arg2[%dma_wait3A_285] : memref<3932160xi32, #tpu.memory_space<hbm>> -> memref<640xi32, #tpu.memory_space<hbm>>
      tpu.wait_dma2 semaphore(%arg14 : memref<!tpu.dma_semaphore, #tpu.memory_space<semaphore_mem>>) src(%dma_wait3A_286 : memref<640xi32, #tpu.memory_space<hbm>>) dst(%dma_wait3A_284 : memref<640xi32, #tpu.memory_space<vmem>>)
      %dma_wait3A_287 = arith.constant 0 : i32
      %dma_wait3A_288 = tpu.memref_slice %arg12[%rem3A_276, %dma_wait3A_287] : memref<2x640xf32, #tpu.memory_space<vmem>> -> memref<1x640xf32, #tpu.memory_space<vmem>>
      %dma_wait3A_289 = tpu.memref_squeeze %dma_wait3A_288 : memref<1x640xf32, #tpu.memory_space<vmem>> -> memref<640xf32, #tpu.memory_space<vmem>>
      %dma_wait3A_290 = arith.constant 0 : i32
      %dma_wait3A_291 = tpu.memref_slice %arg3[%dma_wait3A_290] : memref<3932160xf32, #tpu.memory_space<hbm>> -> memref<640xf32, #tpu.memory_space<hbm>>
      %dma_wait3A_292 = arith.constant 0 : i32
      %dma_wait3A_293 = tpu.memref_slice %arg12[%rem3A_276, %dma_wait3A_292] : memref<2x640xf32, #tpu.memory_space<vmem>> -> memref<1x640xf32, #tpu.memory_space<vmem>>
      %dma_wait3A_294 = tpu.memref_squeeze %dma_wait3A_293 : memref<1x640xf32, #tpu.memory_space<vmem>> -> memref<640xf32, #tpu.memory_space<vmem>>
      %dma_wait3A_295 = arith.constant 0 : i32
      %dma_wait3A_296 = tpu.memref_slice %arg3[%dma_wait3A_295] : memref<3932160xf32, #tpu.memory_space<hbm>> -> memref<640xf32, #tpu.memory_space<hbm>>
      tpu.wait_dma2 semaphore(%arg14 : memref<!tpu.dma_semaphore, #tpu.memory_space<semaphore_mem>>) src(%dma_wait3A_296 : memref<640xf32, #tpu.memory_space<hbm>>) dst(%dma_wait3A_294 : memref<640xf32, #tpu.memory_space<vmem>>)
      %mul3A_297 = arith.constant 4 : i32
      %mul3A_298 = arith.muli %rem3A_276, %mul3A_297 : i32
      %mul3A_299 = arith.constant 5 : i32
      %mul3A_300 = arith.muli %mul3A_298, %mul3A_299 : i32
      %scan3A_301 = arith.constant 0 : i32
      %scan3A_302 = arith.constant 0 : i32
      %scan3A_303 = arith.constant 40 : i32
      %scan3A_304 = arith.addi %scan3A_302, %scan3A_303 : i32
      %scan3A_305 = arith.constant 1 : i32
      scf.for %scan3A_321 = %scan3A_302 to %scan3A_304 step %scan3A_305  : i32 {
        %mul3A_322 = arith.constant 16 : i32
        %mul3A_323 = arith.muli %scan3A_321, %mul3A_322 : i32
        %get3A = arith.constant 0 : i32
        %get3A_324 = tpu.memref_slice %arg11[%rem3A_276, %get3A] : memref<2x640xi32, #tpu.memory_space<vmem>> -> memref<1x640xi32, #tpu.memory_space<vmem>>
        %get3A_325 = tpu.memref_squeeze %get3A_324 : memref<1x640xi32, #tpu.memory_space<vmem>> -> memref<640xi32, #tpu.memory_space<vmem>>
        %get3A_326 = arith.index_cast %mul3A_323 : i32 to index
        %get3A_327 = tpu.vector_load %get3A_325[%get3A_326] {strides = array<i32>} : memref<640xi32, #tpu.memory_space<vmem>>, vector<16xi32>,
        %get3A_328 = vector.shape_cast %get3A_327 : vector<16xi32> to vector<16xi32>
        %shift_right_logical3A = arith.constant 2 : i32
        %shift_right_logical3A_329 = vector.broadcast %shift_right_logical3A : i32 to vector<16xi32>
        %shift_right_logical3A_330 = arith.shrui %get3A_328, %shift_right_logical3A_329 : vector<16xi32>
        %and3A = arith.constant 1 : i32
        %and3A_331 = vector.broadcast %and3A : i32 to vector<16xi32>
        %and3A_332 = arith.andi %get3A_328, %and3A_331 : vector<16xi32>
        %and3A_333 = arith.constant 2 : i32
        %and3A_334 = vector.broadcast %and3A_333 : i32 to vector<16xi32>
        %and3A_335 = arith.andi %get3A_328, %and3A_334 : vector<16xi32>
        %mul3A_336 = arith.constant 960 : i32
        %mul3A_337 = vector.broadcast %mul3A_336 : i32 to vector<16xi32>
        %mul3A_338 = arith.muli %and3A_335, %mul3A_337 : vector<16xi32>
        %add3A_339 = arith.addi %shift_right_logical3A_330, %mul3A_338 : vector<16xi32>
        %jit3A = arith.constant 8 : i32
        %div3A = arith.divsi %scan3A_321, %jit3A : i32
        %sign3A = arith.constant 0 : i32
        %sign3A_340 = arith.cmpi sgt, %scan3A_321, %sign3A : i32
        %sign3A_341 = arith.extui %sign3A_340 : i1 to i32
        %sign3A_342 = arith.constant 0 : i32
        %sign3A_343 = arith.cmpi slt, %scan3A_321, %sign3A_342 : i32
        %sign3A_344 = arith.extui %sign3A_343 : i1 to i32
        %sign3A_345 = arith.subi %sign3A_341, %sign3A_344 : i32
        %sign3A_346 = arith.constant 0 : i32
        %sign3A_347 = arith.cmpi sgt, %jit3A, %sign3A_346 : i32
        %sign3A_348 = arith.extui %sign3A_347 : i1 to i32
        %sign3A_349 = arith.constant 0 : i32
        %sign3A_350 = arith.cmpi slt, %jit3A, %sign3A_349 : i32
        %sign3A_351 = arith.extui %sign3A_350 : i1 to i32
        %sign3A_352 = arith.subi %sign3A_348, %sign3A_351 : i32
        %ne3A = arith.cmpi ne, %sign3A_345, %sign3A_352 : i32
        %rem3A_353 = arith.remsi %scan3A_321, %jit3A : i32
        %ne3A_354 = arith.constant 0 : i32
        %ne3A_355 = arith.cmpi ne, %rem3A_353, %ne3A_354 : i32
        %and3A_356 = arith.andi %ne3A, %ne3A_355 : i1
        %sub3A = arith.constant 1 : i32
        %sub3A_357 = arith.subi %div3A, %sub3A : i32
        %select_n3A = arith.select %and3A_356, %sub3A_357, %div3A : i32
        %add3A_358 = arith.addi %mul3A_300, %select_n3A : i32
        %jit3A_359 = arith.constant 8 : i32
        %eq3A = arith.constant 0 : i32
        %eq3A_360 = arith.cmpi eq, %jit3A_359, %eq3A : i32
        %jit3A_361 = arith.constant 1 : i32
        %select_n3A_362 = arith.select %eq3A_360, %jit3A_361, %jit3A_359 : i32
        %rem3A_363 = arith.remsi %scan3A_321, %select_n3A_362 : i32
        %ne3A_364 = arith.constant 0 : i32
        %ne3A_365 = arith.cmpi ne, %rem3A_363, %ne3A_364 : i32
        %lt3A_366 = arith.constant 0 : i32
        %lt3A_367 = arith.cmpi slt, %rem3A_363, %lt3A_366 : i32
        %lt3A_368 = arith.constant 0 : i32
        %lt3A_369 = arith.cmpi slt, %select_n3A_362, %lt3A_368 : i32
        %ne3A_370 = arith.xori %lt3A_367, %lt3A_369 : i1
        %and3A_371 = arith.andi %ne3A_370, %ne3A_365 : i1
        %add3A_372 = arith.addi %rem3A_363, %select_n3A_362 : i32
        %select_n3A_373 = arith.select %and3A_371, %add3A_372, %rem3A_363 : i32
        %mul3A_374 = arith.constant 16 : i32
        %mul3A_375 = arith.muli %select_n3A_373, %mul3A_374 : i32
        %swap3A = arith.index_cast %add3A_358 : i32 to index
        %swap3A_376 = arith.index_cast %mul3A_375 : i32 to index
        %swap3A_377 = tpu.vector_load %arg13[%swap3A, %swap3A_376] {strides = array<i32>} : memref<40x128xi32, #tpu.memory_space<vmem>>, vector<1x16xi32>,
        %swap3A_378 = vector.shape_cast %swap3A_377 : vector<1x16xi32> to vector<16xi32>
        %swap3A_379 = vector.shape_cast %shift_right_logical3A_330 : vector<16xi32> to vector<1x16xi32>
        tpu.vector_store %arg13[%swap3A, %swap3A_376], %swap3A_379 {strides = array<i32>} : memref<40x128xi32, #tpu.memory_space<vmem>>, vector<1x16xi32>,
        %add3A_380 = arith.addi %shift_right_logical3A_330, %and3A_332 : vector<16xi32>
        %add3A_381 = arith.constant 5 : i32
        %add3A_382 = arith.addi %add3A_381, %add3A_358 : i32
        %swap3A_383 = arith.index_cast %add3A_382 : i32 to index
        %swap3A_384 = arith.index_cast %mul3A_375 : i32 to index
        %swap3A_385 = tpu.vector_load %arg13[%swap3A_383, %swap3A_384] {strides = array<i32>} : memref<40x128xi32, #tpu.memory_space<vmem>>, vector<1x16xi32>,
        %swap3A_386 = vector.shape_cast %swap3A_385 : vector<1x16xi32> to vector<16xi32>
        %swap3A_387 = vector.shape_cast %add3A_380 : vector<16xi32> to vector<1x16xi32>
        tpu.vector_store %arg13[%swap3A_383, %swap3A_384], %swap3A_387 {strides = array<i32>} : memref<40x128xi32, #tpu.memory_space<vmem>>, vector<1x16xi32>,
        %add3A_388 = arith.constant 10 : i32
        %add3A_389 = arith.addi %add3A_388, %add3A_358 : i32
        %swap3A_390 = arith.index_cast %add3A_389 : i32 to index
        %swap3A_391 = arith.index_cast %mul3A_375 : i32 to index
        %swap3A_392 = tpu.vector_load %arg13[%swap3A_390, %swap3A_391] {strides = array<i32>} : memref<40x128xi32, #tpu.memory_space<vmem>>, vector<1x16xi32>,
        %swap3A_393 = vector.shape_cast %swap3A_392 : vector<1x16xi32> to vector<16xi32>
        %swap3A_394 = vector.shape_cast %add3A_339 : vector<16xi32> to vector<1x16xi32>
        tpu.vector_store %arg13[%swap3A_390, %swap3A_391], %swap3A_394 {strides = array<i32>} : memref<40x128xi32, #tpu.memory_space<vmem>>, vector<1x16xi32>,
        %add3A_395 = arith.addi %add3A_339, %and3A_332 : vector<16xi32>
        %add3A_396 = arith.constant 15 : i32
        %add3A_397 = arith.addi %add3A_396, %add3A_358 : i32
        %swap3A_398 = arith.index_cast %add3A_397 : i32 to index
        %swap3A_399 = arith.index_cast %mul3A_375 : i32 to index
        %swap3A_400 = tpu.vector_load %arg13[%swap3A_398, %swap3A_399] {strides = array<i32>} : memref<40x128xi32, #tpu.memory_space<vmem>>, vector<1x16xi32>,
        %swap3A_401 = vector.shape_cast %swap3A_400 : vector<1x16xi32> to vector<16xi32>
        %swap3A_402 = vector.shape_cast %add3A_395 : vector<16xi32> to vector<1x16xi32>
        tpu.vector_store %arg13[%swap3A_398, %swap3A_399], %swap3A_402 {strides = array<i32>} : memref<40x128xi32, #tpu.memory_space<vmem>>, vector<1x16xi32>,
      }
      %scan3A_306 = arith.constant 40 : i32
      %ge3A = arith.constant 1 : i32
      %ge3A_307 = arith.cmpi sge, %scan3A_275, %ge3A : i32
      %convert_element_type3A = arith.extui %ge3A_307 : i1 to i32
      %cond3A = arith.constant 0 : i32
      %cond3A_308 = arith.cmpi ne, %convert_element_type3A, %cond3A : i32
      scf.if %cond3A_308 {
        %dma_wait3A_321 = arith.constant 0 : i32
        %dma_wait3A_322 = arith.constant 0 : i32
        %dma_wait3A_323 = tpu.memref_slice %arg12[%dma_wait3A_321, %dma_wait3A_322] : memref<2x640xf32, #tpu.memory_space<vmem>> -> memref<1x640xf32, #tpu.memory_space<vmem>>
        %dma_wait3A_324 = tpu.memref_squeeze %dma_wait3A_323 : memref<1x640xf32, #tpu.memory_space<vmem>> -> memref<640xf32, #tpu.memory_space<vmem>>
        %dma_wait3A_325 = arith.constant 0 : i32
        %dma_wait3A_326 = tpu.memref_slice %arg6[%dma_wait3A_325] : memref<15360xf32, #tpu.memory_space<hbm>> -> memref<640xf32, #tpu.memory_space<hbm>>
        %dma_wait3A_327 = arith.constant 0 : i32
        %dma_wait3A_328 = tpu.memref_slice %arg12[%dma_wait3A_321, %dma_wait3A_327] : memref<2x640xf32, #tpu.memory_space<vmem>> -> memref<1x640xf32, #tpu.memory_space<vmem>>
        %dma_wait3A_329 = tpu.memref_squeeze %dma_wait3A_328 : memref<1x640xf32, #tpu.memory_space<vmem>> -> memref<640xf32, #tpu.memory_space<vmem>>
        %dma_wait3A_330 = arith.constant 0 : i32
        %dma_wait3A_331 = tpu.memref_slice %arg6[%dma_wait3A_330] : memref<15360xf32, #tpu.memory_space<hbm>> -> memref<640xf32, #tpu.memory_space<hbm>>
        tpu.wait_dma2 semaphore(%arg15 : memref<!tpu.dma_semaphore, #tpu.memory_space<semaphore_mem>>) src(%dma_wait3A_331 : memref<640xf32, #tpu.memory_space<hbm>>) dst(%dma_wait3A_329 : memref<640xf32, #tpu.memory_space<vmem>>)
        %dma_wait3A_332 = arith.constant 0 : i32
        %dma_wait3A_333 = arith.constant 0 : i32
        %dma_wait3A_334 = tpu.memref_slice %arg12[%dma_wait3A_332, %dma_wait3A_333] : memref<2x640xf32, #tpu.memory_space<vmem>> -> memref<1x640xf32, #tpu.memory_space<vmem>>
        %dma_wait3A_335 = tpu.memref_squeeze %dma_wait3A_334 : memref<1x640xf32, #tpu.memory_space<vmem>> -> memref<640xf32, #tpu.memory_space<vmem>>
        %dma_wait3A_336 = arith.constant 0 : i32
        %dma_wait3A_337 = tpu.memref_slice %arg6[%dma_wait3A_336] : memref<15360xf32, #tpu.memory_space<hbm>> -> memref<640xf32, #tpu.memory_space<hbm>>
        %dma_wait3A_338 = arith.constant 0 : i32
        %dma_wait3A_339 = tpu.memref_slice %arg12[%dma_wait3A_332, %dma_wait3A_338] : memref<2x640xf32, #tpu.memory_space<vmem>> -> memref<1x640xf32, #tpu.memory_space<vmem>>
        %dma_wait3A_340 = tpu.memref_squeeze %dma_wait3A_339 : memref<1x640xf32, #tpu.memory_space<vmem>> -> memref<640xf32, #tpu.memory_space<vmem>>
        %dma_wait3A_341 = arith.constant 0 : i32
        %dma_wait3A_342 = tpu.memref_slice %arg6[%dma_wait3A_341] : memref<15360xf32, #tpu.memory_space<hbm>> -> memref<640xf32, #tpu.memory_space<hbm>>
        tpu.wait_dma2 semaphore(%arg15 : memref<!tpu.dma_semaphore, #tpu.memory_space<semaphore_mem>>) src(%dma_wait3A_342 : memref<640xf32, #tpu.memory_space<hbm>>) dst(%dma_wait3A_340 : memref<640xf32, #tpu.memory_space<vmem>>)
        %dma_wait3A_343 = arith.constant 0 : i32
        %dma_wait3A_344 = arith.constant 0 : i32
        %dma_wait3A_345 = tpu.memref_slice %arg12[%dma_wait3A_343, %dma_wait3A_344] : memref<2x640xf32, #tpu.memory_space<vmem>> -> memref<1x640xf32, #tpu.memory_space<vmem>>
        %dma_wait3A_346 = tpu.memref_squeeze %dma_wait3A_345 : memref<1x640xf32, #tpu.memory_space<vmem>> -> memref<640xf32, #tpu.memory_space<vmem>>
        %dma_wait3A_347 = arith.constant 0 : i32
        %dma_wait3A_348 = tpu.memref_slice %arg6[%dma_wait3A_347] : memref<15360xf32, #tpu.memory_space<hbm>> -> memref<640xf32, #tpu.memory_space<hbm>>
        %dma_wait3A_349 = arith.constant 0 : i32
        %dma_wait3A_350 = tpu.memref_slice %arg12[%dma_wait3A_343, %dma_wait3A_349] : memref<2x640xf32, #tpu.memory_space<vmem>> -> memref<1x640xf32, #tpu.memory_space<vmem>>
        %dma_wait3A_351 = tpu.memref_squeeze %dma_wait3A_350 : memref<1x640xf32, #tpu.memory_space<vmem>> -> memref<640xf32, #tpu.memory_space<vmem>>
        %dma_wait3A_352 = arith.constant 0 : i32
        %dma_wait3A_353 = tpu.memref_slice %arg6[%dma_wait3A_352] : memref<15360xf32, #tpu.memory_space<hbm>> -> memref<640xf32, #tpu.memory_space<hbm>>
        tpu.wait_dma2 semaphore(%arg15 : memref<!tpu.dma_semaphore, #tpu.memory_space<semaphore_mem>>) src(%dma_wait3A_353 : memref<640xf32, #tpu.memory_space<hbm>>) dst(%dma_wait3A_351 : memref<640xf32, #tpu.memory_space<vmem>>)
        %dma_wait3A_354 = arith.constant 0 : i32
        %dma_wait3A_355 = arith.constant 0 : i32
        %dma_wait3A_356 = tpu.memref_slice %arg12[%dma_wait3A_354, %dma_wait3A_355] : memref<2x640xf32, #tpu.memory_space<vmem>> -> memref<1x640xf32, #tpu.memory_space<vmem>>
        %dma_wait3A_357 = tpu.memref_squeeze %dma_wait3A_356 : memref<1x640xf32, #tpu.memory_space<vmem>> -> memref<640xf32, #tpu.memory_space<vmem>>
        %dma_wait3A_358 = arith.constant 0 : i32
        %dma_wait3A_359 = tpu.memref_slice %arg6[%dma_wait3A_358] : memref<15360xf32, #tpu.memory_space<hbm>> -> memref<640xf32, #tpu.memory_space<hbm>>
        %dma_wait3A_360 = arith.constant 0 : i32
        %dma_wait3A_361 = tpu.memref_slice %arg12[%dma_wait3A_354, %dma_wait3A_360] : memref<2x640xf32, #tpu.memory_space<vmem>> -> memref<1x640xf32, #tpu.memory_space<vmem>>
        %dma_wait3A_362 = tpu.memref_squeeze %dma_wait3A_361 : memref<1x640xf32, #tpu.memory_space<vmem>> -> memref<640xf32, #tpu.memory_space<vmem>>
        %dma_wait3A_363 = arith.constant 0 : i32
        %dma_wait3A_364 = tpu.memref_slice %arg6[%dma_wait3A_363] : memref<15360xf32, #tpu.memory_space<hbm>> -> memref<640xf32, #tpu.memory_space<hbm>>
        tpu.wait_dma2 semaphore(%arg15 : memref<!tpu.dma_semaphore, #tpu.memory_space<semaphore_mem>>) src(%dma_wait3A_364 : memref<640xf32, #tpu.memory_space<hbm>>) dst(%dma_wait3A_362 : memref<640xf32, #tpu.memory_space<vmem>>)
      } else {
      }
      %add3A_309 = arith.constant 1 : i32
      %add3A_310 = arith.addi %scan3A_275, %add3A_309 : i32
      %lt3A = arith.constant 192 : i32
      %lt3A_311 = arith.cmpi slt, %add3A_310, %lt3A : i32
      %convert_element_type3A_312 = arith.extui %lt3A_311 : i1 to i32
      %cond3A_313 = arith.constant 0 : i32
      %cond3A_314 = arith.cmpi ne, %convert_element_type3A_312, %cond3A_313 : i32
      scf.if %cond3A_314 {
        %add3A_321 = arith.constant 1 : i32
        %add3A_322 = arith.addi %scan3A_275, %add3A_321 : i32
        %sub3A = arith.constant 1 : i32
        %sub3A_323 = arith.subi %sub3A, %rem3A_276 : i32
        %mul3A_324 = arith.constant 1966080 : i32
        %mul3A_325 = arith.muli %arg0, %mul3A_324 : i32
        %mul3A_326 = arith.constant 64 : i32
        %mul3A_327 = arith.muli %arg1, %mul3A_326 : i32
        %jit3A = arith.constant 3 : i32
        %div3A = arith.divsi %add3A_322, %jit3A : i32
        %sign3A = arith.constant 0 : i32
        %sign3A_328 = arith.cmpi sgt, %add3A_322, %sign3A : i32
        %sign3A_329 = arith.extui %sign3A_328 : i1 to i32
        %sign3A_330 = arith.constant 0 : i32
        %sign3A_331 = arith.cmpi slt, %add3A_322, %sign3A_330 : i32
        %sign3A_332 = arith.extui %sign3A_331 : i1 to i32
        %sign3A_333 = arith.subi %sign3A_329, %sign3A_332 : i32
        %sign3A_334 = arith.constant 0 : i32
        %sign3A_335 = arith.cmpi sgt, %jit3A, %sign3A_334 : i32
        %sign3A_336 = arith.extui %sign3A_335 : i1 to i32
        %sign3A_337 = arith.constant 0 : i32
        %sign3A_338 = arith.cmpi slt, %jit3A, %sign3A_337 : i32
        %sign3A_339 = arith.extui %sign3A_338 : i1 to i32
        %sign3A_340 = arith.subi %sign3A_336, %sign3A_339 : i32
        %ne3A = arith.cmpi ne, %sign3A_333, %sign3A_340 : i32
        %rem3A_341 = arith.remsi %add3A_322, %jit3A : i32
        %ne3A_342 = arith.constant 0 : i32
        %ne3A_343 = arith.cmpi ne, %rem3A_341, %ne3A_342 : i32
        %and3A = arith.andi %ne3A, %ne3A_343 : i1
        %sub3A_344 = arith.constant 1 : i32
        %sub3A_345 = arith.subi %div3A, %sub3A_344 : i32
        %select_n3A = arith.select %and3A, %sub3A_345, %div3A : i32
        %add3A_346 = arith.addi %mul3A_327, %select_n3A : i32
        %mul3A_347 = arith.constant 1920 : i32
        %mul3A_348 = arith.muli %add3A_346, %mul3A_347 : i32
        %add3A_349 = arith.addi %mul3A_325, %mul3A_348 : i32
        %jit3A_350 = arith.constant 3 : i32
        %eq3A = arith.constant 0 : i32
        %eq3A_351 = arith.cmpi eq, %jit3A_350, %eq3A : i32
        %jit3A_352 = arith.constant 1 : i32
        %select_n3A_353 = arith.select %eq3A_351, %jit3A_352, %jit3A_350 : i32
        %rem3A_354 = arith.remsi %add3A_322, %select_n3A_353 : i32
        %ne3A_355 = arith.constant 0 : i32
        %ne3A_356 = arith.cmpi ne, %rem3A_354, %ne3A_355 : i32
        %lt3A_357 = arith.constant 0 : i32
        %lt3A_358 = arith.cmpi slt, %rem3A_354, %lt3A_357 : i32
        %lt3A_359 = arith.constant 0 : i32
        %lt3A_360 = arith.cmpi slt, %select_n3A_353, %lt3A_359 : i32
        %ne3A_361 = arith.xori %lt3A_358, %lt3A_360 : i1
        %and3A_362 = arith.andi %ne3A_361, %ne3A_356 : i1
        %add3A_363 = arith.addi %rem3A_354, %select_n3A_353 : i32
        %select_n3A_364 = arith.select %and3A_362, %add3A_363, %rem3A_354 : i32
        %mul3A_365 = arith.constant 640 : i32
        %mul3A_366 = arith.muli %select_n3A_364, %mul3A_365 : i32
        %add3A_367 = arith.addi %add3A_349, %mul3A_366 : i32
        %dma_start3A_368 = arith.constant 0 : i32
        %dma_start3A_369 = tpu.memref_slice %arg11[%sub3A_323, %dma_start3A_368] : memref<2x640xi32, #tpu.memory_space<vmem>> -> memref<1x640xi32, #tpu.memory_space<vmem>>
        %dma_start3A_370 = tpu.memref_squeeze %dma_start3A_369 : memref<1x640xi32, #tpu.memory_space<vmem>> -> memref<640xi32, #tpu.memory_space<vmem>>
        %dma_start3A_371 = tpu.memref_slice %arg2[%add3A_367] : memref<3932160xi32, #tpu.memory_space<hbm>> -> memref<640xi32, #tpu.memory_space<hbm>>
        %dma_start3A_372 = arith.constant 0 : i32
        %dma_start3A_373 = tpu.memref_slice %arg11[%sub3A_323, %dma_start3A_372] : memref<2x640xi32, #tpu.memory_space<vmem>> -> memref<1x640xi32, #tpu.memory_space<vmem>>
        %dma_start3A_374 = tpu.memref_squeeze %dma_start3A_373 : memref<1x640xi32, #tpu.memory_space<vmem>> -> memref<640xi32, #tpu.memory_space<vmem>>
        %dma_start3A_375 = tpu.memref_slice %arg2[%add3A_367] : memref<3932160xi32, #tpu.memory_space<hbm>> -> memref<640xi32, #tpu.memory_space<hbm>>
        tpu.enqueue_dma source(%dma_start3A_375 : memref<640xi32, #tpu.memory_space<hbm>>) target(%dma_start3A_374 : memref<640xi32, #tpu.memory_space<vmem>>) target_semaphore(%arg14 : memref<!tpu.dma_semaphore, #tpu.memory_space<semaphore_mem>>)
        %dma_start3A_376 = arith.constant 0 : i32
        %dma_start3A_377 = tpu.memref_slice %arg12[%sub3A_323, %dma_start3A_376] : memref<2x640xf32, #tpu.memory_space<vmem>> -> memref<1x640xf32, #tpu.memory_space<vmem>>
        %dma_start3A_378 = tpu.memref_squeeze %dma_start3A_377 : memref<1x640xf32, #tpu.memory_space<vmem>> -> memref<640xf32, #tpu.memory_space<vmem>>
        %dma_start3A_379 = tpu.memref_slice %arg5[%add3A_367] : memref<3932160xf32, #tpu.memory_space<hbm>> -> memref<640xf32, #tpu.memory_space<hbm>>
        %dma_start3A_380 = arith.constant 0 : i32
        %dma_start3A_381 = tpu.memref_slice %arg12[%sub3A_323, %dma_start3A_380] : memref<2x640xf32, #tpu.memory_space<vmem>> -> memref<1x640xf32, #tpu.memory_space<vmem>>
        %dma_start3A_382 = tpu.memref_squeeze %dma_start3A_381 : memref<1x640xf32, #tpu.memory_space<vmem>> -> memref<640xf32, #tpu.memory_space<vmem>>
        %dma_start3A_383 = tpu.memref_slice %arg5[%add3A_367] : memref<3932160xf32, #tpu.memory_space<hbm>> -> memref<640xf32, #tpu.memory_space<hbm>>
        tpu.enqueue_dma source(%dma_start3A_383 : memref<640xf32, #tpu.memory_space<hbm>>) target(%dma_start3A_382 : memref<640xf32, #tpu.memory_space<vmem>>) target_semaphore(%arg14 : memref<!tpu.dma_semaphore, #tpu.memory_space<semaphore_mem>>)
      } else {
      }
      %scan3A_315 = arith.constant 0 : i32
      %scan3A_316 = arith.constant 0 : i32
      %scan3A_317 = arith.constant 5 : i32
      %scan3A_318 = arith.addi %scan3A_316, %scan3A_317 : i32
      %scan3A_319 = arith.constant 1 : i32
      scf.for %scan3A_321 = %scan3A_316 to %scan3A_318 step %scan3A_319  : i32 {
        %mul3A_322 = arith.constant 128 : i32
        %mul3A_323 = arith.muli %scan3A_321, %mul3A_322 : i32
        %add3A_324 = arith.addi %mul3A_300, %scan3A_321 : i32
        %dma_start3A_325 = arith.constant 0 : i32
        %dma_start3A_326 = tpu.memref_slice %arg12[%rem3A_276, %dma_start3A_325] : memref<2x640xf32, #tpu.memory_space<vmem>> -> memref<1x640xf32, #tpu.memory_space<vmem>>
        %dma_start3A_327 = tpu.memref_squeeze %dma_start3A_326 : memref<1x640xf32, #tpu.memory_space<vmem>> -> memref<640xf32, #tpu.memory_space<vmem>>
        %dma_start3A_328 = tpu.memref_slice %dma_start3A_327[%mul3A_323] : memref<640xf32, #tpu.memory_space<vmem>> -> memref<128xf32, #tpu.memory_space<vmem>>
        %dma_start3A_329 = arith.constant 0 : i32
        %dma_start3A_330 = tpu.memref_slice %arg13[%add3A_324, %dma_start3A_329] : memref<40x128xi32, #tpu.memory_space<vmem>> -> memref<1x128xi32, #tpu.memory_space<vmem>>
        %dma_start3A_331 = tpu.memref_squeeze %dma_start3A_330 : memref<1x128xi32, #tpu.memory_space<vmem>> -> memref<128xi32, #tpu.memory_space<vmem>>
        %dma_start3A_332 = arith.constant 0 : i32
        %dma_start3A_333 = tpu.memref_slice %arg10[%dma_start3A_332] : memref<1966080xf32, #tpu.memory_space<vmem_shared>> -> memref<1966080xf32, #tpu.memory_space<vmem_shared>>
        tpu.enqueue_indirect_dma source(%dma_start3A_328 : memref<128xf32, #tpu.memory_space<vmem>>) target(%dma_start3A_333 : memref<1966080xf32, #tpu.memory_space<vmem_shared>>) offsets(%dma_start3A_331 : memref<128xi32, #tpu.memory_space<vmem>>) semaphore(%arg15 : memref<!tpu.dma_semaphore, #tpu.memory_space<semaphore_mem>>) {add = true}
        %add3A_334 = arith.constant 5 : i32
        %add3A_335 = arith.addi %add3A_334, %add3A_324 : i32
        %dma_start3A_336 = arith.constant 0 : i32
        %dma_start3A_337 = tpu.memref_slice %arg12[%rem3A_276, %dma_start3A_336] : memref<2x640xf32, #tpu.memory_space<vmem>> -> memref<1x640xf32, #tpu.memory_space<vmem>>
        %dma_start3A_338 = tpu.memref_squeeze %dma_start3A_337 : memref<1x640xf32, #tpu.memory_space<vmem>> -> memref<640xf32, #tpu.memory_space<vmem>>
        %dma_start3A_339 = tpu.memref_slice %dma_start3A_338[%mul3A_323] : memref<640xf32, #tpu.memory_space<vmem>> -> memref<128xf32, #tpu.memory_space<vmem>>
        %dma_start3A_340 = arith.constant 0 : i32
        %dma_start3A_341 = tpu.memref_slice %arg13[%add3A_335, %dma_start3A_340] : memref<40x128xi32, #tpu.memory_space<vmem>> -> memref<1x128xi32, #tpu.memory_space<vmem>>
        %dma_start3A_342 = tpu.memref_squeeze %dma_start3A_341 : memref<1x128xi32, #tpu.memory_space<vmem>> -> memref<128xi32, #tpu.memory_space<vmem>>
        %dma_start3A_343 = arith.constant 0 : i32
        %dma_start3A_344 = tpu.memref_slice %arg10[%dma_start3A_343] : memref<1966080xf32, #tpu.memory_space<vmem_shared>> -> memref<1966080xf32, #tpu.memory_space<vmem_shared>>
        tpu.enqueue_indirect_dma source(%dma_start3A_339 : memref<128xf32, #tpu.memory_space<vmem>>) target(%dma_start3A_344 : memref<1966080xf32, #tpu.memory_space<vmem_shared>>) offsets(%dma_start3A_342 : memref<128xi32, #tpu.memory_space<vmem>>) semaphore(%arg15 : memref<!tpu.dma_semaphore, #tpu.memory_space<semaphore_mem>>) {add = true}
        %add3A_345 = arith.constant 10 : i32
        %add3A_346 = arith.addi %add3A_345, %add3A_324 : i32
        %dma_start3A_347 = arith.constant 0 : i32
        %dma_start3A_348 = tpu.memref_slice %arg12[%rem3A_276, %dma_start3A_347] : memref<2x640xf32, #tpu.memory_space<vmem>> -> memref<1x640xf32, #tpu.memory_space<vmem>>
        %dma_start3A_349 = tpu.memref_squeeze %dma_start3A_348 : memref<1x640xf32, #tpu.memory_space<vmem>> -> memref<640xf32, #tpu.memory_space<vmem>>
        %dma_start3A_350 = tpu.memref_slice %dma_start3A_349[%mul3A_323] : memref<640xf32, #tpu.memory_space<vmem>> -> memref<128xf32, #tpu.memory_space<vmem>>
        %dma_start3A_351 = arith.constant 0 : i32
        %dma_start3A_352 = tpu.memref_slice %arg13[%add3A_346, %dma_start3A_351] : memref<40x128xi32, #tpu.memory_space<vmem>> -> memref<1x128xi32, #tpu.memory_space<vmem>>
        %dma_start3A_353 = tpu.memref_squeeze %dma_start3A_352 : memref<1x128xi32, #tpu.memory_space<vmem>> -> memref<128xi32, #tpu.memory_space<vmem>>
        %dma_start3A_354 = arith.constant 0 : i32
        %dma_start3A_355 = tpu.memref_slice %arg10[%dma_start3A_354] : memref<1966080xf32, #tpu.memory_space<vmem_shared>> -> memref<1966080xf32, #tpu.memory_space<vmem_shared>>
        tpu.enqueue_indirect_dma source(%dma_start3A_350 : memref<128xf32, #tpu.memory_space<vmem>>) target(%dma_start3A_355 : memref<1966080xf32, #tpu.memory_space<vmem_shared>>) offsets(%dma_start3A_353 : memref<128xi32, #tpu.memory_space<vmem>>) semaphore(%arg15 : memref<!tpu.dma_semaphore, #tpu.memory_space<semaphore_mem>>) {add = true}
        %add3A_356 = arith.constant 15 : i32
        %add3A_357 = arith.addi %add3A_356, %add3A_324 : i32
        %dma_start3A_358 = arith.constant 0 : i32
        %dma_start3A_359 = tpu.memref_slice %arg12[%rem3A_276, %dma_start3A_358] : memref<2x640xf32, #tpu.memory_space<vmem>> -> memref<1x640xf32, #tpu.memory_space<vmem>>
        %dma_start3A_360 = tpu.memref_squeeze %dma_start3A_359 : memref<1x640xf32, #tpu.memory_space<vmem>> -> memref<640xf32, #tpu.memory_space<vmem>>
        %dma_start3A_361 = tpu.memref_slice %dma_start3A_360[%mul3A_323] : memref<640xf32, #tpu.memory_space<vmem>> -> memref<128xf32, #tpu.memory_space<vmem>>
        %dma_start3A_362 = arith.constant 0 : i32
        %dma_start3A_363 = tpu.memref_slice %arg13[%add3A_357, %dma_start3A_362] : memref<40x128xi32, #tpu.memory_space<vmem>> -> memref<1x128xi32, #tpu.memory_space<vmem>>
        %dma_start3A_364 = tpu.memref_squeeze %dma_start3A_363 : memref<1x128xi32, #tpu.memory_space<vmem>> -> memref<128xi32, #tpu.memory_space<vmem>>
        %dma_start3A_365 = arith.constant 0 : i32
        %dma_start3A_366 = tpu.memref_slice %arg10[%dma_start3A_365] : memref<1966080xf32, #tpu.memory_space<vmem_shared>> -> memref<1966080xf32, #tpu.memory_space<vmem_shared>>
        tpu.enqueue_indirect_dma source(%dma_start3A_361 : memref<128xf32, #tpu.memory_space<vmem>>) target(%dma_start3A_366 : memref<1966080xf32, #tpu.memory_space<vmem_shared>>) offsets(%dma_start3A_364 : memref<128xi32, #tpu.memory_space<vmem>>) semaphore(%arg15 : memref<!tpu.dma_semaphore, #tpu.memory_space<semaphore_mem>>) {add = true}
      }
      %scan3A_320 = arith.constant 5 : i32
    }
    %scan3A_223 = arith.constant 192 : i32
    %dma_wait3A_224 = arith.constant 0 : i32
    %dma_wait3A_225 = arith.constant 0 : i32
    %dma_wait3A_226 = tpu.memref_slice %arg12[%dma_wait3A_224, %dma_wait3A_225] : memref<2x640xf32, #tpu.memory_space<vmem>> -> memref<1x640xf32, #tpu.memory_space<vmem>>
    %dma_wait3A_227 = tpu.memref_squeeze %dma_wait3A_226 : memref<1x640xf32, #tpu.memory_space<vmem>> -> memref<640xf32, #tpu.memory_space<vmem>>
    %dma_wait3A_228 = arith.constant 0 : i32
    %dma_wait3A_229 = tpu.memref_slice %arg6[%dma_wait3A_228] : memref<15360xf32, #tpu.memory_space<hbm>> -> memref<640xf32, #tpu.memory_space<hbm>>
    %dma_wait3A_230 = arith.constant 0 : i32
    %dma_wait3A_231 = tpu.memref_slice %arg12[%dma_wait3A_224, %dma_wait3A_230] : memref<2x640xf32, #tpu.memory_space<vmem>> -> memref<1x640xf32, #tpu.memory_space<vmem>>
    %dma_wait3A_232 = tpu.memref_squeeze %dma_wait3A_231 : memref<1x640xf32, #tpu.memory_space<vmem>> -> memref<640xf32, #tpu.memory_space<vmem>>
    %dma_wait3A_233 = arith.constant 0 : i32
    %dma_wait3A_234 = tpu.memref_slice %arg6[%dma_wait3A_233] : memref<15360xf32, #tpu.memory_space<hbm>> -> memref<640xf32, #tpu.memory_space<hbm>>
    tpu.wait_dma2 semaphore(%arg15 : memref<!tpu.dma_semaphore, #tpu.memory_space<semaphore_mem>>) src(%dma_wait3A_234 : memref<640xf32, #tpu.memory_space<hbm>>) dst(%dma_wait3A_232 : memref<640xf32, #tpu.memory_space<vmem>>)
    %dma_wait3A_235 = arith.constant 0 : i32
    %dma_wait3A_236 = arith.constant 0 : i32
    %dma_wait3A_237 = tpu.memref_slice %arg12[%dma_wait3A_235, %dma_wait3A_236] : memref<2x640xf32, #tpu.memory_space<vmem>> -> memref<1x640xf32, #tpu.memory_space<vmem>>
    %dma_wait3A_238 = tpu.memref_squeeze %dma_wait3A_237 : memref<1x640xf32, #tpu.memory_space<vmem>> -> memref<640xf32, #tpu.memory_space<vmem>>
    %dma_wait3A_239 = arith.constant 0 : i32
    %dma_wait3A_240 = tpu.memref_slice %arg6[%dma_wait3A_239] : memref<15360xf32, #tpu.memory_space<hbm>> -> memref<640xf32, #tpu.memory_space<hbm>>
    %dma_wait3A_241 = arith.constant 0 : i32
    %dma_wait3A_242 = tpu.memref_slice %arg12[%dma_wait3A_235, %dma_wait3A_241] : memref<2x640xf32, #tpu.memory_space<vmem>> -> memref<1x640xf32, #tpu.memory_space<vmem>>
    %dma_wait3A_243 = tpu.memref_squeeze %dma_wait3A_242 : memref<1x640xf32, #tpu.memory_space<vmem>> -> memref<640xf32, #tpu.memory_space<vmem>>
    %dma_wait3A_244 = arith.constant 0 : i32
    %dma_wait3A_245 = tpu.memref_slice %arg6[%dma_wait3A_244] : memref<15360xf32, #tpu.memory_space<hbm>> -> memref<640xf32, #tpu.memory_space<hbm>>
    tpu.wait_dma2 semaphore(%arg15 : memref<!tpu.dma_semaphore, #tpu.memory_space<semaphore_mem>>) src(%dma_wait3A_245 : memref<640xf32, #tpu.memory_space<hbm>>) dst(%dma_wait3A_243 : memref<640xf32, #tpu.memory_space<vmem>>)
    %dma_wait3A_246 = arith.constant 0 : i32
    %dma_wait3A_247 = arith.constant 0 : i32
    %dma_wait3A_248 = tpu.memref_slice %arg12[%dma_wait3A_246, %dma_wait3A_247] : memref<2x640xf32, #tpu.memory_space<vmem>> -> memref<1x640xf32, #tpu.memory_space<vmem>>
    %dma_wait3A_249 = tpu.memref_squeeze %dma_wait3A_248 : memref<1x640xf32, #tpu.memory_space<vmem>> -> memref<640xf32, #tpu.memory_space<vmem>>
    %dma_wait3A_250 = arith.constant 0 : i32
    %dma_wait3A_251 = tpu.memref_slice %arg6[%dma_wait3A_250] : memref<15360xf32, #tpu.memory_space<hbm>> -> memref<640xf32, #tpu.memory_space<hbm>>
    %dma_wait3A_252 = arith.constant 0 : i32
    %dma_wait3A_253 = tpu.memref_slice %arg12[%dma_wait3A_246, %dma_wait3A_252] : memref<2x640xf32, #tpu.memory_space<vmem>> -> memref<1x640xf32, #tpu.memory_space<vmem>>
    %dma_wait3A_254 = tpu.memref_squeeze %dma_wait3A_253 : memref<1x640xf32, #tpu.memory_space<vmem>> -> memref<640xf32, #tpu.memory_space<vmem>>
    %dma_wait3A_255 = arith.constant 0 : i32
    %dma_wait3A_256 = tpu.memref_slice %arg6[%dma_wait3A_255] : memref<15360xf32, #tpu.memory_space<hbm>> -> memref<640xf32, #tpu.memory_space<hbm>>
    tpu.wait_dma2 semaphore(%arg15 : memref<!tpu.dma_semaphore, #tpu.memory_space<semaphore_mem>>) src(%dma_wait3A_256 : memref<640xf32, #tpu.memory_space<hbm>>) dst(%dma_wait3A_254 : memref<640xf32, #tpu.memory_space<vmem>>)
    %dma_wait3A_257 = arith.constant 0 : i32
    %dma_wait3A_258 = arith.constant 0 : i32
    %dma_wait3A_259 = tpu.memref_slice %arg12[%dma_wait3A_257, %dma_wait3A_258] : memref<2x640xf32, #tpu.memory_space<vmem>> -> memref<1x640xf32, #tpu.memory_space<vmem>>
    %dma_wait3A_260 = tpu.memref_squeeze %dma_wait3A_259 : memref<1x640xf32, #tpu.memory_space<vmem>> -> memref<640xf32, #tpu.memory_space<vmem>>
    %dma_wait3A_261 = arith.constant 0 : i32
    %dma_wait3A_262 = tpu.memref_slice %arg6[%dma_wait3A_261] : memref<15360xf32, #tpu.memory_space<hbm>> -> memref<640xf32, #tpu.memory_space<hbm>>
    %dma_wait3A_263 = arith.constant 0 : i32
    %dma_wait3A_264 = tpu.memref_slice %arg12[%dma_wait3A_257, %dma_wait3A_263] : memref<2x640xf32, #tpu.memory_space<vmem>> -> memref<1x640xf32, #tpu.memory_space<vmem>>
    %dma_wait3A_265 = tpu.memref_squeeze %dma_wait3A_264 : memref<1x640xf32, #tpu.memory_space<vmem>> -> memref<640xf32, #tpu.memory_space<vmem>>
    %dma_wait3A_266 = arith.constant 0 : i32
    %dma_wait3A_267 = tpu.memref_slice %arg6[%dma_wait3A_266] : memref<15360xf32, #tpu.memory_space<hbm>> -> memref<640xf32, #tpu.memory_space<hbm>>
    tpu.wait_dma2 semaphore(%arg15 : memref<!tpu.dma_semaphore, #tpu.memory_space<semaphore_mem>>) src(%dma_wait3A_267 : memref<640xf32, #tpu.memory_space<hbm>>) dst(%dma_wait3A_265 : memref<640xf32, #tpu.memory_space<vmem>>)
    %barrier3A_268 = arith.constant 0 : index
    tpu.barrier barrier_id(%barrier3A_268)
    %scan3A_269 = arith.constant 0 : i32
    %scan3A_270 = arith.constant 0 : i32
    %scan3A_271 = arith.constant 8 : i32
    %scan3A_272 = arith.addi %scan3A_270, %scan3A_271 : i32
    %scan3A_273 = arith.constant 1 : i32
    scf.for %scan3A_275 = %scan3A_270 to %scan3A_272 step %scan3A_273  : i32 {
      %mul3A_276 = arith.constant 15360 : i32
      %mul3A_277 = arith.muli %scan3A_275, %mul3A_276 : i32
      %add3A_278 = arith.addi %mul3A_0, %mul3A_277 : i32
      %mul3A_279 = arith.constant 1966080 : i32
      %mul3A_280 = arith.muli %arg0, %mul3A_279 : i32
      %add3A_281 = arith.addi %mul3A_280, %mul3A_0 : i32
      %mul3A_282 = arith.constant 15360 : i32
      %mul3A_283 = arith.muli %scan3A_275, %mul3A_282 : i32
      %add3A_284 = arith.addi %add3A_281, %mul3A_283 : i32
      "tpu.region"() ({
        %run_scoped3A = tpu.sem_alloc : memref<!tpu.dma_semaphore, #tpu.memory_space<semaphore_mem>>
        %dma_start3A_285 = tpu.memref_slice %arg9[%add3A_284] : memref<3932160xf32, #tpu.memory_space<hbm>> -> memref<15360xf32, #tpu.memory_space<hbm>>
        %dma_start3A_286 = tpu.memref_slice %arg10[%add3A_278] : memref<1966080xf32, #tpu.memory_space<vmem_shared>> -> memref<15360xf32, #tpu.memory_space<vmem_shared>>
        tpu.enqueue_dma source(%dma_start3A_286 : memref<15360xf32, #tpu.memory_space<vmem_shared>>) target(%dma_start3A_285 : memref<15360xf32, #tpu.memory_space<hbm>>) target_semaphore(%run_scoped3A : memref<!tpu.dma_semaphore, #tpu.memory_space<semaphore_mem>>)
        %dma_wait3A_287 = tpu.memref_slice %arg9[%add3A_284] : memref<3932160xf32, #tpu.memory_space<hbm>> -> memref<15360xf32, #tpu.memory_space<hbm>>
        %dma_wait3A_288 = tpu.memref_slice %arg10[%add3A_278] : memref<1966080xf32, #tpu.memory_space<vmem_shared>> -> memref<15360xf32, #tpu.memory_space<vmem_shared>>
        tpu.wait_dma2 semaphore(%run_scoped3A : memref<!tpu.dma_semaphore, #tpu.memory_space<semaphore_mem>>) src(%dma_wait3A_288 : memref<15360xf32, #tpu.memory_space<vmem_shared>>) dst(%dma_wait3A_287 : memref<15360xf32, #tpu.memory_space<hbm>>)
        tpu.yield
      }) : () -> ()
    }
    %scan3A_274 = arith.constant 8 : i32
    return
  }
}

#map = affine_map<(d0, d1) -> (0)>
module attributes {stable_mosaic.version = 14 : i64} {
  func.func @_splat_body(%arg0: i32, %arg1: i32, %arg2: memref<3932160xi32, #tpu.memory_space<hbm>>, %arg3: memref<3932160xf32, #tpu.memory_space<hbm>>, %arg4: memref<3932160xf32, #tpu.memory_space<hbm>>, %arg5: memref<3932160xf32, #tpu.memory_space<hbm>>, %arg6: memref<15360xf32, #tpu.memory_space<hbm>>, %arg7: memref<3932160xf32, #tpu.memory_space<hbm>>, %arg8: memref<3932160xf32, #tpu.memory_space<hbm>>, %arg9: memref<3932160xf32, #tpu.memory_space<hbm>>, %arg10: memref<1966080xf32, #tpu.memory_space<vmem_shared>>, %arg11: memref<2x640xi32, #tpu.memory_space<vmem>>, %arg12: memref<2x640xf32, #tpu.memory_space<vmem>>, %arg13: memref<40x128xi32, #tpu.memory_space<vmem>>, %arg14: memref<!tpu.dma_semaphore, #tpu.memory_space<semaphore_mem>>, %arg15: memref<!tpu.dma_semaphore, #tpu.memory_space<semaphore_mem>>) attributes {dimension_semantics = [#tpu.dimension_semantics<core_parallel>, #tpu.dimension_semantics<subcore_parallel>], iteration_bounds = array<i64: 2, 16>, scalar_prefetch = 0 : i64, scratch_operands = 6 : i64, tpu.core_type = #tpu.core_type<sc_vector_subcore>, window_params = [{transform_indices = #map}, {transform_indices = #map}, {transform_indices = #map}, {transform_indices = #map}, {transform_indices = #map}, {transform_indices = #map}, {transform_indices = #map}, {transform_indices = #map}]} {
    %mul3A = arith.constant 122880 : i32
    %mul3A_0 = arith.muli %arg1, %mul3A : i32
    %scan3A = arith.constant 0 : i32
    %scan3A_1 = arith.constant 0 : i32
    %scan3A_2 = arith.constant 8 : i32
    %scan3A_3 = arith.addi %scan3A_1, %scan3A_2 : i32
    %scan3A_4 = arith.constant 1 : i32
    scf.for %scan3A_275 = %scan3A_1 to %scan3A_3 step %scan3A_4  : i32 {
      %mul3A_276 = arith.constant 15360 : i32
      %mul3A_277 = arith.muli %scan3A_275, %mul3A_276 : i32
      %add3A_278 = arith.addi %mul3A_0, %mul3A_277 : i32
      "tpu.region"() ({
        %run_scoped3A = tpu.sem_alloc : memref<!tpu.dma_semaphore, #tpu.memory_space<semaphore_mem>>
        %dma_start3A_279 = tpu.memref_slice %arg10[%add3A_278] : memref<1966080xf32, #tpu.memory_space<vmem_shared>> -> memref<15360xf32, #tpu.memory_space<vmem_shared>>
        tpu.enqueue_dma source(%arg6 : memref<15360xf32, #tpu.memory_space<hbm>>) target(%dma_start3A_279 : memref<15360xf32, #tpu.memory_space<vmem_shared>>) target_semaphore(%run_scoped3A : memref<!tpu.dma_semaphore, #tpu.memory_space<semaphore_mem>>)
        %dma_wait3A_280 = tpu.memref_slice %arg10[%add3A_278] : memref<1966080xf32, #tpu.memory_space<vmem_shared>> -> memref<15360xf32, #tpu.memory_space<vmem_shared>>
        tpu.wait_dma2 semaphore(%run_scoped3A : memref<!tpu.dma_semaphore, #tpu.memory_space<semaphore_mem>>) src(%arg6 : memref<15360xf32, #tpu.memory_space<hbm>>) dst(%dma_wait3A_280 : memref<15360xf32, #tpu.memory_space<vmem_shared>>)
        tpu.yield
      }) : () -> ()
    }
    %scan3A_5 = arith.constant 8 : i32
    %barrier3A = arith.constant 0 : index
    tpu.barrier barrier_id(%barrier3A)
    %mul3A_6 = arith.constant 1966080 : i32
    %mul3A_7 = arith.muli %arg0, %mul3A_6 : i32
    %mul3A_8 = arith.constant 64 : i32
    %mul3A_9 = arith.muli %arg1, %mul3A_8 : i32
    %add3A = arith.constant 0 : i32
    %add3A_10 = arith.addi %mul3A_9, %add3A : i32
    %mul3A_11 = arith.constant 1920 : i32
    %mul3A_12 = arith.muli %add3A_10, %mul3A_11 : i32
    %add3A_13 = arith.addi %mul3A_7, %mul3A_12 : i32
    %add3A_14 = arith.constant 0 : i32
    %add3A_15 = arith.addi %add3A_13, %add3A_14 : i32
    %dma_start3A = arith.constant 0 : i32
    %dma_start3A_16 = arith.constant 0 : i32
    %dma_start3A_17 = tpu.memref_slice %arg11[%dma_start3A, %dma_start3A_16] : memref<2x640xi32, #tpu.memory_space<vmem>> -> memref<1x640xi32, #tpu.memory_space<vmem>>
    %dma_start3A_18 = tpu.memref_squeeze %dma_start3A_17 : memref<1x640xi32, #tpu.memory_space<vmem>> -> memref<640xi32, #tpu.memory_space<vmem>>
    %dma_start3A_19 = tpu.memref_slice %arg2[%add3A_15] : memref<3932160xi32, #tpu.memory_space<hbm>> -> memref<640xi32, #tpu.memory_space<hbm>>
    %dma_start3A_20 = arith.constant 0 : i32
    %dma_start3A_21 = tpu.memref_slice %arg11[%dma_start3A, %dma_start3A_20] : memref<2x640xi32, #tpu.memory_space<vmem>> -> memref<1x640xi32, #tpu.memory_space<vmem>>
    %dma_start3A_22 = tpu.memref_squeeze %dma_start3A_21 : memref<1x640xi32, #tpu.memory_space<vmem>> -> memref<640xi32, #tpu.memory_space<vmem>>
    %dma_start3A_23 = tpu.memref_slice %arg2[%add3A_15] : memref<3932160xi32, #tpu.memory_space<hbm>> -> memref<640xi32, #tpu.memory_space<hbm>>
    tpu.enqueue_dma source(%dma_start3A_23 : memref<640xi32, #tpu.memory_space<hbm>>) target(%dma_start3A_22 : memref<640xi32, #tpu.memory_space<vmem>>) target_semaphore(%arg14 : memref<!tpu.dma_semaphore, #tpu.memory_space<semaphore_mem>>)
    %dma_start3A_24 = arith.constant 0 : i32
    %dma_start3A_25 = arith.constant 0 : i32
    %dma_start3A_26 = tpu.memref_slice %arg12[%dma_start3A_24, %dma_start3A_25] : memref<2x640xf32, #tpu.memory_space<vmem>> -> memref<1x640xf32, #tpu.memory_space<vmem>>
    %dma_start3A_27 = tpu.memref_squeeze %dma_start3A_26 : memref<1x640xf32, #tpu.memory_space<vmem>> -> memref<640xf32, #tpu.memory_space<vmem>>
    %dma_start3A_28 = tpu.memref_slice %arg3[%add3A_15] : memref<3932160xf32, #tpu.memory_space<hbm>> -> memref<640xf32, #tpu.memory_space<hbm>>
    %dma_start3A_29 = arith.constant 0 : i32
    %dma_start3A_30 = tpu.memref_slice %arg12[%dma_start3A_24, %dma_start3A_29] : memref<2x640xf32, #tpu.memory_space<vmem>> -> memref<1x640xf32, #tpu.memory_space<vmem>>
    %dma_start3A_31 = tpu.memref_squeeze %dma_start3A_30 : memref<1x640xf32, #tpu.memory_space<vmem>> -> memref<640xf32, #tpu.memory_space<vmem>>
    %dma_start3A_32 = tpu.memref_slice %arg3[%add3A_15] : memref<3932160xf32, #tpu.memory_space<hbm>> -> memref<640xf32, #tpu.memory_space<hbm>>
    tpu.enqueue_dma source(%dma_start3A_32 : memref<640xf32, #tpu.memory_space<hbm>>) target(%dma_start3A_31 : memref<640xf32, #tpu.memory_space<vmem>>) target_semaphore(%arg14 : memref<!tpu.dma_semaphore, #tpu.memory_space<semaphore_mem>>)
    %scan3A_33 = arith.constant 0 : i32
    %scan3A_34 = arith.constant 0 : i32
    %scan3A_35 = arith.constant 192 : i32
    %scan3A_36 = arith.addi %scan3A_34, %scan3A_35 : i32
    %scan3A_37 = arith.constant 1 : i32
    scf.for %scan3A_275 = %scan3A_34 to %scan3A_36 step %scan3A_37  : i32 {
      %rem3A = arith.constant 2 : i32
      %rem3A_276 = arith.remsi %scan3A_275, %rem3A : i32
      %dma_wait3A_277 = arith.constant 0 : i32
      %dma_wait3A_278 = tpu.memref_slice %arg11[%rem3A_276, %dma_wait3A_277] : memref<2x640xi32, #tpu.memory_space<vmem>> -> memref<1x640xi32, #tpu.memory_space<vmem>>
      %dma_wait3A_279 = tpu.memref_squeeze %dma_wait3A_278 : memref<1x640xi32, #tpu.memory_space<vmem>> -> memref<640xi32, #tpu.memory_space<vmem>>
      %dma_wait3A_280 = arith.constant 0 : i32
      %dma_wait3A_281 = tpu.memref_slice %arg2[%dma_wait3A_280] : memref<3932160xi32, #tpu.memory_space<hbm>> -> memref<640xi32, #tpu.memory_space<hbm>>
      %dma_wait3A_282 = arith.constant 0 : i32
      %dma_wait3A_283 = tpu.memref_slice %arg11[%rem3A_276, %dma_wait3A_282] : memref<2x640xi32, #tpu.memory_space<vmem>> -> memref<1x640xi32, #tpu.memory_space<vmem>>
      %dma_wait3A_284 = tpu.memref_squeeze %dma_wait3A_283 : memref<1x640xi32, #tpu.memory_space<vmem>> -> memref<640xi32, #tpu.memory_space<vmem>>
      %dma_wait3A_285 = arith.constant 0 : i32
      %dma_wait3A_286 = tpu.memref_slice %arg2[%dma_wait3A_285] : memref<3932160xi32, #tpu.memory_space<hbm>> -> memref<640xi32, #tpu.memory_space<hbm>>
      tpu.wait_dma2 semaphore(%arg14 : memref<!tpu.dma_semaphore, #tpu.memory_space<semaphore_mem>>) src(%dma_wait3A_286 : memref<640xi32, #tpu.memory_space<hbm>>) dst(%dma_wait3A_284 : memref<640xi32, #tpu.memory_space<vmem>>)
      %dma_wait3A_287 = arith.constant 0 : i32
      %dma_wait3A_288 = tpu.memref_slice %arg12[%rem3A_276, %dma_wait3A_287] : memref<2x640xf32, #tpu.memory_space<vmem>> -> memref<1x640xf32, #tpu.memory_space<vmem>>
      %dma_wait3A_289 = tpu.memref_squeeze %dma_wait3A_288 : memref<1x640xf32, #tpu.memory_space<vmem>> -> memref<640xf32, #tpu.memory_space<vmem>>
      %dma_wait3A_290 = arith.constant 0 : i32
      %dma_wait3A_291 = tpu.memref_slice %arg3[%dma_wait3A_290] : memref<3932160xf32, #tpu.memory_space<hbm>> -> memref<640xf32, #tpu.memory_space<hbm>>
      %dma_wait3A_292 = arith.constant 0 : i32
      %dma_wait3A_293 = tpu.memref_slice %arg12[%rem3A_276, %dma_wait3A_292] : memref<2x640xf32, #tpu.memory_space<vmem>> -> memref<1x640xf32, #tpu.memory_space<vmem>>
      %dma_wait3A_294 = tpu.memref_squeeze %dma_wait3A_293 : memref<1x640xf32, #tpu.memory_space<vmem>> -> memref<640xf32, #tpu.memory_space<vmem>>
      %dma_wait3A_295 = arith.constant 0 : i32
      %dma_wait3A_296 = tpu.memref_slice %arg3[%dma_wait3A_295] : memref<3932160xf32, #tpu.memory_space<hbm>> -> memref<640xf32, #tpu.memory_space<hbm>>
      tpu.wait_dma2 semaphore(%arg14 : memref<!tpu.dma_semaphore, #tpu.memory_space<semaphore_mem>>) src(%dma_wait3A_296 : memref<640xf32, #tpu.memory_space<hbm>>) dst(%dma_wait3A_294 : memref<640xf32, #tpu.memory_space<vmem>>)
      %mul3A_297 = arith.constant 4 : i32
      %mul3A_298 = arith.muli %rem3A_276, %mul3A_297 : i32
      %mul3A_299 = arith.constant 5 : i32
      %mul3A_300 = arith.muli %mul3A_298, %mul3A_299 : i32
      %scan3A_301 = arith.constant 0 : i32
      %scan3A_302 = arith.constant 0 : i32
      %scan3A_303 = arith.constant 40 : i32
      %scan3A_304 = arith.addi %scan3A_302, %scan3A_303 : i32
      %scan3A_305 = arith.constant 1 : i32
      scf.for %scan3A_321 = %scan3A_302 to %scan3A_304 step %scan3A_305  : i32 {
        %mul3A_322 = arith.constant 16 : i32
        %mul3A_323 = arith.muli %scan3A_321, %mul3A_322 : i32
        %get3A = arith.constant 0 : i32
        %get3A_324 = tpu.memref_slice %arg11[%rem3A_276, %get3A] : memref<2x640xi32, #tpu.memory_space<vmem>> -> memref<1x640xi32, #tpu.memory_space<vmem>>
        %get3A_325 = tpu.memref_squeeze %get3A_324 : memref<1x640xi32, #tpu.memory_space<vmem>> -> memref<640xi32, #tpu.memory_space<vmem>>
        %get3A_326 = arith.index_cast %mul3A_323 : i32 to index
        %get3A_327 = tpu.vector_load %get3A_325[%get3A_326] {strides = array<i32>} : memref<640xi32, #tpu.memory_space<vmem>>, vector<16xi32>,
        %get3A_328 = vector.shape_cast %get3A_327 : vector<16xi32> to vector<16xi32>
        %shift_right_logical3A = arith.constant 2 : i32
        %shift_right_logical3A_329 = vector.broadcast %shift_right_logical3A : i32 to vector<16xi32>
        %shift_right_logical3A_330 = arith.shrui %get3A_328, %shift_right_logical3A_329 : vector<16xi32>
        %and3A = arith.constant 1 : i32
        %and3A_331 = vector.broadcast %and3A : i32 to vector<16xi32>
        %and3A_332 = arith.andi %get3A_328, %and3A_331 : vector<16xi32>
        %and3A_333 = arith.constant 2 : i32
        %and3A_334 = vector.broadcast %and3A_333 : i32 to vector<16xi32>
        %and3A_335 = arith.andi %get3A_328, %and3A_334 : vector<16xi32>
        %mul3A_336 = arith.constant 960 : i32
        %mul3A_337 = vector.broadcast %mul3A_336 : i32 to vector<16xi32>
        %mul3A_338 = arith.muli %and3A_335, %mul3A_337 : vector<16xi32>
        %add3A_339 = arith.addi %shift_right_logical3A_330, %mul3A_338 : vector<16xi32>
        %jit3A = arith.constant 8 : i32
        %div3A = arith.divsi %scan3A_321, %jit3A : i32
        %sign3A = arith.constant 0 : i32
        %sign3A_340 = arith.cmpi sgt, %scan3A_321, %sign3A : i32
        %sign3A_341 = arith.extui %sign3A_340 : i1 to i32
        %sign3A_342 = arith.constant 0 : i32
        %sign3A_343 = arith.cmpi slt, %scan3A_321, %sign3A_342 : i32
        %sign3A_344 = arith.extui %sign3A_343 : i1 to i32
        %sign3A_345 = arith.subi %sign3A_341, %sign3A_344 : i32
        %sign3A_346 = arith.constant 0 : i32
        %sign3A_347 = arith.cmpi sgt, %jit3A, %sign3A_346 : i32
        %sign3A_348 = arith.extui %sign3A_347 : i1 to i32
        %sign3A_349 = arith.constant 0 : i32
        %sign3A_350 = arith.cmpi slt, %jit3A, %sign3A_349 : i32
        %sign3A_351 = arith.extui %sign3A_350 : i1 to i32
        %sign3A_352 = arith.subi %sign3A_348, %sign3A_351 : i32
        %ne3A = arith.cmpi ne, %sign3A_345, %sign3A_352 : i32
        %rem3A_353 = arith.remsi %scan3A_321, %jit3A : i32
        %ne3A_354 = arith.constant 0 : i32
        %ne3A_355 = arith.cmpi ne, %rem3A_353, %ne3A_354 : i32
        %and3A_356 = arith.andi %ne3A, %ne3A_355 : i1
        %sub3A = arith.constant 1 : i32
        %sub3A_357 = arith.subi %div3A, %sub3A : i32
        %select_n3A = arith.select %and3A_356, %sub3A_357, %div3A : i32
        %add3A_358 = arith.addi %mul3A_300, %select_n3A : i32
        %jit3A_359 = arith.constant 8 : i32
        %eq3A = arith.constant 0 : i32
        %eq3A_360 = arith.cmpi eq, %jit3A_359, %eq3A : i32
        %jit3A_361 = arith.constant 1 : i32
        %select_n3A_362 = arith.select %eq3A_360, %jit3A_361, %jit3A_359 : i32
        %rem3A_363 = arith.remsi %scan3A_321, %select_n3A_362 : i32
        %ne3A_364 = arith.constant 0 : i32
        %ne3A_365 = arith.cmpi ne, %rem3A_363, %ne3A_364 : i32
        %lt3A_366 = arith.constant 0 : i32
        %lt3A_367 = arith.cmpi slt, %rem3A_363, %lt3A_366 : i32
        %lt3A_368 = arith.constant 0 : i32
        %lt3A_369 = arith.cmpi slt, %select_n3A_362, %lt3A_368 : i32
        %ne3A_370 = arith.xori %lt3A_367, %lt3A_369 : i1
        %and3A_371 = arith.andi %ne3A_370, %ne3A_365 : i1
        %add3A_372 = arith.addi %rem3A_363, %select_n3A_362 : i32
        %select_n3A_373 = arith.select %and3A_371, %add3A_372, %rem3A_363 : i32
        %mul3A_374 = arith.constant 16 : i32
        %mul3A_375 = arith.muli %select_n3A_373, %mul3A_374 : i32
        %swap3A = arith.index_cast %add3A_358 : i32 to index
        %swap3A_376 = arith.index_cast %mul3A_375 : i32 to index
        %swap3A_377 = tpu.vector_load %arg13[%swap3A, %swap3A_376] {strides = array<i32>} : memref<40x128xi32, #tpu.memory_space<vmem>>, vector<1x16xi32>,
        %swap3A_378 = vector.shape_cast %swap3A_377 : vector<1x16xi32> to vector<16xi32>
        %swap3A_379 = vector.shape_cast %shift_right_logical3A_330 : vector<16xi32> to vector<1x16xi32>
        tpu.vector_store %arg13[%swap3A, %swap3A_376], %swap3A_379 {strides = array<i32>} : memref<40x128xi32, #tpu.memory_space<vmem>>, vector<1x16xi32>,
        %add3A_380 = arith.addi %shift_right_logical3A_330, %and3A_332 : vector<16xi32>
        %add3A_381 = arith.constant 5 : i32
        %add3A_382 = arith.addi %add3A_381, %add3A_358 : i32
        %swap3A_383 = arith.index_cast %add3A_382 : i32 to index
        %swap3A_384 = arith.index_cast %mul3A_375 : i32 to index
        %swap3A_385 = tpu.vector_load %arg13[%swap3A_383, %swap3A_384] {strides = array<i32>} : memref<40x128xi32, #tpu.memory_space<vmem>>, vector<1x16xi32>,
        %swap3A_386 = vector.shape_cast %swap3A_385 : vector<1x16xi32> to vector<16xi32>
        %swap3A_387 = vector.shape_cast %add3A_380 : vector<16xi32> to vector<1x16xi32>
        tpu.vector_store %arg13[%swap3A_383, %swap3A_384], %swap3A_387 {strides = array<i32>} : memref<40x128xi32, #tpu.memory_space<vmem>>, vector<1x16xi32>,
        %add3A_388 = arith.constant 10 : i32
        %add3A_389 = arith.addi %add3A_388, %add3A_358 : i32
        %swap3A_390 = arith.index_cast %add3A_389 : i32 to index
        %swap3A_391 = arith.index_cast %mul3A_375 : i32 to index
        %swap3A_392 = tpu.vector_load %arg13[%swap3A_390, %swap3A_391] {strides = array<i32>} : memref<40x128xi32, #tpu.memory_space<vmem>>, vector<1x16xi32>,
        %swap3A_393 = vector.shape_cast %swap3A_392 : vector<1x16xi32> to vector<16xi32>
        %swap3A_394 = vector.shape_cast %add3A_339 : vector<16xi32> to vector<1x16xi32>
        tpu.vector_store %arg13[%swap3A_390, %swap3A_391], %swap3A_394 {strides = array<i32>} : memref<40x128xi32, #tpu.memory_space<vmem>>, vector<1x16xi32>,
        %add3A_395 = arith.addi %add3A_339, %and3A_332 : vector<16xi32>
        %add3A_396 = arith.constant 15 : i32
        %add3A_397 = arith.addi %add3A_396, %add3A_358 : i32
        %swap3A_398 = arith.index_cast %add3A_397 : i32 to index
        %swap3A_399 = arith.index_cast %mul3A_375 : i32 to index
        %swap3A_400 = tpu.vector_load %arg13[%swap3A_398, %swap3A_399] {strides = array<i32>} : memref<40x128xi32, #tpu.memory_space<vmem>>, vector<1x16xi32>,
        %swap3A_401 = vector.shape_cast %swap3A_400 : vector<1x16xi32> to vector<16xi32>
        %swap3A_402 = vector.shape_cast %add3A_395 : vector<16xi32> to vector<1x16xi32>
        tpu.vector_store %arg13[%swap3A_398, %swap3A_399], %swap3A_402 {strides = array<i32>} : memref<40x128xi32, #tpu.memory_space<vmem>>, vector<1x16xi32>,
      }
      %scan3A_306 = arith.constant 40 : i32
      %ge3A = arith.constant 1 : i32
      %ge3A_307 = arith.cmpi sge, %scan3A_275, %ge3A : i32
      %convert_element_type3A = arith.extui %ge3A_307 : i1 to i32
      %cond3A = arith.constant 0 : i32
      %cond3A_308 = arith.cmpi ne, %convert_element_type3A, %cond3A : i32
      scf.if %cond3A_308 {
        %dma_wait3A_321 = arith.constant 0 : i32
        %dma_wait3A_322 = arith.constant 0 : i32
        %dma_wait3A_323 = tpu.memref_slice %arg12[%dma_wait3A_321, %dma_wait3A_322] : memref<2x640xf32, #tpu.memory_space<vmem>> -> memref<1x640xf32, #tpu.memory_space<vmem>>
        %dma_wait3A_324 = tpu.memref_squeeze %dma_wait3A_323 : memref<1x640xf32, #tpu.memory_space<vmem>> -> memref<640xf32, #tpu.memory_space<vmem>>
        %dma_wait3A_325 = arith.constant 0 : i32
        %dma_wait3A_326 = tpu.memref_slice %arg6[%dma_wait3A_325] : memref<15360xf32, #tpu.memory_space<hbm>> -> memref<640xf32, #tpu.memory_space<hbm>>
        %dma_wait3A_327 = arith.constant 0 : i32
        %dma_wait3A_328 = tpu.memref_slice %arg12[%dma_wait3A_321, %dma_wait3A_327] : memref<2x640xf32, #tpu.memory_space<vmem>> -> memref<1x640xf32, #tpu.memory_space<vmem>>
        %dma_wait3A_329 = tpu.memref_squeeze %dma_wait3A_328 : memref<1x640xf32, #tpu.memory_space<vmem>> -> memref<640xf32, #tpu.memory_space<vmem>>
        %dma_wait3A_330 = arith.constant 0 : i32
        %dma_wait3A_331 = tpu.memref_slice %arg6[%dma_wait3A_330] : memref<15360xf32, #tpu.memory_space<hbm>> -> memref<640xf32, #tpu.memory_space<hbm>>
        tpu.wait_dma2 semaphore(%arg15 : memref<!tpu.dma_semaphore, #tpu.memory_space<semaphore_mem>>) src(%dma_wait3A_331 : memref<640xf32, #tpu.memory_space<hbm>>) dst(%dma_wait3A_329 : memref<640xf32, #tpu.memory_space<vmem>>)
        %dma_wait3A_332 = arith.constant 0 : i32
        %dma_wait3A_333 = arith.constant 0 : i32
        %dma_wait3A_334 = tpu.memref_slice %arg12[%dma_wait3A_332, %dma_wait3A_333] : memref<2x640xf32, #tpu.memory_space<vmem>> -> memref<1x640xf32, #tpu.memory_space<vmem>>
        %dma_wait3A_335 = tpu.memref_squeeze %dma_wait3A_334 : memref<1x640xf32, #tpu.memory_space<vmem>> -> memref<640xf32, #tpu.memory_space<vmem>>
        %dma_wait3A_336 = arith.constant 0 : i32
        %dma_wait3A_337 = tpu.memref_slice %arg6[%dma_wait3A_336] : memref<15360xf32, #tpu.memory_space<hbm>> -> memref<640xf32, #tpu.memory_space<hbm>>
        %dma_wait3A_338 = arith.constant 0 : i32
        %dma_wait3A_339 = tpu.memref_slice %arg12[%dma_wait3A_332, %dma_wait3A_338] : memref<2x640xf32, #tpu.memory_space<vmem>> -> memref<1x640xf32, #tpu.memory_space<vmem>>
        %dma_wait3A_340 = tpu.memref_squeeze %dma_wait3A_339 : memref<1x640xf32, #tpu.memory_space<vmem>> -> memref<640xf32, #tpu.memory_space<vmem>>
        %dma_wait3A_341 = arith.constant 0 : i32
        %dma_wait3A_342 = tpu.memref_slice %arg6[%dma_wait3A_341] : memref<15360xf32, #tpu.memory_space<hbm>> -> memref<640xf32, #tpu.memory_space<hbm>>
        tpu.wait_dma2 semaphore(%arg15 : memref<!tpu.dma_semaphore, #tpu.memory_space<semaphore_mem>>) src(%dma_wait3A_342 : memref<640xf32, #tpu.memory_space<hbm>>) dst(%dma_wait3A_340 : memref<640xf32, #tpu.memory_space<vmem>>)
        %dma_wait3A_343 = arith.constant 0 : i32
        %dma_wait3A_344 = arith.constant 0 : i32
        %dma_wait3A_345 = tpu.memref_slice %arg12[%dma_wait3A_343, %dma_wait3A_344] : memref<2x640xf32, #tpu.memory_space<vmem>> -> memref<1x640xf32, #tpu.memory_space<vmem>>
        %dma_wait3A_346 = tpu.memref_squeeze %dma_wait3A_345 : memref<1x640xf32, #tpu.memory_space<vmem>> -> memref<640xf32, #tpu.memory_space<vmem>>
        %dma_wait3A_347 = arith.constant 0 : i32
        %dma_wait3A_348 = tpu.memref_slice %arg6[%dma_wait3A_347] : memref<15360xf32, #tpu.memory_space<hbm>> -> memref<640xf32, #tpu.memory_space<hbm>>
        %dma_wait3A_349 = arith.constant 0 : i32
        %dma_wait3A_350 = tpu.memref_slice %arg12[%dma_wait3A_343, %dma_wait3A_349] : memref<2x640xf32, #tpu.memory_space<vmem>> -> memref<1x640xf32, #tpu.memory_space<vmem>>
        %dma_wait3A_351 = tpu.memref_squeeze %dma_wait3A_350 : memref<1x640xf32, #tpu.memory_space<vmem>> -> memref<640xf32, #tpu.memory_space<vmem>>
        %dma_wait3A_352 = arith.constant 0 : i32
        %dma_wait3A_353 = tpu.memref_slice %arg6[%dma_wait3A_352] : memref<15360xf32, #tpu.memory_space<hbm>> -> memref<640xf32, #tpu.memory_space<hbm>>
        tpu.wait_dma2 semaphore(%arg15 : memref<!tpu.dma_semaphore, #tpu.memory_space<semaphore_mem>>) src(%dma_wait3A_353 : memref<640xf32, #tpu.memory_space<hbm>>) dst(%dma_wait3A_351 : memref<640xf32, #tpu.memory_space<vmem>>)
        %dma_wait3A_354 = arith.constant 0 : i32
        %dma_wait3A_355 = arith.constant 0 : i32
        %dma_wait3A_356 = tpu.memref_slice %arg12[%dma_wait3A_354, %dma_wait3A_355] : memref<2x640xf32, #tpu.memory_space<vmem>> -> memref<1x640xf32, #tpu.memory_space<vmem>>
        %dma_wait3A_357 = tpu.memref_squeeze %dma_wait3A_356 : memref<1x640xf32, #tpu.memory_space<vmem>> -> memref<640xf32, #tpu.memory_space<vmem>>
        %dma_wait3A_358 = arith.constant 0 : i32
        %dma_wait3A_359 = tpu.memref_slice %arg6[%dma_wait3A_358] : memref<15360xf32, #tpu.memory_space<hbm>> -> memref<640xf32, #tpu.memory_space<hbm>>
        %dma_wait3A_360 = arith.constant 0 : i32
        %dma_wait3A_361 = tpu.memref_slice %arg12[%dma_wait3A_354, %dma_wait3A_360] : memref<2x640xf32, #tpu.memory_space<vmem>> -> memref<1x640xf32, #tpu.memory_space<vmem>>
        %dma_wait3A_362 = tpu.memref_squeeze %dma_wait3A_361 : memref<1x640xf32, #tpu.memory_space<vmem>> -> memref<640xf32, #tpu.memory_space<vmem>>
        %dma_wait3A_363 = arith.constant 0 : i32
        %dma_wait3A_364 = tpu.memref_slice %arg6[%dma_wait3A_363] : memref<15360xf32, #tpu.memory_space<hbm>> -> memref<640xf32, #tpu.memory_space<hbm>>
        tpu.wait_dma2 semaphore(%arg15 : memref<!tpu.dma_semaphore, #tpu.memory_space<semaphore_mem>>) src(%dma_wait3A_364 : memref<640xf32, #tpu.memory_space<hbm>>) dst(%dma_wait3A_362 : memref<640xf32, #tpu.memory_space<vmem>>)
      } else {
      }
      %add3A_309 = arith.constant 1 : i32
      %add3A_310 = arith.addi %scan3A_275, %add3A_309 : i32
      %lt3A = arith.constant 192 : i32
      %lt3A_311 = arith.cmpi slt, %add3A_310, %lt3A : i32
      %convert_element_type3A_312 = arith.extui %lt3A_311 : i1 to i32
      %cond3A_313 = arith.constant 0 : i32
      %cond3A_314 = arith.cmpi ne, %convert_element_type3A_312, %cond3A_313 : i32
      scf.if %cond3A_314 {
        %add3A_321 = arith.constant 1 : i32
        %add3A_322 = arith.addi %scan3A_275, %add3A_321 : i32
        %sub3A = arith.constant 1 : i32
        %sub3A_323 = arith.subi %sub3A, %rem3A_276 : i32
        %mul3A_324 = arith.constant 1966080 : i32
        %mul3A_325 = arith.muli %arg0, %mul3A_324 : i32
        %mul3A_326 = arith.constant 64 : i32
        %mul3A_327 = arith.muli %arg1, %mul3A_326 : i32
        %jit3A = arith.constant 3 : i32
        %div3A = arith.divsi %add3A_322, %jit3A : i32
        %sign3A = arith.constant 0 : i32
        %sign3A_328 = arith.cmpi sgt, %add3A_322, %sign3A : i32
        %sign3A_329 = arith.extui %sign3A_328 : i1 to i32
        %sign3A_330 = arith.constant 0 : i32
        %sign3A_331 = arith.cmpi slt, %add3A_322, %sign3A_330 : i32
        %sign3A_332 = arith.extui %sign3A_331 : i1 to i32
        %sign3A_333 = arith.subi %sign3A_329, %sign3A_332 : i32
        %sign3A_334 = arith.constant 0 : i32
        %sign3A_335 = arith.cmpi sgt, %jit3A, %sign3A_334 : i32
        %sign3A_336 = arith.extui %sign3A_335 : i1 to i32
        %sign3A_337 = arith.constant 0 : i32
        %sign3A_338 = arith.cmpi slt, %jit3A, %sign3A_337 : i32
        %sign3A_339 = arith.extui %sign3A_338 : i1 to i32
        %sign3A_340 = arith.subi %sign3A_336, %sign3A_339 : i32
        %ne3A = arith.cmpi ne, %sign3A_333, %sign3A_340 : i32
        %rem3A_341 = arith.remsi %add3A_322, %jit3A : i32
        %ne3A_342 = arith.constant 0 : i32
        %ne3A_343 = arith.cmpi ne, %rem3A_341, %ne3A_342 : i32
        %and3A = arith.andi %ne3A, %ne3A_343 : i1
        %sub3A_344 = arith.constant 1 : i32
        %sub3A_345 = arith.subi %div3A, %sub3A_344 : i32
        %select_n3A = arith.select %and3A, %sub3A_345, %div3A : i32
        %add3A_346 = arith.addi %mul3A_327, %select_n3A : i32
        %mul3A_347 = arith.constant 1920 : i32
        %mul3A_348 = arith.muli %add3A_346, %mul3A_347 : i32
        %add3A_349 = arith.addi %mul3A_325, %mul3A_348 : i32
        %jit3A_350 = arith.constant 3 : i32
        %eq3A = arith.constant 0 : i32
        %eq3A_351 = arith.cmpi eq, %jit3A_350, %eq3A : i32
        %jit3A_352 = arith.constant 1 : i32
        %select_n3A_353 = arith.select %eq3A_351, %jit3A_352, %jit3A_350 : i32
        %rem3A_354 = arith.remsi %add3A_322, %select_n3A_353 : i32
        %ne3A_355 = arith.constant 0 : i32
        %ne3A_356 = arith.cmpi ne, %rem3A_354, %ne3A_355 : i32
        %lt3A_357 = arith.constant 0 : i32
        %lt3A_358 = arith.cmpi slt, %rem3A_354, %lt3A_357 : i32
        %lt3A_359 = arith.constant 0 : i32
        %lt3A_360 = arith.cmpi slt, %select_n3A_353, %lt3A_359 : i32
        %ne3A_361 = arith.xori %lt3A_358, %lt3A_360 : i1
        %and3A_362 = arith.andi %ne3A_361, %ne3A_356 : i1
        %add3A_363 = arith.addi %rem3A_354, %select_n3A_353 : i32
        %select_n3A_364 = arith.select %and3A_362, %add3A_363, %rem3A_354 : i32
        %mul3A_365 = arith.constant 640 : i32
        %mul3A_366 = arith.muli %select_n3A_364, %mul3A_365 : i32
        %add3A_367 = arith.addi %add3A_349, %mul3A_366 : i32
        %dma_start3A_368 = arith.constant 0 : i32
        %dma_start3A_369 = tpu.memref_slice %arg11[%sub3A_323, %dma_start3A_368] : memref<2x640xi32, #tpu.memory_space<vmem>> -> memref<1x640xi32, #tpu.memory_space<vmem>>
        %dma_start3A_370 = tpu.memref_squeeze %dma_start3A_369 : memref<1x640xi32, #tpu.memory_space<vmem>> -> memref<640xi32, #tpu.memory_space<vmem>>
        %dma_start3A_371 = tpu.memref_slice %arg2[%add3A_367] : memref<3932160xi32, #tpu.memory_space<hbm>> -> memref<640xi32, #tpu.memory_space<hbm>>
        %dma_start3A_372 = arith.constant 0 : i32
        %dma_start3A_373 = tpu.memref_slice %arg11[%sub3A_323, %dma_start3A_372] : memref<2x640xi32, #tpu.memory_space<vmem>> -> memref<1x640xi32, #tpu.memory_space<vmem>>
        %dma_start3A_374 = tpu.memref_squeeze %dma_start3A_373 : memref<1x640xi32, #tpu.memory_space<vmem>> -> memref<640xi32, #tpu.memory_space<vmem>>
        %dma_start3A_375 = tpu.memref_slice %arg2[%add3A_367] : memref<3932160xi32, #tpu.memory_space<hbm>> -> memref<640xi32, #tpu.memory_space<hbm>>
        tpu.enqueue_dma source(%dma_start3A_375 : memref<640xi32, #tpu.memory_space<hbm>>) target(%dma_start3A_374 : memref<640xi32, #tpu.memory_space<vmem>>) target_semaphore(%arg14 : memref<!tpu.dma_semaphore, #tpu.memory_space<semaphore_mem>>)
        %dma_start3A_376 = arith.constant 0 : i32
        %dma_start3A_377 = tpu.memref_slice %arg12[%sub3A_323, %dma_start3A_376] : memref<2x640xf32, #tpu.memory_space<vmem>> -> memref<1x640xf32, #tpu.memory_space<vmem>>
        %dma_start3A_378 = tpu.memref_squeeze %dma_start3A_377 : memref<1x640xf32, #tpu.memory_space<vmem>> -> memref<640xf32, #tpu.memory_space<vmem>>
        %dma_start3A_379 = tpu.memref_slice %arg3[%add3A_367] : memref<3932160xf32, #tpu.memory_space<hbm>> -> memref<640xf32, #tpu.memory_space<hbm>>
        %dma_start3A_380 = arith.constant 0 : i32
        %dma_start3A_381 = tpu.memref_slice %arg12[%sub3A_323, %dma_start3A_380] : memref<2x640xf32, #tpu.memory_space<vmem>> -> memref<1x640xf32, #tpu.memory_space<vmem>>
        %dma_start3A_382 = tpu.memref_squeeze %dma_start3A_381 : memref<1x640xf32, #tpu.memory_space<vmem>> -> memref<640xf32, #tpu.memory_space<vmem>>
        %dma_start3A_383 = tpu.memref_slice %arg3[%add3A_367] : memref<3932160xf32, #tpu.memory_space<hbm>> -> memref<640xf32, #tpu.memory_space<hbm>>
        tpu.enqueue_dma source(%dma_start3A_383 : memref<640xf32, #tpu.memory_space<hbm>>) target(%dma_start3A_382 : memref<640xf32, #tpu.memory_space<vmem>>) target_semaphore(%arg14 : memref<!tpu.dma_semaphore, #tpu.memory_space<semaphore_mem>>)
      } else {
      }
      %scan3A_315 = arith.constant 0 : i32
      %scan3A_316 = arith.constant 0 : i32
      %scan3A_317 = arith.constant 5 : i32
      %scan3A_318 = arith.addi %scan3A_316, %scan3A_317 : i32
      %scan3A_319 = arith.constant 1 : i32
      scf.for %scan3A_321 = %scan3A_316 to %scan3A_318 step %scan3A_319  : i32 {
        %mul3A_322 = arith.constant 128 : i32
        %mul3A_323 = arith.muli %scan3A_321, %mul3A_322 : i32
        %add3A_324 = arith.addi %mul3A_300, %scan3A_321 : i32
        %dma_start3A_325 = arith.constant 0 : i32
        %dma_start3A_326 = tpu.memref_slice %arg12[%rem3A_276, %dma_start3A_325] : memref<2x640xf32, #tpu.memory_space<vmem>> -> memref<1x640xf32, #tpu.memory_space<vmem>>
        %dma_start3A_327 = tpu.memref_squeeze %dma_start3A_326 : memref<1x640xf32, #tpu.memory_space<vmem>> -> memref<640xf32, #tpu.memory_space<vmem>>
        %dma_start3A_328 = tpu.memref_slice %dma_start3A_327[%mul3A_323] : memref<640xf32, #tpu.memory_space<vmem>> -> memref<128xf32, #tpu.memory_space<vmem>>
        %dma_start3A_329 = arith.constant 0 : i32
        %dma_start3A_330 = tpu.memref_slice %arg13[%add3A_324, %dma_start3A_329] : memref<40x128xi32, #tpu.memory_space<vmem>> -> memref<1x128xi32, #tpu.memory_space<vmem>>
        %dma_start3A_331 = tpu.memref_squeeze %dma_start3A_330 : memref<1x128xi32, #tpu.memory_space<vmem>> -> memref<128xi32, #tpu.memory_space<vmem>>
        %dma_start3A_332 = arith.constant 0 : i32
        %dma_start3A_333 = tpu.memref_slice %arg10[%dma_start3A_332] : memref<1966080xf32, #tpu.memory_space<vmem_shared>> -> memref<1966080xf32, #tpu.memory_space<vmem_shared>>
        tpu.enqueue_indirect_dma source(%dma_start3A_328 : memref<128xf32, #tpu.memory_space<vmem>>) target(%dma_start3A_333 : memref<1966080xf32, #tpu.memory_space<vmem_shared>>) offsets(%dma_start3A_331 : memref<128xi32, #tpu.memory_space<vmem>>) semaphore(%arg15 : memref<!tpu.dma_semaphore, #tpu.memory_space<semaphore_mem>>) {add = true}
        %add3A_334 = arith.constant 5 : i32
        %add3A_335 = arith.addi %add3A_334, %add3A_324 : i32
        %dma_start3A_336 = arith.constant 0 : i32
        %dma_start3A_337 = tpu.memref_slice %arg12[%rem3A_276, %dma_start3A_336] : memref<2x640xf32, #tpu.memory_space<vmem>> -> memref<1x640xf32, #tpu.memory_space<vmem>>
        %dma_start3A_338 = tpu.memref_squeeze %dma_start3A_337 : memref<1x640xf32, #tpu.memory_space<vmem>> -> memref<640xf32, #tpu.memory_space<vmem>>
        %dma_start3A_339 = tpu.memref_slice %dma_start3A_338[%mul3A_323] : memref<640xf32, #tpu.memory_space<vmem>> -> memref<128xf32, #tpu.memory_space<vmem>>
        %dma_start3A_340 = arith.constant 0 : i32
        %dma_start3A_341 = tpu.memref_slice %arg13[%add3A_335, %dma_start3A_340] : memref<40x128xi32, #tpu.memory_space<vmem>> -> memref<1x128xi32, #tpu.memory_space<vmem>>
        %dma_start3A_342 = tpu.memref_squeeze %dma_start3A_341 : memref<1x128xi32, #tpu.memory_space<vmem>> -> memref<128xi32, #tpu.memory_space<vmem>>
        %dma_start3A_343 = arith.constant 0 : i32
        %dma_start3A_344 = tpu.memref_slice %arg10[%dma_start3A_343] : memref<1966080xf32, #tpu.memory_space<vmem_shared>> -> memref<1966080xf32, #tpu.memory_space<vmem_shared>>
        tpu.enqueue_indirect_dma source(%dma_start3A_339 : memref<128xf32, #tpu.memory_space<vmem>>) target(%dma_start3A_344 : memref<1966080xf32, #tpu.memory_space<vmem_shared>>) offsets(%dma_start3A_342 : memref<128xi32, #tpu.memory_space<vmem>>) semaphore(%arg15 : memref<!tpu.dma_semaphore, #tpu.memory_space<semaphore_mem>>) {add = true}
        %add3A_345 = arith.constant 10 : i32
        %add3A_346 = arith.addi %add3A_345, %add3A_324 : i32
        %dma_start3A_347 = arith.constant 0 : i32
        %dma_start3A_348 = tpu.memref_slice %arg12[%rem3A_276, %dma_start3A_347] : memref<2x640xf32, #tpu.memory_space<vmem>> -> memref<1x640xf32, #tpu.memory_space<vmem>>
        %dma_start3A_349 = tpu.memref_squeeze %dma_start3A_348 : memref<1x640xf32, #tpu.memory_space<vmem>> -> memref<640xf32, #tpu.memory_space<vmem>>
        %dma_start3A_350 = tpu.memref_slice %dma_start3A_349[%mul3A_323] : memref<640xf32, #tpu.memory_space<vmem>> -> memref<128xf32, #tpu.memory_space<vmem>>
        %dma_start3A_351 = arith.constant 0 : i32
        %dma_start3A_352 = tpu.memref_slice %arg13[%add3A_346, %dma_start3A_351] : memref<40x128xi32, #tpu.memory_space<vmem>> -> memref<1x128xi32, #tpu.memory_space<vmem>>
        %dma_start3A_353 = tpu.memref_squeeze %dma_start3A_352 : memref<1x128xi32, #tpu.memory_space<vmem>> -> memref<128xi32, #tpu.memory_space<vmem>>
        %dma_start3A_354 = arith.constant 0 : i32
        %dma_start3A_355 = tpu.memref_slice %arg10[%dma_start3A_354] : memref<1966080xf32, #tpu.memory_space<vmem_shared>> -> memref<1966080xf32, #tpu.memory_space<vmem_shared>>
        tpu.enqueue_indirect_dma source(%dma_start3A_350 : memref<128xf32, #tpu.memory_space<vmem>>) target(%dma_start3A_355 : memref<1966080xf32, #tpu.memory_space<vmem_shared>>) offsets(%dma_start3A_353 : memref<128xi32, #tpu.memory_space<vmem>>) semaphore(%arg15 : memref<!tpu.dma_semaphore, #tpu.memory_space<semaphore_mem>>) {add = true}
        %add3A_356 = arith.constant 15 : i32
        %add3A_357 = arith.addi %add3A_356, %add3A_324 : i32
        %dma_start3A_358 = arith.constant 0 : i32
        %dma_start3A_359 = tpu.memref_slice %arg12[%rem3A_276, %dma_start3A_358] : memref<2x640xf32, #tpu.memory_space<vmem>> -> memref<1x640xf32, #tpu.memory_space<vmem>>
        %dma_start3A_360 = tpu.memref_squeeze %dma_start3A_359 : memref<1x640xf32, #tpu.memory_space<vmem>> -> memref<640xf32, #tpu.memory_space<vmem>>
        %dma_start3A_361 = tpu.memref_slice %dma_start3A_360[%mul3A_323] : memref<640xf32, #tpu.memory_space<vmem>> -> memref<128xf32, #tpu.memory_space<vmem>>
        %dma_start3A_362 = arith.constant 0 : i32
        %dma_start3A_363 = tpu.memref_slice %arg13[%add3A_357, %dma_start3A_362] : memref<40x128xi32, #tpu.memory_space<vmem>> -> memref<1x128xi32, #tpu.memory_space<vmem>>
        %dma_start3A_364 = tpu.memref_squeeze %dma_start3A_363 : memref<1x128xi32, #tpu.memory_space<vmem>> -> memref<128xi32, #tpu.memory_space<vmem>>
        %dma_start3A_365 = arith.constant 0 : i32
        %dma_start3A_366 = tpu.memref_slice %arg10[%dma_start3A_365] : memref<1966080xf32, #tpu.memory_space<vmem_shared>> -> memref<1966080xf32, #tpu.memory_space<vmem_shared>>
        tpu.enqueue_indirect_dma source(%dma_start3A_361 : memref<128xf32, #tpu.memory_space<vmem>>) target(%dma_start3A_366 : memref<1966080xf32, #tpu.memory_space<vmem_shared>>) offsets(%dma_start3A_364 : memref<128xi32, #tpu.memory_space<vmem>>) semaphore(%arg15 : memref<!tpu.dma_semaphore, #tpu.memory_space<semaphore_mem>>) {add = true}
      }
      %scan3A_320 = arith.constant 5 : i32
    }
    %scan3A_38 = arith.constant 192 : i32
    %dma_wait3A = arith.constant 0 : i32
    %dma_wait3A_39 = arith.constant 0 : i32
    %dma_wait3A_40 = tpu.memref_slice %arg12[%dma_wait3A, %dma_wait3A_39] : memref<2x640xf32, #tpu.memory_space<vmem>> -> memref<1x640xf32, #tpu.memory_space<vmem>>
    %dma_wait3A_41 = tpu.memref_squeeze %dma_wait3A_40 : memref<1x640xf32, #tpu.memory_space<vmem>> -> memref<640xf32, #tpu.memory_space<vmem>>
    %dma_wait3A_42 = arith.constant 0 : i32
    %dma_wait3A_43 = tpu.memref_slice %arg6[%dma_wait3A_42] : memref<15360xf32, #tpu.memory_space<hbm>> -> memref<640xf32, #tpu.memory_space<hbm>>
    %dma_wait3A_44 = arith.constant 0 : i32
    %dma_wait3A_45 = tpu.memref_slice %arg12[%dma_wait3A, %dma_wait3A_44] : memref<2x640xf32, #tpu.memory_space<vmem>> -> memref<1x640xf32, #tpu.memory_space<vmem>>
    %dma_wait3A_46 = tpu.memref_squeeze %dma_wait3A_45 : memref<1x640xf32, #tpu.memory_space<vmem>> -> memref<640xf32, #tpu.memory_space<vmem>>
    %dma_wait3A_47 = arith.constant 0 : i32
    %dma_wait3A_48 = tpu.memref_slice %arg6[%dma_wait3A_47] : memref<15360xf32, #tpu.memory_space<hbm>> -> memref<640xf32, #tpu.memory_space<hbm>>
    tpu.wait_dma2 semaphore(%arg15 : memref<!tpu.dma_semaphore, #tpu.memory_space<semaphore_mem>>) src(%dma_wait3A_48 : memref<640xf32, #tpu.memory_space<hbm>>) dst(%dma_wait3A_46 : memref<640xf32, #tpu.memory_space<vmem>>)
    %dma_wait3A_49 = arith.constant 0 : i32
    %dma_wait3A_50 = arith.constant 0 : i32
    %dma_wait3A_51 = tpu.memref_slice %arg12[%dma_wait3A_49, %dma_wait3A_50] : memref<2x640xf32, #tpu.memory_space<vmem>> -> memref<1x640xf32, #tpu.memory_space<vmem>>
    %dma_wait3A_52 = tpu.memref_squeeze %dma_wait3A_51 : memref<1x640xf32, #tpu.memory_space<vmem>> -> memref<640xf32, #tpu.memory_space<vmem>>
    %dma_wait3A_53 = arith.constant 0 : i32
    %dma_wait3A_54 = tpu.memref_slice %arg6[%dma_wait3A_53] : memref<15360xf32, #tpu.memory_space<hbm>> -> memref<640xf32, #tpu.memory_space<hbm>>
    %dma_wait3A_55 = arith.constant 0 : i32
    %dma_wait3A_56 = tpu.memref_slice %arg12[%dma_wait3A_49, %dma_wait3A_55] : memref<2x640xf32, #tpu.memory_space<vmem>> -> memref<1x640xf32, #tpu.memory_space<vmem>>
    %dma_wait3A_57 = tpu.memref_squeeze %dma_wait3A_56 : memref<1x640xf32, #tpu.memory_space<vmem>> -> memref<640xf32, #tpu.memory_space<vmem>>
    %dma_wait3A_58 = arith.constant 0 : i32
    %dma_wait3A_59 = tpu.memref_slice %arg6[%dma_wait3A_58] : memref<15360xf32, #tpu.memory_space<hbm>> -> memref<640xf32, #tpu.memory_space<hbm>>
    tpu.wait_dma2 semaphore(%arg15 : memref<!tpu.dma_semaphore, #tpu.memory_space<semaphore_mem>>) src(%dma_wait3A_59 : memref<640xf32, #tpu.memory_space<hbm>>) dst(%dma_wait3A_57 : memref<640xf32, #tpu.memory_space<vmem>>)
    %dma_wait3A_60 = arith.constant 0 : i32
    %dma_wait3A_61 = arith.constant 0 : i32
    %dma_wait3A_62 = tpu.memref_slice %arg12[%dma_wait3A_60, %dma_wait3A_61] : memref<2x640xf32, #tpu.memory_space<vmem>> -> memref<1x640xf32, #tpu.memory_space<vmem>>
    %dma_wait3A_63 = tpu.memref_squeeze %dma_wait3A_62 : memref<1x640xf32, #tpu.memory_space<vmem>> -> memref<640xf32, #tpu.memory_space<vmem>>
    %dma_wait3A_64 = arith.constant 0 : i32
    %dma_wait3A_65 = tpu.memref_slice %arg6[%dma_wait3A_64] : memref<15360xf32, #tpu.memory_space<hbm>> -> memref<640xf32, #tpu.memory_space<hbm>>
    %dma_wait3A_66 = arith.constant 0 : i32
    %dma_wait3A_67 = tpu.memref_slice %arg12[%dma_wait3A_60, %dma_wait3A_66] : memref<2x640xf32, #tpu.memory_space<vmem>> -> memref<1x640xf32, #tpu.memory_space<vmem>>
    %dma_wait3A_68 = tpu.memref_squeeze %dma_wait3A_67 : memref<1x640xf32, #tpu.memory_space<vmem>> -> memref<640xf32, #tpu.memory_space<vmem>>
    %dma_wait3A_69 = arith.constant 0 : i32
    %dma_wait3A_70 = tpu.memref_slice %arg6[%dma_wait3A_69] : memref<15360xf32, #tpu.memory_space<hbm>> -> memref<640xf32, #tpu.memory_space<hbm>>
    tpu.wait_dma2 semaphore(%arg15 : memref<!tpu.dma_semaphore, #tpu.memory_space<semaphore_mem>>) src(%dma_wait3A_70 : memref<640xf32, #tpu.memory_space<hbm>>) dst(%dma_wait3A_68 : memref<640xf32, #tpu.memory_space<vmem>>)
    %dma_wait3A_71 = arith.constant 0 : i32
    %dma_wait3A_72 = arith.constant 0 : i32
    %dma_wait3A_73 = tpu.memref_slice %arg12[%dma_wait3A_71, %dma_wait3A_72] : memref<2x640xf32, #tpu.memory_space<vmem>> -> memref<1x640xf32, #tpu.memory_space<vmem>>
    %dma_wait3A_74 = tpu.memref_squeeze %dma_wait3A_73 : memref<1x640xf32, #tpu.memory_space<vmem>> -> memref<640xf32, #tpu.memory_space<vmem>>
    %dma_wait3A_75 = arith.constant 0 : i32
    %dma_wait3A_76 = tpu.memref_slice %arg6[%dma_wait3A_75] : memref<15360xf32, #tpu.memory_space<hbm>> -> memref<640xf32, #tpu.memory_space<hbm>>
    %dma_wait3A_77 = arith.constant 0 : i32
    %dma_wait3A_78 = tpu.memref_slice %arg12[%dma_wait3A_71, %dma_wait3A_77] : memref<2x640xf32, #tpu.memory_space<vmem>> -> memref<1x640xf32, #tpu.memory_space<vmem>>
    %dma_wait3A_79 = tpu.memref_squeeze %dma_wait3A_78 : memref<1x640xf32, #tpu.memory_space<vmem>> -> memref<640xf32, #tpu.memory_space<vmem>>
    %dma_wait3A_80 = arith.constant 0 : i32
    %dma_wait3A_81 = tpu.memref_slice %arg6[%dma_wait3A_80] : memref<15360xf32, #tpu.memory_space<hbm>> -> memref<640xf32, #tpu.memory_space<hbm>>
    tpu.wait_dma2 semaphore(%arg15 : memref<!tpu.dma_semaphore, #tpu.memory_space<semaphore_mem>>) src(%dma_wait3A_81 : memref<640xf32, #tpu.memory_space<hbm>>) dst(%dma_wait3A_79 : memref<640xf32, #tpu.memory_space<vmem>>)
    %barrier3A_82 = arith.constant 0 : index
    tpu.barrier barrier_id(%barrier3A_82)
    %scan3A_83 = arith.constant 0 : i32
    %scan3A_84 = arith.constant 0 : i32
    %scan3A_85 = arith.constant 8 : i32
    %scan3A_86 = arith.addi %scan3A_84, %scan3A_85 : i32
    %scan3A_87 = arith.constant 1 : i32
    scf.for %scan3A_275 = %scan3A_84 to %scan3A_86 step %scan3A_87  : i32 {
      %mul3A_276 = arith.constant 15360 : i32
      %mul3A_277 = arith.muli %scan3A_275, %mul3A_276 : i32
      %add3A_278 = arith.addi %mul3A_0, %mul3A_277 : i32
      %mul3A_279 = arith.constant 1966080 : i32
      %mul3A_280 = arith.muli %arg0, %mul3A_279 : i32
      %add3A_281 = arith.addi %mul3A_280, %mul3A_0 : i32
      %mul3A_282 = arith.constant 15360 : i32
      %mul3A_283 = arith.muli %scan3A_275, %mul3A_282 : i32
      %add3A_284 = arith.addi %add3A_281, %mul3A_283 : i32
      "tpu.region"() ({
        %run_scoped3A = tpu.sem_alloc : memref<!tpu.dma_semaphore, #tpu.memory_space<semaphore_mem>>
        %dma_start3A_285 = tpu.memref_slice %arg7[%add3A_284] : memref<3932160xf32, #tpu.memory_space<hbm>> -> memref<15360xf32, #tpu.memory_space<hbm>>
        %dma_start3A_286 = tpu.memref_slice %arg10[%add3A_278] : memref<1966080xf32, #tpu.memory_space<vmem_shared>> -> memref<15360xf32, #tpu.memory_space<vmem_shared>>
        tpu.enqueue_dma source(%dma_start3A_286 : memref<15360xf32, #tpu.memory_space<vmem_shared>>) target(%dma_start3A_285 : memref<15360xf32, #tpu.memory_space<hbm>>) target_semaphore(%run_scoped3A : memref<!tpu.dma_semaphore, #tpu.memory_space<semaphore_mem>>)
        %dma_wait3A_287 = tpu.memref_slice %arg7[%add3A_284] : memref<3932160xf32, #tpu.memory_space<hbm>> -> memref<15360xf32, #tpu.memory_space<hbm>>
        %dma_wait3A_288 = tpu.memref_slice %arg10[%add3A_278] : memref<1966080xf32, #tpu.memory_space<vmem_shared>> -> memref<15360xf32, #tpu.memory_space<vmem_shared>>
        tpu.wait_dma2 semaphore(%run_scoped3A : memref<!tpu.dma_semaphore, #tpu.memory_space<semaphore_mem>>) src(%dma_wait3A_288 : memref<15360xf32, #tpu.memory_space<vmem_shared>>) dst(%dma_wait3A_287 : memref<15360xf32, #tpu.memory_space<hbm>>)
        tpu.yield
      }) : () -> ()
    }
    %scan3A_88 = arith.constant 8 : i32
    %scan3A_89 = arith.constant 0 : i32
    %scan3A_90 = arith.constant 0 : i32
    %scan3A_91 = arith.constant 8 : i32
    %scan3A_92 = arith.addi %scan3A_90, %scan3A_91 : i32
    %scan3A_93 = arith.constant 1 : i32
    scf.for %scan3A_275 = %scan3A_90 to %scan3A_92 step %scan3A_93  : i32 {
      %mul3A_276 = arith.constant 15360 : i32
      %mul3A_277 = arith.muli %scan3A_275, %mul3A_276 : i32
      %add3A_278 = arith.addi %mul3A_0, %mul3A_277 : i32
      "tpu.region"() ({
        %run_scoped3A = tpu.sem_alloc : memref<!tpu.dma_semaphore, #tpu.memory_space<semaphore_mem>>
        %dma_start3A_279 = tpu.memref_slice %arg10[%add3A_278] : memref<1966080xf32, #tpu.memory_space<vmem_shared>> -> memref<15360xf32, #tpu.memory_space<vmem_shared>>
        tpu.enqueue_dma source(%arg6 : memref<15360xf32, #tpu.memory_space<hbm>>) target(%dma_start3A_279 : memref<15360xf32, #tpu.memory_space<vmem_shared>>) target_semaphore(%run_scoped3A : memref<!tpu.dma_semaphore, #tpu.memory_space<semaphore_mem>>)
        %dma_wait3A_280 = tpu.memref_slice %arg10[%add3A_278] : memref<1966080xf32, #tpu.memory_space<vmem_shared>> -> memref<15360xf32, #tpu.memory_space<vmem_shared>>
        tpu.wait_dma2 semaphore(%run_scoped3A : memref<!tpu.dma_semaphore, #tpu.memory_space<semaphore_mem>>) src(%arg6 : memref<15360xf32, #tpu.memory_space<hbm>>) dst(%dma_wait3A_280 : memref<15360xf32, #tpu.memory_space<vmem_shared>>)
        tpu.yield
      }) : () -> ()
    }
    %scan3A_94 = arith.constant 8 : i32
    %barrier3A_95 = arith.constant 0 : index
    tpu.barrier barrier_id(%barrier3A_95)
    %mul3A_96 = arith.constant 1966080 : i32
    %mul3A_97 = arith.muli %arg0, %mul3A_96 : i32
    %mul3A_98 = arith.constant 64 : i32
    %mul3A_99 = arith.muli %arg1, %mul3A_98 : i32
    %add3A_100 = arith.constant 0 : i32
    %add3A_101 = arith.addi %mul3A_99, %add3A_100 : i32
    %mul3A_102 = arith.constant 1920 : i32
    %mul3A_103 = arith.muli %add3A_101, %mul3A_102 : i32
    %add3A_104 = arith.addi %mul3A_97, %mul3A_103 : i32
    %add3A_105 = arith.constant 0 : i32
    %add3A_106 = arith.addi %add3A_104, %add3A_105 : i32
    %dma_start3A_107 = arith.constant 0 : i32
    %dma_start3A_108 = arith.constant 0 : i32
    %dma_start3A_109 = tpu.memref_slice %arg11[%dma_start3A_107, %dma_start3A_108] : memref<2x640xi32, #tpu.memory_space<vmem>> -> memref<1x640xi32, #tpu.memory_space<vmem>>
    %dma_start3A_110 = tpu.memref_squeeze %dma_start3A_109 : memref<1x640xi32, #tpu.memory_space<vmem>> -> memref<640xi32, #tpu.memory_space<vmem>>
    %dma_start3A_111 = tpu.memref_slice %arg2[%add3A_106] : memref<3932160xi32, #tpu.memory_space<hbm>> -> memref<640xi32, #tpu.memory_space<hbm>>
    %dma_start3A_112 = arith.constant 0 : i32
    %dma_start3A_113 = tpu.memref_slice %arg11[%dma_start3A_107, %dma_start3A_112] : memref<2x640xi32, #tpu.memory_space<vmem>> -> memref<1x640xi32, #tpu.memory_space<vmem>>
    %dma_start3A_114 = tpu.memref_squeeze %dma_start3A_113 : memref<1x640xi32, #tpu.memory_space<vmem>> -> memref<640xi32, #tpu.memory_space<vmem>>
    %dma_start3A_115 = tpu.memref_slice %arg2[%add3A_106] : memref<3932160xi32, #tpu.memory_space<hbm>> -> memref<640xi32, #tpu.memory_space<hbm>>
    tpu.enqueue_dma source(%dma_start3A_115 : memref<640xi32, #tpu.memory_space<hbm>>) target(%dma_start3A_114 : memref<640xi32, #tpu.memory_space<vmem>>) target_semaphore(%arg14 : memref<!tpu.dma_semaphore, #tpu.memory_space<semaphore_mem>>)
    %dma_start3A_116 = arith.constant 0 : i32
    %dma_start3A_117 = arith.constant 0 : i32
    %dma_start3A_118 = tpu.memref_slice %arg12[%dma_start3A_116, %dma_start3A_117] : memref<2x640xf32, #tpu.memory_space<vmem>> -> memref<1x640xf32, #tpu.memory_space<vmem>>
    %dma_start3A_119 = tpu.memref_squeeze %dma_start3A_118 : memref<1x640xf32, #tpu.memory_space<vmem>> -> memref<640xf32, #tpu.memory_space<vmem>>
    %dma_start3A_120 = tpu.memref_slice %arg4[%add3A_106] : memref<3932160xf32, #tpu.memory_space<hbm>> -> memref<640xf32, #tpu.memory_space<hbm>>
    %dma_start3A_121 = arith.constant 0 : i32
    %dma_start3A_122 = tpu.memref_slice %arg12[%dma_start3A_116, %dma_start3A_121] : memref<2x640xf32, #tpu.memory_space<vmem>> -> memref<1x640xf32, #tpu.memory_space<vmem>>
    %dma_start3A_123 = tpu.memref_squeeze %dma_start3A_122 : memref<1x640xf32, #tpu.memory_space<vmem>> -> memref<640xf32, #tpu.memory_space<vmem>>
    %dma_start3A_124 = tpu.memref_slice %arg4[%add3A_106] : memref<3932160xf32, #tpu.memory_space<hbm>> -> memref<640xf32, #tpu.memory_space<hbm>>
    tpu.enqueue_dma source(%dma_start3A_124 : memref<640xf32, #tpu.memory_space<hbm>>) target(%dma_start3A_123 : memref<640xf32, #tpu.memory_space<vmem>>) target_semaphore(%arg14 : memref<!tpu.dma_semaphore, #tpu.memory_space<semaphore_mem>>)
    %scan3A_125 = arith.constant 0 : i32
    %scan3A_126 = arith.constant 0 : i32
    %scan3A_127 = arith.constant 192 : i32
    %scan3A_128 = arith.addi %scan3A_126, %scan3A_127 : i32
    %scan3A_129 = arith.constant 1 : i32
    scf.for %scan3A_275 = %scan3A_126 to %scan3A_128 step %scan3A_129  : i32 {
      %rem3A = arith.constant 2 : i32
      %rem3A_276 = arith.remsi %scan3A_275, %rem3A : i32
      %dma_wait3A_277 = arith.constant 0 : i32
      %dma_wait3A_278 = tpu.memref_slice %arg11[%rem3A_276, %dma_wait3A_277] : memref<2x640xi32, #tpu.memory_space<vmem>> -> memref<1x640xi32, #tpu.memory_space<vmem>>
      %dma_wait3A_279 = tpu.memref_squeeze %dma_wait3A_278 : memref<1x640xi32, #tpu.memory_space<vmem>> -> memref<640xi32, #tpu.memory_space<vmem>>
      %dma_wait3A_280 = arith.constant 0 : i32
      %dma_wait3A_281 = tpu.memref_slice %arg2[%dma_wait3A_280] : memref<3932160xi32, #tpu.memory_space<hbm>> -> memref<640xi32, #tpu.memory_space<hbm>>
      %dma_wait3A_282 = arith.constant 0 : i32
      %dma_wait3A_283 = tpu.memref_slice %arg11[%rem3A_276, %dma_wait3A_282] : memref<2x640xi32, #tpu.memory_space<vmem>> -> memref<1x640xi32, #tpu.memory_space<vmem>>
      %dma_wait3A_284 = tpu.memref_squeeze %dma_wait3A_283 : memref<1x640xi32, #tpu.memory_space<vmem>> -> memref<640xi32, #tpu.memory_space<vmem>>
      %dma_wait3A_285 = arith.constant 0 : i32
      %dma_wait3A_286 = tpu.memref_slice %arg2[%dma_wait3A_285] : memref<3932160xi32, #tpu.memory_space<hbm>> -> memref<640xi32, #tpu.memory_space<hbm>>
      tpu.wait_dma2 semaphore(%arg14 : memref<!tpu.dma_semaphore, #tpu.memory_space<semaphore_mem>>) src(%dma_wait3A_286 : memref<640xi32, #tpu.memory_space<hbm>>) dst(%dma_wait3A_284 : memref<640xi32, #tpu.memory_space<vmem>>)
      %dma_wait3A_287 = arith.constant 0 : i32
      %dma_wait3A_288 = tpu.memref_slice %arg12[%rem3A_276, %dma_wait3A_287] : memref<2x640xf32, #tpu.memory_space<vmem>> -> memref<1x640xf32, #tpu.memory_space<vmem>>
      %dma_wait3A_289 = tpu.memref_squeeze %dma_wait3A_288 : memref<1x640xf32, #tpu.memory_space<vmem>> -> memref<640xf32, #tpu.memory_space<vmem>>
      %dma_wait3A_290 = arith.constant 0 : i32
      %dma_wait3A_291 = tpu.memref_slice %arg3[%dma_wait3A_290] : memref<3932160xf32, #tpu.memory_space<hbm>> -> memref<640xf32, #tpu.memory_space<hbm>>
      %dma_wait3A_292 = arith.constant 0 : i32
      %dma_wait3A_293 = tpu.memref_slice %arg12[%rem3A_276, %dma_wait3A_292] : memref<2x640xf32, #tpu.memory_space<vmem>> -> memref<1x640xf32, #tpu.memory_space<vmem>>
      %dma_wait3A_294 = tpu.memref_squeeze %dma_wait3A_293 : memref<1x640xf32, #tpu.memory_space<vmem>> -> memref<640xf32, #tpu.memory_space<vmem>>
      %dma_wait3A_295 = arith.constant 0 : i32
      %dma_wait3A_296 = tpu.memref_slice %arg3[%dma_wait3A_295] : memref<3932160xf32, #tpu.memory_space<hbm>> -> memref<640xf32, #tpu.memory_space<hbm>>
      tpu.wait_dma2 semaphore(%arg14 : memref<!tpu.dma_semaphore, #tpu.memory_space<semaphore_mem>>) src(%dma_wait3A_296 : memref<640xf32, #tpu.memory_space<hbm>>) dst(%dma_wait3A_294 : memref<640xf32, #tpu.memory_space<vmem>>)
      %mul3A_297 = arith.constant 4 : i32
      %mul3A_298 = arith.muli %rem3A_276, %mul3A_297 : i32
      %mul3A_299 = arith.constant 5 : i32
      %mul3A_300 = arith.muli %mul3A_298, %mul3A_299 : i32
      %scan3A_301 = arith.constant 0 : i32
      %scan3A_302 = arith.constant 0 : i32
      %scan3A_303 = arith.constant 40 : i32
      %scan3A_304 = arith.addi %scan3A_302, %scan3A_303 : i32
      %scan3A_305 = arith.constant 1 : i32
      scf.for %scan3A_321 = %scan3A_302 to %scan3A_304 step %scan3A_305  : i32 {
        %mul3A_322 = arith.constant 16 : i32
        %mul3A_323 = arith.muli %scan3A_321, %mul3A_322 : i32
        %get3A = arith.constant 0 : i32
        %get3A_324 = tpu.memref_slice %arg11[%rem3A_276, %get3A] : memref<2x640xi32, #tpu.memory_space<vmem>> -> memref<1x640xi32, #tpu.memory_space<vmem>>
        %get3A_325 = tpu.memref_squeeze %get3A_324 : memref<1x640xi32, #tpu.memory_space<vmem>> -> memref<640xi32, #tpu.memory_space<vmem>>
        %get3A_326 = arith.index_cast %mul3A_323 : i32 to index
        %get3A_327 = tpu.vector_load %get3A_325[%get3A_326] {strides = array<i32>} : memref<640xi32, #tpu.memory_space<vmem>>, vector<16xi32>,
        %get3A_328 = vector.shape_cast %get3A_327 : vector<16xi32> to vector<16xi32>
        %shift_right_logical3A = arith.constant 2 : i32
        %shift_right_logical3A_329 = vector.broadcast %shift_right_logical3A : i32 to vector<16xi32>
        %shift_right_logical3A_330 = arith.shrui %get3A_328, %shift_right_logical3A_329 : vector<16xi32>
        %and3A = arith.constant 1 : i32
        %and3A_331 = vector.broadcast %and3A : i32 to vector<16xi32>
        %and3A_332 = arith.andi %get3A_328, %and3A_331 : vector<16xi32>
        %and3A_333 = arith.constant 2 : i32
        %and3A_334 = vector.broadcast %and3A_333 : i32 to vector<16xi32>
        %and3A_335 = arith.andi %get3A_328, %and3A_334 : vector<16xi32>
        %mul3A_336 = arith.constant 960 : i32
        %mul3A_337 = vector.broadcast %mul3A_336 : i32 to vector<16xi32>
        %mul3A_338 = arith.muli %and3A_335, %mul3A_337 : vector<16xi32>
        %add3A_339 = arith.addi %shift_right_logical3A_330, %mul3A_338 : vector<16xi32>
        %jit3A = arith.constant 8 : i32
        %div3A = arith.divsi %scan3A_321, %jit3A : i32
        %sign3A = arith.constant 0 : i32
        %sign3A_340 = arith.cmpi sgt, %scan3A_321, %sign3A : i32
        %sign3A_341 = arith.extui %sign3A_340 : i1 to i32
        %sign3A_342 = arith.constant 0 : i32
        %sign3A_343 = arith.cmpi slt, %scan3A_321, %sign3A_342 : i32
        %sign3A_344 = arith.extui %sign3A_343 : i1 to i32
        %sign3A_345 = arith.subi %sign3A_341, %sign3A_344 : i32
        %sign3A_346 = arith.constant 0 : i32
        %sign3A_347 = arith.cmpi sgt, %jit3A, %sign3A_346 : i32
        %sign3A_348 = arith.extui %sign3A_347 : i1 to i32
        %sign3A_349 = arith.constant 0 : i32
        %sign3A_350 = arith.cmpi slt, %jit3A, %sign3A_349 : i32
        %sign3A_351 = arith.extui %sign3A_350 : i1 to i32
        %sign3A_352 = arith.subi %sign3A_348, %sign3A_351 : i32
        %ne3A = arith.cmpi ne, %sign3A_345, %sign3A_352 : i32
        %rem3A_353 = arith.remsi %scan3A_321, %jit3A : i32
        %ne3A_354 = arith.constant 0 : i32
        %ne3A_355 = arith.cmpi ne, %rem3A_353, %ne3A_354 : i32
        %and3A_356 = arith.andi %ne3A, %ne3A_355 : i1
        %sub3A = arith.constant 1 : i32
        %sub3A_357 = arith.subi %div3A, %sub3A : i32
        %select_n3A = arith.select %and3A_356, %sub3A_357, %div3A : i32
        %add3A_358 = arith.addi %mul3A_300, %select_n3A : i32
        %jit3A_359 = arith.constant 8 : i32
        %eq3A = arith.constant 0 : i32
        %eq3A_360 = arith.cmpi eq, %jit3A_359, %eq3A : i32
        %jit3A_361 = arith.constant 1 : i32
        %select_n3A_362 = arith.select %eq3A_360, %jit3A_361, %jit3A_359 : i32
        %rem3A_363 = arith.remsi %scan3A_321, %select_n3A_362 : i32
        %ne3A_364 = arith.constant 0 : i32
        %ne3A_365 = arith.cmpi ne, %rem3A_363, %ne3A_364 : i32
        %lt3A_366 = arith.constant 0 : i32
        %lt3A_367 = arith.cmpi slt, %rem3A_363, %lt3A_366 : i32
        %lt3A_368 = arith.constant 0 : i32
        %lt3A_369 = arith.cmpi slt, %select_n3A_362, %lt3A_368 : i32
        %ne3A_370 = arith.xori %lt3A_367, %lt3A_369 : i1
        %and3A_371 = arith.andi %ne3A_370, %ne3A_365 : i1
        %add3A_372 = arith.addi %rem3A_363, %select_n3A_362 : i32
        %select_n3A_373 = arith.select %and3A_371, %add3A_372, %rem3A_363 : i32
        %mul3A_374 = arith.constant 16 : i32
        %mul3A_375 = arith.muli %select_n3A_373, %mul3A_374 : i32
        %swap3A = arith.index_cast %add3A_358 : i32 to index
        %swap3A_376 = arith.index_cast %mul3A_375 : i32 to index
        %swap3A_377 = tpu.vector_load %arg13[%swap3A, %swap3A_376] {strides = array<i32>} : memref<40x128xi32, #tpu.memory_space<vmem>>, vector<1x16xi32>,
        %swap3A_378 = vector.shape_cast %swap3A_377 : vector<1x16xi32> to vector<16xi32>
        %swap3A_379 = vector.shape_cast %shift_right_logical3A_330 : vector<16xi32> to vector<1x16xi32>
        tpu.vector_store %arg13[%swap3A, %swap3A_376], %swap3A_379 {strides = array<i32>} : memref<40x128xi32, #tpu.memory_space<vmem>>, vector<1x16xi32>,
        %add3A_380 = arith.addi %shift_right_logical3A_330, %and3A_332 : vector<16xi32>
        %add3A_381 = arith.constant 5 : i32
        %add3A_382 = arith.addi %add3A_381, %add3A_358 : i32
        %swap3A_383 = arith.index_cast %add3A_382 : i32 to index
        %swap3A_384 = arith.index_cast %mul3A_375 : i32 to index
        %swap3A_385 = tpu.vector_load %arg13[%swap3A_383, %swap3A_384] {strides = array<i32>} : memref<40x128xi32, #tpu.memory_space<vmem>>, vector<1x16xi32>,
        %swap3A_386 = vector.shape_cast %swap3A_385 : vector<1x16xi32> to vector<16xi32>
        %swap3A_387 = vector.shape_cast %add3A_380 : vector<16xi32> to vector<1x16xi32>
        tpu.vector_store %arg13[%swap3A_383, %swap3A_384], %swap3A_387 {strides = array<i32>} : memref<40x128xi32, #tpu.memory_space<vmem>>, vector<1x16xi32>,
        %add3A_388 = arith.constant 10 : i32
        %add3A_389 = arith.addi %add3A_388, %add3A_358 : i32
        %swap3A_390 = arith.index_cast %add3A_389 : i32 to index
        %swap3A_391 = arith.index_cast %mul3A_375 : i32 to index
        %swap3A_392 = tpu.vector_load %arg13[%swap3A_390, %swap3A_391] {strides = array<i32>} : memref<40x128xi32, #tpu.memory_space<vmem>>, vector<1x16xi32>,
        %swap3A_393 = vector.shape_cast %swap3A_392 : vector<1x16xi32> to vector<16xi32>
        %swap3A_394 = vector.shape_cast %add3A_339 : vector<16xi32> to vector<1x16xi32>
        tpu.vector_store %arg13[%swap3A_390, %swap3A_391], %swap3A_394 {strides = array<i32>} : memref<40x128xi32, #tpu.memory_space<vmem>>, vector<1x16xi32>,
        %add3A_395 = arith.addi %add3A_339, %and3A_332 : vector<16xi32>
        %add3A_396 = arith.constant 15 : i32
        %add3A_397 = arith.addi %add3A_396, %add3A_358 : i32
        %swap3A_398 = arith.index_cast %add3A_397 : i32 to index
        %swap3A_399 = arith.index_cast %mul3A_375 : i32 to index
        %swap3A_400 = tpu.vector_load %arg13[%swap3A_398, %swap3A_399] {strides = array<i32>} : memref<40x128xi32, #tpu.memory_space<vmem>>, vector<1x16xi32>,
        %swap3A_401 = vector.shape_cast %swap3A_400 : vector<1x16xi32> to vector<16xi32>
        %swap3A_402 = vector.shape_cast %add3A_395 : vector<16xi32> to vector<1x16xi32>
        tpu.vector_store %arg13[%swap3A_398, %swap3A_399], %swap3A_402 {strides = array<i32>} : memref<40x128xi32, #tpu.memory_space<vmem>>, vector<1x16xi32>,
      }
      %scan3A_306 = arith.constant 40 : i32
      %ge3A = arith.constant 1 : i32
      %ge3A_307 = arith.cmpi sge, %scan3A_275, %ge3A : i32
      %convert_element_type3A = arith.extui %ge3A_307 : i1 to i32
      %cond3A = arith.constant 0 : i32
      %cond3A_308 = arith.cmpi ne, %convert_element_type3A, %cond3A : i32
      scf.if %cond3A_308 {
        %dma_wait3A_321 = arith.constant 0 : i32
        %dma_wait3A_322 = arith.constant 0 : i32
        %dma_wait3A_323 = tpu.memref_slice %arg12[%dma_wait3A_321, %dma_wait3A_322] : memref<2x640xf32, #tpu.memory_space<vmem>> -> memref<1x640xf32, #tpu.memory_space<vmem>>
        %dma_wait3A_324 = tpu.memref_squeeze %dma_wait3A_323 : memref<1x640xf32, #tpu.memory_space<vmem>> -> memref<640xf32, #tpu.memory_space<vmem>>
        %dma_wait3A_325 = arith.constant 0 : i32
        %dma_wait3A_326 = tpu.memref_slice %arg6[%dma_wait3A_325] : memref<15360xf32, #tpu.memory_space<hbm>> -> memref<640xf32, #tpu.memory_space<hbm>>
        %dma_wait3A_327 = arith.constant 0 : i32
        %dma_wait3A_328 = tpu.memref_slice %arg12[%dma_wait3A_321, %dma_wait3A_327] : memref<2x640xf32, #tpu.memory_space<vmem>> -> memref<1x640xf32, #tpu.memory_space<vmem>>
        %dma_wait3A_329 = tpu.memref_squeeze %dma_wait3A_328 : memref<1x640xf32, #tpu.memory_space<vmem>> -> memref<640xf32, #tpu.memory_space<vmem>>
        %dma_wait3A_330 = arith.constant 0 : i32
        %dma_wait3A_331 = tpu.memref_slice %arg6[%dma_wait3A_330] : memref<15360xf32, #tpu.memory_space<hbm>> -> memref<640xf32, #tpu.memory_space<hbm>>
        tpu.wait_dma2 semaphore(%arg15 : memref<!tpu.dma_semaphore, #tpu.memory_space<semaphore_mem>>) src(%dma_wait3A_331 : memref<640xf32, #tpu.memory_space<hbm>>) dst(%dma_wait3A_329 : memref<640xf32, #tpu.memory_space<vmem>>)
        %dma_wait3A_332 = arith.constant 0 : i32
        %dma_wait3A_333 = arith.constant 0 : i32
        %dma_wait3A_334 = tpu.memref_slice %arg12[%dma_wait3A_332, %dma_wait3A_333] : memref<2x640xf32, #tpu.memory_space<vmem>> -> memref<1x640xf32, #tpu.memory_space<vmem>>
        %dma_wait3A_335 = tpu.memref_squeeze %dma_wait3A_334 : memref<1x640xf32, #tpu.memory_space<vmem>> -> memref<640xf32, #tpu.memory_space<vmem>>
        %dma_wait3A_336 = arith.constant 0 : i32
        %dma_wait3A_337 = tpu.memref_slice %arg6[%dma_wait3A_336] : memref<15360xf32, #tpu.memory_space<hbm>> -> memref<640xf32, #tpu.memory_space<hbm>>
        %dma_wait3A_338 = arith.constant 0 : i32
        %dma_wait3A_339 = tpu.memref_slice %arg12[%dma_wait3A_332, %dma_wait3A_338] : memref<2x640xf32, #tpu.memory_space<vmem>> -> memref<1x640xf32, #tpu.memory_space<vmem>>
        %dma_wait3A_340 = tpu.memref_squeeze %dma_wait3A_339 : memref<1x640xf32, #tpu.memory_space<vmem>> -> memref<640xf32, #tpu.memory_space<vmem>>
        %dma_wait3A_341 = arith.constant 0 : i32
        %dma_wait3A_342 = tpu.memref_slice %arg6[%dma_wait3A_341] : memref<15360xf32, #tpu.memory_space<hbm>> -> memref<640xf32, #tpu.memory_space<hbm>>
        tpu.wait_dma2 semaphore(%arg15 : memref<!tpu.dma_semaphore, #tpu.memory_space<semaphore_mem>>) src(%dma_wait3A_342 : memref<640xf32, #tpu.memory_space<hbm>>) dst(%dma_wait3A_340 : memref<640xf32, #tpu.memory_space<vmem>>)
        %dma_wait3A_343 = arith.constant 0 : i32
        %dma_wait3A_344 = arith.constant 0 : i32
        %dma_wait3A_345 = tpu.memref_slice %arg12[%dma_wait3A_343, %dma_wait3A_344] : memref<2x640xf32, #tpu.memory_space<vmem>> -> memref<1x640xf32, #tpu.memory_space<vmem>>
        %dma_wait3A_346 = tpu.memref_squeeze %dma_wait3A_345 : memref<1x640xf32, #tpu.memory_space<vmem>> -> memref<640xf32, #tpu.memory_space<vmem>>
        %dma_wait3A_347 = arith.constant 0 : i32
        %dma_wait3A_348 = tpu.memref_slice %arg6[%dma_wait3A_347] : memref<15360xf32, #tpu.memory_space<hbm>> -> memref<640xf32, #tpu.memory_space<hbm>>
        %dma_wait3A_349 = arith.constant 0 : i32
        %dma_wait3A_350 = tpu.memref_slice %arg12[%dma_wait3A_343, %dma_wait3A_349] : memref<2x640xf32, #tpu.memory_space<vmem>> -> memref<1x640xf32, #tpu.memory_space<vmem>>
        %dma_wait3A_351 = tpu.memref_squeeze %dma_wait3A_350 : memref<1x640xf32, #tpu.memory_space<vmem>> -> memref<640xf32, #tpu.memory_space<vmem>>
        %dma_wait3A_352 = arith.constant 0 : i32
        %dma_wait3A_353 = tpu.memref_slice %arg6[%dma_wait3A_352] : memref<15360xf32, #tpu.memory_space<hbm>> -> memref<640xf32, #tpu.memory_space<hbm>>
        tpu.wait_dma2 semaphore(%arg15 : memref<!tpu.dma_semaphore, #tpu.memory_space<semaphore_mem>>) src(%dma_wait3A_353 : memref<640xf32, #tpu.memory_space<hbm>>) dst(%dma_wait3A_351 : memref<640xf32, #tpu.memory_space<vmem>>)
        %dma_wait3A_354 = arith.constant 0 : i32
        %dma_wait3A_355 = arith.constant 0 : i32
        %dma_wait3A_356 = tpu.memref_slice %arg12[%dma_wait3A_354, %dma_wait3A_355] : memref<2x640xf32, #tpu.memory_space<vmem>> -> memref<1x640xf32, #tpu.memory_space<vmem>>
        %dma_wait3A_357 = tpu.memref_squeeze %dma_wait3A_356 : memref<1x640xf32, #tpu.memory_space<vmem>> -> memref<640xf32, #tpu.memory_space<vmem>>
        %dma_wait3A_358 = arith.constant 0 : i32
        %dma_wait3A_359 = tpu.memref_slice %arg6[%dma_wait3A_358] : memref<15360xf32, #tpu.memory_space<hbm>> -> memref<640xf32, #tpu.memory_space<hbm>>
        %dma_wait3A_360 = arith.constant 0 : i32
        %dma_wait3A_361 = tpu.memref_slice %arg12[%dma_wait3A_354, %dma_wait3A_360] : memref<2x640xf32, #tpu.memory_space<vmem>> -> memref<1x640xf32, #tpu.memory_space<vmem>>
        %dma_wait3A_362 = tpu.memref_squeeze %dma_wait3A_361 : memref<1x640xf32, #tpu.memory_space<vmem>> -> memref<640xf32, #tpu.memory_space<vmem>>
        %dma_wait3A_363 = arith.constant 0 : i32
        %dma_wait3A_364 = tpu.memref_slice %arg6[%dma_wait3A_363] : memref<15360xf32, #tpu.memory_space<hbm>> -> memref<640xf32, #tpu.memory_space<hbm>>
        tpu.wait_dma2 semaphore(%arg15 : memref<!tpu.dma_semaphore, #tpu.memory_space<semaphore_mem>>) src(%dma_wait3A_364 : memref<640xf32, #tpu.memory_space<hbm>>) dst(%dma_wait3A_362 : memref<640xf32, #tpu.memory_space<vmem>>)
      } else {
      }
      %add3A_309 = arith.constant 1 : i32
      %add3A_310 = arith.addi %scan3A_275, %add3A_309 : i32
      %lt3A = arith.constant 192 : i32
      %lt3A_311 = arith.cmpi slt, %add3A_310, %lt3A : i32
      %convert_element_type3A_312 = arith.extui %lt3A_311 : i1 to i32
      %cond3A_313 = arith.constant 0 : i32
      %cond3A_314 = arith.cmpi ne, %convert_element_type3A_312, %cond3A_313 : i32
      scf.if %cond3A_314 {
        %add3A_321 = arith.constant 1 : i32
        %add3A_322 = arith.addi %scan3A_275, %add3A_321 : i32
        %sub3A = arith.constant 1 : i32
        %sub3A_323 = arith.subi %sub3A, %rem3A_276 : i32
        %mul3A_324 = arith.constant 1966080 : i32
        %mul3A_325 = arith.muli %arg0, %mul3A_324 : i32
        %mul3A_326 = arith.constant 64 : i32
        %mul3A_327 = arith.muli %arg1, %mul3A_326 : i32
        %jit3A = arith.constant 3 : i32
        %div3A = arith.divsi %add3A_322, %jit3A : i32
        %sign3A = arith.constant 0 : i32
        %sign3A_328 = arith.cmpi sgt, %add3A_322, %sign3A : i32
        %sign3A_329 = arith.extui %sign3A_328 : i1 to i32
        %sign3A_330 = arith.constant 0 : i32
        %sign3A_331 = arith.cmpi slt, %add3A_322, %sign3A_330 : i32
        %sign3A_332 = arith.extui %sign3A_331 : i1 to i32
        %sign3A_333 = arith.subi %sign3A_329, %sign3A_332 : i32
        %sign3A_334 = arith.constant 0 : i32
        %sign3A_335 = arith.cmpi sgt, %jit3A, %sign3A_334 : i32
        %sign3A_336 = arith.extui %sign3A_335 : i1 to i32
        %sign3A_337 = arith.constant 0 : i32
        %sign3A_338 = arith.cmpi slt, %jit3A, %sign3A_337 : i32
        %sign3A_339 = arith.extui %sign3A_338 : i1 to i32
        %sign3A_340 = arith.subi %sign3A_336, %sign3A_339 : i32
        %ne3A = arith.cmpi ne, %sign3A_333, %sign3A_340 : i32
        %rem3A_341 = arith.remsi %add3A_322, %jit3A : i32
        %ne3A_342 = arith.constant 0 : i32
        %ne3A_343 = arith.cmpi ne, %rem3A_341, %ne3A_342 : i32
        %and3A = arith.andi %ne3A, %ne3A_343 : i1
        %sub3A_344 = arith.constant 1 : i32
        %sub3A_345 = arith.subi %div3A, %sub3A_344 : i32
        %select_n3A = arith.select %and3A, %sub3A_345, %div3A : i32
        %add3A_346 = arith.addi %mul3A_327, %select_n3A : i32
        %mul3A_347 = arith.constant 1920 : i32
        %mul3A_348 = arith.muli %add3A_346, %mul3A_347 : i32
        %add3A_349 = arith.addi %mul3A_325, %mul3A_348 : i32
        %jit3A_350 = arith.constant 3 : i32
        %eq3A = arith.constant 0 : i32
        %eq3A_351 = arith.cmpi eq, %jit3A_350, %eq3A : i32
        %jit3A_352 = arith.constant 1 : i32
        %select_n3A_353 = arith.select %eq3A_351, %jit3A_352, %jit3A_350 : i32
        %rem3A_354 = arith.remsi %add3A_322, %select_n3A_353 : i32
        %ne3A_355 = arith.constant 0 : i32
        %ne3A_356 = arith.cmpi ne, %rem3A_354, %ne3A_355 : i32
        %lt3A_357 = arith.constant 0 : i32
        %lt3A_358 = arith.cmpi slt, %rem3A_354, %lt3A_357 : i32
        %lt3A_359 = arith.constant 0 : i32
        %lt3A_360 = arith.cmpi slt, %select_n3A_353, %lt3A_359 : i32
        %ne3A_361 = arith.xori %lt3A_358, %lt3A_360 : i1
        %and3A_362 = arith.andi %ne3A_361, %ne3A_356 : i1
        %add3A_363 = arith.addi %rem3A_354, %select_n3A_353 : i32
        %select_n3A_364 = arith.select %and3A_362, %add3A_363, %rem3A_354 : i32
        %mul3A_365 = arith.constant 640 : i32
        %mul3A_366 = arith.muli %select_n3A_364, %mul3A_365 : i32
        %add3A_367 = arith.addi %add3A_349, %mul3A_366 : i32
        %dma_start3A_368 = arith.constant 0 : i32
        %dma_start3A_369 = tpu.memref_slice %arg11[%sub3A_323, %dma_start3A_368] : memref<2x640xi32, #tpu.memory_space<vmem>> -> memref<1x640xi32, #tpu.memory_space<vmem>>
        %dma_start3A_370 = tpu.memref_squeeze %dma_start3A_369 : memref<1x640xi32, #tpu.memory_space<vmem>> -> memref<640xi32, #tpu.memory_space<vmem>>
        %dma_start3A_371 = tpu.memref_slice %arg2[%add3A_367] : memref<3932160xi32, #tpu.memory_space<hbm>> -> memref<640xi32, #tpu.memory_space<hbm>>
        %dma_start3A_372 = arith.constant 0 : i32
        %dma_start3A_373 = tpu.memref_slice %arg11[%sub3A_323, %dma_start3A_372] : memref<2x640xi32, #tpu.memory_space<vmem>> -> memref<1x640xi32, #tpu.memory_space<vmem>>
        %dma_start3A_374 = tpu.memref_squeeze %dma_start3A_373 : memref<1x640xi32, #tpu.memory_space<vmem>> -> memref<640xi32, #tpu.memory_space<vmem>>
        %dma_start3A_375 = tpu.memref_slice %arg2[%add3A_367] : memref<3932160xi32, #tpu.memory_space<hbm>> -> memref<640xi32, #tpu.memory_space<hbm>>
        tpu.enqueue_dma source(%dma_start3A_375 : memref<640xi32, #tpu.memory_space<hbm>>) target(%dma_start3A_374 : memref<640xi32, #tpu.memory_space<vmem>>) target_semaphore(%arg14 : memref<!tpu.dma_semaphore, #tpu.memory_space<semaphore_mem>>)
        %dma_start3A_376 = arith.constant 0 : i32
        %dma_start3A_377 = tpu.memref_slice %arg12[%sub3A_323, %dma_start3A_376] : memref<2x640xf32, #tpu.memory_space<vmem>> -> memref<1x640xf32, #tpu.memory_space<vmem>>
        %dma_start3A_378 = tpu.memref_squeeze %dma_start3A_377 : memref<1x640xf32, #tpu.memory_space<vmem>> -> memref<640xf32, #tpu.memory_space<vmem>>
        %dma_start3A_379 = tpu.memref_slice %arg4[%add3A_367] : memref<3932160xf32, #tpu.memory_space<hbm>> -> memref<640xf32, #tpu.memory_space<hbm>>
        %dma_start3A_380 = arith.constant 0 : i32
        %dma_start3A_381 = tpu.memref_slice %arg12[%sub3A_323, %dma_start3A_380] : memref<2x640xf32, #tpu.memory_space<vmem>> -> memref<1x640xf32, #tpu.memory_space<vmem>>
        %dma_start3A_382 = tpu.memref_squeeze %dma_start3A_381 : memref<1x640xf32, #tpu.memory_space<vmem>> -> memref<640xf32, #tpu.memory_space<vmem>>
        %dma_start3A_383 = tpu.memref_slice %arg4[%add3A_367] : memref<3932160xf32, #tpu.memory_space<hbm>> -> memref<640xf32, #tpu.memory_space<hbm>>
        tpu.enqueue_dma source(%dma_start3A_383 : memref<640xf32, #tpu.memory_space<hbm>>) target(%dma_start3A_382 : memref<640xf32, #tpu.memory_space<vmem>>) target_semaphore(%arg14 : memref<!tpu.dma_semaphore, #tpu.memory_space<semaphore_mem>>)
      } else {
      }
      %scan3A_315 = arith.constant 0 : i32
      %scan3A_316 = arith.constant 0 : i32
      %scan3A_317 = arith.constant 5 : i32
      %scan3A_318 = arith.addi %scan3A_316, %scan3A_317 : i32
      %scan3A_319 = arith.constant 1 : i32
      scf.for %scan3A_321 = %scan3A_316 to %scan3A_318 step %scan3A_319  : i32 {
        %mul3A_322 = arith.constant 128 : i32
        %mul3A_323 = arith.muli %scan3A_321, %mul3A_322 : i32
        %add3A_324 = arith.addi %mul3A_300, %scan3A_321 : i32
        %dma_start3A_325 = arith.constant 0 : i32
        %dma_start3A_326 = tpu.memref_slice %arg12[%rem3A_276, %dma_start3A_325] : memref<2x640xf32, #tpu.memory_space<vmem>> -> memref<1x640xf32, #tpu.memory_space<vmem>>
        %dma_start3A_327 = tpu.memref_squeeze %dma_start3A_326 : memref<1x640xf32, #tpu.memory_space<vmem>> -> memref<640xf32, #tpu.memory_space<vmem>>
        %dma_start3A_328 = tpu.memref_slice %dma_start3A_327[%mul3A_323] : memref<640xf32, #tpu.memory_space<vmem>> -> memref<128xf32, #tpu.memory_space<vmem>>
        %dma_start3A_329 = arith.constant 0 : i32
        %dma_start3A_330 = tpu.memref_slice %arg13[%add3A_324, %dma_start3A_329] : memref<40x128xi32, #tpu.memory_space<vmem>> -> memref<1x128xi32, #tpu.memory_space<vmem>>
        %dma_start3A_331 = tpu.memref_squeeze %dma_start3A_330 : memref<1x128xi32, #tpu.memory_space<vmem>> -> memref<128xi32, #tpu.memory_space<vmem>>
        %dma_start3A_332 = arith.constant 0 : i32
        %dma_start3A_333 = tpu.memref_slice %arg10[%dma_start3A_332] : memref<1966080xf32, #tpu.memory_space<vmem_shared>> -> memref<1966080xf32, #tpu.memory_space<vmem_shared>>
        tpu.enqueue_indirect_dma source(%dma_start3A_328 : memref<128xf32, #tpu.memory_space<vmem>>) target(%dma_start3A_333 : memref<1966080xf32, #tpu.memory_space<vmem_shared>>) offsets(%dma_start3A_331 : memref<128xi32, #tpu.memory_space<vmem>>) semaphore(%arg15 : memref<!tpu.dma_semaphore, #tpu.memory_space<semaphore_mem>>) {add = true}
        %add3A_334 = arith.constant 5 : i32
        %add3A_335 = arith.addi %add3A_334, %add3A_324 : i32
        %dma_start3A_336 = arith.constant 0 : i32
        %dma_start3A_337 = tpu.memref_slice %arg12[%rem3A_276, %dma_start3A_336] : memref<2x640xf32, #tpu.memory_space<vmem>> -> memref<1x640xf32, #tpu.memory_space<vmem>>
        %dma_start3A_338 = tpu.memref_squeeze %dma_start3A_337 : memref<1x640xf32, #tpu.memory_space<vmem>> -> memref<640xf32, #tpu.memory_space<vmem>>
        %dma_start3A_339 = tpu.memref_slice %dma_start3A_338[%mul3A_323] : memref<640xf32, #tpu.memory_space<vmem>> -> memref<128xf32, #tpu.memory_space<vmem>>
        %dma_start3A_340 = arith.constant 0 : i32
        %dma_start3A_341 = tpu.memref_slice %arg13[%add3A_335, %dma_start3A_340] : memref<40x128xi32, #tpu.memory_space<vmem>> -> memref<1x128xi32, #tpu.memory_space<vmem>>
        %dma_start3A_342 = tpu.memref_squeeze %dma_start3A_341 : memref<1x128xi32, #tpu.memory_space<vmem>> -> memref<128xi32, #tpu.memory_space<vmem>>
        %dma_start3A_343 = arith.constant 0 : i32
        %dma_start3A_344 = tpu.memref_slice %arg10[%dma_start3A_343] : memref<1966080xf32, #tpu.memory_space<vmem_shared>> -> memref<1966080xf32, #tpu.memory_space<vmem_shared>>
        tpu.enqueue_indirect_dma source(%dma_start3A_339 : memref<128xf32, #tpu.memory_space<vmem>>) target(%dma_start3A_344 : memref<1966080xf32, #tpu.memory_space<vmem_shared>>) offsets(%dma_start3A_342 : memref<128xi32, #tpu.memory_space<vmem>>) semaphore(%arg15 : memref<!tpu.dma_semaphore, #tpu.memory_space<semaphore_mem>>) {add = true}
        %add3A_345 = arith.constant 10 : i32
        %add3A_346 = arith.addi %add3A_345, %add3A_324 : i32
        %dma_start3A_347 = arith.constant 0 : i32
        %dma_start3A_348 = tpu.memref_slice %arg12[%rem3A_276, %dma_start3A_347] : memref<2x640xf32, #tpu.memory_space<vmem>> -> memref<1x640xf32, #tpu.memory_space<vmem>>
        %dma_start3A_349 = tpu.memref_squeeze %dma_start3A_348 : memref<1x640xf32, #tpu.memory_space<vmem>> -> memref<640xf32, #tpu.memory_space<vmem>>
        %dma_start3A_350 = tpu.memref_slice %dma_start3A_349[%mul3A_323] : memref<640xf32, #tpu.memory_space<vmem>> -> memref<128xf32, #tpu.memory_space<vmem>>
        %dma_start3A_351 = arith.constant 0 : i32
        %dma_start3A_352 = tpu.memref_slice %arg13[%add3A_346, %dma_start3A_351] : memref<40x128xi32, #tpu.memory_space<vmem>> -> memref<1x128xi32, #tpu.memory_space<vmem>>
        %dma_start3A_353 = tpu.memref_squeeze %dma_start3A_352 : memref<1x128xi32, #tpu.memory_space<vmem>> -> memref<128xi32, #tpu.memory_space<vmem>>
        %dma_start3A_354 = arith.constant 0 : i32
        %dma_start3A_355 = tpu.memref_slice %arg10[%dma_start3A_354] : memref<1966080xf32, #tpu.memory_space<vmem_shared>> -> memref<1966080xf32, #tpu.memory_space<vmem_shared>>
        tpu.enqueue_indirect_dma source(%dma_start3A_350 : memref<128xf32, #tpu.memory_space<vmem>>) target(%dma_start3A_355 : memref<1966080xf32, #tpu.memory_space<vmem_shared>>) offsets(%dma_start3A_353 : memref<128xi32, #tpu.memory_space<vmem>>) semaphore(%arg15 : memref<!tpu.dma_semaphore, #tpu.memory_space<semaphore_mem>>) {add = true}
        %add3A_356 = arith.constant 15 : i32
        %add3A_357 = arith.addi %add3A_356, %add3A_324 : i32
        %dma_start3A_358 = arith.constant 0 : i32
        %dma_start3A_359 = tpu.memref_slice %arg12[%rem3A_276, %dma_start3A_358] : memref<2x640xf32, #tpu.memory_space<vmem>> -> memref<1x640xf32, #tpu.memory_space<vmem>>
        %dma_start3A_360 = tpu.memref_squeeze %dma_start3A_359 : memref<1x640xf32, #tpu.memory_space<vmem>> -> memref<640xf32, #tpu.memory_space<vmem>>
        %dma_start3A_361 = tpu.memref_slice %dma_start3A_360[%mul3A_323] : memref<640xf32, #tpu.memory_space<vmem>> -> memref<128xf32, #tpu.memory_space<vmem>>
        %dma_start3A_362 = arith.constant 0 : i32
        %dma_start3A_363 = tpu.memref_slice %arg13[%add3A_357, %dma_start3A_362] : memref<40x128xi32, #tpu.memory_space<vmem>> -> memref<1x128xi32, #tpu.memory_space<vmem>>
        %dma_start3A_364 = tpu.memref_squeeze %dma_start3A_363 : memref<1x128xi32, #tpu.memory_space<vmem>> -> memref<128xi32, #tpu.memory_space<vmem>>
        %dma_start3A_365 = arith.constant 0 : i32
        %dma_start3A_366 = tpu.memref_slice %arg10[%dma_start3A_365] : memref<1966080xf32, #tpu.memory_space<vmem_shared>> -> memref<1966080xf32, #tpu.memory_space<vmem_shared>>
        tpu.enqueue_indirect_dma source(%dma_start3A_361 : memref<128xf32, #tpu.memory_space<vmem>>) target(%dma_start3A_366 : memref<1966080xf32, #tpu.memory_space<vmem_shared>>) offsets(%dma_start3A_364 : memref<128xi32, #tpu.memory_space<vmem>>) semaphore(%arg15 : memref<!tpu.dma_semaphore, #tpu.memory_space<semaphore_mem>>) {add = true}
      }
      %scan3A_320 = arith.constant 5 : i32
    }
    %scan3A_130 = arith.constant 192 : i32
    %dma_wait3A_131 = arith.constant 0 : i32
    %dma_wait3A_132 = arith.constant 0 : i32
    %dma_wait3A_133 = tpu.memref_slice %arg12[%dma_wait3A_131, %dma_wait3A_132] : memref<2x640xf32, #tpu.memory_space<vmem>> -> memref<1x640xf32, #tpu.memory_space<vmem>>
    %dma_wait3A_134 = tpu.memref_squeeze %dma_wait3A_133 : memref<1x640xf32, #tpu.memory_space<vmem>> -> memref<640xf32, #tpu.memory_space<vmem>>
    %dma_wait3A_135 = arith.constant 0 : i32
    %dma_wait3A_136 = tpu.memref_slice %arg6[%dma_wait3A_135] : memref<15360xf32, #tpu.memory_space<hbm>> -> memref<640xf32, #tpu.memory_space<hbm>>
    %dma_wait3A_137 = arith.constant 0 : i32
    %dma_wait3A_138 = tpu.memref_slice %arg12[%dma_wait3A_131, %dma_wait3A_137] : memref<2x640xf32, #tpu.memory_space<vmem>> -> memref<1x640xf32, #tpu.memory_space<vmem>>
    %dma_wait3A_139 = tpu.memref_squeeze %dma_wait3A_138 : memref<1x640xf32, #tpu.memory_space<vmem>> -> memref<640xf32, #tpu.memory_space<vmem>>
    %dma_wait3A_140 = arith.constant 0 : i32
    %dma_wait3A_141 = tpu.memref_slice %arg6[%dma_wait3A_140] : memref<15360xf32, #tpu.memory_space<hbm>> -> memref<640xf32, #tpu.memory_space<hbm>>
    tpu.wait_dma2 semaphore(%arg15 : memref<!tpu.dma_semaphore, #tpu.memory_space<semaphore_mem>>) src(%dma_wait3A_141 : memref<640xf32, #tpu.memory_space<hbm>>) dst(%dma_wait3A_139 : memref<640xf32, #tpu.memory_space<vmem>>)
    %dma_wait3A_142 = arith.constant 0 : i32
    %dma_wait3A_143 = arith.constant 0 : i32
    %dma_wait3A_144 = tpu.memref_slice %arg12[%dma_wait3A_142, %dma_wait3A_143] : memref<2x640xf32, #tpu.memory_space<vmem>> -> memref<1x640xf32, #tpu.memory_space<vmem>>
    %dma_wait3A_145 = tpu.memref_squeeze %dma_wait3A_144 : memref<1x640xf32, #tpu.memory_space<vmem>> -> memref<640xf32, #tpu.memory_space<vmem>>
    %dma_wait3A_146 = arith.constant 0 : i32
    %dma_wait3A_147 = tpu.memref_slice %arg6[%dma_wait3A_146] : memref<15360xf32, #tpu.memory_space<hbm>> -> memref<640xf32, #tpu.memory_space<hbm>>
    %dma_wait3A_148 = arith.constant 0 : i32
    %dma_wait3A_149 = tpu.memref_slice %arg12[%dma_wait3A_142, %dma_wait3A_148] : memref<2x640xf32, #tpu.memory_space<vmem>> -> memref<1x640xf32, #tpu.memory_space<vmem>>
    %dma_wait3A_150 = tpu.memref_squeeze %dma_wait3A_149 : memref<1x640xf32, #tpu.memory_space<vmem>> -> memref<640xf32, #tpu.memory_space<vmem>>
    %dma_wait3A_151 = arith.constant 0 : i32
    %dma_wait3A_152 = tpu.memref_slice %arg6[%dma_wait3A_151] : memref<15360xf32, #tpu.memory_space<hbm>> -> memref<640xf32, #tpu.memory_space<hbm>>
    tpu.wait_dma2 semaphore(%arg15 : memref<!tpu.dma_semaphore, #tpu.memory_space<semaphore_mem>>) src(%dma_wait3A_152 : memref<640xf32, #tpu.memory_space<hbm>>) dst(%dma_wait3A_150 : memref<640xf32, #tpu.memory_space<vmem>>)
    %dma_wait3A_153 = arith.constant 0 : i32
    %dma_wait3A_154 = arith.constant 0 : i32
    %dma_wait3A_155 = tpu.memref_slice %arg12[%dma_wait3A_153, %dma_wait3A_154] : memref<2x640xf32, #tpu.memory_space<vmem>> -> memref<1x640xf32, #tpu.memory_space<vmem>>
    %dma_wait3A_156 = tpu.memref_squeeze %dma_wait3A_155 : memref<1x640xf32, #tpu.memory_space<vmem>> -> memref<640xf32, #tpu.memory_space<vmem>>
    %dma_wait3A_157 = arith.constant 0 : i32
    %dma_wait3A_158 = tpu.memref_slice %arg6[%dma_wait3A_157] : memref<15360xf32, #tpu.memory_space<hbm>> -> memref<640xf32, #tpu.memory_space<hbm>>
    %dma_wait3A_159 = arith.constant 0 : i32
    %dma_wait3A_160 = tpu.memref_slice %arg12[%dma_wait3A_153, %dma_wait3A_159] : memref<2x640xf32, #tpu.memory_space<vmem>> -> memref<1x640xf32, #tpu.memory_space<vmem>>
    %dma_wait3A_161 = tpu.memref_squeeze %dma_wait3A_160 : memref<1x640xf32, #tpu.memory_space<vmem>> -> memref<640xf32, #tpu.memory_space<vmem>>
    %dma_wait3A_162 = arith.constant 0 : i32
    %dma_wait3A_163 = tpu.memref_slice %arg6[%dma_wait3A_162] : memref<15360xf32, #tpu.memory_space<hbm>> -> memref<640xf32, #tpu.memory_space<hbm>>
    tpu.wait_dma2 semaphore(%arg15 : memref<!tpu.dma_semaphore, #tpu.memory_space<semaphore_mem>>) src(%dma_wait3A_163 : memref<640xf32, #tpu.memory_space<hbm>>) dst(%dma_wait3A_161 : memref<640xf32, #tpu.memory_space<vmem>>)
    %dma_wait3A_164 = arith.constant 0 : i32
    %dma_wait3A_165 = arith.constant 0 : i32
    %dma_wait3A_166 = tpu.memref_slice %arg12[%dma_wait3A_164, %dma_wait3A_165] : memref<2x640xf32, #tpu.memory_space<vmem>> -> memref<1x640xf32, #tpu.memory_space<vmem>>
    %dma_wait3A_167 = tpu.memref_squeeze %dma_wait3A_166 : memref<1x640xf32, #tpu.memory_space<vmem>> -> memref<640xf32, #tpu.memory_space<vmem>>
    %dma_wait3A_168 = arith.constant 0 : i32
    %dma_wait3A_169 = tpu.memref_slice %arg6[%dma_wait3A_168] : memref<15360xf32, #tpu.memory_space<hbm>> -> memref<640xf32, #tpu.memory_space<hbm>>
    %dma_wait3A_170 = arith.constant 0 : i32
    %dma_wait3A_171 = tpu.memref_slice %arg12[%dma_wait3A_164, %dma_wait3A_170] : memref<2x640xf32, #tpu.memory_space<vmem>> -> memref<1x640xf32, #tpu.memory_space<vmem>>
    %dma_wait3A_172 = tpu.memref_squeeze %dma_wait3A_171 : memref<1x640xf32, #tpu.memory_space<vmem>> -> memref<640xf32, #tpu.memory_space<vmem>>
    %dma_wait3A_173 = arith.constant 0 : i32
    %dma_wait3A_174 = tpu.memref_slice %arg6[%dma_wait3A_173] : memref<15360xf32, #tpu.memory_space<hbm>> -> memref<640xf32, #tpu.memory_space<hbm>>
    tpu.wait_dma2 semaphore(%arg15 : memref<!tpu.dma_semaphore, #tpu.memory_space<semaphore_mem>>) src(%dma_wait3A_174 : memref<640xf32, #tpu.memory_space<hbm>>) dst(%dma_wait3A_172 : memref<640xf32, #tpu.memory_space<vmem>>)
    %barrier3A_175 = arith.constant 0 : index
    tpu.barrier barrier_id(%barrier3A_175)
    %scan3A_176 = arith.constant 0 : i32
    %scan3A_177 = arith.constant 0 : i32
    %scan3A_178 = arith.constant 8 : i32
    %scan3A_179 = arith.addi %scan3A_177, %scan3A_178 : i32
    %scan3A_180 = arith.constant 1 : i32
    scf.for %scan3A_275 = %scan3A_177 to %scan3A_179 step %scan3A_180  : i32 {
      %mul3A_276 = arith.constant 15360 : i32
      %mul3A_277 = arith.muli %scan3A_275, %mul3A_276 : i32
      %add3A_278 = arith.addi %mul3A_0, %mul3A_277 : i32
      %mul3A_279 = arith.constant 1966080 : i32
      %mul3A_280 = arith.muli %arg0, %mul3A_279 : i32
      %add3A_281 = arith.addi %mul3A_280, %mul3A_0 : i32
      %mul3A_282 = arith.constant 15360 : i32
      %mul3A_283 = arith.muli %scan3A_275, %mul3A_282 : i32
      %add3A_284 = arith.addi %add3A_281, %mul3A_283 : i32
      "tpu.region"() ({
        %run_scoped3A = tpu.sem_alloc : memref<!tpu.dma_semaphore, #tpu.memory_space<semaphore_mem>>
        %dma_start3A_285 = tpu.memref_slice %arg8[%add3A_284] : memref<3932160xf32, #tpu.memory_space<hbm>> -> memref<15360xf32, #tpu.memory_space<hbm>>
        %dma_start3A_286 = tpu.memref_slice %arg10[%add3A_278] : memref<1966080xf32, #tpu.memory_space<vmem_shared>> -> memref<15360xf32, #tpu.memory_space<vmem_shared>>
        tpu.enqueue_dma source(%dma_start3A_286 : memref<15360xf32, #tpu.memory_space<vmem_shared>>) target(%dma_start3A_285 : memref<15360xf32, #tpu.memory_space<hbm>>) target_semaphore(%run_scoped3A : memref<!tpu.dma_semaphore, #tpu.memory_space<semaphore_mem>>)
        %dma_wait3A_287 = tpu.memref_slice %arg8[%add3A_284] : memref<3932160xf32, #tpu.memory_space<hbm>> -> memref<15360xf32, #tpu.memory_space<hbm>>
        %dma_wait3A_288 = tpu.memref_slice %arg10[%add3A_278] : memref<1966080xf32, #tpu.memory_space<vmem_shared>> -> memref<15360xf32, #tpu.memory_space<vmem_shared>>
        tpu.wait_dma2 semaphore(%run_scoped3A : memref<!tpu.dma_semaphore, #tpu.memory_space<semaphore_mem>>) src(%dma_wait3A_288 : memref<15360xf32, #tpu.memory_space<vmem_shared>>) dst(%dma_wait3A_287 : memref<15360xf32, #tpu.memory_space<hbm>>)
        tpu.yield
      }) : () -> ()
    }
    %scan3A_181 = arith.constant 8 : i32
    %scan3A_182 = arith.constant 0 : i32
    %scan3A_183 = arith.constant 0 : i32
    %scan3A_184 = arith.constant 8 : i32
    %scan3A_185 = arith.addi %scan3A_183, %scan3A_184 : i32
    %scan3A_186 = arith.constant 1 : i32
    scf.for %scan3A_275 = %scan3A_183 to %scan3A_185 step %scan3A_186  : i32 {
      %mul3A_276 = arith.constant 15360 : i32
      %mul3A_277 = arith.muli %scan3A_275, %mul3A_276 : i32
      %add3A_278 = arith.addi %mul3A_0, %mul3A_277 : i32
      "tpu.region"() ({
        %run_scoped3A = tpu.sem_alloc : memref<!tpu.dma_semaphore, #tpu.memory_space<semaphore_mem>>
        %dma_start3A_279 = tpu.memref_slice %arg10[%add3A_278] : memref<1966080xf32, #tpu.memory_space<vmem_shared>> -> memref<15360xf32, #tpu.memory_space<vmem_shared>>
        tpu.enqueue_dma source(%arg6 : memref<15360xf32, #tpu.memory_space<hbm>>) target(%dma_start3A_279 : memref<15360xf32, #tpu.memory_space<vmem_shared>>) target_semaphore(%run_scoped3A : memref<!tpu.dma_semaphore, #tpu.memory_space<semaphore_mem>>)
        %dma_wait3A_280 = tpu.memref_slice %arg10[%add3A_278] : memref<1966080xf32, #tpu.memory_space<vmem_shared>> -> memref<15360xf32, #tpu.memory_space<vmem_shared>>
        tpu.wait_dma2 semaphore(%run_scoped3A : memref<!tpu.dma_semaphore, #tpu.memory_space<semaphore_mem>>) src(%arg6 : memref<15360xf32, #tpu.memory_space<hbm>>) dst(%dma_wait3A_280 : memref<15360xf32, #tpu.memory_space<vmem_shared>>)
        tpu.yield
      }) : () -> ()
    }
    %scan3A_187 = arith.constant 8 : i32
    %barrier3A_188 = arith.constant 0 : index
    tpu.barrier barrier_id(%barrier3A_188)
    %mul3A_189 = arith.constant 1966080 : i32
    %mul3A_190 = arith.muli %arg0, %mul3A_189 : i32
    %mul3A_191 = arith.constant 64 : i32
    %mul3A_192 = arith.muli %arg1, %mul3A_191 : i32
    %add3A_193 = arith.constant 0 : i32
    %add3A_194 = arith.addi %mul3A_192, %add3A_193 : i32
    %mul3A_195 = arith.constant 1920 : i32
    %mul3A_196 = arith.muli %add3A_194, %mul3A_195 : i32
    %add3A_197 = arith.addi %mul3A_190, %mul3A_196 : i32
    %add3A_198 = arith.constant 0 : i32
    %add3A_199 = arith.addi %add3A_197, %add3A_198 : i32
    %dma_start3A_200 = arith.constant 0 : i32
    %dma_start3A_201 = arith.constant 0 : i32
    %dma_start3A_202 = tpu.memref_slice %arg11[%dma_start3A_200, %dma_start3A_201] : memref<2x640xi32, #tpu.memory_space<vmem>> -> memref<1x640xi32, #tpu.memory_space<vmem>>
    %dma_start3A_203 = tpu.memref_squeeze %dma_start3A_202 : memref<1x640xi32, #tpu.memory_space<vmem>> -> memref<640xi32, #tpu.memory_space<vmem>>
    %dma_start3A_204 = tpu.memref_slice %arg2[%add3A_199] : memref<3932160xi32, #tpu.memory_space<hbm>> -> memref<640xi32, #tpu.memory_space<hbm>>
    %dma_start3A_205 = arith.constant 0 : i32
    %dma_start3A_206 = tpu.memref_slice %arg11[%dma_start3A_200, %dma_start3A_205] : memref<2x640xi32, #tpu.memory_space<vmem>> -> memref<1x640xi32, #tpu.memory_space<vmem>>
    %dma_start3A_207 = tpu.memref_squeeze %dma_start3A_206 : memref<1x640xi32, #tpu.memory_space<vmem>> -> memref<640xi32, #tpu.memory_space<vmem>>
    %dma_start3A_208 = tpu.memref_slice %arg2[%add3A_199] : memref<3932160xi32, #tpu.memory_space<hbm>> -> memref<640xi32, #tpu.memory_space<hbm>>
    tpu.enqueue_dma source(%dma_start3A_208 : memref<640xi32, #tpu.memory_space<hbm>>) target(%dma_start3A_207 : memref<640xi32, #tpu.memory_space<vmem>>) target_semaphore(%arg14 : memref<!tpu.dma_semaphore, #tpu.memory_space<semaphore_mem>>)
    %dma_start3A_209 = arith.constant 0 : i32
    %dma_start3A_210 = arith.constant 0 : i32
    %dma_start3A_211 = tpu.memref_slice %arg12[%dma_start3A_209, %dma_start3A_210] : memref<2x640xf32, #tpu.memory_space<vmem>> -> memref<1x640xf32, #tpu.memory_space<vmem>>
    %dma_start3A_212 = tpu.memref_squeeze %dma_start3A_211 : memref<1x640xf32, #tpu.memory_space<vmem>> -> memref<640xf32, #tpu.memory_space<vmem>>
    %dma_start3A_213 = tpu.memref_slice %arg5[%add3A_199] : memref<3932160xf32, #tpu.memory_space<hbm>> -> memref<640xf32, #tpu.memory_space<hbm>>
    %dma_start3A_214 = arith.constant 0 : i32
    %dma_start3A_215 = tpu.memref_slice %arg12[%dma_start3A_209, %dma_start3A_214] : memref<2x640xf32, #tpu.memory_space<vmem>> -> memref<1x640xf32, #tpu.memory_space<vmem>>
    %dma_start3A_216 = tpu.memref_squeeze %dma_start3A_215 : memref<1x640xf32, #tpu.memory_space<vmem>> -> memref<640xf32, #tpu.memory_space<vmem>>
    %dma_start3A_217 = tpu.memref_slice %arg5[%add3A_199] : memref<3932160xf32, #tpu.memory_space<hbm>> -> memref<640xf32, #tpu.memory_space<hbm>>
    tpu.enqueue_dma source(%dma_start3A_217 : memref<640xf32, #tpu.memory_space<hbm>>) target(%dma_start3A_216 : memref<640xf32, #tpu.memory_space<vmem>>) target_semaphore(%arg14 : memref<!tpu.dma_semaphore, #tpu.memory_space<semaphore_mem>>)
    %scan3A_218 = arith.constant 0 : i32
    %scan3A_219 = arith.constant 0 : i32
    %scan3A_220 = arith.constant 192 : i32
    %scan3A_221 = arith.addi %scan3A_219, %scan3A_220 : i32
    %scan3A_222 = arith.constant 1 : i32
    scf.for %scan3A_275 = %scan3A_219 to %scan3A_221 step %scan3A_222  : i32 {
      %rem3A = arith.constant 2 : i32
      %rem3A_276 = arith.remsi %scan3A_275, %rem3A : i32
      %dma_wait3A_277 = arith.constant 0 : i32
      %dma_wait3A_278 = tpu.memref_slice %arg11[%rem3A_276, %dma_wait3A_277] : memref<2x640xi32, #tpu.memory_space<vmem>> -> memref<1x640xi32, #tpu.memory_space<vmem>>
      %dma_wait3A_279 = tpu.memref_squeeze %dma_wait3A_278 : memref<1x640xi32, #tpu.memory_space<vmem>> -> memref<640xi32, #tpu.memory_space<vmem>>
      %dma_wait3A_280 = arith.constant 0 : i32
      %dma_wait3A_281 = tpu.memref_slice %arg2[%dma_wait3A_280] : memref<3932160xi32, #tpu.memory_space<hbm>> -> memref<640xi32, #tpu.memory_space<hbm>>
      %dma_wait3A_282 = arith.constant 0 : i32
      %dma_wait3A_283 = tpu.memref_slice %arg11[%rem3A_276, %dma_wait3A_282] : memref<2x640xi32, #tpu.memory_space<vmem>> -> memref<1x640xi32, #tpu.memory_space<vmem>>
      %dma_wait3A_284 = tpu.memref_squeeze %dma_wait3A_283 : memref<1x640xi32, #tpu.memory_space<vmem>> -> memref<640xi32, #tpu.memory_space<vmem>>
      %dma_wait3A_285 = arith.constant 0 : i32
      %dma_wait3A_286 = tpu.memref_slice %arg2[%dma_wait3A_285] : memref<3932160xi32, #tpu.memory_space<hbm>> -> memref<640xi32, #tpu.memory_space<hbm>>
      tpu.wait_dma2 semaphore(%arg14 : memref<!tpu.dma_semaphore, #tpu.memory_space<semaphore_mem>>) src(%dma_wait3A_286 : memref<640xi32, #tpu.memory_space<hbm>>) dst(%dma_wait3A_284 : memref<640xi32, #tpu.memory_space<vmem>>)
      %dma_wait3A_287 = arith.constant 0 : i32
      %dma_wait3A_288 = tpu.memref_slice %arg12[%rem3A_276, %dma_wait3A_287] : memref<2x640xf32, #tpu.memory_space<vmem>> -> memref<1x640xf32, #tpu.memory_space<vmem>>
      %dma_wait3A_289 = tpu.memref_squeeze %dma_wait3A_288 : memref<1x640xf32, #tpu.memory_space<vmem>> -> memref<640xf32, #tpu.memory_space<vmem>>
      %dma_wait3A_290 = arith.constant 0 : i32
      %dma_wait3A_291 = tpu.memref_slice %arg3[%dma_wait3A_290] : memref<3932160xf32, #tpu.memory_space<hbm>> -> memref<640xf32, #tpu.memory_space<hbm>>
      %dma_wait3A_292 = arith.constant 0 : i32
      %dma_wait3A_293 = tpu.memref_slice %arg12[%rem3A_276, %dma_wait3A_292] : memref<2x640xf32, #tpu.memory_space<vmem>> -> memref<1x640xf32, #tpu.memory_space<vmem>>
      %dma_wait3A_294 = tpu.memref_squeeze %dma_wait3A_293 : memref<1x640xf32, #tpu.memory_space<vmem>> -> memref<640xf32, #tpu.memory_space<vmem>>
      %dma_wait3A_295 = arith.constant 0 : i32
      %dma_wait3A_296 = tpu.memref_slice %arg3[%dma_wait3A_295] : memref<3932160xf32, #tpu.memory_space<hbm>> -> memref<640xf32, #tpu.memory_space<hbm>>
      tpu.wait_dma2 semaphore(%arg14 : memref<!tpu.dma_semaphore, #tpu.memory_space<semaphore_mem>>) src(%dma_wait3A_296 : memref<640xf32, #tpu.memory_space<hbm>>) dst(%dma_wait3A_294 : memref<640xf32, #tpu.memory_space<vmem>>)
      %mul3A_297 = arith.constant 4 : i32
      %mul3A_298 = arith.muli %rem3A_276, %mul3A_297 : i32
      %mul3A_299 = arith.constant 5 : i32
      %mul3A_300 = arith.muli %mul3A_298, %mul3A_299 : i32
      %scan3A_301 = arith.constant 0 : i32
      %scan3A_302 = arith.constant 0 : i32
      %scan3A_303 = arith.constant 40 : i32
      %scan3A_304 = arith.addi %scan3A_302, %scan3A_303 : i32
      %scan3A_305 = arith.constant 1 : i32
      scf.for %scan3A_321 = %scan3A_302 to %scan3A_304 step %scan3A_305  : i32 {
        %mul3A_322 = arith.constant 16 : i32
        %mul3A_323 = arith.muli %scan3A_321, %mul3A_322 : i32
        %get3A = arith.constant 0 : i32
        %get3A_324 = tpu.memref_slice %arg11[%rem3A_276, %get3A] : memref<2x640xi32, #tpu.memory_space<vmem>> -> memref<1x640xi32, #tpu.memory_space<vmem>>
        %get3A_325 = tpu.memref_squeeze %get3A_324 : memref<1x640xi32, #tpu.memory_space<vmem>> -> memref<640xi32, #tpu.memory_space<vmem>>
        %get3A_326 = arith.index_cast %mul3A_323 : i32 to index
        %get3A_327 = tpu.vector_load %get3A_325[%get3A_326] {strides = array<i32>} : memref<640xi32, #tpu.memory_space<vmem>>, vector<16xi32>,
        %get3A_328 = vector.shape_cast %get3A_327 : vector<16xi32> to vector<16xi32>
        %shift_right_logical3A = arith.constant 2 : i32
        %shift_right_logical3A_329 = vector.broadcast %shift_right_logical3A : i32 to vector<16xi32>
        %shift_right_logical3A_330 = arith.shrui %get3A_328, %shift_right_logical3A_329 : vector<16xi32>
        %and3A = arith.constant 1 : i32
        %and3A_331 = vector.broadcast %and3A : i32 to vector<16xi32>
        %and3A_332 = arith.andi %get3A_328, %and3A_331 : vector<16xi32>
        %and3A_333 = arith.constant 2 : i32
        %and3A_334 = vector.broadcast %and3A_333 : i32 to vector<16xi32>
        %and3A_335 = arith.andi %get3A_328, %and3A_334 : vector<16xi32>
        %mul3A_336 = arith.constant 960 : i32
        %mul3A_337 = vector.broadcast %mul3A_336 : i32 to vector<16xi32>
        %mul3A_338 = arith.muli %and3A_335, %mul3A_337 : vector<16xi32>
        %add3A_339 = arith.addi %shift_right_logical3A_330, %mul3A_338 : vector<16xi32>
        %jit3A = arith.constant 8 : i32
        %div3A = arith.divsi %scan3A_321, %jit3A : i32
        %sign3A = arith.constant 0 : i32
        %sign3A_340 = arith.cmpi sgt, %scan3A_321, %sign3A : i32
        %sign3A_341 = arith.extui %sign3A_340 : i1 to i32
        %sign3A_342 = arith.constant 0 : i32
        %sign3A_343 = arith.cmpi slt, %scan3A_321, %sign3A_342 : i32
        %sign3A_344 = arith.extui %sign3A_343 : i1 to i32
        %sign3A_345 = arith.subi %sign3A_341, %sign3A_344 : i32
        %sign3A_346 = arith.constant 0 : i32
        %sign3A_347 = arith.cmpi sgt, %jit3A, %sign3A_346 : i32
        %sign3A_348 = arith.extui %sign3A_347 : i1 to i32
        %sign3A_349 = arith.constant 0 : i32
        %sign3A_350 = arith.cmpi slt, %jit3A, %sign3A_349 : i32
        %sign3A_351 = arith.extui %sign3A_350 : i1 to i32
        %sign3A_352 = arith.subi %sign3A_348, %sign3A_351 : i32
        %ne3A = arith.cmpi ne, %sign3A_345, %sign3A_352 : i32
        %rem3A_353 = arith.remsi %scan3A_321, %jit3A : i32
        %ne3A_354 = arith.constant 0 : i32
        %ne3A_355 = arith.cmpi ne, %rem3A_353, %ne3A_354 : i32
        %and3A_356 = arith.andi %ne3A, %ne3A_355 : i1
        %sub3A = arith.constant 1 : i32
        %sub3A_357 = arith.subi %div3A, %sub3A : i32
        %select_n3A = arith.select %and3A_356, %sub3A_357, %div3A : i32
        %add3A_358 = arith.addi %mul3A_300, %select_n3A : i32
        %jit3A_359 = arith.constant 8 : i32
        %eq3A = arith.constant 0 : i32
        %eq3A_360 = arith.cmpi eq, %jit3A_359, %eq3A : i32
        %jit3A_361 = arith.constant 1 : i32
        %select_n3A_362 = arith.select %eq3A_360, %jit3A_361, %jit3A_359 : i32
        %rem3A_363 = arith.remsi %scan3A_321, %select_n3A_362 : i32
        %ne3A_364 = arith.constant 0 : i32
        %ne3A_365 = arith.cmpi ne, %rem3A_363, %ne3A_364 : i32
        %lt3A_366 = arith.constant 0 : i32
        %lt3A_367 = arith.cmpi slt, %rem3A_363, %lt3A_366 : i32
        %lt3A_368 = arith.constant 0 : i32
        %lt3A_369 = arith.cmpi slt, %select_n3A_362, %lt3A_368 : i32
        %ne3A_370 = arith.xori %lt3A_367, %lt3A_369 : i1
        %and3A_371 = arith.andi %ne3A_370, %ne3A_365 : i1
        %add3A_372 = arith.addi %rem3A_363, %select_n3A_362 : i32
        %select_n3A_373 = arith.select %and3A_371, %add3A_372, %rem3A_363 : i32
        %mul3A_374 = arith.constant 16 : i32
        %mul3A_375 = arith.muli %select_n3A_373, %mul3A_374 : i32
        %swap3A = arith.index_cast %add3A_358 : i32 to index
        %swap3A_376 = arith.index_cast %mul3A_375 : i32 to index
        %swap3A_377 = tpu.vector_load %arg13[%swap3A, %swap3A_376] {strides = array<i32>} : memref<40x128xi32, #tpu.memory_space<vmem>>, vector<1x16xi32>,
        %swap3A_378 = vector.shape_cast %swap3A_377 : vector<1x16xi32> to vector<16xi32>
        %swap3A_379 = vector.shape_cast %shift_right_logical3A_330 : vector<16xi32> to vector<1x16xi32>
        tpu.vector_store %arg13[%swap3A, %swap3A_376], %swap3A_379 {strides = array<i32>} : memref<40x128xi32, #tpu.memory_space<vmem>>, vector<1x16xi32>,
        %add3A_380 = arith.addi %shift_right_logical3A_330, %and3A_332 : vector<16xi32>
        %add3A_381 = arith.constant 5 : i32
        %add3A_382 = arith.addi %add3A_381, %add3A_358 : i32
        %swap3A_383 = arith.index_cast %add3A_382 : i32 to index
        %swap3A_384 = arith.index_cast %mul3A_375 : i32 to index
        %swap3A_385 = tpu.vector_load %arg13[%swap3A_383, %swap3A_384] {strides = array<i32>} : memref<40x128xi32, #tpu.memory_space<vmem>>, vector<1x16xi32>,
        %swap3A_386 = vector.shape_cast %swap3A_385 : vector<1x16xi32> to vector<16xi32>
        %swap3A_387 = vector.shape_cast %add3A_380 : vector<16xi32> to vector<1x16xi32>
        tpu.vector_store %arg13[%swap3A_383, %swap3A_384], %swap3A_387 {strides = array<i32>} : memref<40x128xi32, #tpu.memory_space<vmem>>, vector<1x16xi32>,
        %add3A_388 = arith.constant 10 : i32
        %add3A_389 = arith.addi %add3A_388, %add3A_358 : i32
        %swap3A_390 = arith.index_cast %add3A_389 : i32 to index
        %swap3A_391 = arith.index_cast %mul3A_375 : i32 to index
        %swap3A_392 = tpu.vector_load %arg13[%swap3A_390, %swap3A_391] {strides = array<i32>} : memref<40x128xi32, #tpu.memory_space<vmem>>, vector<1x16xi32>,
        %swap3A_393 = vector.shape_cast %swap3A_392 : vector<1x16xi32> to vector<16xi32>
        %swap3A_394 = vector.shape_cast %add3A_339 : vector<16xi32> to vector<1x16xi32>
        tpu.vector_store %arg13[%swap3A_390, %swap3A_391], %swap3A_394 {strides = array<i32>} : memref<40x128xi32, #tpu.memory_space<vmem>>, vector<1x16xi32>,
        %add3A_395 = arith.addi %add3A_339, %and3A_332 : vector<16xi32>
        %add3A_396 = arith.constant 15 : i32
        %add3A_397 = arith.addi %add3A_396, %add3A_358 : i32
        %swap3A_398 = arith.index_cast %add3A_397 : i32 to index
        %swap3A_399 = arith.index_cast %mul3A_375 : i32 to index
        %swap3A_400 = tpu.vector_load %arg13[%swap3A_398, %swap3A_399] {strides = array<i32>} : memref<40x128xi32, #tpu.memory_space<vmem>>, vector<1x16xi32>,
        %swap3A_401 = vector.shape_cast %swap3A_400 : vector<1x16xi32> to vector<16xi32>
        %swap3A_402 = vector.shape_cast %add3A_395 : vector<16xi32> to vector<1x16xi32>
        tpu.vector_store %arg13[%swap3A_398, %swap3A_399], %swap3A_402 {strides = array<i32>} : memref<40x128xi32, #tpu.memory_space<vmem>>, vector<1x16xi32>,
      }
      %scan3A_306 = arith.constant 40 : i32
      %ge3A = arith.constant 1 : i32
      %ge3A_307 = arith.cmpi sge, %scan3A_275, %ge3A : i32
      %convert_element_type3A = arith.extui %ge3A_307 : i1 to i32
      %cond3A = arith.constant 0 : i32
      %cond3A_308 = arith.cmpi ne, %convert_element_type3A, %cond3A : i32
      scf.if %cond3A_308 {
        %dma_wait3A_321 = arith.constant 0 : i32
        %dma_wait3A_322 = arith.constant 0 : i32
        %dma_wait3A_323 = tpu.memref_slice %arg12[%dma_wait3A_321, %dma_wait3A_322] : memref<2x640xf32, #tpu.memory_space<vmem>> -> memref<1x640xf32, #tpu.memory_space<vmem>>
        %dma_wait3A_324 = tpu.memref_squeeze %dma_wait3A_323 : memref<1x640xf32, #tpu.memory_space<vmem>> -> memref<640xf32, #tpu.memory_space<vmem>>
        %dma_wait3A_325 = arith.constant 0 : i32
        %dma_wait3A_326 = tpu.memref_slice %arg6[%dma_wait3A_325] : memref<15360xf32, #tpu.memory_space<hbm>> -> memref<640xf32, #tpu.memory_space<hbm>>
        %dma_wait3A_327 = arith.constant 0 : i32
        %dma_wait3A_328 = tpu.memref_slice %arg12[%dma_wait3A_321, %dma_wait3A_327] : memref<2x640xf32, #tpu.memory_space<vmem>> -> memref<1x640xf32, #tpu.memory_space<vmem>>
        %dma_wait3A_329 = tpu.memref_squeeze %dma_wait3A_328 : memref<1x640xf32, #tpu.memory_space<vmem>> -> memref<640xf32, #tpu.memory_space<vmem>>
        %dma_wait3A_330 = arith.constant 0 : i32
        %dma_wait3A_331 = tpu.memref_slice %arg6[%dma_wait3A_330] : memref<15360xf32, #tpu.memory_space<hbm>> -> memref<640xf32, #tpu.memory_space<hbm>>
        tpu.wait_dma2 semaphore(%arg15 : memref<!tpu.dma_semaphore, #tpu.memory_space<semaphore_mem>>) src(%dma_wait3A_331 : memref<640xf32, #tpu.memory_space<hbm>>) dst(%dma_wait3A_329 : memref<640xf32, #tpu.memory_space<vmem>>)
        %dma_wait3A_332 = arith.constant 0 : i32
        %dma_wait3A_333 = arith.constant 0 : i32
        %dma_wait3A_334 = tpu.memref_slice %arg12[%dma_wait3A_332, %dma_wait3A_333] : memref<2x640xf32, #tpu.memory_space<vmem>> -> memref<1x640xf32, #tpu.memory_space<vmem>>
        %dma_wait3A_335 = tpu.memref_squeeze %dma_wait3A_334 : memref<1x640xf32, #tpu.memory_space<vmem>> -> memref<640xf32, #tpu.memory_space<vmem>>
        %dma_wait3A_336 = arith.constant 0 : i32
        %dma_wait3A_337 = tpu.memref_slice %arg6[%dma_wait3A_336] : memref<15360xf32, #tpu.memory_space<hbm>> -> memref<640xf32, #tpu.memory_space<hbm>>
        %dma_wait3A_338 = arith.constant 0 : i32
        %dma_wait3A_339 = tpu.memref_slice %arg12[%dma_wait3A_332, %dma_wait3A_338] : memref<2x640xf32, #tpu.memory_space<vmem>> -> memref<1x640xf32, #tpu.memory_space<vmem>>
        %dma_wait3A_340 = tpu.memref_squeeze %dma_wait3A_339 : memref<1x640xf32, #tpu.memory_space<vmem>> -> memref<640xf32, #tpu.memory_space<vmem>>
        %dma_wait3A_341 = arith.constant 0 : i32
        %dma_wait3A_342 = tpu.memref_slice %arg6[%dma_wait3A_341] : memref<15360xf32, #tpu.memory_space<hbm>> -> memref<640xf32, #tpu.memory_space<hbm>>
        tpu.wait_dma2 semaphore(%arg15 : memref<!tpu.dma_semaphore, #tpu.memory_space<semaphore_mem>>) src(%dma_wait3A_342 : memref<640xf32, #tpu.memory_space<hbm>>) dst(%dma_wait3A_340 : memref<640xf32, #tpu.memory_space<vmem>>)
        %dma_wait3A_343 = arith.constant 0 : i32
        %dma_wait3A_344 = arith.constant 0 : i32
        %dma_wait3A_345 = tpu.memref_slice %arg12[%dma_wait3A_343, %dma_wait3A_344] : memref<2x640xf32, #tpu.memory_space<vmem>> -> memref<1x640xf32, #tpu.memory_space<vmem>>
        %dma_wait3A_346 = tpu.memref_squeeze %dma_wait3A_345 : memref<1x640xf32, #tpu.memory_space<vmem>> -> memref<640xf32, #tpu.memory_space<vmem>>
        %dma_wait3A_347 = arith.constant 0 : i32
        %dma_wait3A_348 = tpu.memref_slice %arg6[%dma_wait3A_347] : memref<15360xf32, #tpu.memory_space<hbm>> -> memref<640xf32, #tpu.memory_space<hbm>>
        %dma_wait3A_349 = arith.constant 0 : i32
        %dma_wait3A_350 = tpu.memref_slice %arg12[%dma_wait3A_343, %dma_wait3A_349] : memref<2x640xf32, #tpu.memory_space<vmem>> -> memref<1x640xf32, #tpu.memory_space<vmem>>
        %dma_wait3A_351 = tpu.memref_squeeze %dma_wait3A_350 : memref<1x640xf32, #tpu.memory_space<vmem>> -> memref<640xf32, #tpu.memory_space<vmem>>
        %dma_wait3A_352 = arith.constant 0 : i32
        %dma_wait3A_353 = tpu.memref_slice %arg6[%dma_wait3A_352] : memref<15360xf32, #tpu.memory_space<hbm>> -> memref<640xf32, #tpu.memory_space<hbm>>
        tpu.wait_dma2 semaphore(%arg15 : memref<!tpu.dma_semaphore, #tpu.memory_space<semaphore_mem>>) src(%dma_wait3A_353 : memref<640xf32, #tpu.memory_space<hbm>>) dst(%dma_wait3A_351 : memref<640xf32, #tpu.memory_space<vmem>>)
        %dma_wait3A_354 = arith.constant 0 : i32
        %dma_wait3A_355 = arith.constant 0 : i32
        %dma_wait3A_356 = tpu.memref_slice %arg12[%dma_wait3A_354, %dma_wait3A_355] : memref<2x640xf32, #tpu.memory_space<vmem>> -> memref<1x640xf32, #tpu.memory_space<vmem>>
        %dma_wait3A_357 = tpu.memref_squeeze %dma_wait3A_356 : memref<1x640xf32, #tpu.memory_space<vmem>> -> memref<640xf32, #tpu.memory_space<vmem>>
        %dma_wait3A_358 = arith.constant 0 : i32
        %dma_wait3A_359 = tpu.memref_slice %arg6[%dma_wait3A_358] : memref<15360xf32, #tpu.memory_space<hbm>> -> memref<640xf32, #tpu.memory_space<hbm>>
        %dma_wait3A_360 = arith.constant 0 : i32
        %dma_wait3A_361 = tpu.memref_slice %arg12[%dma_wait3A_354, %dma_wait3A_360] : memref<2x640xf32, #tpu.memory_space<vmem>> -> memref<1x640xf32, #tpu.memory_space<vmem>>
        %dma_wait3A_362 = tpu.memref_squeeze %dma_wait3A_361 : memref<1x640xf32, #tpu.memory_space<vmem>> -> memref<640xf32, #tpu.memory_space<vmem>>
        %dma_wait3A_363 = arith.constant 0 : i32
        %dma_wait3A_364 = tpu.memref_slice %arg6[%dma_wait3A_363] : memref<15360xf32, #tpu.memory_space<hbm>> -> memref<640xf32, #tpu.memory_space<hbm>>
        tpu.wait_dma2 semaphore(%arg15 : memref<!tpu.dma_semaphore, #tpu.memory_space<semaphore_mem>>) src(%dma_wait3A_364 : memref<640xf32, #tpu.memory_space<hbm>>) dst(%dma_wait3A_362 : memref<640xf32, #tpu.memory_space<vmem>>)
      } else {
      }
      %add3A_309 = arith.constant 1 : i32
      %add3A_310 = arith.addi %scan3A_275, %add3A_309 : i32
      %lt3A = arith.constant 192 : i32
      %lt3A_311 = arith.cmpi slt, %add3A_310, %lt3A : i32
      %convert_element_type3A_312 = arith.extui %lt3A_311 : i1 to i32
      %cond3A_313 = arith.constant 0 : i32
      %cond3A_314 = arith.cmpi ne, %convert_element_type3A_312, %cond3A_313 : i32
      scf.if %cond3A_314 {
        %add3A_321 = arith.constant 1 : i32
        %add3A_322 = arith.addi %scan3A_275, %add3A_321 : i32
        %sub3A = arith.constant 1 : i32
        %sub3A_323 = arith.subi %sub3A, %rem3A_276 : i32
        %mul3A_324 = arith.constant 1966080 : i32
        %mul3A_325 = arith.muli %arg0, %mul3A_324 : i32
        %mul3A_326 = arith.constant 64 : i32
        %mul3A_327 = arith.muli %arg1, %mul3A_326 : i32
        %jit3A = arith.constant 3 : i32
        %div3A = arith.divsi %add3A_322, %jit3A : i32
        %sign3A = arith.constant 0 : i32
        %sign3A_328 = arith.cmpi sgt, %add3A_322, %sign3A : i32
        %sign3A_329 = arith.extui %sign3A_328 : i1 to i32
        %sign3A_330 = arith.constant 0 : i32
        %sign3A_331 = arith.cmpi slt, %add3A_322, %sign3A_330 : i32
        %sign3A_332 = arith.extui %sign3A_331 : i1 to i32
        %sign3A_333 = arith.subi %sign3A_329, %sign3A_332 : i32
        %sign3A_334 = arith.constant 0 : i32
        %sign3A_335 = arith.cmpi sgt, %jit3A, %sign3A_334 : i32
        %sign3A_336 = arith.extui %sign3A_335 : i1 to i32
        %sign3A_337 = arith.constant 0 : i32
        %sign3A_338 = arith.cmpi slt, %jit3A, %sign3A_337 : i32
        %sign3A_339 = arith.extui %sign3A_338 : i1 to i32
        %sign3A_340 = arith.subi %sign3A_336, %sign3A_339 : i32
        %ne3A = arith.cmpi ne, %sign3A_333, %sign3A_340 : i32
        %rem3A_341 = arith.remsi %add3A_322, %jit3A : i32
        %ne3A_342 = arith.constant 0 : i32
        %ne3A_343 = arith.cmpi ne, %rem3A_341, %ne3A_342 : i32
        %and3A = arith.andi %ne3A, %ne3A_343 : i1
        %sub3A_344 = arith.constant 1 : i32
        %sub3A_345 = arith.subi %div3A, %sub3A_344 : i32
        %select_n3A = arith.select %and3A, %sub3A_345, %div3A : i32
        %add3A_346 = arith.addi %mul3A_327, %select_n3A : i32
        %mul3A_347 = arith.constant 1920 : i32
        %mul3A_348 = arith.muli %add3A_346, %mul3A_347 : i32
        %add3A_349 = arith.addi %mul3A_325, %mul3A_348 : i32
        %jit3A_350 = arith.constant 3 : i32
        %eq3A = arith.constant 0 : i32
        %eq3A_351 = arith.cmpi eq, %jit3A_350, %eq3A : i32
        %jit3A_352 = arith.constant 1 : i32
        %select_n3A_353 = arith.select %eq3A_351, %jit3A_352, %jit3A_350 : i32
        %rem3A_354 = arith.remsi %add3A_322, %select_n3A_353 : i32
        %ne3A_355 = arith.constant 0 : i32
        %ne3A_356 = arith.cmpi ne, %rem3A_354, %ne3A_355 : i32
        %lt3A_357 = arith.constant 0 : i32
        %lt3A_358 = arith.cmpi slt, %rem3A_354, %lt3A_357 : i32
        %lt3A_359 = arith.constant 0 : i32
        %lt3A_360 = arith.cmpi slt, %select_n3A_353, %lt3A_359 : i32
        %ne3A_361 = arith.xori %lt3A_358, %lt3A_360 : i1
        %and3A_362 = arith.andi %ne3A_361, %ne3A_356 : i1
        %add3A_363 = arith.addi %rem3A_354, %select_n3A_353 : i32
        %select_n3A_364 = arith.select %and3A_362, %add3A_363, %rem3A_354 : i32
        %mul3A_365 = arith.constant 640 : i32
        %mul3A_366 = arith.muli %select_n3A_364, %mul3A_365 : i32
        %add3A_367 = arith.addi %add3A_349, %mul3A_366 : i32
        %dma_start3A_368 = arith.constant 0 : i32
        %dma_start3A_369 = tpu.memref_slice %arg11[%sub3A_323, %dma_start3A_368] : memref<2x640xi32, #tpu.memory_space<vmem>> -> memref<1x640xi32, #tpu.memory_space<vmem>>
        %dma_start3A_370 = tpu.memref_squeeze %dma_start3A_369 : memref<1x640xi32, #tpu.memory_space<vmem>> -> memref<640xi32, #tpu.memory_space<vmem>>
        %dma_start3A_371 = tpu.memref_slice %arg2[%add3A_367] : memref<3932160xi32, #tpu.memory_space<hbm>> -> memref<640xi32, #tpu.memory_space<hbm>>
        %dma_start3A_372 = arith.constant 0 : i32
        %dma_start3A_373 = tpu.memref_slice %arg11[%sub3A_323, %dma_start3A_372] : memref<2x640xi32, #tpu.memory_space<vmem>> -> memref<1x640xi32, #tpu.memory_space<vmem>>
        %dma_start3A_374 = tpu.memref_squeeze %dma_start3A_373 : memref<1x640xi32, #tpu.memory_space<vmem>> -> memref<640xi32, #tpu.memory_space<vmem>>
        %dma_start3A_375 = tpu.memref_slice %arg2[%add3A_367] : memref<3932160xi32, #tpu.memory_space<hbm>> -> memref<640xi32, #tpu.memory_space<hbm>>
        tpu.enqueue_dma source(%dma_start3A_375 : memref<640xi32, #tpu.memory_space<hbm>>) target(%dma_start3A_374 : memref<640xi32, #tpu.memory_space<vmem>>) target_semaphore(%arg14 : memref<!tpu.dma_semaphore, #tpu.memory_space<semaphore_mem>>)
        %dma_start3A_376 = arith.constant 0 : i32
        %dma_start3A_377 = tpu.memref_slice %arg12[%sub3A_323, %dma_start3A_376] : memref<2x640xf32, #tpu.memory_space<vmem>> -> memref<1x640xf32, #tpu.memory_space<vmem>>
        %dma_start3A_378 = tpu.memref_squeeze %dma_start3A_377 : memref<1x640xf32, #tpu.memory_space<vmem>> -> memref<640xf32, #tpu.memory_space<vmem>>
        %dma_start3A_379 = tpu.memref_slice %arg5[%add3A_367] : memref<3932160xf32, #tpu.memory_space<hbm>> -> memref<640xf32, #tpu.memory_space<hbm>>
        %dma_start3A_380 = arith.constant 0 : i32
        %dma_start3A_381 = tpu.memref_slice %arg12[%sub3A_323, %dma_start3A_380] : memref<2x640xf32, #tpu.memory_space<vmem>> -> memref<1x640xf32, #tpu.memory_space<vmem>>
        %dma_start3A_382 = tpu.memref_squeeze %dma_start3A_381 : memref<1x640xf32, #tpu.memory_space<vmem>> -> memref<640xf32, #tpu.memory_space<vmem>>
        %dma_start3A_383 = tpu.memref_slice %arg5[%add3A_367] : memref<3932160xf32, #tpu.memory_space<hbm>> -> memref<640xf32, #tpu.memory_space<hbm>>
        tpu.enqueue_dma source(%dma_start3A_383 : memref<640xf32, #tpu.memory_space<hbm>>) target(%dma_start3A_382 : memref<640xf32, #tpu.memory_space<vmem>>) target_semaphore(%arg14 : memref<!tpu.dma_semaphore, #tpu.memory_space<semaphore_mem>>)
      } else {
      }
      %scan3A_315 = arith.constant 0 : i32
      %scan3A_316 = arith.constant 0 : i32
      %scan3A_317 = arith.constant 5 : i32
      %scan3A_318 = arith.addi %scan3A_316, %scan3A_317 : i32
      %scan3A_319 = arith.constant 1 : i32
      scf.for %scan3A_321 = %scan3A_316 to %scan3A_318 step %scan3A_319  : i32 {
        %mul3A_322 = arith.constant 128 : i32
        %mul3A_323 = arith.muli %scan3A_321, %mul3A_322 : i32
        %add3A_324 = arith.addi %mul3A_300, %scan3A_321 : i32
        %dma_start3A_325 = arith.constant 0 : i32
        %dma_start3A_326 = tpu.memref_slice %arg12[%rem3A_276, %dma_start3A_325] : memref<2x640xf32, #tpu.memory_space<vmem>> -> memref<1x640xf32, #tpu.memory_space<vmem>>
        %dma_start3A_327 = tpu.memref_squeeze %dma_start3A_326 : memref<1x640xf32, #tpu.memory_space<vmem>> -> memref<640xf32, #tpu.memory_space<vmem>>
        %dma_start3A_328 = tpu.memref_slice %dma_start3A_327[%mul3A_323] : memref<640xf32, #tpu.memory_space<vmem>> -> memref<128xf32, #tpu.memory_space<vmem>>
        %dma_start3A_329 = arith.constant 0 : i32
        %dma_start3A_330 = tpu.memref_slice %arg13[%add3A_324, %dma_start3A_329] : memref<40x128xi32, #tpu.memory_space<vmem>> -> memref<1x128xi32, #tpu.memory_space<vmem>>
        %dma_start3A_331 = tpu.memref_squeeze %dma_start3A_330 : memref<1x128xi32, #tpu.memory_space<vmem>> -> memref<128xi32, #tpu.memory_space<vmem>>
        %dma_start3A_332 = arith.constant 0 : i32
        %dma_start3A_333 = tpu.memref_slice %arg10[%dma_start3A_332] : memref<1966080xf32, #tpu.memory_space<vmem_shared>> -> memref<1966080xf32, #tpu.memory_space<vmem_shared>>
        tpu.enqueue_indirect_dma source(%dma_start3A_328 : memref<128xf32, #tpu.memory_space<vmem>>) target(%dma_start3A_333 : memref<1966080xf32, #tpu.memory_space<vmem_shared>>) offsets(%dma_start3A_331 : memref<128xi32, #tpu.memory_space<vmem>>) semaphore(%arg15 : memref<!tpu.dma_semaphore, #tpu.memory_space<semaphore_mem>>) {add = true}
        %add3A_334 = arith.constant 5 : i32
        %add3A_335 = arith.addi %add3A_334, %add3A_324 : i32
        %dma_start3A_336 = arith.constant 0 : i32
        %dma_start3A_337 = tpu.memref_slice %arg12[%rem3A_276, %dma_start3A_336] : memref<2x640xf32, #tpu.memory_space<vmem>> -> memref<1x640xf32, #tpu.memory_space<vmem>>
        %dma_start3A_338 = tpu.memref_squeeze %dma_start3A_337 : memref<1x640xf32, #tpu.memory_space<vmem>> -> memref<640xf32, #tpu.memory_space<vmem>>
        %dma_start3A_339 = tpu.memref_slice %dma_start3A_338[%mul3A_323] : memref<640xf32, #tpu.memory_space<vmem>> -> memref<128xf32, #tpu.memory_space<vmem>>
        %dma_start3A_340 = arith.constant 0 : i32
        %dma_start3A_341 = tpu.memref_slice %arg13[%add3A_335, %dma_start3A_340] : memref<40x128xi32, #tpu.memory_space<vmem>> -> memref<1x128xi32, #tpu.memory_space<vmem>>
        %dma_start3A_342 = tpu.memref_squeeze %dma_start3A_341 : memref<1x128xi32, #tpu.memory_space<vmem>> -> memref<128xi32, #tpu.memory_space<vmem>>
        %dma_start3A_343 = arith.constant 0 : i32
        %dma_start3A_344 = tpu.memref_slice %arg10[%dma_start3A_343] : memref<1966080xf32, #tpu.memory_space<vmem_shared>> -> memref<1966080xf32, #tpu.memory_space<vmem_shared>>
        tpu.enqueue_indirect_dma source(%dma_start3A_339 : memref<128xf32, #tpu.memory_space<vmem>>) target(%dma_start3A_344 : memref<1966080xf32, #tpu.memory_space<vmem_shared>>) offsets(%dma_start3A_342 : memref<128xi32, #tpu.memory_space<vmem>>) semaphore(%arg15 : memref<!tpu.dma_semaphore, #tpu.memory_space<semaphore_mem>>) {add = true}
        %add3A_345 = arith.constant 10 : i32
        %add3A_346 = arith.addi %add3A_345, %add3A_324 : i32
        %dma_start3A_347 = arith.constant 0 : i32
        %dma_start3A_348 = tpu.memref_slice %arg12[%rem3A_276, %dma_start3A_347] : memref<2x640xf32, #tpu.memory_space<vmem>> -> memref<1x640xf32, #tpu.memory_space<vmem>>
        %dma_start3A_349 = tpu.memref_squeeze %dma_start3A_348 : memref<1x640xf32, #tpu.memory_space<vmem>> -> memref<640xf32, #tpu.memory_space<vmem>>
        %dma_start3A_350 = tpu.memref_slice %dma_start3A_349[%mul3A_323] : memref<640xf32, #tpu.memory_space<vmem>> -> memref<128xf32, #tpu.memory_space<vmem>>
        %dma_start3A_351 = arith.constant 0 : i32
        %dma_start3A_352 = tpu.memref_slice %arg13[%add3A_346, %dma_start3A_351] : memref<40x128xi32, #tpu.memory_space<vmem>> -> memref<1x128xi32, #tpu.memory_space<vmem>>
        %dma_start3A_353 = tpu.memref_squeeze %dma_start3A_352 : memref<1x128xi32, #tpu.memory_space<vmem>> -> memref<128xi32, #tpu.memory_space<vmem>>
        %dma_start3A_354 = arith.constant 0 : i32
        %dma_start3A_355 = tpu.memref_slice %arg10[%dma_start3A_354] : memref<1966080xf32, #tpu.memory_space<vmem_shared>> -> memref<1966080xf32, #tpu.memory_space<vmem_shared>>
        tpu.enqueue_indirect_dma source(%dma_start3A_350 : memref<128xf32, #tpu.memory_space<vmem>>) target(%dma_start3A_355 : memref<1966080xf32, #tpu.memory_space<vmem_shared>>) offsets(%dma_start3A_353 : memref<128xi32, #tpu.memory_space<vmem>>) semaphore(%arg15 : memref<!tpu.dma_semaphore, #tpu.memory_space<semaphore_mem>>) {add = true}
        %add3A_356 = arith.constant 15 : i32
        %add3A_357 = arith.addi %add3A_356, %add3A_324 : i32
        %dma_start3A_358 = arith.constant 0 : i32
        %dma_start3A_359 = tpu.memref_slice %arg12[%rem3A_276, %dma_start3A_358] : memref<2x640xf32, #tpu.memory_space<vmem>> -> memref<1x640xf32, #tpu.memory_space<vmem>>
        %dma_start3A_360 = tpu.memref_squeeze %dma_start3A_359 : memref<1x640xf32, #tpu.memory_space<vmem>> -> memref<640xf32, #tpu.memory_space<vmem>>
        %dma_start3A_361 = tpu.memref_slice %dma_start3A_360[%mul3A_323] : memref<640xf32, #tpu.memory_space<vmem>> -> memref<128xf32, #tpu.memory_space<vmem>>
        %dma_start3A_362 = arith.constant 0 : i32
        %dma_start3A_363 = tpu.memref_slice %arg13[%add3A_357, %dma_start3A_362] : memref<40x128xi32, #tpu.memory_space<vmem>> -> memref<1x128xi32, #tpu.memory_space<vmem>>
        %dma_start3A_364 = tpu.memref_squeeze %dma_start3A_363 : memref<1x128xi32, #tpu.memory_space<vmem>> -> memref<128xi32, #tpu.memory_space<vmem>>
        %dma_start3A_365 = arith.constant 0 : i32
        %dma_start3A_366 = tpu.memref_slice %arg10[%dma_start3A_365] : memref<1966080xf32, #tpu.memory_space<vmem_shared>> -> memref<1966080xf32, #tpu.memory_space<vmem_shared>>
        tpu.enqueue_indirect_dma source(%dma_start3A_361 : memref<128xf32, #tpu.memory_space<vmem>>) target(%dma_start3A_366 : memref<1966080xf32, #tpu.memory_space<vmem_shared>>) offsets(%dma_start3A_364 : memref<128xi32, #tpu.memory_space<vmem>>) semaphore(%arg15 : memref<!tpu.dma_semaphore, #tpu.memory_space<semaphore_mem>>) {add = true}
      }
      %scan3A_320 = arith.constant 5 : i32
    }
    %scan3A_223 = arith.constant 192 : i32
    %dma_wait3A_224 = arith.constant 0 : i32
    %dma_wait3A_225 = arith.constant 0 : i32
    %dma_wait3A_226 = tpu.memref_slice %arg12[%dma_wait3A_224, %dma_wait3A_225] : memref<2x640xf32, #tpu.memory_space<vmem>> -> memref<1x640xf32, #tpu.memory_space<vmem>>
    %dma_wait3A_227 = tpu.memref_squeeze %dma_wait3A_226 : memref<1x640xf32, #tpu.memory_space<vmem>> -> memref<640xf32, #tpu.memory_space<vmem>>
    %dma_wait3A_228 = arith.constant 0 : i32
    %dma_wait3A_229 = tpu.memref_slice %arg6[%dma_wait3A_228] : memref<15360xf32, #tpu.memory_space<hbm>> -> memref<640xf32, #tpu.memory_space<hbm>>
    %dma_wait3A_230 = arith.constant 0 : i32
    %dma_wait3A_231 = tpu.memref_slice %arg12[%dma_wait3A_224, %dma_wait3A_230] : memref<2x640xf32, #tpu.memory_space<vmem>> -> memref<1x640xf32, #tpu.memory_space<vmem>>
    %dma_wait3A_232 = tpu.memref_squeeze %dma_wait3A_231 : memref<1x640xf32, #tpu.memory_space<vmem>> -> memref<640xf32, #tpu.memory_space<vmem>>
    %dma_wait3A_233 = arith.constant 0 : i32
    %dma_wait3A_234 = tpu.memref_slice %arg6[%dma_wait3A_233] : memref<15360xf32, #tpu.memory_space<hbm>> -> memref<640xf32, #tpu.memory_space<hbm>>
    tpu.wait_dma2 semaphore(%arg15 : memref<!tpu.dma_semaphore, #tpu.memory_space<semaphore_mem>>) src(%dma_wait3A_234 : memref<640xf32, #tpu.memory_space<hbm>>) dst(%dma_wait3A_232 : memref<640xf32, #tpu.memory_space<vmem>>)
    %dma_wait3A_235 = arith.constant 0 : i32
    %dma_wait3A_236 = arith.constant 0 : i32
    %dma_wait3A_237 = tpu.memref_slice %arg12[%dma_wait3A_235, %dma_wait3A_236] : memref<2x640xf32, #tpu.memory_space<vmem>> -> memref<1x640xf32, #tpu.memory_space<vmem>>
    %dma_wait3A_238 = tpu.memref_squeeze %dma_wait3A_237 : memref<1x640xf32, #tpu.memory_space<vmem>> -> memref<640xf32, #tpu.memory_space<vmem>>
    %dma_wait3A_239 = arith.constant 0 : i32
    %dma_wait3A_240 = tpu.memref_slice %arg6[%dma_wait3A_239] : memref<15360xf32, #tpu.memory_space<hbm>> -> memref<640xf32, #tpu.memory_space<hbm>>
    %dma_wait3A_241 = arith.constant 0 : i32
    %dma_wait3A_242 = tpu.memref_slice %arg12[%dma_wait3A_235, %dma_wait3A_241] : memref<2x640xf32, #tpu.memory_space<vmem>> -> memref<1x640xf32, #tpu.memory_space<vmem>>
    %dma_wait3A_243 = tpu.memref_squeeze %dma_wait3A_242 : memref<1x640xf32, #tpu.memory_space<vmem>> -> memref<640xf32, #tpu.memory_space<vmem>>
    %dma_wait3A_244 = arith.constant 0 : i32
    %dma_wait3A_245 = tpu.memref_slice %arg6[%dma_wait3A_244] : memref<15360xf32, #tpu.memory_space<hbm>> -> memref<640xf32, #tpu.memory_space<hbm>>
    tpu.wait_dma2 semaphore(%arg15 : memref<!tpu.dma_semaphore, #tpu.memory_space<semaphore_mem>>) src(%dma_wait3A_245 : memref<640xf32, #tpu.memory_space<hbm>>) dst(%dma_wait3A_243 : memref<640xf32, #tpu.memory_space<vmem>>)
    %dma_wait3A_246 = arith.constant 0 : i32
    %dma_wait3A_247 = arith.constant 0 : i32
    %dma_wait3A_248 = tpu.memref_slice %arg12[%dma_wait3A_246, %dma_wait3A_247] : memref<2x640xf32, #tpu.memory_space<vmem>> -> memref<1x640xf32, #tpu.memory_space<vmem>>
    %dma_wait3A_249 = tpu.memref_squeeze %dma_wait3A_248 : memref<1x640xf32, #tpu.memory_space<vmem>> -> memref<640xf32, #tpu.memory_space<vmem>>
    %dma_wait3A_250 = arith.constant 0 : i32
    %dma_wait3A_251 = tpu.memref_slice %arg6[%dma_wait3A_250] : memref<15360xf32, #tpu.memory_space<hbm>> -> memref<640xf32, #tpu.memory_space<hbm>>
    %dma_wait3A_252 = arith.constant 0 : i32
    %dma_wait3A_253 = tpu.memref_slice %arg12[%dma_wait3A_246, %dma_wait3A_252] : memref<2x640xf32, #tpu.memory_space<vmem>> -> memref<1x640xf32, #tpu.memory_space<vmem>>
    %dma_wait3A_254 = tpu.memref_squeeze %dma_wait3A_253 : memref<1x640xf32, #tpu.memory_space<vmem>> -> memref<640xf32, #tpu.memory_space<vmem>>
    %dma_wait3A_255 = arith.constant 0 : i32
    %dma_wait3A_256 = tpu.memref_slice %arg6[%dma_wait3A_255] : memref<15360xf32, #tpu.memory_space<hbm>> -> memref<640xf32, #tpu.memory_space<hbm>>
    tpu.wait_dma2 semaphore(%arg15 : memref<!tpu.dma_semaphore, #tpu.memory_space<semaphore_mem>>) src(%dma_wait3A_256 : memref<640xf32, #tpu.memory_space<hbm>>) dst(%dma_wait3A_254 : memref<640xf32, #tpu.memory_space<vmem>>)
    %dma_wait3A_257 = arith.constant 0 : i32
    %dma_wait3A_258 = arith.constant 0 : i32
    %dma_wait3A_259 = tpu.memref_slice %arg12[%dma_wait3A_257, %dma_wait3A_258] : memref<2x640xf32, #tpu.memory_space<vmem>> -> memref<1x640xf32, #tpu.memory_space<vmem>>
    %dma_wait3A_260 = tpu.memref_squeeze %dma_wait3A_259 : memref<1x640xf32, #tpu.memory_space<vmem>> -> memref<640xf32, #tpu.memory_space<vmem>>
    %dma_wait3A_261 = arith.constant 0 : i32
    %dma_wait3A_262 = tpu.memref_slice %arg6[%dma_wait3A_261] : memref<15360xf32, #tpu.memory_space<hbm>> -> memref<640xf32, #tpu.memory_space<hbm>>
    %dma_wait3A_263 = arith.constant 0 : i32
    %dma_wait3A_264 = tpu.memref_slice %arg12[%dma_wait3A_257, %dma_wait3A_263] : memref<2x640xf32, #tpu.memory_space<vmem>> -> memref<1x640xf32, #tpu.memory_space<vmem>>
    %dma_wait3A_265 = tpu.memref_squeeze %dma_wait3A_264 : memref<1x640xf32, #tpu.memory_space<vmem>> -> memref<640xf32, #tpu.memory_space<vmem>>
    %dma_wait3A_266 = arith.constant 0 : i32
    %dma_wait3A_267 = tpu.memref_slice %arg6[%dma_wait3A_266] : memref<15360xf32, #tpu.memory_space<hbm>> -> memref<640xf32, #tpu.memory_space<hbm>>
    tpu.wait_dma2 semaphore(%arg15 : memref<!tpu.dma_semaphore, #tpu.memory_space<semaphore_mem>>) src(%dma_wait3A_267 : memref<640xf32, #tpu.memory_space<hbm>>) dst(%dma_wait3A_265 : memref<640xf32, #tpu.memory_space<vmem>>)
    %barrier3A_268 = arith.constant 0 : index
    tpu.barrier barrier_id(%barrier3A_268)
    %scan3A_269 = arith.constant 0 : i32
    %scan3A_270 = arith.constant 0 : i32
    %scan3A_271 = arith.constant 8 : i32
    %scan3A_272 = arith.addi %scan3A_270, %scan3A_271 : i32
    %scan3A_273 = arith.constant 1 : i32
    scf.for %scan3A_275 = %scan3A_270 to %scan3A_272 step %scan3A_273  : i32 {
      %mul3A_276 = arith.constant 15360 : i32
      %mul3A_277 = arith.muli %scan3A_275, %mul3A_276 : i32
      %add3A_278 = arith.addi %mul3A_0, %mul3A_277 : i32
      %mul3A_279 = arith.constant 1966080 : i32
      %mul3A_280 = arith.muli %arg0, %mul3A_279 : i32
      %add3A_281 = arith.addi %mul3A_280, %mul3A_0 : i32
      %mul3A_282 = arith.constant 15360 : i32
      %mul3A_283 = arith.muli %scan3A_275, %mul3A_282 : i32
      %add3A_284 = arith.addi %add3A_281, %mul3A_283 : i32
      "tpu.region"() ({
        %run_scoped3A = tpu.sem_alloc : memref<!tpu.dma_semaphore, #tpu.memory_space<semaphore_mem>>
        %dma_start3A_285 = tpu.memref_slice %arg9[%add3A_284] : memref<3932160xf32, #tpu.memory_space<hbm>> -> memref<15360xf32, #tpu.memory_space<hbm>>
        %dma_start3A_286 = tpu.memref_slice %arg10[%add3A_278] : memref<1966080xf32, #tpu.memory_space<vmem_shared>> -> memref<15360xf32, #tpu.memory_space<vmem_shared>>
        tpu.enqueue_dma source(%dma_start3A_286 : memref<15360xf32, #tpu.memory_space<vmem_shared>>) target(%dma_start3A_285 : memref<15360xf32, #tpu.memory_space<hbm>>) target_semaphore(%run_scoped3A : memref<!tpu.dma_semaphore, #tpu.memory_space<semaphore_mem>>)
        %dma_wait3A_287 = tpu.memref_slice %arg9[%add3A_284] : memref<3932160xf32, #tpu.memory_space<hbm>> -> memref<15360xf32, #tpu.memory_space<hbm>>
        %dma_wait3A_288 = tpu.memref_slice %arg10[%add3A_278] : memref<1966080xf32, #tpu.memory_space<vmem_shared>> -> memref<15360xf32, #tpu.memory_space<vmem_shared>>
        tpu.wait_dma2 semaphore(%run_scoped3A : memref<!tpu.dma_semaphore, #tpu.memory_space<semaphore_mem>>) src(%dma_wait3A_288 : memref<15360xf32, #tpu.memory_space<vmem_shared>>) dst(%dma_wait3A_287 : memref<15360xf32, #tpu.memory_space<hbm>>)
        tpu.yield
      }) : () -> ()
    }
    %scan3A_274 = arith.constant 8 : i32
    return
  }
}

module attributes {stable_mosaic.version = 14 : i64} {
  func.func @_rec_body(%arg0: i32, %arg1: i32, %arg2: memref<1x128x1920xf32, #tpu.memory_space<vmem>>, %arg3: memref<1x128x1920xf32, #tpu.memory_space<vmem>>, %arg4: memref<1x128x1920xf32, #tpu.memory_space<vmem>>, %arg5: memref<1x128x1920xi32, #tpu.memory_space<vmem>>, %arg6: memref<1x128x1920xf32, #tpu.memory_space<vmem>>, %arg7: memref<1x128x1920xf32, #tpu.memory_space<vmem>>, %arg8: memref<1x128x1920xf32, #tpu.memory_space<vmem>>) attributes {dimension_semantics = [#tpu.dimension_semantics<arbitrary>, #tpu.dimension_semantics<arbitrary>], iteration_bounds = array<i64: 2, 8>, scalar_prefetch = 0 : i64, scratch_operands = 0 : i64, tpu.core_type = #tpu.core_type<tc>, window_params = [{transform_indices = @transform_0, window_bounds = array<i64: 1, 128, 1920>}, {transform_indices = @transform_1, window_bounds = array<i64: 1, 128, 1920>}, {transform_indices = @transform_2, window_bounds = array<i64: 1, 128, 1920>}, {transform_indices = @transform_3, window_bounds = array<i64: 1, 128, 1920>}, {transform_indices = @transform_4, window_bounds = array<i64: 1, 128, 1920>}, {transform_indices = @transform_5, window_bounds = array<i64: 1, 128, 1920>}, {transform_indices = @transform_6, window_bounds = array<i64: 1, 128, 1920>}]} {
    %get3A = arith.constant 0 : index
    %get3A_0 = arith.constant 0 : index
    %get3A_1 = arith.constant 0 : index
    %get3A_2 = vector.load %arg2[%get3A, %get3A_0, %get3A_1] : memref<1x128x1920xf32, #tpu.memory_space<vmem>>, vector<1x128x1920xf32>
    %get3A_3 = vector.shape_cast %get3A_2 : vector<1x128x1920xf32> to vector<128x1920xf32>
    %get3A_4 = arith.constant 0 : index
    %get3A_5 = arith.constant 0 : index
    %get3A_6 = arith.constant 0 : index
    %get3A_7 = vector.load %arg3[%get3A_4, %get3A_5, %get3A_6] : memref<1x128x1920xf32, #tpu.memory_space<vmem>>, vector<1x128x1920xf32>
    %get3A_8 = vector.shape_cast %get3A_7 : vector<1x128x1920xf32> to vector<128x1920xf32>
    %get3A_9 = arith.constant 0 : index
    %get3A_10 = arith.constant 0 : index
    %get3A_11 = arith.constant 0 : index
    %get3A_12 = vector.load %arg4[%get3A_9, %get3A_10, %get3A_11] : memref<1x128x1920xf32, #tpu.memory_space<vmem>>, vector<1x128x1920xf32>
    %get3A_13 = vector.shape_cast %get3A_12 : vector<1x128x1920xf32> to vector<128x1920xf32>
    %iota3A = tpu.iota {dimensions = array<i32: 1>} : vector<128x1920xi32>
    %convert_element_type3A = arith.sitofp %iota3A : vector<128x1920xi32> to vector<128x1920xf32>
    %iota3A_14 = tpu.iota {dimensions = array<i32: 0>} : vector<128x1920xi32>
    %mul3A = arith.constant 128 : i32
    %mul3A_15 = arith.muli %arg1, %mul3A : i32
    %add3A = vector.broadcast %mul3A_15 : i32 to vector<128x1920xi32>
    %add3A_16 = arith.addi %iota3A_14, %add3A : vector<128x1920xi32>
    %convert_element_type3A_17 = arith.sitofp %add3A_16 : vector<128x1920xi32> to vector<128x1920xf32>
    %add3A_18 = arith.addf %convert_element_type3A, %get3A_3 : vector<128x1920xf32>
    %add3A_19 = arith.addf %convert_element_type3A_17, %get3A_8 : vector<128x1920xf32>
    %ge3A = arith.constant 0.000000e+00 : f32
    %ge3A_20 = vector.broadcast %ge3A : f32 to vector<128x1920xf32>
    %ge3A_21 = arith.cmpf oge, %add3A_18, %ge3A_20 : vector<128x1920xf32>
    %ge3A_22 = arith.constant 0.000000e+00 : f32
    %ge3A_23 = vector.broadcast %ge3A_22 : f32 to vector<128x1920xf32>
    %ge3A_24 = arith.cmpf oge, %add3A_19, %ge3A_23 : vector<128x1920xf32>
    %and3A = arith.andi %ge3A_21, %ge3A_24 : vector<128x1920xi1>
    %le3A = arith.constant 1.919000e+03 : f32
    %le3A_25 = vector.broadcast %le3A : f32 to vector<128x1920xf32>
    %le3A_26 = arith.cmpf ole, %add3A_18, %le3A_25 : vector<128x1920xf32>
    %and3A_27 = arith.andi %and3A, %le3A_26 : vector<128x1920xi1>
    %le3A_28 = arith.constant 1.023000e+03 : f32
    %le3A_29 = vector.broadcast %le3A_28 : f32 to vector<128x1920xf32>
    %le3A_30 = arith.cmpf ole, %add3A_19, %le3A_29 : vector<128x1920xf32>
    %and3A_31 = arith.andi %and3A_27, %le3A_30 : vector<128x1920xi1>
    %jit3A = arith.constant 0.000000e+00 : f32
    %jit3A_32 = arith.constant 1.919000e+03 : f32
    %max3A = vector.broadcast %jit3A : f32 to vector<128x1920xf32>
    %max3A_33 = arith.maximumf %max3A, %add3A_18 : vector<128x1920xf32>
    %min3A = vector.broadcast %jit3A_32 : f32 to vector<128x1920xf32>
    %min3A_34 = arith.minimumf %min3A, %max3A_33 : vector<128x1920xf32>
    %jit3A_35 = arith.constant 0.000000e+00 : f32
    %jit3A_36 = arith.constant 1.023000e+03 : f32
    %max3A_37 = vector.broadcast %jit3A_35 : f32 to vector<128x1920xf32>
    %max3A_38 = arith.maximumf %max3A_37, %add3A_19 : vector<128x1920xf32>
    %min3A_39 = vector.broadcast %jit3A_36 : f32 to vector<128x1920xf32>
    %min3A_40 = arith.minimumf %min3A_39, %max3A_38 : vector<128x1920xf32>
    %convert_element_type3A_41 = arith.fptosi %min3A_34 : vector<128x1920xf32> to vector<128x1920xi32>
    %convert_element_type3A_42 = arith.fptosi %min3A_40 : vector<128x1920xf32> to vector<128x1920xi32>
    %add3A_43 = arith.constant 1 : i32
    %add3A_44 = vector.broadcast %add3A_43 : i32 to vector<128x1920xi32>
    %add3A_45 = arith.addi %convert_element_type3A_41, %add3A_44 : vector<128x1920xi32>
    %min3A_46 = arith.constant 1919 : i32
    %min3A_47 = vector.broadcast %min3A_46 : i32 to vector<128x1920xi32>
    %min3A_48 = arith.minsi %add3A_45, %min3A_47 : vector<128x1920xi32>
    %sub3A = arith.subi %min3A_48, %convert_element_type3A_41 : vector<128x1920xi32>
    %add3A_49 = arith.constant 1 : i32
    %add3A_50 = vector.broadcast %add3A_49 : i32 to vector<128x1920xi32>
    %add3A_51 = arith.addi %convert_element_type3A_42, %add3A_50 : vector<128x1920xi32>
    %min3A_52 = arith.constant 1023 : i32
    %min3A_53 = vector.broadcast %min3A_52 : i32 to vector<128x1920xi32>
    %min3A_54 = arith.minsi %add3A_51, %min3A_53 : vector<128x1920xi32>
    %sub3A_55 = arith.subi %min3A_54, %convert_element_type3A_42 : vector<128x1920xi32>
    %mul3A_56 = arith.constant 1920 : i32
    %mul3A_57 = vector.broadcast %mul3A_56 : i32 to vector<128x1920xi32>
    %mul3A_58 = arith.muli %convert_element_type3A_42, %mul3A_57 : vector<128x1920xi32>
    %add3A_59 = arith.addi %mul3A_58, %convert_element_type3A_41 : vector<128x1920xi32>
    %mul3A_60 = arith.constant 4 : i32
    %mul3A_61 = vector.broadcast %mul3A_60 : i32 to vector<128x1920xi32>
    %mul3A_62 = arith.muli %add3A_59, %mul3A_61 : vector<128x1920xi32>
    %mul3A_63 = arith.constant 2 : i32
    %mul3A_64 = vector.broadcast %mul3A_63 : i32 to vector<128x1920xi32>
    %mul3A_65 = arith.muli %sub3A_55, %mul3A_64 : vector<128x1920xi32>
    %add3A_66 = arith.addi %mul3A_62, %mul3A_65 : vector<128x1920xi32>
    %add3A_67 = arith.addi %add3A_66, %sub3A : vector<128x1920xi32>
    %swap3A = arith.constant 0 : index
    %swap3A_68 = arith.constant 0 : index
    %swap3A_69 = arith.constant 0 : index
    %swap3A_70 = vector.load %arg5[%swap3A, %swap3A_68, %swap3A_69] : memref<1x128x1920xi32, #tpu.memory_space<vmem>>, vector<1x128x1920xi32>
    %swap3A_71 = vector.shape_cast %swap3A_70 : vector<1x128x1920xi32> to vector<128x1920xi32>
    %swap3A_72 = vector.shape_cast %add3A_67 : vector<128x1920xi32> to vector<1x128x1920xi32>
    tpu.vector_store %arg5[%swap3A, %swap3A_68, %swap3A_69], %swap3A_72 {strides = array<i32>} : memref<1x128x1920xi32, #tpu.memory_space<vmem>>, vector<1x128x1920xi32>,
    %jit3A_73 = arith.constant 0.000000e+00 : f32
    %broadcast_in_dim3A = vector.broadcast %jit3A_73 : f32 to vector<128x1920xf32>
    %select_n3A = arith.select %and3A_31, %get3A_13, %broadcast_in_dim3A : vector<128x1920xi1>, vector<128x1920xf32>
    %swap3A_74 = arith.constant 0 : index
    %swap3A_75 = arith.constant 0 : index
    %swap3A_76 = arith.constant 0 : index
    %swap3A_77 = vector.load %arg6[%swap3A_74, %swap3A_75, %swap3A_76] : memref<1x128x1920xf32, #tpu.memory_space<vmem>>, vector<1x128x1920xf32>
    %swap3A_78 = vector.shape_cast %swap3A_77 : vector<1x128x1920xf32> to vector<128x1920xf32>
    %swap3A_79 = vector.shape_cast %select_n3A : vector<128x1920xf32> to vector<1x128x1920xf32>
    tpu.vector_store %arg6[%swap3A_74, %swap3A_75, %swap3A_76], %swap3A_79 {strides = array<i32>} : memref<1x128x1920xf32, #tpu.memory_space<vmem>>, vector<1x128x1920xf32>,
    %neg3A = arith.constant 0.000000e+00 : f32
    %neg3A_80 = vector.broadcast %neg3A : f32 to vector<128x1920xf32>
    %neg3A_81 = arith.subf %neg3A_80, %get3A_3 : vector<128x1920xf32>
    %mul3A_82 = arith.mulf %neg3A_81, %select_n3A : vector<128x1920xf32>
    %swap3A_83 = arith.constant 0 : index
    %swap3A_84 = arith.constant 0 : index
    %swap3A_85 = arith.constant 0 : index
    %swap3A_86 = vector.load %arg7[%swap3A_83, %swap3A_84, %swap3A_85] : memref<1x128x1920xf32, #tpu.memory_space<vmem>>, vector<1x128x1920xf32>
    %swap3A_87 = vector.shape_cast %swap3A_86 : vector<1x128x1920xf32> to vector<128x1920xf32>
    %swap3A_88 = vector.shape_cast %mul3A_82 : vector<128x1920xf32> to vector<1x128x1920xf32>
    tpu.vector_store %arg7[%swap3A_83, %swap3A_84, %swap3A_85], %swap3A_88 {strides = array<i32>} : memref<1x128x1920xf32, #tpu.memory_space<vmem>>, vector<1x128x1920xf32>,
    %neg3A_89 = arith.constant 0.000000e+00 : f32
    %neg3A_90 = vector.broadcast %neg3A_89 : f32 to vector<128x1920xf32>
    %neg3A_91 = arith.subf %neg3A_90, %get3A_8 : vector<128x1920xf32>
    %mul3A_92 = arith.mulf %neg3A_91, %select_n3A : vector<128x1920xf32>
    %swap3A_93 = arith.constant 0 : index
    %swap3A_94 = arith.constant 0 : index
    %swap3A_95 = arith.constant 0 : index
    %swap3A_96 = vector.load %arg8[%swap3A_93, %swap3A_94, %swap3A_95] : memref<1x128x1920xf32, #tpu.memory_space<vmem>>, vector<1x128x1920xf32>
    %swap3A_97 = vector.shape_cast %swap3A_96 : vector<1x128x1920xf32> to vector<128x1920xf32>
    %swap3A_98 = vector.shape_cast %mul3A_92 : vector<128x1920xf32> to vector<1x128x1920xf32>
    tpu.vector_store %arg8[%swap3A_93, %swap3A_94, %swap3A_95], %swap3A_98 {strides = array<i32>} : memref<1x128x1920xf32, #tpu.memory_space<vmem>>, vector<1x128x1920xf32>,
    return
  }
  func.func @transform_0(%arg0: i32, %arg1: i32) -> (i32, i32, i32) {
    %c0_i32 = arith.constant 0 : i32
    %c0_i32_0 = arith.constant 0 : i32
    return %arg0, %arg1, %c0_i32 : i32, i32, i32
  }
  func.func @transform_1(%arg0: i32, %arg1: i32) -> (i32, i32, i32) {
    %c0_i32 = arith.constant 0 : i32
    %c0_i32_0 = arith.constant 0 : i32
    return %arg0, %arg1, %c0_i32 : i32, i32, i32
  }
  func.func @transform_2(%arg0: i32, %arg1: i32) -> (i32, i32, i32) {
    %c0_i32 = arith.constant 0 : i32
    %c0_i32_0 = arith.constant 0 : i32
    return %arg0, %arg1, %c0_i32 : i32, i32, i32
  }
  func.func @transform_3(%arg0: i32, %arg1: i32) -> (i32, i32, i32) {
    %c0_i32 = arith.constant 0 : i32
    %c0_i32_0 = arith.constant 0 : i32
    return %arg0, %arg1, %c0_i32 : i32, i32, i32
  }
  func.func @transform_4(%arg0: i32, %arg1: i32) -> (i32, i32, i32) {
    %c0_i32 = arith.constant 0 : i32
    %c0_i32_0 = arith.constant 0 : i32
    return %arg0, %arg1, %c0_i32 : i32, i32, i32
  }
  func.func @transform_5(%arg0: i32, %arg1: i32) -> (i32, i32, i32) {
    %c0_i32 = arith.constant 0 : i32
    %c0_i32_0 = arith.constant 0 : i32
    return %arg0, %arg1, %c0_i32 : i32, i32, i32
  }
  func.func @transform_6(%arg0: i32, %arg1: i32) -> (i32, i32, i32) {
    %c0_i32 = arith.constant 0 : i32
    %c0_i32_0 = arith.constant 0 : i32
    return %arg0, %arg1, %c0_i32 : i32, i32, i32
  }
}

module attributes {stable_mosaic.version = 14 : i64} {
  func.func @_norm_body(%arg0: i32, %arg1: i32, %arg2: memref<1x128x1920xf32, #tpu.memory_space<vmem>>, %arg3: memref<1x128x1920xf32, #tpu.memory_space<vmem>>, %arg4: memref<1x128x1920xf32, #tpu.memory_space<vmem>>, %arg5: memref<1x2x128x1920xf32, #tpu.memory_space<vmem>>) attributes {dimension_semantics = [#tpu.dimension_semantics<arbitrary>, #tpu.dimension_semantics<arbitrary>], iteration_bounds = array<i64: 2, 8>, scalar_prefetch = 0 : i64, scratch_operands = 0 : i64, tpu.core_type = #tpu.core_type<tc>, window_params = [{transform_indices = @transform_0, window_bounds = array<i64: 1, 128, 1920>}, {transform_indices = @transform_1, window_bounds = array<i64: 1, 128, 1920>}, {transform_indices = @transform_2, window_bounds = array<i64: 1, 128, 1920>}, {transform_indices = @transform_3, window_bounds = array<i64: 1, 2, 128, 1920>}]} {
    %get3A = arith.constant 0 : index
    %get3A_0 = arith.constant 0 : index
    %get3A_1 = arith.constant 0 : index
    %get3A_2 = vector.load %arg2[%get3A, %get3A_0, %get3A_1] : memref<1x128x1920xf32, #tpu.memory_space<vmem>>, vector<1x128x1920xf32>
    %get3A_3 = vector.shape_cast %get3A_2 : vector<1x128x1920xf32> to vector<128x1920xf32>
    %gt3A = arith.constant 0.000000e+00 : f32
    %gt3A_4 = vector.broadcast %gt3A : f32 to vector<128x1920xf32>
    %gt3A_5 = arith.cmpf ogt, %get3A_3, %gt3A_4 : vector<128x1920xf32>
    %jit3A = arith.constant 1.000000e+00 : f32
    %broadcast_in_dim3A = vector.broadcast %jit3A : f32 to vector<128x1920xf32>
    %select_n3A = arith.select %gt3A_5, %get3A_3, %broadcast_in_dim3A : vector<128x1920xi1>, vector<128x1920xf32>
    %get3A_6 = arith.constant 0 : index
    %get3A_7 = arith.constant 0 : index
    %get3A_8 = arith.constant 0 : index
    %get3A_9 = vector.load %arg3[%get3A_6, %get3A_7, %get3A_8] : memref<1x128x1920xf32, #tpu.memory_space<vmem>>, vector<1x128x1920xf32>
    %get3A_10 = vector.shape_cast %get3A_9 : vector<1x128x1920xf32> to vector<128x1920xf32>
    %get3A_11 = arith.constant 0 : index
    %get3A_12 = arith.constant 0 : index
    %get3A_13 = arith.constant 0 : index
    %get3A_14 = vector.load %arg4[%get3A_11, %get3A_12, %get3A_13] : memref<1x128x1920xf32, #tpu.memory_space<vmem>>, vector<1x128x1920xf32>
    %get3A_15 = vector.shape_cast %get3A_14 : vector<1x128x1920xf32> to vector<128x1920xf32>
    %div3A = arith.divf %get3A_10, %select_n3A : vector<128x1920xf32>
    %select_n3A_16 = arith.select %gt3A_5, %div3A, %get3A_10 : vector<128x1920xi1>, vector<128x1920xf32>
    %swap3A = arith.constant 0 : index
    %swap3A_17 = arith.constant 0 : index
    %swap3A_18 = arith.constant 0 : index
    %swap3A_19 = arith.constant 0 : index
    %swap3A_20 = vector.load %arg5[%swap3A, %swap3A_17, %swap3A_18, %swap3A_19] : memref<1x2x128x1920xf32, #tpu.memory_space<vmem>>, vector<1x1x128x1920xf32>
    %swap3A_21 = vector.shape_cast %swap3A_20 : vector<1x1x128x1920xf32> to vector<128x1920xf32>
    %swap3A_22 = vector.shape_cast %select_n3A_16 : vector<128x1920xf32> to vector<1x1x128x1920xf32>
    tpu.vector_store %arg5[%swap3A, %swap3A_17, %swap3A_18, %swap3A_19], %swap3A_22 {strides = array<i32>} : memref<1x2x128x1920xf32, #tpu.memory_space<vmem>>, vector<1x1x128x1920xf32>,
    %div3A_23 = arith.divf %get3A_15, %select_n3A : vector<128x1920xf32>
    %select_n3A_24 = arith.select %gt3A_5, %div3A_23, %get3A_15 : vector<128x1920xi1>, vector<128x1920xf32>
    %swap3A_25 = arith.constant 0 : index
    %swap3A_26 = arith.constant 1 : index
    %swap3A_27 = arith.constant 0 : index
    %swap3A_28 = arith.constant 0 : index
    %swap3A_29 = vector.load %arg5[%swap3A_25, %swap3A_26, %swap3A_27, %swap3A_28] : memref<1x2x128x1920xf32, #tpu.memory_space<vmem>>, vector<1x1x128x1920xf32>
    %swap3A_30 = vector.shape_cast %swap3A_29 : vector<1x1x128x1920xf32> to vector<128x1920xf32>
    %swap3A_31 = vector.shape_cast %select_n3A_24 : vector<128x1920xf32> to vector<1x1x128x1920xf32>
    tpu.vector_store %arg5[%swap3A_25, %swap3A_26, %swap3A_27, %swap3A_28], %swap3A_31 {strides = array<i32>} : memref<1x2x128x1920xf32, #tpu.memory_space<vmem>>, vector<1x1x128x1920xf32>,
    return
  }
  func.func @transform_0(%arg0: i32, %arg1: i32) -> (i32, i32, i32) {
    %c0_i32 = arith.constant 0 : i32
    %c0_i32_0 = arith.constant 0 : i32
    return %arg0, %arg1, %c0_i32 : i32, i32, i32
  }
  func.func @transform_1(%arg0: i32, %arg1: i32) -> (i32, i32, i32) {
    %c0_i32 = arith.constant 0 : i32
    %c0_i32_0 = arith.constant 0 : i32
    return %arg0, %arg1, %c0_i32 : i32, i32, i32
  }
  func.func @transform_2(%arg0: i32, %arg1: i32) -> (i32, i32, i32) {
    %c0_i32 = arith.constant 0 : i32
    %c0_i32_0 = arith.constant 0 : i32
    return %arg0, %arg1, %c0_i32 : i32, i32, i32
  }
  func.func @transform_3(%arg0: i32, %arg1: i32) -> (i32, i32, i32, i32) {
    %c0_i32 = arith.constant 0 : i32
    %c0_i32_0 = arith.constant 0 : i32
    %c0_i32_1 = arith.constant 0 : i32
    return %arg0, %c0_i32, %arg1, %c0_i32_0 : i32, i32, i32, i32
  }
}

</mosaic_0001>

<sc_bundles>
// kernel: kernel.11.cloned.1.call-start
scs
__scs_entry_jumppad:
0x0: {  	(pc) =	sbr.rel $0x88, $3  }
0x1: {  	(tag) =	ssettag $0x0;
	lr =	simm.s32 $0x1  }
0x2: {  	[smem:$0x3F9F] =	sst lr;
	_ =	strace $0xD0000000  }
0x3: {  	_ = 	snop  }
0x4: {  	_ = 	snop  }
0x5: {  	_ = 	snop  }
0x6: {  	_ = 	snop  }
0x7: {  	_ = 	snop  }
__scs_overlays_trampoline_lowered:
0x8: {  	[smem:$0x3FAE] =	sst s0  }
0x9: {  	[smem:$0x3FAF] =	sst s1  }
0xa: {  	[smem:$0x3FB0] =	sst s2  }
0xb: {  	[smem:$0x3FB1] =	sst s3  }
0xc: {  	[smem:$0x3FB2] =	sst s4  }
0xd: {  	[smem:$0x3FB3] =	sst s5  }
0xe: {  	[smem:$0x3FB4] =	sst s6  }
0xf: {  	[smem:$0x3FB5] =	sst s7  }
0x10: {  	[smem:$0x3FB6] =	sst s8  }
0x11: {  	[smem:$0x3FB7] =	sst s9;
	s0 =	simm.s32 @!p0 $0x0  }
0x12: {  	s1 =	sld [smem:$0x3F9D];
	s0 =	simm.s32 @p0 $0x1  }
0x13: {  	[smem:$0x3FB8] =	sst s0;
	s0 =	simm.s32 @!p1 $0x0  }
0x14: {  	s2 =	sld [smem:$0x3F9C];
	s0 =	simm.s32 @p1 $0x1  }
0x15: {  	[smem:$0x3FB9] =	sst s0;
	s0 =	simm.s32 @!p2 $0x0  }
0x16: {  	s3 =	sld [smem:$0x3FDB];
	s0 =	simm.s32 @p2 $0x1  }
0x17: {  	s4 =	simm.s32 $0x1BF5;
	[smem:$0x3FBB] =	sst s0  }
0x18: {  	s0 =	sld [smem:$0x3F9E];
	_ =	swait.ge [sflag:s4], $0x0  }
0x19: {  	s7 =	sld [smem:$0x3F9F]  }
0x1a: {  	s8 =	sadd.s32 $0xFFFFE003, lr  }
0x1b: {  	s9 =	sadd.s32 $0xFFFFFEF7, lr;
	s5 =	simm.s32 $0xFFFFFFFF;
	p2 =	slt.u32 s8, $0xFFFFF086  }
0x1c: {  	p1 =	slt.u32 s9, $0xF7A;
	s5 =	simm.s32 @!p2 $0x0  }
0x1d: {  	s5 =	simm.s32 @p1 $0x1;
	p0 =	seq.s32 s7, s2  }
0x1e: {  	s7 =	smul.u32 @!p0 $0xF7A, s2;
	p2 =	seq.s32 @!p0 s5, $0x0  }
0x1f: {  	s9 =	smul.u32 $0xF7A, s1;
	s8 =	simm.s32 @!p0 $0x1BF5;
	p2 =	por !p2, p0  }
0x20: {  	[sflag:s8] =	ssyncset.s32 @!p0 $0xFFFFF086;
	s6 =	sadd.s32 @!p0 s3, s7;
	s7 =	simm.s32 @!p0 $0x108  }
0x21: {  	s3 =	sadd.s32 s3, s9;
	s6 =	sadd.s32 @!p0 $0x88, s6;
	s7 =	simm.s32 @p2 $0x1082  }
0x22: {  	[simem:s7], [sflag:s8] =	dma.local @!p0 [hbm:s6], $0xF7A  }
0x23: {  	s9 =	sor.u32 $0xD0000000, s2;
	s6 =	simm.s32 $0x108;
	_ =	swait.ge @!p0 [sflag:s8], $0x0  }
0x24: {  	s3 =	sadd.s32 $0x88, s3;
	s6 =	simm.s32 @!p1 $0x1082;
	[sflag:s4] =	ssyncset.s32 $0xFFFFF086  }
0x25: {  	[simem:s6], [sflag:s4] =	dma.local [hbm:s3], $0xF7A  }
0x26: {  	[smem:$0x3F9F] =	sst s1;
	(tag) =	ssettag s2;
	_ =	strace s9  }
0x27: {  	s1 =	sld [smem:$0x3FAF]  }
0x28: {  	s2 =	sld [smem:$0x3FB0]  }
0x29: {  	s4 =	sld [smem:$0x3FB2]  }
0x2a: {  	p0 =	seq.s32 s5, $0x0;
	s5 =	sld [smem:$0x3FB3]  }
0x2b: {  	s6 =	sld [smem:$0x3FB4]  }
0x2c: {  	s7 =	sld [smem:$0x3FB5]  }
0x2d: {  	s3 =	simm.s32 $0x108;
	s8 =	sld [smem:$0x3FB6]  }
0x2e: {  	s3 =	simm.s32 @!p0 $0x1082;
	s9 =	sld [smem:$0x3FB7]  }
0x2f: {  	lr =	sadd.s32 s0, s3;
	s0 =	sld [smem:$0x3FAE]  }
0x30: {  	s3 =	sld [smem:$0x3FB1]  }
0x31: {  	[smem:$0x3FBA] =	sst s10  }
0x32: {  	s10 =	sld [smem:$0x3FB8];
	_ =	sdelay $0x3  }
0x33: {  	p0 =	seq.s32 s10, $0x1;
	s10 =	sld [smem:$0x3FBA];
	_ =	sdelay $0x3  }
0x34: {  	[smem:$0x3FBA] =	sst s10  }
0x35: {  	s10 =	sld [smem:$0x3FB9];
	_ =	sdelay $0x3  }
0x36: {  	p1 =	seq.s32 s10, $0x1;
	s10 =	sld [smem:$0x3FBA];
	_ =	sdelay $0x3  }
0x37: {  	[smem:$0x3FBA] =	sst s10  }
0x38: {  	s10 =	sld [smem:$0x3FBB]  }
0x39: {  	_ = 	snop;
	(pc) =	sbr.ind lr, $3  }
0x3a: {  	_ = 	snop  }
0x3b: {  	_ = 	snop  }
0x3c: {  	p2 =	seq.s32 s10, $0x1;
	s10 =	sld [smem:$0x3FBA]  }
0x3d: {  	_ =	shalt  }
0x3e: {  	_ =	shalt  }
0x3f: {  	_ =	shalt  }
0x40: {  	_ =	shalt  }
0x41: {  	_ =	shalt  }
0x42: {  	_ =	shalt  }
0x43: {  	_ =	shalt  }
0x44: {  	_ =	shalt  }
0x45: {  	_ =	shalt  }
0x46: {  	_ =	shalt  }
0x47: {  	_ =	shalt  }
0x48: {  	_ =	shalt  }
0x49: {  	_ =	shalt  }
0x4a: {  	_ =	shalt  }
0x4b: {  	_ =	shalt  }
0x4c: {  	_ =	shalt  }
0x4d: {  	_ =	shalt  }
0x4e: {  	_ =	shalt  }
0x4f: {  	_ =	shalt  }
0x50: {  	_ =	shalt  }
0x51: {  	_ =	shalt  }
0x52: {  	_ =	shalt  }
0x53: {  	_ =	shalt  }
0x54: {  	_ =	shalt  }
0x55: {  	_ =	shalt  }
0x56: {  	_ =	shalt  }
0x57: {  	_ =	shalt  }
0x58: {  	_ =	shalt  }
0x59: {  	_ =	shalt  }
0x5a: {  	_ =	shalt  }
0x5b: {  	_ =	shalt  }
0x5c: {  	_ =	shalt  }
0x5d: {  	_ =	shalt  }
0x5e: {  	_ =	shalt  }
0x5f: {  	_ =	shalt  }
0x60: {  	_ =	shalt  }
0x61: {  	_ =	shalt  }
0x62: {  	_ =	shalt  }
0x63: {  	_ =	shalt  }
0x64: {  	_ =	shalt  }
0x65: {  	_ =	shalt  }
0x66: {  	_ =	shalt  }
0x67: {  	_ =	shalt  }
0x68: {  	_ =	shalt  }
0x69: {  	_ =	shalt  }
0x6a: {  	_ =	shalt  }
0x6b: {  	_ =	shalt  }
0x6c: {  	_ =	shalt  }
0x6d: {  	_ =	shalt  }
0x6e: {  	_ =	shalt  }
0x6f: {  	_ =	shalt  }
0x70: {  	_ =	shalt  }
0x71: {  	_ =	shalt  }
0x72: {  	_ =	shalt  }
0x73: {  	_ =	shalt  }
0x74: {  	_ =	shalt  }
0x75: {  	_ =	shalt  }
0x76: {  	_ =	shalt  }
0x77: {  	_ =	shalt  }
0x78: {  	_ =	shalt  }
0x79: {  	_ =	shalt  }
0x7a: {  	_ =	shalt  }
0x7b: {  	_ =	shalt  }
0x7c: {  	_ =	shalt  }
0x7d: {  	_ =	shalt  }
0x7e: {  	_ =	shalt  }
0x7f: {  	_ =	shalt  }
0x80: {  	_ =	shalt  }
0x81: {  	_ =	shalt  }
0x82: {  	_ =	shalt  }
0x83: {  	_ =	shalt  }
0x84: {  	_ =	shalt  }
0x85: {  	_ =	shalt  }
0x86: {  	_ =	shalt  }
0x87: {  	_ =	shalt  }
.Lfunc_end0:
.L_simem_size_0:
called_computation.1_lowered:
.L_overlay_start_0:
0x88: {  	s2 =	sld [smem:$0x3FD9]  }
0x89: {  	s3 =	sld [smem:$0x3FFE];
	_ =	sdelay $0x1  }
0x8a: {  	s1 =	srdreg.scid  }
0x8b: {  	s0 =	sand.u32 $0x1, s1  }
0x8c: {  	s17 =	sshll.u32 s0, $0xA;
	s2 =	sadd.s32 s3, s2  }
0x8d: {  	s2 =	sadd.s32 s2, s17  }
0x8e: {  	[smem:$0x3FC6] =	sst s2  }
0x8f: {  	_ = 	snop  }
0x90: {  	s18 =	sld [smem:$0x3FD0];
	(tm) =	ssettm $0x1  }
0x91: {  	s19 =	sld [smem:$0x3FFB];
	_ =	sdelay $0x3  }
0x92: {  	_ =	strace s19  }
0x93: {  	s2 =	sld [smem:$0x3FFC];
	_ =	sdelay $0x3  }
0x94: {  	_ =	strace s2  }
0x95: {  	s2 =	sld [smem:$0x3FFD];
	_ =	sdelay $0x3  }
0x96: {  	_ =	strace s2  }
0x97: {  	_ =	strace $0x8FFFFFFF  }
0x98: {  	s20 =	sld [smem:$0x3FDB];
	_ =	sdelay $0x1  }
0x99: {  	s4 =	simm.s32 $_scs_section_size  }
0x9a: {  	s5 =	simm.s32 $_size__tile_overlayer_lowered;
	s6 =	simm.s32 $_tile_overlayer_lowered  }
0x9b: {  	s7 =	simm.s32 $0x1BFF;
	s21 =	sshll.u32 s6, $0x1;
	s4 =	sadd.s32 s4, s20  }
0x9c: {  	s22 =	simm.s32 $0x0;
	s5 =	sshll.u32 s5, $0x1;
	s6 =	sadd.s32 s21, s4  }
0x9d: {  	[timem:s22], [sflag:s7] =	dma.local [hbm:s6], s5  }
0x9e: {  	_ =	swait.ge [sflag:s7], s5  }
0x9f: {  	s5 =	ssub.s32 $0x0, s5;
	[sflag:s7] =	ssyncset.done $0x0  }
0xa0: {  	[sflag:s7] =	ssyncadd.s32 s5;
	_ =	sdelay $0x1  }
0xa1: {  	s23 =	simm.s32 $0x1B8B  }
0xa2: {  	_ =	swait.ge [sflag:s23], $0x1  }
0xa3: {  	[sflag:s23] =	ssyncset.done $0x0  }
0xa4: {  	[sflag:s23] =	ssyncadd.s32 $0xFFFFFFFF  }
0xa5: {  	s5 =	sld [smem:$0x0]  }
0xa6: {  	s6 =	sand.u32 $0xFFFFFFFE, s1  }
0xa7: {  	p0 =	sne.s32 s1, s6  }
0xa8: {  	s6 =	sshll.u32 @p0 s6, $0xE  }
0xa9: {  	s6 =	sadd.s32 @p0 $0x11B8D, s6;
	s7 =	sshll.u32 @p0 s5, $0x11  }
0xaa: {  	s6 =	sor.u32 @p0 s7, s6  }
0xab: {  	[sflag:s6] =	ssyncadd.remote.s32 @p0 $0x1;
	_ =	sdelay $0x1  }
0xac: {  	s6 =	simm.s32 @p0 $0x1B8D  }
0xad: {  	_ =	swait.eq @p0 [sflag:s6], $0x1  }
0xae: {  	[sflag:s6] =	ssyncadd.s32 @p0 $0xFFFFFFFF  }
0xaf: {  	s7 =	sshll.u32 @!p0 s1, $0xE  }
0xb0: {  	s7 =	sor.u32 @!p0 $0x4000, s7;
	s6 =	simm.s32 @!p0 $0x1B8D  }
0xb1: {  	s5 =	sshll.u32 @!p0 s5, $0x11;
	s7 =	sadd.s32 @!p0 $0x11B8D, s7;
	_ =	swait.eq @!p0 [sflag:s6], $0x1  }
0xb2: {  	s5 =	sor.u32 @!p0 s5, s7;
	[sflag:s6] =	ssyncadd.s32 @!p0 $0xFFFFFFFF  }
0xb3: {  	s25 =	simm.s32 $0x1B8E;
	s24 =	sld [smem:$0x3FFE];
	[sflag:s5] =	ssyncadd.remote.s32 @!p0 $0x1  }
0xb4: {  	s26 =	simm.s32 $execute0_lowered;
	[smem:$0x3FD2] =	sst s25  }
0xb5: {  	s6 =	sshll.u32 s26, $0x1;
	_ =	strace $0x80000049;
	[dreg:$0x1] =	wrdreg $0xFFFFFFFF  }
0xb6: {  	s28 =	simm.s32 $_size_execute0_lowered;
	s4 =	sadd.s32 s4, s6;
	[dreg:$0x0] =	wrdreg $0x0  }
0xb7: {  	s6 =	sshll.u32 s28, $0x1;
	[dreg:$0x2] =	wrdreg s4  }
0xb8: {  	[dreg:$0x3] =	wrdreg s6  }
0xb9: {  	[dreg:$0x4] =	wrdreg $0xC0  }
0xba: {  	_ =	task [dreg:s22], $0x5FFFF  }
0xbb: {  	[dreg:$0x1] =	wrdreg $0xFFFFFFFF  }
0xbc: {  	[dreg:$0x0] =	wrdreg $0x60  }
0xbd: {  	[dreg:$0x2] =	wrdreg s24  }
0xbe: {  	[dreg:$0x3] =	wrdreg s18  }
0xbf: {  	[dreg:$0x4] =	wrdreg $0x0  }
0xc0: {  	[dreg:$0x5] =	wrdreg $0xA  }
0xc1: {  	_ =	task.clear_ibuf [dreg:s22], $0x6FFFF;
	_ =	strace $0x90000049  }
0xc2: {  	s29 =	simm.s32 $0xA;
	_ =	strace $0x8000004B  }
0xc3: {  	_ =	swait.ge [sflag:s29], $0x1  }
0xc4: {  	[sflag:s29] =	ssyncadd.s32 $0xFFFFFFFF  }
0xc5: {  	_ =	strace $0x9000004B  }
0xc6: {  	_ =	sfence  }
0xc7: {  	s30 =	sld [smem:$0x0];
	_ =	sdelay $0x2  }
0xc8: {  	s31 =	sshll.u32 s1, $0xD;
	s1 =	sshrl.u32 s1, $0x2  }
0xc9: {  	s4 =	sand.u32 $0x4000, s31;
	s1 =	sadd.s32 s1, s30  }
0xca: {  	s0 =	sor.u32 s4, s0;
	s1 =	sshll.u32 s1, $0x11  }
0xcb: {  	s0 =	sor.u32 s1, s0  }
0xcc: {  	s0 =	sadd.s32 $0x8F2B, s0  }
0xcd: {  	[sflag:s0] =	ssyncadd.remote.s32 $0x1  }
0xce: {  	_ =	sfence.sel $0xFFFF  }
0xcf: {  	[dreg:$0x0] =	wrdreg $0xFFFFFFFF;
	(pc) =	sbr.abs _section_cstart, $3  }
0xd0: {  	[dreg:$0x1] =	wrdreg $0xFFFFFFFF  }
0xd1: {  	_ =	task.clear_ibuf [dreg:s22], $0x2FFFF;
	_ =	strace $0x9FFFFFFF  }
0xd2: {  	(tm) =	ssettm $0x7FFFFFFF  }
0xd3: {  	_ =	shalt  }
tec
execute0_lowered:
.L_overlay_start_1:
0x0: {  	(tag) =	ssettag $0x1  }
0x1: {  	s0 =	rddreg [dreg:$0x0]  }
0x2: {  	s1 =	rddreg [dreg:$0x1]  }
0x3: {  	s2 =	rddreg [dreg:$0x2]  }
0x4: {  	s3 =	srdreg.scid;
	s20 =	stileid.u32  }
0x5: {  	s4 =	simm.s32 $0x0;
	s3 =	sand.u32 $0x1, s3;
	s10 =	smul.u32 $0x1E000, s20  }
0x6: {  	[smem:$0x7FF] =	sst s4;
	s5 =	sadd.s32 $0x1E6A00, s0;
	s6 =	smul.u32 $0x1E0000, s3  }
0x7: {  	s7 =	sadd.s32 $0x7EA00, s0;
	s8 =	sadd.s32 $0xF6A00, s0;
	s9 =	sadd.s32 $0x34EA00, s0  }
0x8: {  	s11 =	sadd.s32 $0x4B7200, s0;
	s13 =	sadd.s32 $0x52F200, s0;
	s12 =	sadd.s32 s10, s6  }
0x9: {  	_ =	strace $0x8000004A;
	s21 =	sadd.s32 s10, s2;
	s12 =	sshrl.u32 s12, $0x3  }
0xa: {  	[dreg:$0x4] =	wrdreg s21;
	s31 =	sadd.s32 $0x780, s12;
	s22 =	sadd.s32 s11, s12  }
0xb: {  	s24 =	sadd.s32 $0xF00, s12;
	[dreg:$0x5] =	wrdreg s22;
	s23 =	sadd.s32 s11, s31  }
0xc: {  	s15 =	sadd.s32 $0x1680, s12;
	s17 =	sadd.s32 s11, s24;
	[dreg:$0x6] =	wrdreg s23  }
0xd: {  	s16 =	sadd.s32 $0x1E00, s12;
	s25 =	sadd.s32 s11, s15;
	[dreg:$0x7] =	wrdreg s17  }
0xe: {  	s18 =	sadd.s32 $0x2D00, s12;
	s26 =	sadd.s32 s11, s16;
	[dreg:$0x8] =	wrdreg s25  }
0xf: {  	s0 =	sadd.s32 $0x5A7200, s0;
	s29 =	sadd.s32 s11, s18;
	[dreg:$0x9] =	wrdreg s26  }
0x10: {  	s3 =	ssub.s32 $0x2, s3;
	s30 =	sadd.s32 s13, s31;
	[dreg:$0xb] =	wrdreg s29  }
0x11: {  	s14 =	sshrl.u32 s3, $0x1;
	s31 =	sadd.s32 s0, s31;
	[dreg:$0xd] =	wrdreg s30  }
0x12: {  	s3 =	ssub.s32 s3, s14;
	s14 =	sadd.s32 s13, s24;
	[dreg:$0xe] =	wrdreg s31  }
0x13: {  	s10 =	sadd.s32 s0, s24;
	[dreg:$0xf] =	wrdreg s14  }
0x14: {  	s24 =	sadd.s32 s13, s16;
	[dreg:$0x10] =	wrdreg s10  }
0x15: {  	s23 =	sadd.s32 s0, s15;
	[dreg:$0x13] =	wrdreg s24  }
0x16: {  	s25 =	sadd.s32 s0, s16;
	[dreg:$0x12] =	wrdreg s23  }
0x17: {  	s30 =	sadd.s32 s13, s18;
	[dreg:$0x14] =	wrdreg s25  }
0x18: {  	s19 =	sadd.s32 $0x3480, s12;
	s31 =	sadd.s32 s0, s18;
	[dreg:$0x17] =	wrdreg s30  }
0x19: {  	s14 =	sadd.s32 s13, s19;
	[dreg:$0x18] =	wrdreg s31  }
0x1a: {  	s16 =	sadd.s32 s5, s12;
	[dreg:$0x1b] =	wrdreg s14  }
0x1b: {  	s18 =	sadd.s32 s1, s12;
	[dreg:$0x1d] =	wrdreg s16  }
0x1c: {  	s17 =	sadd.s32 $0x2580, s12;
	s24 =	sadd.s32 $0x7800, s21;
	[dreg:$0x1f] =	wrdreg s18  }
0x1d: {  	s22 =	sadd.s32 s11, s17;
	[smem:$0x7F8] =	sst s24  }
0x1e: {  	s11 =	sadd.s32 s11, s19;
	[dreg:$0xa] =	wrdreg s22  }
0x1f: {  	s26 =	sadd.s32 s13, s17;
	[dreg:$0xc] =	wrdreg s11  }
0x20: {  	s29 =	sadd.s32 s0, s17;
	[dreg:$0x15] =	wrdreg s26  }
0x21: {  	s17 =	sadd.s32 s7, s12;
	[dreg:$0x16] =	wrdreg s29  }
0x22: {  	s23 =	sadd.s32 $0x3C00, s21;
	[dreg:$0x1e] =	wrdreg s17  }
0x23: {  	s25 =	sadd.s32 $0xB400, s21;
	[smem:$0x7F7] =	sst s23  }
0x24: {  	s30 =	sadd.s32 $0x16800, s21;
	[smem:$0x7F9] =	sst s25  }
0x25: {  	s31 =	sadd.s32 $0x1A400, s21;
	[smem:$0x7FC] =	sst s30  }
0x26: {  	s22 =	sadd.s32 s13, s15;
	[smem:$0x7FD] =	sst s31  }
0x27: {  	s11 =	sadd.s32 s0, s12;
	[dreg:$0x11] =	wrdreg s22  }
0x28: {  	s28 =	simm.s32 $0x3;
	s0 =	sadd.s32 s0, s19;
	[dreg:$0x19] =	wrdreg s11  }
0x29: {  	s24 =	simm.s32 $0x2;
	s15 =	sadd.s32 s13, s12;
	[dreg:$0x1a] =	wrdreg s0  }
.Ltmp0:
0x2a: {  	s19 =	sadd.s32 s8, s12;
	[dreg:$0x1c] =	wrdreg s15;
	(pc) =	sbr.rel .LBB2_1-.Ltmp0, $4  }
0x2b: {  	s17 =	sshll.u32 s20, $0x6;
	s26 =	sadd.s32 $0xF000, s21;
	[smem:$0x7F5] =	sst s19  }
0x2c: {  	s29 =	sadd.s32 $0x12C00, s21;
	s23 =	simm.s32 $0x80;
	[smem:$0x7FA] =	sst s26  }
0x2d: {  	s22 =	smax.u32 s3, $0x1;
	s19 =	sor.u32 $0x1C03, s17;
	[smem:$0x7FB] =	sst s29  }
0x2e: {  	s3 =	simm.s32 $0x0;
	[smem:$0x7F6] =	sst s22;
	s22 =	simm.s32 $0x1  }
.LBB2_19:
0x2f: {  	_ =	swait.ge [sflag:s24], $0x280  }
0x30: {  	[sflag:s24] =	ssyncset.done $0x0  }
0x31: {  	[sflag:s24] =	ssyncadd.s32 $0xFFFFFD80  }
0x32: {  	_ =	swait.ge [sflag:s24], $0x280  }
0x33: {  	[sflag:s24] =	ssyncset.done $0x0  }
0x34: {  	[sflag:s24] =	ssyncadd.s32 $0xFFFFFD80  }
0x35: {  	_ =	swait.ge [sflag:s24], $0x280  }
0x36: {  	[sflag:s24] =	ssyncset.done $0x0  }
0x37: {  	[sflag:s24] =	ssyncadd.s32 $0xFFFFFD80  }
0x38: {  	_ =	swait.ge [sflag:s24], $0x280  }
0x39: {  	[sflag:s24] =	ssyncset.done $0x0  }
0x3a: {  	[sflag:s24] =	ssyncadd.s32 $0xFFFFFD80  }
0x3b: {  	[bflag:$0x0] =	sbarrier.arrive $0xFFFF  }
0x3c: {  	s12 =	sld [smem:$0x7EE];
	_ =	sdelay $0x1  }
0x3d: {  	s10 =	rddreg [dreg:$0x19]  }
0x3e: {  	[hbm:s10], [sflag:s19] =	dma.local [spmem:s12], $0x780  }
0x3f: {  	_ =	swait.ge [sflag:s28], $0x780  }
0x40: {  	s14 =	sld [smem:$0x7EF]  }
0x41: {  	[sflag:s28] =	ssyncset.done $0x0  }
0x42: {  	s13 =	rddreg [dreg:$0xe];
	[sflag:s28] =	ssyncadd.s32 $0xFFFFF880  }
0x43: {  	[hbm:s13], [sflag:s19] =	dma.local [spmem:s14], $0x780  }
0x44: {  	_ =	swait.ge [sflag:s28], $0x780  }
0x45: {  	s16 =	sld [smem:$0x7F0]  }
0x46: {  	[sflag:s28] =	ssyncset.done $0x0  }
0x47: {  	s15 =	rddreg [dreg:$0x10];
	[sflag:s28] =	ssyncadd.s32 $0xFFFFF880  }
0x48: {  	[hbm:s15], [sflag:s19] =	dma.local [spmem:s16], $0x780  }
0x49: {  	_ =	swait.ge [sflag:s28], $0x780  }
0x4a: {  	s20 =	sld [smem:$0x7F1]  }
0x4b: {  	[sflag:s28] =	ssyncset.done $0x0  }
0x4c: {  	s18 =	rddreg [dreg:$0x12];
	[sflag:s28] =	ssyncadd.s32 $0xFFFFF880  }
0x4d: {  	[hbm:s18], [sflag:s19] =	dma.local [spmem:s20], $0x780  }
0x4e: {  	_ =	swait.ge [sflag:s28], $0x780  }
0x4f: {  	[sflag:s28] =	ssyncset.done $0x0  }
0x50: {  	s21 =	rddreg [dreg:$0x14];
	[sflag:s28] =	ssyncadd.s32 $0xFFFFF880  }
0x51: {  	[hbm:s21], [sflag:s19] =	dma.local [spmem:s31], $0x780  }
0x52: {  	_ =	swait.ge [sflag:s28], $0x780  }
0x53: {  	[sflag:s28] =	ssyncset.done $0x0  }
0x54: {  	s25 =	rddreg [dreg:$0x16];
	[sflag:s28] =	ssyncadd.s32 $0xFFFFF880  }
0x55: {  	[hbm:s25], [sflag:s19] =	dma.local [spmem:s0], $0x780  }
0x56: {  	_ =	swait.ge [sflag:s28], $0x780  }
0x57: {  	[sflag:s28] =	ssyncset.done $0x0  }
0x58: {  	s26 =	rddreg [dreg:$0x18];
	[sflag:s28] =	ssyncadd.s32 $0xFFFFF880  }
0x59: {  	[hbm:s26], [sflag:s19] =	dma.local [spmem:s3], $0x780  }
0x5a: {  	_ =	swait.ge [sflag:s28], $0x780  }
0x5b: {  	[sflag:s28] =	ssyncset.done $0x0  }
0x5c: {  	s29 =	rddreg [dreg:$0x1a];
	[sflag:s28] =	ssyncadd.s32 $0xFFFFF880  }
0x5d: {  	[hbm:s29], [sflag:s19] =	dma.local [spmem:s11], $0x780  }
0x5e: {  	_ =	swait.ge [sflag:s28], $0x780  }
0x5f: {  	s30 =	sld [smem:$0x7ED]  }
0x60: {  	s31 =	sld [smem:$0x7F6];
	_ =	sdelay $0x1  }
0x61: {  	s3 =	sadd.s32 $0x1, s30  }
0x62: {  	p0 =	sne.s32 s3, s31  }
.Ltmp1:
0x63: {  	_ = 	snop;
	(pc) =	sbr.rel @!p0 .LBB2_20-.Ltmp1, $3  }
0x64: {  	_ =	sdelay $0x1  }
0x65: {  	[sflag:s28] =	ssyncset.done $0x0  }
0x66: {  	[sflag:s28] =	ssyncadd.s32 $0xFFFFF880  }
.LBB2_1:
0x67: {  	s0 =	rddreg [dreg:$0x4]  }
0x68: {  	[smem:$0x7ED] =	sst s3;
	s0 =	sshrl.u32 s0, $0x3  }
0x69: {  	[smem:$0x7EE] =	sst s0  }
0x6a: {  	[spmem:s0], [sflag:s19] =	dma.local [hbm:s9], $0x780  }
0x6b: {  	_ =	swait.ge [sflag:s28], $0x780  }
0x6c: {  	s3 =	sld [smem:$0x7F7];
	_ =	sdelay $0x2  }
0x6d: {  	[sflag:s28] =	ssyncset.done $0x0;
	s0 =	sshrl.u32 s3, $0x3  }
0x6e: {  	[sflag:s28] =	ssyncadd.s32 $0xFFFFF880;
	[smem:$0x7EF] =	sst s0  }
0x6f: {  	[spmem:s0], [sflag:s19] =	dma.local [hbm:s9], $0x780  }
0x70: {  	_ =	swait.ge [sflag:s28], $0x780  }
0x71: {  	s10 =	sld [smem:$0x7F8];
	_ =	sdelay $0x2  }
0x72: {  	[sflag:s28] =	ssyncset.done $0x0;
	s0 =	sshrl.u32 s10, $0x3  }
0x73: {  	[sflag:s28] =	ssyncadd.s32 $0xFFFFF880;
	[smem:$0x7F0] =	sst s0  }
0x74: {  	[spmem:s0], [sflag:s19] =	dma.local [hbm:s9], $0x780  }
0x75: {  	_ =	swait.ge [sflag:s28], $0x780  }
0x76: {  	s11 =	sld [smem:$0x7F9];
	_ =	sdelay $0x2  }
0x77: {  	[sflag:s28] =	ssyncset.done $0x0;
	s0 =	sshrl.u32 s11, $0x3  }
0x78: {  	[sflag:s28] =	ssyncadd.s32 $0xFFFFF880;
	[smem:$0x7F1] =	sst s0  }
0x79: {  	[spmem:s0], [sflag:s19] =	dma.local [hbm:s9], $0x780  }
0x7a: {  	_ =	swait.ge [sflag:s28], $0x780  }
0x7b: {  	s12 =	sld [smem:$0x7FA];
	_ =	sdelay $0x1  }
0x7c: {  	[sflag:s28] =	ssyncset.done $0x0  }
0x7d: {  	[sflag:s28] =	ssyncadd.s32 $0xFFFFF880;
	s31 =	sshrl.u32 s12, $0x3  }
0x7e: {  	[spmem:s31], [sflag:s19] =	dma.local [hbm:s9], $0x780  }
0x7f: {  	_ =	swait.ge [sflag:s28], $0x780  }
0x80: {  	s13 =	sld [smem:$0x7FB];
	_ =	sdelay $0x1  }
0x81: {  	[sflag:s28] =	ssyncset.done $0x0  }
0x82: {  	[sflag:s28] =	ssyncadd.s32 $0xFFFFF880;
	s0 =	sshrl.u32 s13, $0x3  }
0x83: {  	[spmem:s0], [sflag:s19] =	dma.local [hbm:s9], $0x780  }
0x84: {  	_ =	swait.ge [sflag:s28], $0x780  }
0x85: {  	s14 =	sld [smem:$0x7FC];
	_ =	sdelay $0x1  }
0x86: {  	[sflag:s28] =	ssyncset.done $0x0  }
0x87: {  	[sflag:s28] =	ssyncadd.s32 $0xFFFFF880;
	s3 =	sshrl.u32 s14, $0x3  }
0x88: {  	[spmem:s3], [sflag:s19] =	dma.local [hbm:s9], $0x780  }
0x89: {  	_ =	swait.ge [sflag:s28], $0x780  }
0x8a: {  	s10 =	sld [smem:$0x7FD];
	_ =	sdelay $0x1  }
0x8b: {  	[sflag:s28] =	ssyncset.done $0x0  }
0x8c: {  	[sflag:s28] =	ssyncadd.s32 $0xFFFFF880;
	s11 =	sshrl.u32 s10, $0x3  }
0x8d: {  	[spmem:s11], [sflag:s19] =	dma.local [hbm:s9], $0x780  }
0x8e: {  	_ =	swait.ge [sflag:s28], $0x780  }
0x8f: {  	[sflag:s28] =	ssyncset.done $0x0  }
0x90: {  	[sflag:s28] =	ssyncadd.s32 $0xFFFFF880  }
0x91: {  	[bflag:$0x0] =	sbarrier.arrive $0xFFFF  }
0x92: {  	s12 =	simm.s32 $0x1E000;
	s15 =	rddreg [dreg:$0x1d]  }
0x93: {  	[tilespmem:s12], [sflag:$0x1] =	stream.linear.gather [hbm4b:s15+s4], $0x80, $0x38;
	[tilespmem:$0x1FE00] =	vst v63  }
0x94: {  	s16 =	simm.s32 $0x1E100;
	s30 =	sadd.s32 $0x10, s15  }
0x95: {  	[tilespmem:s16], [sflag:$0x1] =	stream.linear.gather [hbm4b:s30+s4], $0x80, $0x38;
	[tilespmem:$0x1FE00] =	vst v63  }
0x96: {  	s18 =	simm.s32 $0x1E200;
	s13 =	sadd.s32 $0x20, s15  }
0x97: {  	[tilespmem:s18], [sflag:$0x1] =	stream.linear.gather [hbm4b:s13+s4], $0x80, $0x38;
	[tilespmem:$0x1FE00] =	vst v63  }
0x98: {  	s21 =	simm.s32 $0x1E300;
	s20 =	sadd.s32 $0x30, s15  }
0x99: {  	[tilespmem:s21], [sflag:$0x1] =	stream.linear.gather [hbm4b:s20+s4], $0x80, $0x38;
	[tilespmem:$0x1FE00] =	vst v63  }
0x9a: {  	s26 =	simm.s32 $0x1E400;
	s25 =	sadd.s32 $0x40, s15  }
0x9b: {  	[tilespmem:s26], [sflag:$0x1] =	stream.linear.gather [hbm4b:s25+s4], $0x80, $0x38;
	[tilespmem:$0x1FE00] =	vst v63  }
0x9c: {  	s14 =	simm.s32 $0x1E500;
	s29 =	rddreg [dreg:$0x1e]  }
0x9d: {  	[tilespmem:s14], [sflag:$0x1] =	stream.linear.gather [hbm4b:s29+s4], $0x80, $0x38;
	[tilespmem:$0x1FE00] =	vst v63  }
0x9e: {  	s15 =	sadd.s32 $0x10, s29;
	s16 =	simm.s32 $0x1E600  }
0x9f: {  	[tilespmem:s16], [sflag:$0x1] =	stream.linear.gather [hbm4b:s15+s4], $0x80, $0x38;
	[tilespmem:$0x1FE00] =	vst v63  }
0xa0: {  	[smem:$0x7F3] =	sst s20;
	s18 =	sadd.s32 $0x20, s29;
	s20 =	simm.s32 $0x1E700  }
0xa1: {  	[tilespmem:s20], [sflag:$0x1] =	stream.linear.gather [hbm4b:s18+s4], $0x80, $0x38;
	[tilespmem:$0x1FE00] =	vst v63  }
.Ltmp2:
0xa2: {  	[smem:$0x7F2] =	sst s13;
	(pc) =	sbr.rel .LBB2_2-.Ltmp2, $4  }
0xa3: {  	[smem:$0x7F4] =	sst s25;
	s21 =	sadd.s32 $0x30, s29;
	s25 =	simm.s32 $0x1E800  }
0xa4: {  	[tilespmem:s25], [sflag:$0x1] =	stream.linear.gather [hbm4b:s21+s4], $0x80, $0x38;
	[tilespmem:$0x1FE00] =	vst v63  }
0xa5: {  	s26 =	sadd.s32 $0x40, s29;
	s29 =	simm.s32 $0x1E900;
	s16 =	simm.s32 $0x0  }
0xa6: {  	[tilespmem:s29], [sflag:$0x1] =	stream.linear.gather [hbm4b:s26+s4], $0x80, $0x38;
	[tilespmem:$0x1FE00] =	vst v63  }
.LBB2_6:
0xa7: {  	s10 =	sshll.u32 s15, $0x7  }
0xa8: {  	s13 =	sor.u32 $0x1E500, s14;
	s15 =	sadd.s32 $0x1EA00, s10  }
0xa9: {  	[spmem:s2] =	stream.indirect.scatter.add.f32 [tilespmem:s13], [sflag:$0x2], $0x1, s15, s23, $0xb8;
	[tilespmem:$0x1FE00] =	vst v63  }
0xaa: {  	s29 =	sadd.s32 $0x1EC80, s10  }
0xab: {  	[spmem:s2] =	stream.indirect.scatter.add.f32 [tilespmem:s13], [sflag:$0x2], $0x1, s29, s23, $0xb8;
	[tilespmem:$0x1FE00] =	vst v63  }
0xac: {  	s16 =	sadd.s32 $0x1EF00, s10  }
0xad: {  	[spmem:s2] =	stream.indirect.scatter.add.f32 [tilespmem:s13], [sflag:$0x2], $0x1, s16, s23, $0xb8;
	[tilespmem:$0x1FE00] =	vst v63  }
0xae: {  	s18 =	sadd.s32 $0x1F180, s10  }
0xaf: {  	[spmem:s2] =	stream.indirect.scatter.add.f32 [tilespmem:s13], [sflag:$0x2], $0x1, s18, s23, $0xb8;
	[tilespmem:$0x1FE00] =	vst v63  }
0xb0: {  	s20 =	sor.u32 $0x1E600, s14;
	s21 =	sadd.s32 $0x1EA80, s10  }
0xb1: {  	[spmem:s2] =	stream.indirect.scatter.add.f32 [tilespmem:s20], [sflag:$0x2], $0x1, s21, s23, $0xb8;
	[tilespmem:$0x1FE00] =	vst v63  }
0xb2: {  	s25 =	sadd.s32 $0x1ED00, s10  }
0xb3: {  	[spmem:s2] =	stream.indirect.scatter.add.f32 [tilespmem:s20], [sflag:$0x2], $0x1, s25, s23, $0xb8;
	[tilespmem:$0x1FE00] =	vst v63  }
0xb4: {  	s26 =	sadd.s32 $0x1EF80, s10  }
0xb5: {  	[spmem:s2] =	stream.indirect.scatter.add.f32 [tilespmem:s20], [sflag:$0x2], $0x1, s26, s23, $0xb8;
	[tilespmem:$0x1FE00] =	vst v63  }
0xb6: {  	s29 =	sadd.s32 $0x1F200, s10  }
0xb7: {  	[spmem:s2] =	stream.indirect.scatter.add.f32 [tilespmem:s20], [sflag:$0x2], $0x1, s29, s23, $0xb8;
	[tilespmem:$0x1FE00] =	vst v63  }
0xb8: {  	s16 =	sor.u32 $0x1E700, s14;
	s18 =	sadd.s32 $0x1EB00, s10  }
0xb9: {  	[spmem:s2] =	stream.indirect.scatter.add.f32 [tilespmem:s16], [sflag:$0x2], $0x1, s18, s23, $0xb8;
	[tilespmem:$0x1FE00] =	vst v63  }
0xba: {  	s20 =	sadd.s32 $0x1ED80, s10  }
0xbb: {  	[spmem:s2] =	stream.indirect.scatter.add.f32 [tilespmem:s16], [sflag:$0x2], $0x1, s20, s23, $0xb8;
	[tilespmem:$0x1FE00] =	vst v63  }
0xbc: {  	s21 =	sor.u32 $0x1F000, s10  }
0xbd: {  	[spmem:s2] =	stream.indirect.scatter.add.f32 [tilespmem:s16], [sflag:$0x2], $0x1, s21, s23, $0xb8;
	[tilespmem:$0x1FE00] =	vst v63  }
0xbe: {  	s25 =	sadd.s32 $0x1F280, s10  }
0xbf: {  	[spmem:s2] =	stream.indirect.scatter.add.f32 [tilespmem:s16], [sflag:$0x2], $0x1, s25, s23, $0xb8;
	[tilespmem:$0x1FE00] =	vst v63  }
0xc0: {  	s26 =	sor.u32 $0x1E800, s14;
	s29 =	sadd.s32 $0x1EB80, s10  }
0xc1: {  	[spmem:s2] =	stream.indirect.scatter.add.f32 [tilespmem:s26], [sflag:$0x2], $0x1, s29, s23, $0xb8;
	[tilespmem:$0x1FE00] =	vst v63  }
0xc2: {  	s16 =	sadd.s32 $0x1EE00, s10  }
0xc3: {  	[spmem:s2] =	stream.indirect.scatter.add.f32 [tilespmem:s26], [sflag:$0x2], $0x1, s16, s23, $0xb8;
	[tilespmem:$0x1FE00] =	vst v63  }
0xc4: {  	s18 =	sadd.s32 $0x1F080, s10  }
0xc5: {  	[spmem:s2] =	stream.indirect.scatter.add.f32 [tilespmem:s26], [sflag:$0x2], $0x1, s18, s23, $0xb8;
	[tilespmem:$0x1FE00] =	vst v63  }
0xc6: {  	s20 =	sadd.s32 $0x1F300, s10  }
0xc7: {  	[spmem:s2] =	stream.indirect.scatter.add.f32 [tilespmem:s26], [sflag:$0x2], $0x1, s20, s23, $0xb8;
	[tilespmem:$0x1FE00] =	vst v63  }
0xc8: {  	s21 =	sor.u32 $0x1E900, s14;
	s25 =	sadd.s32 $0x1EC00, s10  }
0xc9: {  	[spmem:s2] =	stream.indirect.scatter.add.f32 [tilespmem:s21], [sflag:$0x2], $0x1, s25, s23, $0xb8;
	[tilespmem:$0x1FE00] =	vst v63  }
0xca: {  	p0 =	slt.u32 s12, $0xC0;
	s26 =	sadd.s32 $0x1EE80, s10  }
0xcb: {  	[spmem:s2] =	stream.indirect.scatter.add.f32 [tilespmem:s21], [sflag:$0x2], $0x1, s26, s23, $0xb8;
	[tilespmem:$0x1FE00] =	vst v63  }
.Ltmp3:
0xcc: {  	_ = 	snop;
	(pc) =	sbr.rel @!p0 .LBB2_7-.Ltmp3, $4  }
0xcd: {  	s29 =	sadd.s32 $0x1F100, s10  }
0xce: {  	[spmem:s2] =	stream.indirect.scatter.add.f32 [tilespmem:s21], [sflag:$0x2], $0x1, s29, s23, $0xb8;
	[tilespmem:$0x1FE00] =	vst v63  }
0xcf: {  	s16 =	smov.u32 s12;
	s10 =	sadd.s32 $0x1F380, s10  }
0xd0: {  	[spmem:s2] =	stream.indirect.scatter.add.f32 [tilespmem:s21], [sflag:$0x2], $0x1, s10, s23, $0xb8;
	[tilespmem:$0x1FE00] =	vst v63  }
.LBB2_2:
0xd1: {  	_ =	swait.ge [sflag:s22], $0x280  }
0xd2: {  	s10 =	sshll.u32 s16, $0x7;
	[sflag:s22] =	ssyncset.done $0x0  }
0xd3: {  	s25 =	simm.s32 $0x0;
	s14 =	sand.u32 $0x80, s10;
	[sflag:s22] =	ssyncadd.s32 $0xFFFFFD80  }
0xd4: {  	s13 =	sand.u32 $0x700, s25;
	s12 =	sor.u32 $0x1E000, s14;
	_ =	swait.ge [sflag:s22], $0x280  }
0xd5: {  	s10 =	sand.u32 $0x70, s25;
	s13 =	sadd.s32 s13, s12;
	[sflag:s22] =	ssyncset.done $0x0  }
0xd6: {  	s13 =	sadd.s32 s10, s13;
	[sflag:s22] =	ssyncadd.s32 $0xFFFFFD80  }
0xd7: {  	s15 =	sand.u32 $0x1, s16;
	v0 =	vld [tilespmem:s13+$0x0]  }
0xd8: {  	p0 =	seq.s32 s15, $0x1;
	s15 =	simm.s32 $0x14  }
0xd9: {  	s15 =	simm.s32 @!p0 $0x0  }
0xda: {  	s26 =	sadd.s32 $0x0, s15  }
0xdb: {  	s13 =	sshll.u32 s26, $0x7  }
0xdc: {  	s13 =	sand.u32 $0x3FFFFF80, s13;
	v1 =	vand.u32 $0x2, v0  }
0xdd: {  	s20 =	simm.s32 $0x20;
	s26 =	sor.u32 s10, s13;
	v2 =	vshrl.u32 v0, $0x2;
	v0 =	vand.u32 $0x1, v0;
	v1 =	vmul.u32 $0x3C0, v1  }
0xde: {  	s18 =	simm.s32 $0x1;
	s29 =	sand.u32 $0x700, s20;
	s13 =	simm.s32 $0x10;
	[tilespmem:s26+$0x1EA00] =	vst v2;
	v3 =	vadd.s32 v0, v2  }
0xdf: {  	s25 =	simm.s32 $0x2;
	s10 =	sadd.s32 s29, s12;
	s21 =	sand.u32 $0x70, s13;
	[tilespmem:s26+$0x1EC80] =	vst v3;
	v1 =	vadd.s32 v2, v1  }
.LBB2_3:
0xe0: {  	p0 =	sne.s32 s25, $0x27  }
0xe1: {  	s10 =	sadd.s32 s21, s10;
	[tilespmem:s26+$0x1EF00] =	vst v1;
	v0 =	vadd.s32 v0, v1;
	s29 =	smov.u32 s25;
	s25 =	sadd.s32 $0x1, s25  }
0xe2: {  	[tilespmem:s26+$0x1F180] =	vst v0  }
0xe3: {  	v0 =	vld [tilespmem:s10+$0x0];
	_ =	sdelay $0x1  }
0xe4: {  	s10 =	sshrl.u32 s18, $0x3;
	s18 =	smov.u32 s29  }
0xe5: {  	s10 =	sadd.s32 s15, s10  }
.Ltmp4:
0xe6: {  	s10 =	sshll.u32 s10, $0x7;
	(pc) =	sbr.rel @p0 .LBB2_3-.Ltmp4, $4  }
0xe7: {  	s10 =	sand.u32 $0x3FFFFF80, s10;
	v1 =	vand.u32 $0x2, v0  }
0xe8: {  	s20 =	sadd.s32 $0x20, s20;
	s26 =	sor.u32 s21, s10;
	v2 =	vshrl.u32 v0, $0x2;
	v0 =	vand.u32 $0x1, v0;
	v1 =	vmul.u32 $0x3C0, v1  }
0xe9: {  	s13 =	sadd.s32 $0x10, s13;
	s10 =	sand.u32 $0x700, s20;
	v3 =	vadd.s32 v0, v2;
	[tilespmem:s26+$0x1EA00] =	vst v2  }
0xea: {  	s21 =	sand.u32 $0x70, s13;
	s10 =	sadd.s32 s10, s12;
	v1 =	vadd.s32 v2, v1;
	[tilespmem:s26+$0x1EC80] =	vst v3  }
0xeb: {  	[tilespmem:s26+$0x1EF00] =	vst v1;
	v0 =	vadd.s32 v0, v1  }
0xec: {  	s10 =	sadd.s32 s21, s10;
	[tilespmem:s26+$0x1F180] =	vst v0  }
0xed: {  	v0 =	vld [tilespmem:s10+$0x0];
	_ =	sdelay $0x1  }
0xee: {  	s29 =	sshrl.u32 s18, $0x3  }
0xef: {  	s10 =	sadd.s32 s15, s29  }
0xf0: {  	s10 =	sshll.u32 s10, $0x7  }
0xf1: {  	s10 =	sand.u32 $0x3FFFFF80, s10;
	v63 =	vand.u32 $0x2, v0  }
0xf2: {  	s10 =	sor.u32 s21, s10;
	v2 =	vshrl.u32 v0, $0x2;
	v0 =	vand.u32 $0x1, v0;
	v1 =	vmul.u32 $0x3C0, v63  }
0xf3: {  	[tilespmem:s10+$0x1EA00] =	vst v2;
	v3 =	vadd.s32 v0, v2  }
0xf4: {  	[tilespmem:s10+$0x1EC80] =	vst v3;
	v1 =	vadd.s32 v2, v1  }
0xf5: {  	p0 =	seq.s32 s16, $0x0;
	[tilespmem:s10+$0x1EF00] =	vst v1;
	v0 =	vadd.s32 v0, v1  }
0xf6: {  	[tilespmem:s10+$0x1F180] =	vst v0;
	s10 =	simm.s32 @!p0 $0x2  }
0xf7: {  	_ =	swait.ge @!p0 [sflag:s10], $0x280  }
0xf8: {  	[sflag:s10] =	ssyncset.done @!p0 $0x0  }
0xf9: {  	[sflag:s10] =	ssyncadd.s32 @!p0 $0xFFFFFD80  }
0xfa: {  	_ =	swait.ge @!p0 [sflag:s10], $0x280  }
0xfb: {  	[sflag:s10] =	ssyncset.done @!p0 $0x0  }
0xfc: {  	p1 =	seq.s32 @!p0 s16, $0xBF;
	[sflag:s10] =	ssyncadd.s32 @!p0 $0xFFFFFD80  }
0xfd: {  	p1 =	por p0, !p1;
	_ =	swait.ge @!p0 [sflag:s10], $0x280  }
.Ltmp5:
0xfe: {  	[sflag:s10] =	ssyncset.done @!p0 $0x0;
	(pc) =	sbr.rel @!p1 .LBB2_6-.Ltmp5, $4  }
0xff: {  	[sflag:s10] =	ssyncadd.s32 @!p0 $0xFFFFFD80  }
0x100: {  	_ =	swait.ge @!p0 [sflag:s10], $0x280  }
0x101: {  	[sflag:s10] =	ssyncset.done @!p0 $0x0  }
0x102: {  	s12 =	simm.s32 @!p0 $0xC0;
	[sflag:s10] =	ssyncadd.s32 @!p0 $0xFFFFFD80  }
0x103: {  	s12 =	sadd.s32 @!p0 $0x1, s16  }
0x104: {  	s12 =	simm.s32 @p0 $0x1  }
0x105: {  	s10 =	smulhi.u32 $0xAAAAAAAB, s12;
	_ =	sdelay $0x1  }
0x106: {  	s10 =	sshrl.u32 s10, $0x1  }
0x107: {  	s13 =	smul.u32 $0x3, s10;
	_ =	sdelay $0x1  }
0x108: {  	s13 =	ssub.s32 s12, s13  }
0x109: {  	s10 =	sadd.s32 s17, s10;
	s13 =	smul.u32 $0x280, s13  }
0x10a: {  	s10 =	smul.u32 $0x780, s10  }
0x10b: {  	s13 =	sor.u32 s6, s13  }
0x10c: {  	s10 =	sadd.s32 s10, s13  }
0x10d: {  	s13 =	sxor.u32 $0x80, s14;
	s10 =	sshrl.u32 s10, $0x3  }
0x10e: {  	s21 =	sor.u32 $0x1E000, s13;
	s18 =	sadd.s32 s5, s10  }
0x10f: {  	[tilespmem:s21], [sflag:$0x1] =	stream.linear.gather [hbm4b:s18+s4], $0x80, $0x38;
	[tilespmem:$0x1FE00] =	vst v63  }
0x110: {  	s20 =	sor.u32 $0x1E100, s13;
	s25 =	sadd.s32 $0x10, s18  }
0x111: {  	[tilespmem:s20], [sflag:$0x1] =	stream.linear.gather [hbm4b:s25+s4], $0x80, $0x38;
	[tilespmem:$0x1FE00] =	vst v63  }
0x112: {  	s29 =	sor.u32 $0x1E200, s13;
	s26 =	sadd.s32 $0x20, s18  }
0x113: {  	[tilespmem:s29], [sflag:$0x1] =	stream.linear.gather [hbm4b:s26+s4], $0x80, $0x38;
	[tilespmem:$0x1FE00] =	vst v63  }
0x114: {  	s21 =	sor.u32 $0x1E300, s13;
	s20 =	sadd.s32 $0x30, s18  }
0x115: {  	[tilespmem:s21], [sflag:$0x1] =	stream.linear.gather [hbm4b:s20+s4], $0x80, $0x38;
	[tilespmem:$0x1FE00] =	vst v63  }
0x116: {  	s25 =	sadd.s32 $0x40, s18;
	s26 =	sor.u32 $0x1E400, s13  }
0x117: {  	[tilespmem:s26], [sflag:$0x1] =	stream.linear.gather [hbm4b:s25+s4], $0x80, $0x38;
	[tilespmem:$0x1FE00] =	vst v63  }
0x118: {  	s10 =	sadd.s32 s7, s10;
	s29 =	sor.u32 $0x1E500, s13  }
0x119: {  	[tilespmem:s29], [sflag:$0x1] =	stream.linear.gather [hbm4b:s10+s4], $0x80, $0x38;
	[tilespmem:$0x1FE00] =	vst v63  }
0x11a: {  	s18 =	sadd.s32 $0x10, s10;
	s20 =	sor.u32 $0x1E600, s13  }
0x11b: {  	[tilespmem:s20], [sflag:$0x1] =	stream.linear.gather [hbm4b:s18+s4], $0x80, $0x38;
	[tilespmem:$0x1FE00] =	vst v63  }
0x11c: {  	s21 =	sadd.s32 $0x20, s10;
	s25 =	sor.u32 $0x1E700, s13  }
0x11d: {  	[tilespmem:s25], [sflag:$0x1] =	stream.linear.gather [hbm4b:s21+s4], $0x80, $0x38;
	[tilespmem:$0x1FE00] =	vst v63  }
.Ltmp6:
0x11e: {  	_ = 	snop;
	(pc) =	sbr.rel .LBB2_6-.Ltmp6, $4  }
0x11f: {  	s26 =	sadd.s32 $0x30, s10;
	s29 =	sor.u32 $0x1E800, s13  }
0x120: {  	[tilespmem:s29], [sflag:$0x1] =	stream.linear.gather [hbm4b:s26+s4], $0x80, $0x38;
	[tilespmem:$0x1FE00] =	vst v63  }
0x121: {  	s10 =	sadd.s32 $0x40, s10;
	s13 =	sor.u32 $0x1E900, s13  }
0x122: {  	[tilespmem:s13], [sflag:$0x1] =	stream.linear.gather [hbm4b:s10+s4], $0x80, $0x38;
	[tilespmem:$0x1FE00] =	vst v63  }
.LBB2_7:
0x123: {  	_ =	swait.ge [sflag:s24], $0x280  }
0x124: {  	[sflag:s24] =	ssyncset.done $0x0  }
0x125: {  	[sflag:s24] =	ssyncadd.s32 $0xFFFFFD80  }
0x126: {  	_ =	swait.ge [sflag:s24], $0x280  }
0x127: {  	[sflag:s24] =	ssyncset.done $0x0  }
0x128: {  	[sflag:s24] =	ssyncadd.s32 $0xFFFFFD80  }
0x129: {  	_ =	swait.ge [sflag:s24], $0x280  }
0x12a: {  	[sflag:s24] =	ssyncset.done $0x0  }
0x12b: {  	[sflag:s24] =	ssyncadd.s32 $0xFFFFFD80  }
0x12c: {  	_ =	swait.ge [sflag:s24], $0x280  }
0x12d: {  	[sflag:s24] =	ssyncset.done $0x0  }
0x12e: {  	[sflag:s24] =	ssyncadd.s32 $0xFFFFFD80  }
0x12f: {  	[bflag:$0x0] =	sbarrier.arrive $0xFFFF  }
0x130: {  	s12 =	sld [smem:$0x7EE];
	_ =	sdelay $0x1  }
0x131: {  	s10 =	rddreg [dreg:$0x5]  }
0x132: {  	[hbm:s10], [sflag:s19] =	dma.local [spmem:s12], $0x780  }
0x133: {  	_ =	swait.ge [sflag:s28], $0x780  }
0x134: {  	s13 =	sld [smem:$0x7EF]  }
0x135: {  	[sflag:s28] =	ssyncset.done $0x0  }
0x136: {  	s16 =	rddreg [dreg:$0x6];
	[sflag:s28] =	ssyncadd.s32 $0xFFFFF880  }
0x137: {  	[hbm:s16], [sflag:s19] =	dma.local [spmem:s13], $0x780  }
0x138: {  	_ =	swait.ge [sflag:s28], $0x780  }
0x139: {  	s14 =	sld [smem:$0x7F0]  }
0x13a: {  	[sflag:s28] =	ssyncset.done $0x0  }
0x13b: {  	s18 =	rddreg [dreg:$0x7];
	[sflag:s28] =	ssyncadd.s32 $0xFFFFF880  }
0x13c: {  	[hbm:s18], [sflag:s19] =	dma.local [spmem:s14], $0x780  }
0x13d: {  	_ =	swait.ge [sflag:s28], $0x780  }
0x13e: {  	s15 =	sld [smem:$0x7F1]  }
0x13f: {  	[sflag:s28] =	ssyncset.done $0x0  }
0x140: {  	s20 =	rddreg [dreg:$0x8];
	[sflag:s28] =	ssyncadd.s32 $0xFFFFF880  }
0x141: {  	[hbm:s20], [sflag:s19] =	dma.local [spmem:s15], $0x780  }
0x142: {  	_ =	swait.ge [sflag:s28], $0x780  }
0x143: {  	[sflag:s28] =	ssyncset.done $0x0  }
0x144: {  	s21 =	rddreg [dreg:$0x9];
	[sflag:s28] =	ssyncadd.s32 $0xFFFFF880  }
0x145: {  	[hbm:s21], [sflag:s19] =	dma.local [spmem:s31], $0x780  }
0x146: {  	_ =	swait.ge [sflag:s28], $0x780  }
0x147: {  	[sflag:s28] =	ssyncset.done $0x0  }
0x148: {  	s25 =	rddreg [dreg:$0xa];
	[sflag:s28] =	ssyncadd.s32 $0xFFFFF880  }
0x149: {  	[hbm:s25], [sflag:s19] =	dma.local [spmem:s0], $0x780  }
0x14a: {  	_ =	swait.ge [sflag:s28], $0x780  }
0x14b: {  	[sflag:s28] =	ssyncset.done $0x0  }
0x14c: {  	s26 =	rddreg [dreg:$0xb];
	[sflag:s28] =	ssyncadd.s32 $0xFFFFF880  }
0x14d: {  	[hbm:s26], [sflag:s19] =	dma.local [spmem:s3], $0x780  }
0x14e: {  	_ =	swait.ge [sflag:s28], $0x780  }
0x14f: {  	[sflag:s28] =	ssyncset.done $0x0  }
0x150: {  	s29 =	rddreg [dreg:$0xc];
	[sflag:s28] =	ssyncadd.s32 $0xFFFFF880  }
0x151: {  	[hbm:s29], [sflag:s19] =	dma.local [spmem:s11], $0x780  }
0x152: {  	_ =	swait.ge [sflag:s28], $0x780  }
0x153: {  	[sflag:s28] =	ssyncset.done $0x0  }
0x154: {  	[sflag:s28] =	ssyncadd.s32 $0xFFFFF880  }
0x155: {  	[spmem:s12], [sflag:s19] =	dma.local [hbm:s9], $0x780  }
0x156: {  	_ =	swait.ge [sflag:s28], $0x780  }
0x157: {  	[sflag:s28] =	ssyncset.done $0x0  }
0x158: {  	[sflag:s28] =	ssyncadd.s32 $0xFFFFF880  }
0x159: {  	[spmem:s13], [sflag:s19] =	dma.local [hbm:s9], $0x780  }
0x15a: {  	_ =	swait.ge [sflag:s28], $0x780  }
0x15b: {  	[sflag:s28] =	ssyncset.done $0x0  }
0x15c: {  	[sflag:s28] =	ssyncadd.s32 $0xFFFFF880  }
0x15d: {  	[spmem:s14], [sflag:s19] =	dma.local [hbm:s9], $0x780  }
0x15e: {  	_ =	swait.ge [sflag:s28], $0x780  }
0x15f: {  	[sflag:s28] =	ssyncset.done $0x0  }
0x160: {  	[sflag:s28] =	ssyncadd.s32 $0xFFFFF880  }
0x161: {  	[spmem:s15], [sflag:s19] =	dma.local [hbm:s9], $0x780  }
0x162: {  	_ =	swait.ge [sflag:s28], $0x780  }
0x163: {  	[sflag:s28] =	ssyncset.done $0x0  }
0x164: {  	[sflag:s28] =	ssyncadd.s32 $0xFFFFF880  }
0x165: {  	[spmem:s31], [sflag:s19] =	dma.local [hbm:s9], $0x780  }
0x166: {  	_ =	swait.ge [sflag:s28], $0x780  }
0x167: {  	[sflag:s28] =	ssyncset.done $0x0  }
0x168: {  	[sflag:s28] =	ssyncadd.s32 $0xFFFFF880  }
0x169: {  	[spmem:s0], [sflag:s19] =	dma.local [hbm:s9], $0x780  }
0x16a: {  	_ =	swait.ge [sflag:s28], $0x780  }
0x16b: {  	[sflag:s28] =	ssyncset.done $0x0  }
0x16c: {  	[sflag:s28] =	ssyncadd.s32 $0xFFFFF880  }
0x16d: {  	[spmem:s3], [sflag:s19] =	dma.local [hbm:s9], $0x780  }
0x16e: {  	_ =	swait.ge [sflag:s28], $0x780  }
0x16f: {  	[sflag:s28] =	ssyncset.done $0x0  }
0x170: {  	[sflag:s28] =	ssyncadd.s32 $0xFFFFF880  }
0x171: {  	[spmem:s11], [sflag:s19] =	dma.local [hbm:s9], $0x780  }
0x172: {  	_ =	swait.ge [sflag:s28], $0x780  }
0x173: {  	[sflag:s28] =	ssyncset.done $0x0  }
0x174: {  	[sflag:s28] =	ssyncadd.s32 $0xFFFFF880  }
0x175: {  	[bflag:$0x0] =	sbarrier.arrive $0xFFFF  }
0x176: {  	s14 =	simm.s32 $0x0;
	s15 =	simm.s32 $0x1E000;
	s13 =	rddreg [dreg:$0x1d]  }
0x177: {  	[tilespmem:s15], [sflag:$0x1] =	stream.linear.gather [hbm4b:s13+s14], $0x80, $0x38;
	[tilespmem:$0x1FE00] =	vst v63  }
0x178: {  	s16 =	simm.s32 $0x1E100;
	s20 =	sld [smem:$0x7F2]  }
0x179: {  	[tilespmem:s16], [sflag:$0x1] =	stream.linear.gather [hbm4b:s30+s14], $0x80, $0x38;
	[tilespmem:$0x1FE00] =	vst v63  }
0x17a: {  	s18 =	simm.s32 $0x1E200;
	s25 =	sld [smem:$0x7F3]  }
0x17b: {  	[tilespmem:s18], [sflag:$0x1] =	stream.linear.gather [hbm4b:s20+s14], $0x80, $0x38;
	[tilespmem:$0x1FE00] =	vst v63  }
0x17c: {  	s21 =	simm.s32 $0x1E300;
	s29 =	sld [smem:$0x7F4]  }
0x17d: {  	[tilespmem:s21], [sflag:$0x1] =	stream.linear.gather [hbm4b:s25+s14], $0x80, $0x38;
	[tilespmem:$0x1FE00] =	vst v63  }
0x17e: {  	s26 =	simm.s32 $0x1E400;
	[smem:$0x7EC] =	sst s30  }
0x17f: {  	[tilespmem:s26], [sflag:$0x1] =	stream.linear.gather [hbm4b:s29+s14], $0x80, $0x38;
	[tilespmem:$0x1FE00] =	vst v63  }
0x180: {  	s15 =	simm.s32 $0x1E500;
	s30 =	rddreg [dreg:$0x1f]  }
0x181: {  	[tilespmem:s15], [sflag:$0x1] =	stream.linear.gather [hbm4b:s30+s14], $0x80, $0x38;
	[tilespmem:$0x1FE00] =	vst v63  }
0x182: {  	s16 =	sadd.s32 $0x10, s30;
	s18 =	simm.s32 $0x1E600  }
0x183: {  	[tilespmem:s18], [sflag:$0x1] =	stream.linear.gather [hbm4b:s16+s14], $0x80, $0x38;
	[tilespmem:$0x1FE00] =	vst v63  }
0x184: {  	s20 =	sadd.s32 $0x20, s30;
	s21 =	simm.s32 $0x1E700  }
0x185: {  	[tilespmem:s21], [sflag:$0x1] =	stream.linear.gather [hbm4b:s20+s14], $0x80, $0x38;
	[tilespmem:$0x1FE00] =	vst v63  }
.Ltmp7:
0x186: {  	_ = 	snop;
	(pc) =	sbr.rel .LBB2_8-.Ltmp7, $4  }
0x187: {  	s25 =	sadd.s32 $0x30, s30;
	s26 =	simm.s32 $0x1E800  }
0x188: {  	[tilespmem:s26], [sflag:$0x1] =	stream.linear.gather [hbm4b:s25+s14], $0x80, $0x38;
	[tilespmem:$0x1FE00] =	vst v63  }
0x189: {  	s12 =	simm.s32 $0x0;
	s29 =	sadd.s32 $0x40, s30;
	s30 =	simm.s32 $0x1E900  }
0x18a: {  	[tilespmem:s30], [sflag:$0x1] =	stream.linear.gather [hbm4b:s29+s14], $0x80, $0x38;
	[tilespmem:$0x1FE00] =	vst v63  }
.LBB2_12:
0x18b: {  	s10 =	sshll.u32 s16, $0x7  }
0x18c: {  	s12 =	sor.u32 $0x1E500, s15;
	s13 =	sadd.s32 $0x1EA00, s10  }
0x18d: {  	[spmem:s2] =	stream.indirect.scatter.add.f32 [tilespmem:s12], [sflag:$0x2], $0x1, s13, s23, $0xb8;
	[tilespmem:$0x1FE00] =	vst v63  }
0x18e: {  	s30 =	sadd.s32 $0x1EC80, s10  }
0x18f: {  	[spmem:s2] =	stream.indirect.scatter.add.f32 [tilespmem:s12], [sflag:$0x2], $0x1, s30, s23, $0xb8;
	[tilespmem:$0x1FE00] =	vst v63  }
0x190: {  	s16 =	sadd.s32 $0x1EF00, s10  }
0x191: {  	[spmem:s2] =	stream.indirect.scatter.add.f32 [tilespmem:s12], [sflag:$0x2], $0x1, s16, s23, $0xb8;
	[tilespmem:$0x1FE00] =	vst v63  }
0x192: {  	s20 =	sadd.s32 $0x1F180, s10  }
0x193: {  	[spmem:s2] =	stream.indirect.scatter.add.f32 [tilespmem:s12], [sflag:$0x2], $0x1, s20, s23, $0xb8;
	[tilespmem:$0x1FE00] =	vst v63  }
0x194: {  	s21 =	sor.u32 $0x1E600, s15;
	s25 =	sadd.s32 $0x1EA80, s10  }
0x195: {  	[spmem:s2] =	stream.indirect.scatter.add.f32 [tilespmem:s21], [sflag:$0x2], $0x1, s25, s23, $0xb8;
	[tilespmem:$0x1FE00] =	vst v63  }
0x196: {  	s26 =	sadd.s32 $0x1ED00, s10  }
0x197: {  	[spmem:s2] =	stream.indirect.scatter.add.f32 [tilespmem:s21], [sflag:$0x2], $0x1, s26, s23, $0xb8;
	[tilespmem:$0x1FE00] =	vst v63  }
0x198: {  	s29 =	sadd.s32 $0x1EF80, s10  }
0x199: {  	[spmem:s2] =	stream.indirect.scatter.add.f32 [tilespmem:s21], [sflag:$0x2], $0x1, s29, s23, $0xb8;
	[tilespmem:$0x1FE00] =	vst v63  }
0x19a: {  	s30 =	sadd.s32 $0x1F200, s10  }
0x19b: {  	[spmem:s2] =	stream.indirect.scatter.add.f32 [tilespmem:s21], [sflag:$0x2], $0x1, s30, s23, $0xb8;
	[tilespmem:$0x1FE00] =	vst v63  }
0x19c: {  	s16 =	sor.u32 $0x1E700, s15;
	s20 =	sadd.s32 $0x1EB00, s10  }
0x19d: {  	[spmem:s2] =	stream.indirect.scatter.add.f32 [tilespmem:s16], [sflag:$0x2], $0x1, s20, s23, $0xb8;
	[tilespmem:$0x1FE00] =	vst v63  }
0x19e: {  	s21 =	sadd.s32 $0x1ED80, s10  }
0x19f: {  	[spmem:s2] =	stream.indirect.scatter.add.f32 [tilespmem:s16], [sflag:$0x2], $0x1, s21, s23, $0xb8;
	[tilespmem:$0x1FE00] =	vst v63  }
0x1a0: {  	s25 =	sor.u32 $0x1F000, s10  }
0x1a1: {  	[spmem:s2] =	stream.indirect.scatter.add.f32 [tilespmem:s16], [sflag:$0x2], $0x1, s25, s23, $0xb8;
	[tilespmem:$0x1FE00] =	vst v63  }
0x1a2: {  	s26 =	sadd.s32 $0x1F280, s10  }
0x1a3: {  	[spmem:s2] =	stream.indirect.scatter.add.f32 [tilespmem:s16], [sflag:$0x2], $0x1, s26, s23, $0xb8;
	[tilespmem:$0x1FE00] =	vst v63  }
0x1a4: {  	s29 =	sor.u32 $0x1E800, s15;
	s30 =	sadd.s32 $0x1EB80, s10  }
0x1a5: {  	[spmem:s2] =	stream.indirect.scatter.add.f32 [tilespmem:s29], [sflag:$0x2], $0x1, s30, s23, $0xb8;
	[tilespmem:$0x1FE00] =	vst v63  }
0x1a6: {  	s16 =	sadd.s32 $0x1EE00, s10  }
0x1a7: {  	[spmem:s2] =	stream.indirect.scatter.add.f32 [tilespmem:s29], [sflag:$0x2], $0x1, s16, s23, $0xb8;
	[tilespmem:$0x1FE00] =	vst v63  }
0x1a8: {  	s20 =	sadd.s32 $0x1F080, s10  }
0x1a9: {  	[spmem:s2] =	stream.indirect.scatter.add.f32 [tilespmem:s29], [sflag:$0x2], $0x1, s20, s23, $0xb8;
	[tilespmem:$0x1FE00] =	vst v63  }
0x1aa: {  	s21 =	sadd.s32 $0x1F300, s10  }
0x1ab: {  	[spmem:s2] =	stream.indirect.scatter.add.f32 [tilespmem:s29], [sflag:$0x2], $0x1, s21, s23, $0xb8;
	[tilespmem:$0x1FE00] =	vst v63  }
0x1ac: {  	s25 =	sor.u32 $0x1E900, s15;
	s26 =	sadd.s32 $0x1EC00, s10  }
0x1ad: {  	[spmem:s2] =	stream.indirect.scatter.add.f32 [tilespmem:s25], [sflag:$0x2], $0x1, s26, s23, $0xb8;
	[tilespmem:$0x1FE00] =	vst v63  }
0x1ae: {  	p0 =	slt.u32 s18, $0xC0;
	s29 =	sadd.s32 $0x1EE80, s10  }
0x1af: {  	[spmem:s2] =	stream.indirect.scatter.add.f32 [tilespmem:s25], [sflag:$0x2], $0x1, s29, s23, $0xb8;
	[tilespmem:$0x1FE00] =	vst v63  }
.Ltmp8:
0x1b0: {  	_ = 	snop;
	(pc) =	sbr.rel @!p0 .LBB2_13-.Ltmp8, $4  }
0x1b1: {  	s30 =	sadd.s32 $0x1F100, s10  }
0x1b2: {  	[spmem:s2] =	stream.indirect.scatter.add.f32 [tilespmem:s25], [sflag:$0x2], $0x1, s30, s23, $0xb8;
	[tilespmem:$0x1FE00] =	vst v63  }
0x1b3: {  	s12 =	smov.u32 s18;
	s10 =	sadd.s32 $0x1F380, s10  }
0x1b4: {  	[spmem:s2] =	stream.indirect.scatter.add.f32 [tilespmem:s25], [sflag:$0x2], $0x1, s10, s23, $0xb8;
	[tilespmem:$0x1FE00] =	vst v63  }
.LBB2_8:
0x1b5: {  	_ =	swait.ge [sflag:s22], $0x280  }
0x1b6: {  	s10 =	sshll.u32 s12, $0x7;
	[sflag:s22] =	ssyncset.done $0x0  }
0x1b7: {  	s15 =	sand.u32 $0x80, s10;
	[sflag:s22] =	ssyncadd.s32 $0xFFFFFD80  }
0x1b8: {  	s26 =	sand.u32 $0x700, s14;
	s18 =	sor.u32 $0x1E000, s15;
	_ =	swait.ge [sflag:s22], $0x280  }
0x1b9: {  	s13 =	sand.u32 $0x70, s14;
	s10 =	sadd.s32 s26, s18;
	[sflag:s22] =	ssyncset.done $0x0  }
0x1ba: {  	s10 =	sadd.s32 s13, s10;
	[sflag:s22] =	ssyncadd.s32 $0xFFFFFD80  }
0x1bb: {  	s16 =	sand.u32 $0x1, s12;
	v0 =	vld [tilespmem:s10+$0x0]  }
0x1bc: {  	p0 =	seq.s32 s16, $0x1;
	s16 =	simm.s32 $0x14  }
0x1bd: {  	s16 =	simm.s32 @!p0 $0x0  }
0x1be: {  	s30 =	sadd.s32 $0x0, s16  }
0x1bf: {  	s10 =	sshll.u32 s30, $0x7  }
0x1c0: {  	s10 =	sand.u32 $0x3FFFFF80, s10;
	v1 =	vand.u32 $0x2, v0  }
0x1c1: {  	s21 =	simm.s32 $0x20;
	s10 =	sor.u32 s13, s10;
	v2 =	vshrl.u32 v0, $0x2;
	v0 =	vand.u32 $0x1, v0;
	v1 =	vmul.u32 $0x3C0, v1  }
0x1c2: {  	s20 =	simm.s32 $0x1;
	s25 =	simm.s32 $0x10;
	s29 =	sand.u32 $0x700, s21;
	[tilespmem:s10+$0x1EA00] =	vst v2;
	v3 =	vadd.s32 v0, v2  }
0x1c3: {  	s26 =	simm.s32 $0x2;
	s29 =	sadd.s32 s29, s18;
	s13 =	sand.u32 $0x70, s25;
	[tilespmem:s10+$0x1EC80] =	vst v3;
	v1 =	vadd.s32 v2, v1  }
.LBB2_9:
0x1c4: {  	p0 =	sne.s32 s26, $0x27  }
0x1c5: {  	s29 =	sadd.s32 s13, s29;
	[tilespmem:s10+$0x1EF00] =	vst v1;
	v0 =	vadd.s32 v0, v1;
	s30 =	smov.u32 s26;
	s26 =	sadd.s32 $0x1, s26  }
0x1c6: {  	[tilespmem:s10+$0x1F180] =	vst v0  }
0x1c7: {  	v0 =	vld [tilespmem:s29+$0x0];
	_ =	sdelay $0x1  }
0x1c8: {  	s10 =	sshrl.u32 s20, $0x3;
	s20 =	smov.u32 s30  }
0x1c9: {  	s10 =	sadd.s32 s16, s10  }
.Ltmp9:
0x1ca: {  	s10 =	sshll.u32 s10, $0x7;
	(pc) =	sbr.rel @p0 .LBB2_9-.Ltmp9, $4  }
0x1cb: {  	s10 =	sand.u32 $0x3FFFFF80, s10;
	v1 =	vand.u32 $0x2, v0  }
0x1cc: {  	s21 =	sadd.s32 $0x20, s21;
	s10 =	sor.u32 s13, s10;
	v2 =	vshrl.u32 v0, $0x2;
	v0 =	vand.u32 $0x1, v0;
	v1 =	vmul.u32 $0x3C0, v1  }
0x1cd: {  	s25 =	sadd.s32 $0x10, s25;
	s29 =	sand.u32 $0x700, s21;
	v3 =	vadd.s32 v0, v2;
	[tilespmem:s10+$0x1EA00] =	vst v2  }
0x1ce: {  	s29 =	sadd.s32 s29, s18;
	s13 =	sand.u32 $0x70, s25;
	v1 =	vadd.s32 v2, v1;
	[tilespmem:s10+$0x1EC80] =	vst v3  }
0x1cf: {  	[tilespmem:s10+$0x1EF00] =	vst v1;
	v0 =	vadd.s32 v0, v1  }
0x1d0: {  	s18 =	sadd.s32 s13, s29;
	[tilespmem:s10+$0x1F180] =	vst v0  }
0x1d1: {  	v0 =	vld [tilespmem:s18+$0x0];
	_ =	sdelay $0x1  }
0x1d2: {  	s30 =	sshrl.u32 s20, $0x3  }
0x1d3: {  	s10 =	sadd.s32 s16, s30  }
0x1d4: {  	s10 =	sshll.u32 s10, $0x7  }
0x1d5: {  	s10 =	sand.u32 $0x3FFFFF80, s10;
	v63 =	vand.u32 $0x2, v0  }
0x1d6: {  	s10 =	sor.u32 s13, s10;
	v2 =	vshrl.u32 v0, $0x2;
	v0 =	vand.u32 $0x1, v0;
	v1 =	vmul.u32 $0x3C0, v63  }
0x1d7: {  	[tilespmem:s10+$0x1EA00] =	vst v2;
	v3 =	vadd.s32 v0, v2  }
0x1d8: {  	[tilespmem:s10+$0x1EC80] =	vst v3;
	v1 =	vadd.s32 v2, v1  }
0x1d9: {  	p0 =	seq.s32 s12, $0x0;
	[tilespmem:s10+$0x1EF00] =	vst v1;
	v0 =	vadd.s32 v0, v1  }
0x1da: {  	[tilespmem:s10+$0x1F180] =	vst v0;
	s10 =	simm.s32 @!p0 $0x2  }
0x1db: {  	_ =	swait.ge @!p0 [sflag:s10], $0x280  }
0x1dc: {  	[sflag:s10] =	ssyncset.done @!p0 $0x0  }
0x1dd: {  	[sflag:s10] =	ssyncadd.s32 @!p0 $0xFFFFFD80  }
0x1de: {  	_ =	swait.ge @!p0 [sflag:s10], $0x280  }
0x1df: {  	[sflag:s10] =	ssyncset.done @!p0 $0x0  }
0x1e0: {  	p1 =	seq.s32 @!p0 s12, $0xBF;
	[sflag:s10] =	ssyncadd.s32 @!p0 $0xFFFFFD80  }
0x1e1: {  	p1 =	por p0, !p1;
	_ =	swait.ge @!p0 [sflag:s10], $0x280  }
.Ltmp10:
0x1e2: {  	[sflag:s10] =	ssyncset.done @!p0 $0x0;
	(pc) =	sbr.rel @!p1 .LBB2_12-.Ltmp10, $4  }
0x1e3: {  	[sflag:s10] =	ssyncadd.s32 @!p0 $0xFFFFFD80  }
0x1e4: {  	_ =	swait.ge @!p0 [sflag:s10], $0x280  }
0x1e5: {  	[sflag:s10] =	ssyncset.done @!p0 $0x0  }
0x1e6: {  	s18 =	simm.s32 @!p0 $0xC0;
	[sflag:s10] =	ssyncadd.s32 @!p0 $0xFFFFFD80  }
0x1e7: {  	s18 =	sadd.s32 @!p0 $0x1, s12  }
0x1e8: {  	s18 =	simm.s32 @p0 $0x1  }
0x1e9: {  	s10 =	smulhi.u32 $0xAAAAAAAB, s18;
	_ =	sdelay $0x1  }
0x1ea: {  	s10 =	sshrl.u32 s10, $0x1  }
0x1eb: {  	s25 =	smul.u32 $0x3, s10;
	_ =	sdelay $0x1  }
0x1ec: {  	s12 =	ssub.s32 s18, s25  }
0x1ed: {  	s10 =	sadd.s32 s17, s10;
	s12 =	smul.u32 $0x280, s12  }
0x1ee: {  	s10 =	smul.u32 $0x780, s10  }
0x1ef: {  	s12 =	sor.u32 s6, s12  }
0x1f0: {  	s10 =	sadd.s32 s10, s12  }
0x1f1: {  	s12 =	sxor.u32 $0x80, s15;
	s10 =	sshrl.u32 s10, $0x3  }
0x1f2: {  	s13 =	sor.u32 $0x1E000, s12;
	s20 =	sadd.s32 s5, s10  }
0x1f3: {  	[tilespmem:s13], [sflag:$0x1] =	stream.linear.gather [hbm4b:s20+s4], $0x80, $0x38;
	[tilespmem:$0x1FE00] =	vst v63  }
0x1f4: {  	s21 =	sor.u32 $0x1E100, s12;
	s26 =	sadd.s32 $0x10, s20  }
0x1f5: {  	[tilespmem:s21], [sflag:$0x1] =	stream.linear.gather [hbm4b:s26+s4], $0x80, $0x38;
	[tilespmem:$0x1FE00] =	vst v63  }
0x1f6: {  	s30 =	sor.u32 $0x1E200, s12;
	s29 =	sadd.s32 $0x20, s20  }
0x1f7: {  	[tilespmem:s30], [sflag:$0x1] =	stream.linear.gather [hbm4b:s29+s4], $0x80, $0x38;
	[tilespmem:$0x1FE00] =	vst v63  }
0x1f8: {  	s25 =	sor.u32 $0x1E300, s12;
	s21 =	sadd.s32 $0x30, s20  }
0x1f9: {  	[tilespmem:s25], [sflag:$0x1] =	stream.linear.gather [hbm4b:s21+s4], $0x80, $0x38;
	[tilespmem:$0x1FE00] =	vst v63  }
0x1fa: {  	s26 =	sadd.s32 $0x40, s20;
	s29 =	sor.u32 $0x1E400, s12  }
0x1fb: {  	[tilespmem:s29], [sflag:$0x1] =	stream.linear.gather [hbm4b:s26+s4], $0x80, $0x38;
	[tilespmem:$0x1FE00] =	vst v63  }
0x1fc: {  	s10 =	sadd.s32 s1, s10;
	s30 =	sor.u32 $0x1E500, s12  }
0x1fd: {  	[tilespmem:s30], [sflag:$0x1] =	stream.linear.gather [hbm4b:s10+s4], $0x80, $0x38;
	[tilespmem:$0x1FE00] =	vst v63  }
0x1fe: {  	s20 =	sadd.s32 $0x10, s10;
	s21 =	sor.u32 $0x1E600, s12  }
0x1ff: {  	[tilespmem:s21], [sflag:$0x1] =	stream.linear.gather [hbm4b:s20+s4], $0x80, $0x38;
	[tilespmem:$0x1FE00] =	vst v63  }
0x200: {  	s25 =	sadd.s32 $0x20, s10;
	s26 =	sor.u32 $0x1E700, s12  }
0x201: {  	[tilespmem:s26], [sflag:$0x1] =	stream.linear.gather [hbm4b:s25+s4], $0x80, $0x38;
	[tilespmem:$0x1FE00] =	vst v63  }
.Ltmp11:
0x202: {  	_ = 	snop;
	(pc) =	sbr.rel .LBB2_12-.Ltmp11, $4  }
0x203: {  	s29 =	sadd.s32 $0x30, s10;
	s30 =	sor.u32 $0x1E800, s12  }
0x204: {  	[tilespmem:s30], [sflag:$0x1] =	stream.linear.gather [hbm4b:s29+s4], $0x80, $0x38;
	[tilespmem:$0x1FE00] =	vst v63  }
0x205: {  	s10 =	sadd.s32 $0x40, s10;
	s12 =	sor.u32 $0x1E900, s12  }
0x206: {  	[tilespmem:s12], [sflag:$0x1] =	stream.linear.gather [hbm4b:s10+s4], $0x80, $0x38;
	[tilespmem:$0x1FE00] =	vst v63  }
.LBB2_13:
0x207: {  	_ =	swait.ge [sflag:s24], $0x280  }
0x208: {  	[sflag:s24] =	ssyncset.done $0x0  }
0x209: {  	[sflag:s24] =	ssyncadd.s32 $0xFFFFFD80  }
0x20a: {  	_ =	swait.ge [sflag:s24], $0x280  }
0x20b: {  	[sflag:s24] =	ssyncset.done $0x0  }
0x20c: {  	[sflag:s24] =	ssyncadd.s32 $0xFFFFFD80  }
0x20d: {  	_ =	swait.ge [sflag:s24], $0x280  }
0x20e: {  	[sflag:s24] =	ssyncset.done $0x0  }
0x20f: {  	[sflag:s24] =	ssyncadd.s32 $0xFFFFFD80  }
0x210: {  	_ =	swait.ge [sflag:s24], $0x280  }
0x211: {  	[sflag:s24] =	ssyncset.done $0x0  }
0x212: {  	[sflag:s24] =	ssyncadd.s32 $0xFFFFFD80  }
0x213: {  	[bflag:$0x0] =	sbarrier.arrive $0xFFFF  }
0x214: {  	s12 =	sld [smem:$0x7EE];
	_ =	sdelay $0x1  }
0x215: {  	s10 =	rddreg [dreg:$0x1c]  }
0x216: {  	[hbm:s10], [sflag:s19] =	dma.local [spmem:s12], $0x780  }
0x217: {  	_ =	swait.ge [sflag:s28], $0x780  }
0x218: {  	s13 =	sld [smem:$0x7EF]  }
0x219: {  	[sflag:s28] =	ssyncset.done $0x0  }
0x21a: {  	s18 =	rddreg [dreg:$0xd];
	[sflag:s28] =	ssyncadd.s32 $0xFFFFF880  }
0x21b: {  	[hbm:s18], [sflag:s19] =	dma.local [spmem:s13], $0x780  }
0x21c: {  	_ =	swait.ge [sflag:s28], $0x780  }
0x21d: {  	s14 =	sld [smem:$0x7F0]  }
0x21e: {  	[sflag:s28] =	ssyncset.done $0x0  }
0x21f: {  	s20 =	rddreg [dreg:$0xf];
	[sflag:s28] =	ssyncadd.s32 $0xFFFFF880  }
0x220: {  	[hbm:s20], [sflag:s19] =	dma.local [spmem:s14], $0x780  }
0x221: {  	_ =	swait.ge [sflag:s28], $0x780  }
0x222: {  	s15 =	sld [smem:$0x7F1]  }
0x223: {  	[sflag:s28] =	ssyncset.done $0x0  }
0x224: {  	s21 =	rddreg [dreg:$0x11];
	[sflag:s28] =	ssyncadd.s32 $0xFFFFF880  }
0x225: {  	[hbm:s21], [sflag:s19] =	dma.local [spmem:s15], $0x780  }
0x226: {  	_ =	swait.ge [sflag:s28], $0x780  }
0x227: {  	[sflag:s28] =	ssyncset.done $0x0  }
0x228: {  	s25 =	rddreg [dreg:$0x13];
	[sflag:s28] =	ssyncadd.s32 $0xFFFFF880  }
0x229: {  	[hbm:s25], [sflag:s19] =	dma.local [spmem:s31], $0x780  }
0x22a: {  	_ =	swait.ge [sflag:s28], $0x780  }
0x22b: {  	[sflag:s28] =	ssyncset.done $0x0  }
0x22c: {  	s26 =	rddreg [dreg:$0x15];
	[sflag:s28] =	ssyncadd.s32 $0xFFFFF880  }
0x22d: {  	[hbm:s26], [sflag:s19] =	dma.local [spmem:s0], $0x780  }
0x22e: {  	_ =	swait.ge [sflag:s28], $0x780  }
0x22f: {  	[sflag:s28] =	ssyncset.done $0x0  }
0x230: {  	s29 =	rddreg [dreg:$0x17];
	[sflag:s28] =	ssyncadd.s32 $0xFFFFF880  }
0x231: {  	[hbm:s29], [sflag:s19] =	dma.local [spmem:s3], $0x780  }
0x232: {  	_ =	swait.ge [sflag:s28], $0x780  }
0x233: {  	[sflag:s28] =	ssyncset.done $0x0  }
0x234: {  	s30 =	rddreg [dreg:$0x1b];
	[sflag:s28] =	ssyncadd.s32 $0xFFFFF880  }
0x235: {  	[hbm:s30], [sflag:s19] =	dma.local [spmem:s11], $0x780  }
0x236: {  	_ =	swait.ge [sflag:s28], $0x780  }
0x237: {  	[sflag:s28] =	ssyncset.done $0x0  }
0x238: {  	[sflag:s28] =	ssyncadd.s32 $0xFFFFF880  }
0x239: {  	[spmem:s12], [sflag:s19] =	dma.local [hbm:s9], $0x780  }
0x23a: {  	_ =	swait.ge [sflag:s28], $0x780  }
0x23b: {  	[sflag:s28] =	ssyncset.done $0x0  }
0x23c: {  	[sflag:s28] =	ssyncadd.s32 $0xFFFFF880  }
0x23d: {  	[spmem:s13], [sflag:s19] =	dma.local [hbm:s9], $0x780  }
0x23e: {  	_ =	swait.ge [sflag:s28], $0x780  }
0x23f: {  	[sflag:s28] =	ssyncset.done $0x0  }
0x240: {  	[sflag:s28] =	ssyncadd.s32 $0xFFFFF880  }
0x241: {  	[spmem:s14], [sflag:s19] =	dma.local [hbm:s9], $0x780  }
0x242: {  	_ =	swait.ge [sflag:s28], $0x780  }
0x243: {  	[sflag:s28] =	ssyncset.done $0x0  }
0x244: {  	[sflag:s28] =	ssyncadd.s32 $0xFFFFF880  }
0x245: {  	[spmem:s15], [sflag:s19] =	dma.local [hbm:s9], $0x780  }
0x246: {  	_ =	swait.ge [sflag:s28], $0x780  }
0x247: {  	[sflag:s28] =	ssyncset.done $0x0  }
0x248: {  	[sflag:s28] =	ssyncadd.s32 $0xFFFFF880  }
0x249: {  	[spmem:s31], [sflag:s19] =	dma.local [hbm:s9], $0x780  }
0x24a: {  	_ =	swait.ge [sflag:s28], $0x780  }
0x24b: {  	[sflag:s28] =	ssyncset.done $0x0  }
0x24c: {  	[sflag:s28] =	ssyncadd.s32 $0xFFFFF880  }
0x24d: {  	[spmem:s0], [sflag:s19] =	dma.local [hbm:s9], $0x780  }
0x24e: {  	_ =	swait.ge [sflag:s28], $0x780  }
0x24f: {  	[sflag:s28] =	ssyncset.done $0x0  }
0x250: {  	[sflag:s28] =	ssyncadd.s32 $0xFFFFF880  }
0x251: {  	[spmem:s3], [sflag:s19] =	dma.local [hbm:s9], $0x780  }
0x252: {  	_ =	swait.ge [sflag:s28], $0x780  }
0x253: {  	[sflag:s28] =	ssyncset.done $0x0  }
0x254: {  	[sflag:s28] =	ssyncadd.s32 $0xFFFFF880  }
0x255: {  	[spmem:s11], [sflag:s19] =	dma.local [hbm:s9], $0x780  }
0x256: {  	_ =	swait.ge [sflag:s28], $0x780  }
0x257: {  	[sflag:s28] =	ssyncset.done $0x0  }
0x258: {  	[sflag:s28] =	ssyncadd.s32 $0xFFFFF880  }
0x259: {  	[bflag:$0x0] =	sbarrier.arrive $0xFFFF  }
0x25a: {  	s12 =	rddreg [dreg:$0x1d]  }
0x25b: {  	s13 =	simm.s32 $0x1E000;
	s14 =	simm.s32 $0x0;
	s16 =	sld [smem:$0x7EC]  }
0x25c: {  	[tilespmem:s13], [sflag:$0x1] =	stream.linear.gather [hbm4b:s12+s14], $0x80, $0x38;
	[tilespmem:$0x1FE00] =	vst v63  }
0x25d: {  	s15 =	simm.s32 $0x1E100;
	s20 =	sld [smem:$0x7F2]  }
0x25e: {  	[tilespmem:s15], [sflag:$0x1] =	stream.linear.gather [hbm4b:s16+s14], $0x80, $0x38;
	[tilespmem:$0x1FE00] =	vst v63  }
0x25f: {  	s18 =	simm.s32 $0x1E200;
	s25 =	sld [smem:$0x7F3]  }
0x260: {  	[tilespmem:s18], [sflag:$0x1] =	stream.linear.gather [hbm4b:s20+s14], $0x80, $0x38;
	[tilespmem:$0x1FE00] =	vst v63  }
0x261: {  	s21 =	simm.s32 $0x1E300;
	s29 =	sld [smem:$0x7F4]  }
0x262: {  	[tilespmem:s21], [sflag:$0x1] =	stream.linear.gather [hbm4b:s25+s14], $0x80, $0x38;
	[tilespmem:$0x1FE00] =	vst v63  }
0x263: {  	s26 =	simm.s32 $0x1E400;
	s30 =	sld [smem:$0x7F5]  }
0x264: {  	[tilespmem:s26], [sflag:$0x1] =	stream.linear.gather [hbm4b:s29+s14], $0x80, $0x38;
	[tilespmem:$0x1FE00] =	vst v63  }
0x265: {  	s15 =	simm.s32 $0x1E500  }
0x266: {  	[tilespmem:s15], [sflag:$0x1] =	stream.linear.gather [hbm4b:s30+s14], $0x80, $0x38;
	[tilespmem:$0x1FE00] =	vst v63  }
0x267: {  	s16 =	sadd.s32 $0x10, s30;
	s18 =	simm.s32 $0x1E600  }
0x268: {  	[tilespmem:s18], [sflag:$0x1] =	stream.linear.gather [hbm4b:s16+s14], $0x80, $0x38;
	[tilespmem:$0x1FE00] =	vst v63  }
0x269: {  	s20 =	sadd.s32 $0x20, s30;
	s21 =	simm.s32 $0x1E700  }
0x26a: {  	[tilespmem:s21], [sflag:$0x1] =	stream.linear.gather [hbm4b:s20+s14], $0x80, $0x38;
	[tilespmem:$0x1FE00] =	vst v63  }
.Ltmp12:
0x26b: {  	_ = 	snop;
	(pc) =	sbr.rel .LBB2_14-.Ltmp12, $4  }
0x26c: {  	s25 =	sadd.s32 $0x30, s30;
	s26 =	simm.s32 $0x1E800  }
0x26d: {  	[tilespmem:s26], [sflag:$0x1] =	stream.linear.gather [hbm4b:s25+s14], $0x80, $0x38;
	[tilespmem:$0x1FE00] =	vst v63  }
0x26e: {  	s29 =	sadd.s32 $0x40, s30;
	s30 =	simm.s32 $0x1E900;
	s16 =	simm.s32 $0x0  }
0x26f: {  	[tilespmem:s30], [sflag:$0x1] =	stream.linear.gather [hbm4b:s29+s14], $0x80, $0x38;
	[tilespmem:$0x1FE00] =	vst v63  }
.LBB2_18:
0x270: {  	s10 =	sshll.u32 s15, $0x7  }
0x271: {  	s13 =	sor.u32 $0x1E500, s12;
	s15 =	sadd.s32 $0x1EA00, s10  }
0x272: {  	[spmem:s2] =	stream.indirect.scatter.add.f32 [tilespmem:s13], [sflag:$0x2], $0x1, s15, s23, $0xb8;
	[tilespmem:$0x1FE00] =	vst v63  }
0x273: {  	s30 =	sadd.s32 $0x1EC80, s10  }
0x274: {  	[spmem:s2] =	stream.indirect.scatter.add.f32 [tilespmem:s13], [sflag:$0x2], $0x1, s30, s23, $0xb8;
	[tilespmem:$0x1FE00] =	vst v63  }
0x275: {  	s16 =	sadd.s32 $0x1EF00, s10  }
0x276: {  	[spmem:s2] =	stream.indirect.scatter.add.f32 [tilespmem:s13], [sflag:$0x2], $0x1, s16, s23, $0xb8;
	[tilespmem:$0x1FE00] =	vst v63  }
0x277: {  	s20 =	sadd.s32 $0x1F180, s10  }
0x278: {  	[spmem:s2] =	stream.indirect.scatter.add.f32 [tilespmem:s13], [sflag:$0x2], $0x1, s20, s23, $0xb8;
	[tilespmem:$0x1FE00] =	vst v63  }
0x279: {  	s21 =	sor.u32 $0x1E600, s12;
	s25 =	sadd.s32 $0x1EA80, s10  }
0x27a: {  	[spmem:s2] =	stream.indirect.scatter.add.f32 [tilespmem:s21], [sflag:$0x2], $0x1, s25, s23, $0xb8;
	[tilespmem:$0x1FE00] =	vst v63  }
0x27b: {  	s26 =	sadd.s32 $0x1ED00, s10  }
0x27c: {  	[spmem:s2] =	stream.indirect.scatter.add.f32 [tilespmem:s21], [sflag:$0x2], $0x1, s26, s23, $0xb8;
	[tilespmem:$0x1FE00] =	vst v63  }
0x27d: {  	s29 =	sadd.s32 $0x1EF80, s10  }
0x27e: {  	[spmem:s2] =	stream.indirect.scatter.add.f32 [tilespmem:s21], [sflag:$0x2], $0x1, s29, s23, $0xb8;
	[tilespmem:$0x1FE00] =	vst v63  }
0x27f: {  	s30 =	sadd.s32 $0x1F200, s10  }
0x280: {  	[spmem:s2] =	stream.indirect.scatter.add.f32 [tilespmem:s21], [sflag:$0x2], $0x1, s30, s23, $0xb8;
	[tilespmem:$0x1FE00] =	vst v63  }
0x281: {  	s16 =	sor.u32 $0x1E700, s12;
	s20 =	sadd.s32 $0x1EB00, s10  }
0x282: {  	[spmem:s2] =	stream.indirect.scatter.add.f32 [tilespmem:s16], [sflag:$0x2], $0x1, s20, s23, $0xb8;
	[tilespmem:$0x1FE00] =	vst v63  }
0x283: {  	s21 =	sadd.s32 $0x1ED80, s10  }
0x284: {  	[spmem:s2] =	stream.indirect.scatter.add.f32 [tilespmem:s16], [sflag:$0x2], $0x1, s21, s23, $0xb8;
	[tilespmem:$0x1FE00] =	vst v63  }
0x285: {  	s25 =	sor.u32 $0x1F000, s10  }
0x286: {  	[spmem:s2] =	stream.indirect.scatter.add.f32 [tilespmem:s16], [sflag:$0x2], $0x1, s25, s23, $0xb8;
	[tilespmem:$0x1FE00] =	vst v63  }
0x287: {  	s26 =	sadd.s32 $0x1F280, s10  }
0x288: {  	[spmem:s2] =	stream.indirect.scatter.add.f32 [tilespmem:s16], [sflag:$0x2], $0x1, s26, s23, $0xb8;
	[tilespmem:$0x1FE00] =	vst v63  }
0x289: {  	s29 =	sor.u32 $0x1E800, s12;
	s30 =	sadd.s32 $0x1EB80, s10  }
0x28a: {  	[spmem:s2] =	stream.indirect.scatter.add.f32 [tilespmem:s29], [sflag:$0x2], $0x1, s30, s23, $0xb8;
	[tilespmem:$0x1FE00] =	vst v63  }
0x28b: {  	s16 =	sadd.s32 $0x1EE00, s10  }
0x28c: {  	[spmem:s2] =	stream.indirect.scatter.add.f32 [tilespmem:s29], [sflag:$0x2], $0x1, s16, s23, $0xb8;
	[tilespmem:$0x1FE00] =	vst v63  }
0x28d: {  	s20 =	sadd.s32 $0x1F080, s10  }
0x28e: {  	[spmem:s2] =	stream.indirect.scatter.add.f32 [tilespmem:s29], [sflag:$0x2], $0x1, s20, s23, $0xb8;
	[tilespmem:$0x1FE00] =	vst v63  }
0x28f: {  	s21 =	sadd.s32 $0x1F300, s10  }
0x290: {  	[spmem:s2] =	stream.indirect.scatter.add.f32 [tilespmem:s29], [sflag:$0x2], $0x1, s21, s23, $0xb8;
	[tilespmem:$0x1FE00] =	vst v63  }
0x291: {  	s25 =	sor.u32 $0x1E900, s12;
	s26 =	sadd.s32 $0x1EC00, s10  }
0x292: {  	[spmem:s2] =	stream.indirect.scatter.add.f32 [tilespmem:s25], [sflag:$0x2], $0x1, s26, s23, $0xb8;
	[tilespmem:$0x1FE00] =	vst v63  }
0x293: {  	p0 =	slt.u32 s18, $0xC0;
	s29 =	sadd.s32 $0x1EE80, s10  }
0x294: {  	[spmem:s2] =	stream.indirect.scatter.add.f32 [tilespmem:s25], [sflag:$0x2], $0x1, s29, s23, $0xb8;
	[tilespmem:$0x1FE00] =	vst v63  }
.Ltmp13:
0x295: {  	_ = 	snop;
	(pc) =	sbr.rel @!p0 .LBB2_19-.Ltmp13, $4  }
0x296: {  	s30 =	sadd.s32 $0x1F100, s10  }
0x297: {  	[spmem:s2] =	stream.indirect.scatter.add.f32 [tilespmem:s25], [sflag:$0x2], $0x1, s30, s23, $0xb8;
	[tilespmem:$0x1FE00] =	vst v63  }
0x298: {  	s16 =	smov.u32 s18;
	s10 =	sadd.s32 $0x1F380, s10  }
0x299: {  	[spmem:s2] =	stream.indirect.scatter.add.f32 [tilespmem:s25], [sflag:$0x2], $0x1, s10, s23, $0xb8;
	[tilespmem:$0x1FE00] =	vst v63  }
.LBB2_14:
0x29a: {  	_ =	swait.ge [sflag:s22], $0x280  }
0x29b: {  	s10 =	sshll.u32 s16, $0x7;
	[sflag:s22] =	ssyncset.done $0x0  }
0x29c: {  	s12 =	sand.u32 $0x80, s10;
	[sflag:s22] =	ssyncadd.s32 $0xFFFFFD80  }
0x29d: {  	s26 =	sand.u32 $0x700, s14;
	s18 =	sor.u32 $0x1E000, s12;
	_ =	swait.ge [sflag:s22], $0x280  }
0x29e: {  	s13 =	sand.u32 $0x70, s14;
	s10 =	sadd.s32 s26, s18;
	[sflag:s22] =	ssyncset.done $0x0  }
0x29f: {  	s10 =	sadd.s32 s13, s10;
	[sflag:s22] =	ssyncadd.s32 $0xFFFFFD80  }
0x2a0: {  	s15 =	sand.u32 $0x1, s16;
	v0 =	vld [tilespmem:s10+$0x0]  }
0x2a1: {  	p0 =	seq.s32 s15, $0x1;
	s15 =	simm.s32 $0x14  }
0x2a2: {  	s15 =	simm.s32 @!p0 $0x0  }
0x2a3: {  	s30 =	sadd.s32 $0x0, s15  }
0x2a4: {  	s10 =	sshll.u32 s30, $0x7  }
0x2a5: {  	s10 =	sand.u32 $0x3FFFFF80, s10;
	v1 =	vand.u32 $0x2, v0  }
0x2a6: {  	s21 =	simm.s32 $0x20;
	s10 =	sor.u32 s13, s10;
	v2 =	vshrl.u32 v0, $0x2;
	v0 =	vand.u32 $0x1, v0;
	v1 =	vmul.u32 $0x3C0, v1  }
0x2a7: {  	s20 =	simm.s32 $0x1;
	s25 =	simm.s32 $0x10;
	s29 =	sand.u32 $0x700, s21;
	[tilespmem:s10+$0x1EA00] =	vst v2;
	v3 =	vadd.s32 v0, v2  }
0x2a8: {  	s26 =	simm.s32 $0x2;
	s29 =	sadd.s32 s29, s18;
	s13 =	sand.u32 $0x70, s25;
	[tilespmem:s10+$0x1EC80] =	vst v3;
	v1 =	vadd.s32 v2, v1  }
.LBB2_15:
0x2a9: {  	p0 =	sne.s32 s26, $0x27  }
0x2aa: {  	s29 =	sadd.s32 s13, s29;
	[tilespmem:s10+$0x1EF00] =	vst v1;
	v0 =	vadd.s32 v0, v1;
	s30 =	smov.u32 s26;
	s26 =	sadd.s32 $0x1, s26  }
0x2ab: {  	[tilespmem:s10+$0x1F180] =	vst v0  }
0x2ac: {  	v0 =	vld [tilespmem:s29+$0x0];
	_ =	sdelay $0x1  }
0x2ad: {  	s10 =	sshrl.u32 s20, $0x3;
	s20 =	smov.u32 s30  }
0x2ae: {  	s10 =	sadd.s32 s15, s10  }
.Ltmp14:
0x2af: {  	s10 =	sshll.u32 s10, $0x7;
	(pc) =	sbr.rel @p0 .LBB2_15-.Ltmp14, $4  }
0x2b0: {  	s10 =	sand.u32 $0x3FFFFF80, s10;
	v1 =	vand.u32 $0x2, v0  }
0x2b1: {  	s21 =	sadd.s32 $0x20, s21;
	s10 =	sor.u32 s13, s10;
	v2 =	vshrl.u32 v0, $0x2;
	v0 =	vand.u32 $0x1, v0;
	v1 =	vmul.u32 $0x3C0, v1  }
0x2b2: {  	s25 =	sadd.s32 $0x10, s25;
	s29 =	sand.u32 $0x700, s21;
	v3 =	vadd.s32 v0, v2;
	[tilespmem:s10+$0x1EA00] =	vst v2  }
0x2b3: {  	s29 =	sadd.s32 s29, s18;
	s13 =	sand.u32 $0x70, s25;
	v1 =	vadd.s32 v2, v1;
	[tilespmem:s10+$0x1EC80] =	vst v3  }
0x2b4: {  	[tilespmem:s10+$0x1EF00] =	vst v1;
	v0 =	vadd.s32 v0, v1  }
0x2b5: {  	s18 =	sadd.s32 s13, s29;
	[tilespmem:s10+$0x1F180] =	vst v0  }
0x2b6: {  	v0 =	vld [tilespmem:s18+$0x0];
	_ =	sdelay $0x1  }
0x2b7: {  	s30 =	sshrl.u32 s20, $0x3  }
0x2b8: {  	s10 =	sadd.s32 s15, s30  }
0x2b9: {  	s10 =	sshll.u32 s10, $0x7  }
0x2ba: {  	s10 =	sand.u32 $0x3FFFFF80, s10;
	v63 =	vand.u32 $0x2, v0  }
0x2bb: {  	s10 =	sor.u32 s13, s10;
	v2 =	vshrl.u32 v0, $0x2;
	v0 =	vand.u32 $0x1, v0;
	v1 =	vmul.u32 $0x3C0, v63  }
0x2bc: {  	[tilespmem:s10+$0x1EA00] =	vst v2;
	v3 =	vadd.s32 v0, v2  }
0x2bd: {  	[tilespmem:s10+$0x1EC80] =	vst v3;
	v1 =	vadd.s32 v2, v1  }
0x2be: {  	p0 =	seq.s32 s16, $0x0;
	[tilespmem:s10+$0x1EF00] =	vst v1;
	v0 =	vadd.s32 v0, v1  }
0x2bf: {  	[tilespmem:s10+$0x1F180] =	vst v0;
	s10 =	simm.s32 @!p0 $0x2  }
0x2c0: {  	_ =	swait.ge @!p0 [sflag:s10], $0x280  }
0x2c1: {  	[sflag:s10] =	ssyncset.done @!p0 $0x0  }
0x2c2: {  	[sflag:s10] =	ssyncadd.s32 @!p0 $0xFFFFFD80  }
0x2c3: {  	_ =	swait.ge @!p0 [sflag:s10], $0x280  }
0x2c4: {  	[sflag:s10] =	ssyncset.done @!p0 $0x0  }
0x2c5: {  	p1 =	seq.s32 @!p0 s16, $0xBF;
	[sflag:s10] =	ssyncadd.s32 @!p0 $0xFFFFFD80  }
0x2c6: {  	p1 =	por p0, !p1;
	_ =	swait.ge @!p0 [sflag:s10], $0x280  }
.Ltmp15:
0x2c7: {  	[sflag:s10] =	ssyncset.done @!p0 $0x0;
	(pc) =	sbr.rel @!p1 .LBB2_18-.Ltmp15, $4  }
0x2c8: {  	[sflag:s10] =	ssyncadd.s32 @!p0 $0xFFFFFD80  }
0x2c9: {  	_ =	swait.ge @!p0 [sflag:s10], $0x280  }
0x2ca: {  	[sflag:s10] =	ssyncset.done @!p0 $0x0  }
0x2cb: {  	s18 =	simm.s32 @!p0 $0xC0;
	[sflag:s10] =	ssyncadd.s32 @!p0 $0xFFFFFD80  }
0x2cc: {  	s18 =	sadd.s32 @!p0 $0x1, s16  }
0x2cd: {  	s18 =	simm.s32 @p0 $0x1  }
0x2ce: {  	s10 =	smulhi.u32 $0xAAAAAAAB, s18;
	_ =	sdelay $0x1  }
0x2cf: {  	s10 =	sshrl.u32 s10, $0x1  }
0x2d0: {  	s13 =	smul.u32 $0x3, s10;
	_ =	sdelay $0x1  }
0x2d1: {  	s13 =	ssub.s32 s18, s13  }
0x2d2: {  	s10 =	sadd.s32 s17, s10;
	s13 =	smul.u32 $0x280, s13  }
0x2d3: {  	s10 =	smul.u32 $0x780, s10  }
0x2d4: {  	s13 =	sor.u32 s6, s13  }
0x2d5: {  	s10 =	sadd.s32 s10, s13  }
0x2d6: {  	s13 =	sxor.u32 $0x80, s12;
	s10 =	sshrl.u32 s10, $0x3  }
0x2d7: {  	s25 =	sor.u32 $0x1E000, s13;
	s20 =	sadd.s32 s5, s10  }
0x2d8: {  	[tilespmem:s25], [sflag:$0x1] =	stream.linear.gather [hbm4b:s20+s4], $0x80, $0x38;
	[tilespmem:$0x1FE00] =	vst v63  }
0x2d9: {  	s21 =	sor.u32 $0x1E100, s13;
	s26 =	sadd.s32 $0x10, s20  }
0x2da: {  	[tilespmem:s21], [sflag:$0x1] =	stream.linear.gather [hbm4b:s26+s4], $0x80, $0x38;
	[tilespmem:$0x1FE00] =	vst v63  }
0x2db: {  	s30 =	sor.u32 $0x1E200, s13;
	s29 =	sadd.s32 $0x20, s20  }
0x2dc: {  	[tilespmem:s30], [sflag:$0x1] =	stream.linear.gather [hbm4b:s29+s4], $0x80, $0x38;
	[tilespmem:$0x1FE00] =	vst v63  }
0x2dd: {  	s25 =	sor.u32 $0x1E300, s13;
	s21 =	sadd.s32 $0x30, s20  }
0x2de: {  	[tilespmem:s25], [sflag:$0x1] =	stream.linear.gather [hbm4b:s21+s4], $0x80, $0x38;
	[tilespmem:$0x1FE00] =	vst v63  }
0x2df: {  	s26 =	sadd.s32 $0x40, s20;
	s29 =	sor.u32 $0x1E400, s13  }
0x2e0: {  	[tilespmem:s29], [sflag:$0x1] =	stream.linear.gather [hbm4b:s26+s4], $0x80, $0x38;
	[tilespmem:$0x1FE00] =	vst v63  }
0x2e1: {  	s10 =	sadd.s32 s8, s10;
	s30 =	sor.u32 $0x1E500, s13  }
0x2e2: {  	[tilespmem:s30], [sflag:$0x1] =	stream.linear.gather [hbm4b:s10+s4], $0x80, $0x38;
	[tilespmem:$0x1FE00] =	vst v63  }
0x2e3: {  	s20 =	sadd.s32 $0x10, s10;
	s21 =	sor.u32 $0x1E600, s13  }
0x2e4: {  	[tilespmem:s21], [sflag:$0x1] =	stream.linear.gather [hbm4b:s20+s4], $0x80, $0x38;
	[tilespmem:$0x1FE00] =	vst v63  }
0x2e5: {  	s25 =	sadd.s32 $0x20, s10;
	s26 =	sor.u32 $0x1E700, s13  }
0x2e6: {  	[tilespmem:s26], [sflag:$0x1] =	stream.linear.gather [hbm4b:s25+s4], $0x80, $0x38;
	[tilespmem:$0x1FE00] =	vst v63  }
.Ltmp16:
0x2e7: {  	_ = 	snop;
	(pc) =	sbr.rel .LBB2_18-.Ltmp16, $4  }
0x2e8: {  	s29 =	sadd.s32 $0x30, s10;
	s30 =	sor.u32 $0x1E800, s13  }
0x2e9: {  	[tilespmem:s30], [sflag:$0x1] =	stream.linear.gather [hbm4b:s29+s4], $0x80, $0x38;
	[tilespmem:$0x1FE00] =	vst v63  }
0x2ea: {  	s10 =	sadd.s32 $0x40, s10;
	s13 =	sor.u32 $0x1E900, s13  }
0x2eb: {  	[tilespmem:s13], [sflag:$0x1] =	stream.linear.gather [hbm4b:s10+s4], $0x80, $0x38;
	[tilespmem:$0x1FE00] =	vst v63  }
.LBB2_20:
0x2ec: {  	_ =	sfence.sel $0x180000  }
0x2ed: {  	[bflag:$0x0] =	sbarrier.arrive $0xFFFF  }
0x2ee: {  	_ =	strace $0x9000004A  }
0x2ef: {  	s0 =	stileid.u32;
	[bflag:$0x2] =	sbarrier.arrive $0xFFFF  }
0x2f0: {  	p0 =	sne.s32 s0, $0x0;
	s0 =	rddreg [dreg:$0x3]  }
0x2f1: {  	s0 =	sadd.s32 @!p0 $0x100000, s0  }
0x2f2: {  	[sflag:s0] =	ssyncadd.tile.s32 @!p0 $0x1;
	_ =	shalt  }
.Lfunc_end2:
_tile_overlayer_lowered:
.L_overlay_start_2:
0x2f3: {  	(tag) =	ssettag $0x2  }
0x2f4: {  	s0 =	rddreg [dreg:$0x0];
	s2 =	stileid.u32  }
0x2f5: {  	s1 =	rddreg [dreg:$0x1];
	p0 =	sne.s32 s2, $0x0  }
0x2f6: {  	s3 =	rddreg [dreg:$0x2];
	[bflag:$0x3] =	sbarrier.arrive $0xFFFF;
	s2 =	simm.s32 @!p0 $0x1C03  }
0x2f7: {  	[timem:s3], [sflag:s2] =	dma.local @!p0 [hbm:s0], s1  }
0x2f8: {  	s0 =	simm.s32 @!p0 $0x3  }
0x2f9: {  	_ =	swait.ge @!p0 [sflag:s0], s1  }
0x2fa: {  	s1 =	ssub.s32 @!p0 $0x0, s1;
	[sflag:s0] =	ssyncset.done @!p0 $0x0  }
0x2fb: {  	[sflag:s0] =	ssyncadd.s32 @!p0 s1  }
0x2fc: {  	[bflag:$0x3] =	sbarrier.arrive $0xFFFF  }
0x2fd: {  	_ =	shalt  }

// kernel: kernel.8.cloned.1.call-start
scs
__scs_entry_jumppad:
0x0: {  	(pc) =	sbr.rel $0x88, $3  }
0x1: {  	(tag) =	ssettag $0x0;
	lr =	simm.s32 $0x1  }
0x2: {  	[smem:$0x3F9F] =	sst lr;
	_ =	strace $0xD0000000  }
0x3: {  	_ = 	snop  }
0x4: {  	_ = 	snop  }
0x5: {  	_ = 	snop  }
0x6: {  	_ = 	snop  }
0x7: {  	_ = 	snop  }
__scs_overlays_trampoline_lowered:
0x8: {  	[smem:$0x3FAE] =	sst s0  }
0x9: {  	[smem:$0x3FAF] =	sst s1  }
0xa: {  	[smem:$0x3FB0] =	sst s2  }
0xb: {  	[smem:$0x3FB1] =	sst s3  }
0xc: {  	[smem:$0x3FB2] =	sst s4  }
0xd: {  	[smem:$0x3FB3] =	sst s5  }
0xe: {  	[smem:$0x3FB4] =	sst s6  }
0xf: {  	[smem:$0x3FB5] =	sst s7  }
0x10: {  	[smem:$0x3FB6] =	sst s8  }
0x11: {  	[smem:$0x3FB7] =	sst s9;
	s0 =	simm.s32 @!p0 $0x0  }
0x12: {  	s1 =	sld [smem:$0x3F9D];
	s0 =	simm.s32 @p0 $0x1  }
0x13: {  	[smem:$0x3FB8] =	sst s0;
	s0 =	simm.s32 @!p1 $0x0  }
0x14: {  	s2 =	sld [smem:$0x3F9C];
	s0 =	simm.s32 @p1 $0x1  }
0x15: {  	[smem:$0x3FB9] =	sst s0;
	s0 =	simm.s32 @!p2 $0x0  }
0x16: {  	s3 =	sld [smem:$0x3FDB];
	s0 =	simm.s32 @p2 $0x1  }
0x17: {  	s4 =	simm.s32 $0x1BF5;
	[smem:$0x3FBB] =	sst s0  }
0x18: {  	s0 =	sld [smem:$0x3F9E];
	_ =	swait.ge [sflag:s4], $0x0  }
0x19: {  	s7 =	sld [smem:$0x3F9F]  }
0x1a: {  	s8 =	sadd.s32 $0xFFFFE003, lr  }
0x1b: {  	s9 =	sadd.s32 $0xFFFFFEF7, lr;
	s5 =	simm.s32 $0xFFFFFFFF;
	p2 =	slt.u32 s8, $0xFFFFF086  }
0x1c: {  	p1 =	slt.u32 s9, $0xF7A;
	s5 =	simm.s32 @!p2 $0x0  }
0x1d: {  	s5 =	simm.s32 @p1 $0x1;
	p0 =	seq.s32 s7, s2  }
0x1e: {  	s7 =	smul.u32 @!p0 $0xF7A, s2;
	p2 =	seq.s32 @!p0 s5, $0x0  }
0x1f: {  	s9 =	smul.u32 $0xF7A, s1;
	s8 =	simm.s32 @!p0 $0x1BF5;
	p2 =	por !p2, p0  }
0x20: {  	[sflag:s8] =	ssyncset.s32 @!p0 $0xFFFFF086;
	s6 =	sadd.s32 @!p0 s3, s7;
	s7 =	simm.s32 @!p0 $0x108  }
0x21: {  	s3 =	sadd.s32 s3, s9;
	s6 =	sadd.s32 @!p0 $0x88, s6;
	s7 =	simm.s32 @p2 $0x1082  }
0x22: {  	[simem:s7], [sflag:s8] =	dma.local @!p0 [hbm:s6], $0xF7A  }
0x23: {  	s9 =	sor.u32 $0xD0000000, s2;
	s6 =	simm.s32 $0x108;
	_ =	swait.ge @!p0 [sflag:s8], $0x0  }
0x24: {  	s3 =	sadd.s32 $0x88, s3;
	s6 =	simm.s32 @!p1 $0x1082;
	[sflag:s4] =	ssyncset.s32 $0xFFFFF086  }
0x25: {  	[simem:s6], [sflag:s4] =	dma.local [hbm:s3], $0xF7A  }
0x26: {  	[smem:$0x3F9F] =	sst s1;
	(tag) =	ssettag s2;
	_ =	strace s9  }
0x27: {  	s1 =	sld [smem:$0x3FAF]  }
0x28: {  	s2 =	sld [smem:$0x3FB0]  }
0x29: {  	s4 =	sld [smem:$0x3FB2]  }
0x2a: {  	p0 =	seq.s32 s5, $0x0;
	s5 =	sld [smem:$0x3FB3]  }
0x2b: {  	s6 =	sld [smem:$0x3FB4]  }
0x2c: {  	s7 =	sld [smem:$0x3FB5]  }
0x2d: {  	s3 =	simm.s32 $0x108;
	s8 =	sld [smem:$0x3FB6]  }
0x2e: {  	s3 =	simm.s32 @!p0 $0x1082;
	s9 =	sld [smem:$0x3FB7]  }
0x2f: {  	lr =	sadd.s32 s0, s3;
	s0 =	sld [smem:$0x3FAE]  }
0x30: {  	s3 =	sld [smem:$0x3FB1]  }
0x31: {  	[smem:$0x3FBA] =	sst s10  }
0x32: {  	s10 =	sld [smem:$0x3FB8];
	_ =	sdelay $0x3  }
0x33: {  	p0 =	seq.s32 s10, $0x1;
	s10 =	sld [smem:$0x3FBA];
	_ =	sdelay $0x3  }
0x34: {  	[smem:$0x3FBA] =	sst s10  }
0x35: {  	s10 =	sld [smem:$0x3FB9];
	_ =	sdelay $0x3  }
0x36: {  	p1 =	seq.s32 s10, $0x1;
	s10 =	sld [smem:$0x3FBA];
	_ =	sdelay $0x3  }
0x37: {  	[smem:$0x3FBA] =	sst s10  }
0x38: {  	s10 =	sld [smem:$0x3FBB]  }
0x39: {  	_ = 	snop;
	(pc) =	sbr.ind lr, $3  }
0x3a: {  	_ = 	snop  }
0x3b: {  	_ = 	snop  }
0x3c: {  	p2 =	seq.s32 s10, $0x1;
	s10 =	sld [smem:$0x3FBA]  }
0x3d: {  	_ =	shalt  }
0x3e: {  	_ =	shalt  }
0x3f: {  	_ =	shalt  }
0x40: {  	_ =	shalt  }
0x41: {  	_ =	shalt  }
0x42: {  	_ =	shalt  }
0x43: {  	_ =	shalt  }
0x44: {  	_ =	shalt  }
0x45: {  	_ =	shalt  }
0x46: {  	_ =	shalt  }
0x47: {  	_ =	shalt  }
0x48: {  	_ =	shalt  }
0x49: {  	_ =	shalt  }
0x4a: {  	_ =	shalt  }
0x4b: {  	_ =	shalt  }
0x4c: {  	_ =	shalt  }
0x4d: {  	_ =	shalt  }
0x4e: {  	_ =	shalt  }
0x4f: {  	_ =	shalt  }
0x50: {  	_ =	shalt  }
0x51: {  	_ =	shalt  }
0x52: {  	_ =	shalt  }
0x53: {  	_ =	shalt  }
0x54: {  	_ =	shalt  }
0x55: {  	_ =	shalt  }
0x56: {  	_ =	shalt  }
0x57: {  	_ =	shalt  }
0x58: {  	_ =	shalt  }
0x59: {  	_ =	shalt  }
0x5a: {  	_ =	shalt  }
0x5b: {  	_ =	shalt  }
0x5c: {  	_ =	shalt  }
0x5d: {  	_ =	shalt  }
0x5e: {  	_ =	shalt  }
0x5f: {  	_ =	shalt  }
0x60: {  	_ =	shalt  }
0x61: {  	_ =	shalt  }
0x62: {  	_ =	shalt  }
0x63: {  	_ =	shalt  }
0x64: {  	_ =	shalt  }
0x65: {  	_ =	shalt  }
0x66: {  	_ =	shalt  }
0x67: {  	_ =	shalt  }
0x68: {  	_ =	shalt  }
0x69: {  	_ =	shalt  }
0x6a: {  	_ =	shalt  }
0x6b: {  	_ =	shalt  }
0x6c: {  	_ =	shalt  }
0x6d: {  	_ =	shalt  }
0x6e: {  	_ =	shalt  }
0x6f: {  	_ =	shalt  }
0x70: {  	_ =	shalt  }
0x71: {  	_ =	shalt  }
0x72: {  	_ =	shalt  }
0x73: {  	_ =	shalt  }
0x74: {  	_ =	shalt  }
0x75: {  	_ =	shalt  }
0x76: {  	_ =	shalt  }
0x77: {  	_ =	shalt  }
0x78: {  	_ =	shalt  }
0x79: {  	_ =	shalt  }
0x7a: {  	_ =	shalt  }
0x7b: {  	_ =	shalt  }
0x7c: {  	_ =	shalt  }
0x7d: {  	_ =	shalt  }
0x7e: {  	_ =	shalt  }
0x7f: {  	_ =	shalt  }
0x80: {  	_ =	shalt  }
0x81: {  	_ =	shalt  }
0x82: {  	_ =	shalt  }
0x83: {  	_ =	shalt  }
0x84: {  	_ =	shalt  }
0x85: {  	_ =	shalt  }
0x86: {  	_ =	shalt  }
0x87: {  	_ =	shalt  }
.Lfunc_end0:
.L_simem_size_0:
called_computation_lowered:
.L_overlay_start_0:
0x88: {  	s2 =	sld [smem:$0x3FD9]  }
0x89: {  	s3 =	sld [smem:$0x3FFE];
	_ =	sdelay $0x1  }
0x8a: {  	s1 =	srdreg.scid  }
0x8b: {  	s0 =	sand.u32 $0x1, s1  }
0x8c: {  	s16 =	sshll.u32 s0, $0xA;
	s2 =	sadd.s32 s3, s2  }
0x8d: {  	s2 =	sadd.s32 s2, s16  }
0x8e: {  	[smem:$0x3FC6] =	sst s2  }
0x8f: {  	_ = 	snop  }
0x90: {  	(tm) =	ssettm $0x1  }
0x91: {  	s17 =	sld [smem:$0x3FFB];
	_ =	sdelay $0x3  }
0x92: {  	_ =	strace s17  }
0x93: {  	s2 =	sld [smem:$0x3FFC];
	_ =	sdelay $0x3  }
0x94: {  	_ =	strace s2  }
0x95: {  	s2 =	sld [smem:$0x3FFD];
	_ =	sdelay $0x3  }
0x96: {  	_ =	strace s2  }
0x97: {  	_ =	strace $0x8FFFFFFF  }
0x98: {  	s18 =	sld [smem:$0x3FDB];
	_ =	sdelay $0x1  }
0x99: {  	s19 =	simm.s32 $_scs_section_size  }
0x9a: {  	s4 =	simm.s32 $_size__tile_overlayer_lowered;
	s5 =	simm.s32 $_tile_overlayer_lowered  }
0x9b: {  	s22 =	simm.s32 $0x1BFF;
	s21 =	sshll.u32 s5, $0x1;
	s2 =	sadd.s32 s19, s18  }
0x9c: {  	s6 =	simm.s32 $0x0;
	s20 =	sshll.u32 s4, $0x1;
	s4 =	sadd.s32 s21, s2  }
0x9d: {  	[timem:s6], [sflag:s22] =	dma.local [hbm:s4], s20  }
0x9e: {  	_ =	swait.ge [sflag:s22], s20  }
0x9f: {  	s3 =	ssub.s32 $0x0, s20;
	[sflag:s22] =	ssyncset.done $0x0  }
0xa0: {  	[sflag:s22] =	ssyncadd.s32 s3;
	_ =	sdelay $0x1  }
0xa1: {  	s23 =	simm.s32 $0x1B8B  }
0xa2: {  	_ =	swait.ge [sflag:s23], $0x1  }
0xa3: {  	[sflag:s23] =	ssyncset.done $0x0  }
0xa4: {  	s25 =	simm.s32 $0x1B8E;
	s24 =	sld [smem:$0x3FFE];
	[sflag:s23] =	ssyncadd.s32 $0xFFFFFFFF  }
0xa5: {  	s26 =	simm.s32 $execute0_lowered;
	[smem:$0x3FD2] =	sst s25  }
0xa6: {  	s4 =	sshll.u32 s26, $0x1;
	_ =	strace $0x80000046;
	[dreg:$0x1] =	wrdreg $0xFFFFFFFF  }
0xa7: {  	s28 =	simm.s32 $_size_execute0_lowered;
	s2 =	sadd.s32 s2, s4;
	[dreg:$0x0] =	wrdreg $0x0  }
0xa8: {  	s4 =	sshll.u32 s28, $0x1;
	[dreg:$0x2] =	wrdreg s2  }
0xa9: {  	[dreg:$0x3] =	wrdreg s4  }
0xaa: {  	[dreg:$0x4] =	wrdreg $0xC0  }
0xab: {  	_ =	task [dreg:s6], $0x5FFFF  }
0xac: {  	[dreg:$0x1] =	wrdreg $0xFFFFFFFF  }
0xad: {  	[dreg:$0x0] =	wrdreg $0x60  }
0xae: {  	[dreg:$0x2] =	wrdreg s24  }
0xaf: {  	[dreg:$0x3] =	wrdreg $0x0  }
0xb0: {  	[dreg:$0x4] =	wrdreg $0x9  }
0xb1: {  	_ =	task.clear_ibuf [dreg:s6], $0x5FFFF;
	_ =	strace $0x90000046  }
0xb2: {  	s29 =	simm.s32 $0x9;
	_ =	strace $0x80000048  }
0xb3: {  	_ =	swait.ge [sflag:s29], $0x1  }
0xb4: {  	[sflag:s29] =	ssyncadd.s32 $0xFFFFFFFF  }
0xb5: {  	_ =	strace $0x90000048  }
0xb6: {  	_ =	sfence  }
0xb7: {  	s30 =	sld [smem:$0x0];
	_ =	sdelay $0x2  }
0xb8: {  	s31 =	sshll.u32 s1, $0xD;
	s1 =	sshrl.u32 s1, $0x2  }
0xb9: {  	s3 =	sand.u32 $0x4000, s31;
	s1 =	sadd.s32 s1, s30  }
0xba: {  	s0 =	sor.u32 s3, s0;
	s1 =	sshll.u32 s1, $0x11  }
0xbb: {  	s0 =	sor.u32 s1, s0  }
0xbc: {  	s0 =	sadd.s32 $0x8F2B, s0  }
0xbd: {  	[sflag:s0] =	ssyncadd.remote.s32 $0x1  }
0xbe: {  	_ =	sfence.sel $0xFFFF  }
0xbf: {  	[dreg:$0x0] =	wrdreg $0xFFFFFFFF;
	(pc) =	sbr.abs _section_cstart, $3  }
0xc0: {  	[dreg:$0x1] =	wrdreg $0xFFFFFFFF  }
0xc1: {  	_ =	task.clear_ibuf [dreg:s6], $0x2FFFF;
	_ =	strace $0x9FFFFFFF  }
0xc2: {  	(tm) =	ssettm $0x7FFFFFFF  }
0xc3: {  	_ =	shalt  }
tec
execute0_lowered:
.L_overlay_start_1:
0x0: {  	(tag) =	ssettag $0x1  }
0x1: {  	s0 =	rddreg [dreg:$0x0]  }
0x2: {  	s1 =	rddreg [dreg:$0x1]  }
0x3: {  	s3 =	simm.s32 $0x0;
	s2 =	srdreg.scid;
	s20 =	stileid.u32  }
0x4: {  	s4 =	sadd.s32 $0x16EA00, s0;
	s2 =	sand.u32 $0x1, s2;
	s10 =	smul.u32 $0x1E000, s20  }
0x5: {  	[smem:$0x7FF] =	sst s3;
	s5 =	sadd.s32 $0x25EA00, s0;
	s6 =	smul.u32 $0x1E0000, s2  }
0x6: {  	s7 =	sadd.s32 $0x6A00, s0;
	s8 =	sadd.s32 $0x2D6A00, s0;
	s9 =	sadd.s32 $0x34EA00, s0  }
0x7: {  	s11 =	sadd.s32 $0x34F200, s0;
	s13 =	sadd.s32 $0x3C7200, s0;
	s12 =	sadd.s32 s10, s6  }
0x8: {  	_ =	strace $0x80000047;
	s21 =	sadd.s32 s10, s1;
	s12 =	sshrl.u32 s12, $0x3  }
0x9: {  	[dreg:$0x3] =	wrdreg s21;
	s31 =	sadd.s32 $0x780, s12;
	s22 =	sadd.s32 s11, s12  }
0xa: {  	s24 =	sadd.s32 $0xF00, s12;
	[dreg:$0x4] =	wrdreg s22;
	s23 =	sadd.s32 s11, s31  }
0xb: {  	s15 =	sadd.s32 $0x1680, s12;
	s17 =	sadd.s32 s11, s24;
	[dreg:$0x5] =	wrdreg s23  }
0xc: {  	s16 =	sadd.s32 $0x1E00, s12;
	s25 =	sadd.s32 s11, s15;
	[dreg:$0x6] =	wrdreg s17  }
0xd: {  	s18 =	sadd.s32 $0x2D00, s12;
	s26 =	sadd.s32 s11, s16;
	[dreg:$0x7] =	wrdreg s25  }
0xe: {  	s0 =	sadd.s32 $0x43F200, s0;
	s29 =	sadd.s32 s11, s18;
	[dreg:$0x8] =	wrdreg s26  }
0xf: {  	s2 =	ssub.s32 $0x2, s2;
	s30 =	sadd.s32 s13, s31;
	[dreg:$0xa] =	wrdreg s29  }
0x10: {  	s14 =	sshrl.u32 s2, $0x1;
	s31 =	sadd.s32 s0, s31;
	[dreg:$0xc] =	wrdreg s30  }
0x11: {  	s2 =	ssub.s32 s2, s14;
	s14 =	sadd.s32 s13, s24;
	[dreg:$0xd] =	wrdreg s31  }
0x12: {  	s10 =	sadd.s32 s0, s24;
	[dreg:$0xe] =	wrdreg s14  }
0x13: {  	s24 =	sadd.s32 s13, s16;
	[dreg:$0xf] =	wrdreg s10  }
0x14: {  	s23 =	sadd.s32 s0, s15;
	[dreg:$0x12] =	wrdreg s24  }
0x15: {  	s25 =	sadd.s32 s0, s16;
	[dreg:$0x11] =	wrdreg s23  }
0x16: {  	s30 =	sadd.s32 s13, s18;
	[dreg:$0x13] =	wrdreg s25  }
0x17: {  	s19 =	sadd.s32 $0x3480, s12;
	s31 =	sadd.s32 s0, s18;
	[dreg:$0x16] =	wrdreg s30  }
0x18: {  	s14 =	sadd.s32 s13, s19;
	[dreg:$0x17] =	wrdreg s31  }
0x19: {  	s16 =	sadd.s32 s7, s12;
	[dreg:$0x1a] =	wrdreg s14  }
0x1a: {  	s18 =	sadd.s32 s5, s12;
	[dreg:$0x1c] =	wrdreg s16  }
0x1b: {  	s17 =	sadd.s32 $0x2580, s12;
	s24 =	sadd.s32 $0x7800, s21;
	[dreg:$0x1e] =	wrdreg s18  }
0x1c: {  	s22 =	sadd.s32 s11, s17;
	[smem:$0x7F8] =	sst s24  }
0x1d: {  	s11 =	sadd.s32 s11, s19;
	[dreg:$0x9] =	wrdreg s22  }
0x1e: {  	s26 =	sadd.s32 s13, s17;
	[dreg:$0xb] =	wrdreg s11  }
0x1f: {  	s29 =	sadd.s32 s0, s17;
	[dreg:$0x14] =	wrdreg s26  }
0x20: {  	s17 =	sadd.s32 s4, s12;
	[dreg:$0x15] =	wrdreg s29  }
0x21: {  	s23 =	sadd.s32 $0x3C00, s21;
	[dreg:$0x1d] =	wrdreg s17  }
0x22: {  	s25 =	sadd.s32 $0xB400, s21;
	[smem:$0x7F7] =	sst s23  }
0x23: {  	s30 =	sadd.s32 $0x16800, s21;
	[smem:$0x7F9] =	sst s25  }
0x24: {  	s31 =	sadd.s32 $0x1A400, s21;
	[smem:$0x7FC] =	sst s30  }
0x25: {  	s22 =	sadd.s32 s13, s15;
	[smem:$0x7FD] =	sst s31  }
0x26: {  	s11 =	sadd.s32 s0, s12;
	[dreg:$0x10] =	wrdreg s22  }
0x27: {  	s28 =	simm.s32 $0x3;
	s0 =	sadd.s32 s0, s19;
	[dreg:$0x18] =	wrdreg s11  }
0x28: {  	s24 =	simm.s32 $0x2;
	s15 =	sadd.s32 s13, s12;
	[dreg:$0x19] =	wrdreg s0  }
.Ltmp0:
0x29: {  	s19 =	sadd.s32 s8, s12;
	[dreg:$0x1b] =	wrdreg s15;
	(pc) =	sbr.rel .LBB2_1-.Ltmp0, $4  }
0x2a: {  	s17 =	sshll.u32 s20, $0x6;
	s26 =	sadd.s32 $0xF000, s21;
	[dreg:$0x1f] =	wrdreg s19  }
0x2b: {  	s29 =	sadd.s32 $0x12C00, s21;
	s23 =	simm.s32 $0x80;
	[smem:$0x7FA] =	sst s26  }
0x2c: {  	s22 =	smax.u32 s2, $0x1;
	s19 =	sor.u32 $0x1C03, s17;
	[smem:$0x7FB] =	sst s29  }
0x2d: {  	s2 =	simm.s32 $0x0;
	[smem:$0x7F6] =	sst s22;
	s22 =	simm.s32 $0x1  }
.LBB2_19:
0x2e: {  	_ =	swait.ge [sflag:s24], $0x280  }
0x2f: {  	[sflag:s24] =	ssyncset.done $0x0  }
0x30: {  	[sflag:s24] =	ssyncadd.s32 $0xFFFFFD80  }
0x31: {  	_ =	swait.ge [sflag:s24], $0x280  }
0x32: {  	[sflag:s24] =	ssyncset.done $0x0  }
0x33: {  	[sflag:s24] =	ssyncadd.s32 $0xFFFFFD80  }
0x34: {  	_ =	swait.ge [sflag:s24], $0x280  }
0x35: {  	[sflag:s24] =	ssyncset.done $0x0  }
0x36: {  	[sflag:s24] =	ssyncadd.s32 $0xFFFFFD80  }
0x37: {  	_ =	swait.ge [sflag:s24], $0x280  }
0x38: {  	[sflag:s24] =	ssyncset.done $0x0  }
0x39: {  	[sflag:s24] =	ssyncadd.s32 $0xFFFFFD80  }
0x3a: {  	[bflag:$0x0] =	sbarrier.arrive $0xFFFF  }
0x3b: {  	s12 =	sld [smem:$0x7EF];
	_ =	sdelay $0x1  }
0x3c: {  	s10 =	rddreg [dreg:$0x18]  }
0x3d: {  	[hbm:s10], [sflag:s19] =	dma.local [spmem:s12], $0x780  }
0x3e: {  	_ =	swait.ge [sflag:s28], $0x780  }
0x3f: {  	s14 =	sld [smem:$0x7F0]  }
0x40: {  	[sflag:s28] =	ssyncset.done $0x0  }
0x41: {  	s13 =	rddreg [dreg:$0xd];
	[sflag:s28] =	ssyncadd.s32 $0xFFFFF880  }
0x42: {  	[hbm:s13], [sflag:s19] =	dma.local [spmem:s14], $0x780  }
0x43: {  	_ =	swait.ge [sflag:s28], $0x780  }
0x44: {  	s16 =	sld [smem:$0x7F1]  }
0x45: {  	[sflag:s28] =	ssyncset.done $0x0  }
0x46: {  	s15 =	rddreg [dreg:$0xf];
	[sflag:s28] =	ssyncadd.s32 $0xFFFFF880  }
0x47: {  	[hbm:s15], [sflag:s19] =	dma.local [spmem:s16], $0x780  }
0x48: {  	_ =	swait.ge [sflag:s28], $0x780  }
0x49: {  	s20 =	sld [smem:$0x7F2]  }
0x4a: {  	[sflag:s28] =	ssyncset.done $0x0  }
0x4b: {  	s18 =	rddreg [dreg:$0x11];
	[sflag:s28] =	ssyncadd.s32 $0xFFFFF880  }
0x4c: {  	[hbm:s18], [sflag:s19] =	dma.local [spmem:s20], $0x780  }
0x4d: {  	_ =	swait.ge [sflag:s28], $0x780  }
0x4e: {  	[sflag:s28] =	ssyncset.done $0x0  }
0x4f: {  	s21 =	rddreg [dreg:$0x13];
	[sflag:s28] =	ssyncadd.s32 $0xFFFFF880  }
0x50: {  	[hbm:s21], [sflag:s19] =	dma.local [spmem:s31], $0x780  }
0x51: {  	_ =	swait.ge [sflag:s28], $0x780  }
0x52: {  	[sflag:s28] =	ssyncset.done $0x0  }
0x53: {  	s25 =	rddreg [dreg:$0x15];
	[sflag:s28] =	ssyncadd.s32 $0xFFFFF880  }
0x54: {  	[hbm:s25], [sflag:s19] =	dma.local [spmem:s0], $0x780  }
0x55: {  	_ =	swait.ge [sflag:s28], $0x780  }
0x56: {  	[sflag:s28] =	ssyncset.done $0x0  }
0x57: {  	s26 =	rddreg [dreg:$0x17];
	[sflag:s28] =	ssyncadd.s32 $0xFFFFF880  }
0x58: {  	[hbm:s26], [sflag:s19] =	dma.local [spmem:s2], $0x780  }
0x59: {  	_ =	swait.ge [sflag:s28], $0x780  }
0x5a: {  	[sflag:s28] =	ssyncset.done $0x0  }
0x5b: {  	s29 =	rddreg [dreg:$0x19];
	[sflag:s28] =	ssyncadd.s32 $0xFFFFF880  }
0x5c: {  	[hbm:s29], [sflag:s19] =	dma.local [spmem:s11], $0x780  }
0x5d: {  	_ =	swait.ge [sflag:s28], $0x780  }
0x5e: {  	s30 =	sld [smem:$0x7EE]  }
0x5f: {  	s31 =	sld [smem:$0x7F6];
	_ =	sdelay $0x1  }
0x60: {  	s2 =	sadd.s32 $0x1, s30  }
0x61: {  	p0 =	sne.s32 s2, s31  }
.Ltmp1:
0x62: {  	_ = 	snop;
	(pc) =	sbr.rel @!p0 .LBB2_20-.Ltmp1, $3  }
0x63: {  	_ =	sdelay $0x1  }
0x64: {  	[sflag:s28] =	ssyncset.done $0x0  }
0x65: {  	[sflag:s28] =	ssyncadd.s32 $0xFFFFF880  }
.LBB2_1:
0x66: {  	s0 =	rddreg [dreg:$0x3]  }
0x67: {  	[smem:$0x7EE] =	sst s2;
	s0 =	sshrl.u32 s0, $0x3  }
0x68: {  	[smem:$0x7EF] =	sst s0  }
0x69: {  	[spmem:s0], [sflag:s19] =	dma.local [hbm:s9], $0x780  }
0x6a: {  	_ =	swait.ge [sflag:s28], $0x780  }
0x6b: {  	s2 =	sld [smem:$0x7F7];
	_ =	sdelay $0x2  }
0x6c: {  	[sflag:s28] =	ssyncset.done $0x0;
	s0 =	sshrl.u32 s2, $0x3  }
0x6d: {  	[sflag:s28] =	ssyncadd.s32 $0xFFFFF880;
	[smem:$0x7F0] =	sst s0  }
0x6e: {  	[spmem:s0], [sflag:s19] =	dma.local [hbm:s9], $0x780  }
0x6f: {  	_ =	swait.ge [sflag:s28], $0x780  }
0x70: {  	s10 =	sld [smem:$0x7F8];
	_ =	sdelay $0x2  }
0x71: {  	[sflag:s28] =	ssyncset.done $0x0;
	s0 =	sshrl.u32 s10, $0x3  }
0x72: {  	[sflag:s28] =	ssyncadd.s32 $0xFFFFF880;
	[smem:$0x7F1] =	sst s0  }
0x73: {  	[spmem:s0], [sflag:s19] =	dma.local [hbm:s9], $0x780  }
0x74: {  	_ =	swait.ge [sflag:s28], $0x780  }
0x75: {  	s11 =	sld [smem:$0x7F9];
	_ =	sdelay $0x2  }
0x76: {  	[sflag:s28] =	ssyncset.done $0x0;
	s0 =	sshrl.u32 s11, $0x3  }
0x77: {  	[sflag:s28] =	ssyncadd.s32 $0xFFFFF880;
	[smem:$0x7F2] =	sst s0  }
0x78: {  	[spmem:s0], [sflag:s19] =	dma.local [hbm:s9], $0x780  }
0x79: {  	_ =	swait.ge [sflag:s28], $0x780  }
0x7a: {  	s12 =	sld [smem:$0x7FA];
	_ =	sdelay $0x1  }
0x7b: {  	[sflag:s28] =	ssyncset.done $0x0  }
0x7c: {  	[sflag:s28] =	ssyncadd.s32 $0xFFFFF880;
	s31 =	sshrl.u32 s12, $0x3  }
0x7d: {  	[spmem:s31], [sflag:s19] =	dma.local [hbm:s9], $0x780  }
0x7e: {  	_ =	swait.ge [sflag:s28], $0x780  }
0x7f: {  	s13 =	sld [smem:$0x7FB];
	_ =	sdelay $0x1  }
0x80: {  	[sflag:s28] =	ssyncset.done $0x0  }
0x81: {  	[sflag:s28] =	ssyncadd.s32 $0xFFFFF880;
	s0 =	sshrl.u32 s13, $0x3  }
0x82: {  	[spmem:s0], [sflag:s19] =	dma.local [hbm:s9], $0x780  }
0x83: {  	_ =	swait.ge [sflag:s28], $0x780  }
0x84: {  	s14 =	sld [smem:$0x7FC];
	_ =	sdelay $0x1  }
0x85: {  	[sflag:s28] =	ssyncset.done $0x0  }
0x86: {  	[sflag:s28] =	ssyncadd.s32 $0xFFFFF880;
	s2 =	sshrl.u32 s14, $0x3  }
0x87: {  	[spmem:s2], [sflag:s19] =	dma.local [hbm:s9], $0x780  }
0x88: {  	_ =	swait.ge [sflag:s28], $0x780  }
0x89: {  	s10 =	sld [smem:$0x7FD];
	_ =	sdelay $0x1  }
0x8a: {  	[sflag:s28] =	ssyncset.done $0x0  }
0x8b: {  	[sflag:s28] =	ssyncadd.s32 $0xFFFFF880;
	s11 =	sshrl.u32 s10, $0x3  }
0x8c: {  	[spmem:s11], [sflag:s19] =	dma.local [hbm:s9], $0x780  }
0x8d: {  	_ =	swait.ge [sflag:s28], $0x780  }
0x8e: {  	[sflag:s28] =	ssyncset.done $0x0  }
0x8f: {  	[sflag:s28] =	ssyncadd.s32 $0xFFFFF880  }
0x90: {  	[bflag:$0x0] =	sbarrier.arrive $0xFFFF  }
0x91: {  	s12 =	simm.s32 $0x1E000;
	s15 =	rddreg [dreg:$0x1c]  }
0x92: {  	[tilespmem:s12], [sflag:$0x1] =	stream.linear.gather [hbm4b:s15+s3], $0x80, $0x38;
	[tilespmem:$0x1FE00] =	vst v63  }
0x93: {  	s16 =	simm.s32 $0x1E100;
	s30 =	sadd.s32 $0x10, s15  }
0x94: {  	[tilespmem:s16], [sflag:$0x1] =	stream.linear.gather [hbm4b:s30+s3], $0x80, $0x38;
	[tilespmem:$0x1FE00] =	vst v63  }
0x95: {  	s18 =	simm.s32 $0x1E200;
	s13 =	sadd.s32 $0x20, s15  }
0x96: {  	[tilespmem:s18], [sflag:$0x1] =	stream.linear.gather [hbm4b:s13+s3], $0x80, $0x38;
	[tilespmem:$0x1FE00] =	vst v63  }
0x97: {  	s21 =	simm.s32 $0x1E300;
	s20 =	sadd.s32 $0x30, s15  }
0x98: {  	[tilespmem:s21], [sflag:$0x1] =	stream.linear.gather [hbm4b:s20+s3], $0x80, $0x38;
	[tilespmem:$0x1FE00] =	vst v63  }
0x99: {  	s26 =	simm.s32 $0x1E400;
	s25 =	sadd.s32 $0x40, s15  }
0x9a: {  	[tilespmem:s26], [sflag:$0x1] =	stream.linear.gather [hbm4b:s25+s3], $0x80, $0x38;
	[tilespmem:$0x1FE00] =	vst v63  }
0x9b: {  	s14 =	simm.s32 $0x1E500;
	s29 =	rddreg [dreg:$0x1d]  }
0x9c: {  	[tilespmem:s14], [sflag:$0x1] =	stream.linear.gather [hbm4b:s29+s3], $0x80, $0x38;
	[tilespmem:$0x1FE00] =	vst v63  }
0x9d: {  	s15 =	sadd.s32 $0x10, s29;
	s16 =	simm.s32 $0x1E600  }
0x9e: {  	[tilespmem:s16], [sflag:$0x1] =	stream.linear.gather [hbm4b:s15+s3], $0x80, $0x38;
	[tilespmem:$0x1FE00] =	vst v63  }
0x9f: {  	[smem:$0x7F4] =	sst s20;
	s18 =	sadd.s32 $0x20, s29;
	s20 =	simm.s32 $0x1E700  }
0xa0: {  	[tilespmem:s20], [sflag:$0x1] =	stream.linear.gather [hbm4b:s18+s3], $0x80, $0x38;
	[tilespmem:$0x1FE00] =	vst v63  }
.Ltmp2:
0xa1: {  	[smem:$0x7F3] =	sst s13;
	(pc) =	sbr.rel .LBB2_2-.Ltmp2, $4  }
0xa2: {  	[smem:$0x7F5] =	sst s25;
	s21 =	sadd.s32 $0x30, s29;
	s25 =	simm.s32 $0x1E800  }
0xa3: {  	[tilespmem:s25], [sflag:$0x1] =	stream.linear.gather [hbm4b:s21+s3], $0x80, $0x38;
	[tilespmem:$0x1FE00] =	vst v63  }
0xa4: {  	s26 =	sadd.s32 $0x40, s29;
	s29 =	simm.s32 $0x1E900;
	s16 =	simm.s32 $0x0  }
0xa5: {  	[tilespmem:s29], [sflag:$0x1] =	stream.linear.gather [hbm4b:s26+s3], $0x80, $0x38;
	[tilespmem:$0x1FE00] =	vst v63  }
.LBB2_6:
0xa6: {  	s10 =	sshll.u32 s15, $0x7  }
0xa7: {  	s13 =	sor.u32 $0x1E500, s14;
	s15 =	sadd.s32 $0x1EA00, s10  }
0xa8: {  	[spmem:s1] =	stream.indirect.scatter.add.f32 [tilespmem:s13], [sflag:$0x2], $0x1, s15, s23, $0xb8;
	[tilespmem:$0x1FE00] =	vst v63  }
0xa9: {  	s29 =	sadd.s32 $0x1EC80, s10  }
0xaa: {  	[spmem:s1] =	stream.indirect.scatter.add.f32 [tilespmem:s13], [sflag:$0x2], $0x1, s29, s23, $0xb8;
	[tilespmem:$0x1FE00] =	vst v63  }
0xab: {  	s16 =	sadd.s32 $0x1EF00, s10  }
0xac: {  	[spmem:s1] =	stream.indirect.scatter.add.f32 [tilespmem:s13], [sflag:$0x2], $0x1, s16, s23, $0xb8;
	[tilespmem:$0x1FE00] =	vst v63  }
0xad: {  	s18 =	sadd.s32 $0x1F180, s10  }
0xae: {  	[spmem:s1] =	stream.indirect.scatter.add.f32 [tilespmem:s13], [sflag:$0x2], $0x1, s18, s23, $0xb8;
	[tilespmem:$0x1FE00] =	vst v63  }
0xaf: {  	s20 =	sor.u32 $0x1E600, s14;
	s21 =	sadd.s32 $0x1EA80, s10  }
0xb0: {  	[spmem:s1] =	stream.indirect.scatter.add.f32 [tilespmem:s20], [sflag:$0x2], $0x1, s21, s23, $0xb8;
	[tilespmem:$0x1FE00] =	vst v63  }
0xb1: {  	s25 =	sadd.s32 $0x1ED00, s10  }
0xb2: {  	[spmem:s1] =	stream.indirect.scatter.add.f32 [tilespmem:s20], [sflag:$0x2], $0x1, s25, s23, $0xb8;
	[tilespmem:$0x1FE00] =	vst v63  }
0xb3: {  	s26 =	sadd.s32 $0x1EF80, s10  }
0xb4: {  	[spmem:s1] =	stream.indirect.scatter.add.f32 [tilespmem:s20], [sflag:$0x2], $0x1, s26, s23, $0xb8;
	[tilespmem:$0x1FE00] =	vst v63  }
0xb5: {  	s29 =	sadd.s32 $0x1F200, s10  }
0xb6: {  	[spmem:s1] =	stream.indirect.scatter.add.f32 [tilespmem:s20], [sflag:$0x2], $0x1, s29, s23, $0xb8;
	[tilespmem:$0x1FE00] =	vst v63  }
0xb7: {  	s16 =	sor.u32 $0x1E700, s14;
	s18 =	sadd.s32 $0x1EB00, s10  }
0xb8: {  	[spmem:s1] =	stream.indirect.scatter.add.f32 [tilespmem:s16], [sflag:$0x2], $0x1, s18, s23, $0xb8;
	[tilespmem:$0x1FE00] =	vst v63  }
0xb9: {  	s20 =	sadd.s32 $0x1ED80, s10  }
0xba: {  	[spmem:s1] =	stream.indirect.scatter.add.f32 [tilespmem:s16], [sflag:$0x2], $0x1, s20, s23, $0xb8;
	[tilespmem:$0x1FE00] =	vst v63  }
0xbb: {  	s21 =	sor.u32 $0x1F000, s10  }
0xbc: {  	[spmem:s1] =	stream.indirect.scatter.add.f32 [tilespmem:s16], [sflag:$0x2], $0x1, s21, s23, $0xb8;
	[tilespmem:$0x1FE00] =	vst v63  }
0xbd: {  	s25 =	sadd.s32 $0x1F280, s10  }
0xbe: {  	[spmem:s1] =	stream.indirect.scatter.add.f32 [tilespmem:s16], [sflag:$0x2], $0x1, s25, s23, $0xb8;
	[tilespmem:$0x1FE00] =	vst v63  }
0xbf: {  	s26 =	sor.u32 $0x1E800, s14;
	s29 =	sadd.s32 $0x1EB80, s10  }
0xc0: {  	[spmem:s1] =	stream.indirect.scatter.add.f32 [tilespmem:s26], [sflag:$0x2], $0x1, s29, s23, $0xb8;
	[tilespmem:$0x1FE00] =	vst v63  }
0xc1: {  	s16 =	sadd.s32 $0x1EE00, s10  }
0xc2: {  	[spmem:s1] =	stream.indirect.scatter.add.f32 [tilespmem:s26], [sflag:$0x2], $0x1, s16, s23, $0xb8;
	[tilespmem:$0x1FE00] =	vst v63  }
0xc3: {  	s18 =	sadd.s32 $0x1F080, s10  }
0xc4: {  	[spmem:s1] =	stream.indirect.scatter.add.f32 [tilespmem:s26], [sflag:$0x2], $0x1, s18, s23, $0xb8;
	[tilespmem:$0x1FE00] =	vst v63  }
0xc5: {  	s20 =	sadd.s32 $0x1F300, s10  }
0xc6: {  	[spmem:s1] =	stream.indirect.scatter.add.f32 [tilespmem:s26], [sflag:$0x2], $0x1, s20, s23, $0xb8;
	[tilespmem:$0x1FE00] =	vst v63  }
0xc7: {  	s21 =	sor.u32 $0x1E900, s14;
	s25 =	sadd.s32 $0x1EC00, s10  }
0xc8: {  	[spmem:s1] =	stream.indirect.scatter.add.f32 [tilespmem:s21], [sflag:$0x2], $0x1, s25, s23, $0xb8;
	[tilespmem:$0x1FE00] =	vst v63  }
0xc9: {  	p0 =	slt.u32 s12, $0xC0;
	s26 =	sadd.s32 $0x1EE80, s10  }
0xca: {  	[spmem:s1] =	stream.indirect.scatter.add.f32 [tilespmem:s21], [sflag:$0x2], $0x1, s26, s23, $0xb8;
	[tilespmem:$0x1FE00] =	vst v63  }
.Ltmp3:
0xcb: {  	_ = 	snop;
	(pc) =	sbr.rel @!p0 .LBB2_7-.Ltmp3, $4  }
0xcc: {  	s29 =	sadd.s32 $0x1F100, s10  }
0xcd: {  	[spmem:s1] =	stream.indirect.scatter.add.f32 [tilespmem:s21], [sflag:$0x2], $0x1, s29, s23, $0xb8;
	[tilespmem:$0x1FE00] =	vst v63  }
0xce: {  	s16 =	smov.u32 s12;
	s10 =	sadd.s32 $0x1F380, s10  }
0xcf: {  	[spmem:s1] =	stream.indirect.scatter.add.f32 [tilespmem:s21], [sflag:$0x2], $0x1, s10, s23, $0xb8;
	[tilespmem:$0x1FE00] =	vst v63  }
.LBB2_2:
0xd0: {  	_ =	swait.ge [sflag:s22], $0x280  }
0xd1: {  	s10 =	sshll.u32 s16, $0x7;
	[sflag:s22] =	ssyncset.done $0x0  }
0xd2: {  	s25 =	simm.s32 $0x0;
	s14 =	sand.u32 $0x80, s10;
	[sflag:s22] =	ssyncadd.s32 $0xFFFFFD80  }
0xd3: {  	s13 =	sand.u32 $0x700, s25;
	s12 =	sor.u32 $0x1E000, s14;
	_ =	swait.ge [sflag:s22], $0x280  }
0xd4: {  	s10 =	sand.u32 $0x70, s25;
	s13 =	sadd.s32 s13, s12;
	[sflag:s22] =	ssyncset.done $0x0  }
0xd5: {  	s13 =	sadd.s32 s10, s13;
	[sflag:s22] =	ssyncadd.s32 $0xFFFFFD80  }
0xd6: {  	s15 =	sand.u32 $0x1, s16;
	v0 =	vld [tilespmem:s13+$0x0]  }
0xd7: {  	p0 =	seq.s32 s15, $0x1;
	s15 =	simm.s32 $0x14  }
0xd8: {  	s15 =	simm.s32 @!p0 $0x0  }
0xd9: {  	s26 =	sadd.s32 $0x0, s15  }
0xda: {  	s13 =	sshll.u32 s26, $0x7  }
0xdb: {  	s13 =	sand.u32 $0x3FFFFF80, s13;
	v1 =	vand.u32 $0x2, v0  }
0xdc: {  	s20 =	simm.s32 $0x20;
	s26 =	sor.u32 s10, s13;
	v2 =	vshrl.u32 v0, $0x2;
	v0 =	vand.u32 $0x1, v0;
	v1 =	vmul.u32 $0x3C0, v1  }
0xdd: {  	s18 =	simm.s32 $0x1;
	s29 =	sand.u32 $0x700, s20;
	s13 =	simm.s32 $0x10;
	[tilespmem:s26+$0x1EA00] =	vst v2;
	v3 =	vadd.s32 v0, v2  }
0xde: {  	s25 =	simm.s32 $0x2;
	s10 =	sadd.s32 s29, s12;
	s21 =	sand.u32 $0x70, s13;
	[tilespmem:s26+$0x1EC80] =	vst v3;
	v1 =	vadd.s32 v2, v1  }
.LBB2_3:
0xdf: {  	p0 =	sne.s32 s25, $0x27  }
0xe0: {  	s10 =	sadd.s32 s21, s10;
	[tilespmem:s26+$0x1EF00] =	vst v1;
	v0 =	vadd.s32 v0, v1;
	s29 =	smov.u32 s25;
	s25 =	sadd.s32 $0x1, s25  }
0xe1: {  	[tilespmem:s26+$0x1F180] =	vst v0  }
0xe2: {  	v0 =	vld [tilespmem:s10+$0x0];
	_ =	sdelay $0x1  }
0xe3: {  	s10 =	sshrl.u32 s18, $0x3;
	s18 =	smov.u32 s29  }
0xe4: {  	s10 =	sadd.s32 s15, s10  }
.Ltmp4:
0xe5: {  	s10 =	sshll.u32 s10, $0x7;
	(pc) =	sbr.rel @p0 .LBB2_3-.Ltmp4, $4  }
0xe6: {  	s10 =	sand.u32 $0x3FFFFF80, s10;
	v1 =	vand.u32 $0x2, v0  }
0xe7: {  	s20 =	sadd.s32 $0x20, s20;
	s26 =	sor.u32 s21, s10;
	v2 =	vshrl.u32 v0, $0x2;
	v0 =	vand.u32 $0x1, v0;
	v1 =	vmul.u32 $0x3C0, v1  }
0xe8: {  	s13 =	sadd.s32 $0x10, s13;
	s10 =	sand.u32 $0x700, s20;
	v3 =	vadd.s32 v0, v2;
	[tilespmem:s26+$0x1EA00] =	vst v2  }
0xe9: {  	s21 =	sand.u32 $0x70, s13;
	s10 =	sadd.s32 s10, s12;
	v1 =	vadd.s32 v2, v1;
	[tilespmem:s26+$0x1EC80] =	vst v3  }
0xea: {  	[tilespmem:s26+$0x1EF00] =	vst v1;
	v0 =	vadd.s32 v0, v1  }
0xeb: {  	s10 =	sadd.s32 s21, s10;
	[tilespmem:s26+$0x1F180] =	vst v0  }
0xec: {  	v0 =	vld [tilespmem:s10+$0x0];
	_ =	sdelay $0x1  }
0xed: {  	s29 =	sshrl.u32 s18, $0x3  }
0xee: {  	s10 =	sadd.s32 s15, s29  }
0xef: {  	s10 =	sshll.u32 s10, $0x7  }
0xf0: {  	s10 =	sand.u32 $0x3FFFFF80, s10;
	v63 =	vand.u32 $0x2, v0  }
0xf1: {  	s10 =	sor.u32 s21, s10;
	v2 =	vshrl.u32 v0, $0x2;
	v0 =	vand.u32 $0x1, v0;
	v1 =	vmul.u32 $0x3C0, v63  }
0xf2: {  	[tilespmem:s10+$0x1EA00] =	vst v2;
	v3 =	vadd.s32 v0, v2  }
0xf3: {  	[tilespmem:s10+$0x1EC80] =	vst v3;
	v1 =	vadd.s32 v2, v1  }
0xf4: {  	p0 =	seq.s32 s16, $0x0;
	[tilespmem:s10+$0x1EF00] =	vst v1;
	v0 =	vadd.s32 v0, v1  }
0xf5: {  	[tilespmem:s10+$0x1F180] =	vst v0;
	s10 =	simm.s32 @!p0 $0x2  }
0xf6: {  	_ =	swait.ge @!p0 [sflag:s10], $0x280  }
0xf7: {  	[sflag:s10] =	ssyncset.done @!p0 $0x0  }
0xf8: {  	[sflag:s10] =	ssyncadd.s32 @!p0 $0xFFFFFD80  }
0xf9: {  	_ =	swait.ge @!p0 [sflag:s10], $0x280  }
0xfa: {  	[sflag:s10] =	ssyncset.done @!p0 $0x0  }
0xfb: {  	p1 =	seq.s32 @!p0 s16, $0xBF;
	[sflag:s10] =	ssyncadd.s32 @!p0 $0xFFFFFD80  }
0xfc: {  	p1 =	por p0, !p1;
	_ =	swait.ge @!p0 [sflag:s10], $0x280  }
.Ltmp5:
0xfd: {  	[sflag:s10] =	ssyncset.done @!p0 $0x0;
	(pc) =	sbr.rel @!p1 .LBB2_6-.Ltmp5, $4  }
0xfe: {  	[sflag:s10] =	ssyncadd.s32 @!p0 $0xFFFFFD80  }
0xff: {  	_ =	swait.ge @!p0 [sflag:s10], $0x280  }
0x100: {  	[sflag:s10] =	ssyncset.done @!p0 $0x0  }
0x101: {  	s12 =	simm.s32 @!p0 $0xC0;
	[sflag:s10] =	ssyncadd.s32 @!p0 $0xFFFFFD80  }
0x102: {  	s12 =	sadd.s32 @!p0 $0x1, s16  }
0x103: {  	s12 =	simm.s32 @p0 $0x1  }
0x104: {  	s10 =	smulhi.u32 $0xAAAAAAAB, s12;
	_ =	sdelay $0x1  }
0x105: {  	s10 =	sshrl.u32 s10, $0x1  }
0x106: {  	s13 =	smul.u32 $0x3, s10;
	_ =	sdelay $0x1  }
0x107: {  	s13 =	ssub.s32 s12, s13  }
0x108: {  	s10 =	sadd.s32 s17, s10;
	s13 =	smul.u32 $0x280, s13  }
0x109: {  	s10 =	smul.u32 $0x780, s10  }
0x10a: {  	s13 =	sor.u32 s6, s13  }
0x10b: {  	s10 =	sadd.s32 s10, s13  }
0x10c: {  	s13 =	sxor.u32 $0x80, s14;
	s10 =	sshrl.u32 s10, $0x3  }
0x10d: {  	s21 =	sor.u32 $0x1E000, s13;
	s18 =	sadd.s32 s7, s10  }
0x10e: {  	[tilespmem:s21], [sflag:$0x1] =	stream.linear.gather [hbm4b:s18+s3], $0x80, $0x38;
	[tilespmem:$0x1FE00] =	vst v63  }
0x10f: {  	s20 =	sor.u32 $0x1E100, s13;
	s25 =	sadd.s32 $0x10, s18  }
0x110: {  	[tilespmem:s20], [sflag:$0x1] =	stream.linear.gather [hbm4b:s25+s3], $0x80, $0x38;
	[tilespmem:$0x1FE00] =	vst v63  }
0x111: {  	s29 =	sor.u32 $0x1E200, s13;
	s26 =	sadd.s32 $0x20, s18  }
0x112: {  	[tilespmem:s29], [sflag:$0x1] =	stream.linear.gather [hbm4b:s26+s3], $0x80, $0x38;
	[tilespmem:$0x1FE00] =	vst v63  }
0x113: {  	s21 =	sor.u32 $0x1E300, s13;
	s20 =	sadd.s32 $0x30, s18  }
0x114: {  	[tilespmem:s21], [sflag:$0x1] =	stream.linear.gather [hbm4b:s20+s3], $0x80, $0x38;
	[tilespmem:$0x1FE00] =	vst v63  }
0x115: {  	s25 =	sadd.s32 $0x40, s18;
	s26 =	sor.u32 $0x1E400, s13  }
0x116: {  	[tilespmem:s26], [sflag:$0x1] =	stream.linear.gather [hbm4b:s25+s3], $0x80, $0x38;
	[tilespmem:$0x1FE00] =	vst v63  }
0x117: {  	s10 =	sadd.s32 s4, s10;
	s29 =	sor.u32 $0x1E500, s13  }
0x118: {  	[tilespmem:s29], [sflag:$0x1] =	stream.linear.gather [hbm4b:s10+s3], $0x80, $0x38;
	[tilespmem:$0x1FE00] =	vst v63  }
0x119: {  	s18 =	sadd.s32 $0x10, s10;
	s20 =	sor.u32 $0x1E600, s13  }
0x11a: {  	[tilespmem:s20], [sflag:$0x1] =	stream.linear.gather [hbm4b:s18+s3], $0x80, $0x38;
	[tilespmem:$0x1FE00] =	vst v63  }
0x11b: {  	s21 =	sadd.s32 $0x20, s10;
	s25 =	sor.u32 $0x1E700, s13  }
0x11c: {  	[tilespmem:s25], [sflag:$0x1] =	stream.linear.gather [hbm4b:s21+s3], $0x80, $0x38;
	[tilespmem:$0x1FE00] =	vst v63  }
.Ltmp6:
0x11d: {  	_ = 	snop;
	(pc) =	sbr.rel .LBB2_6-.Ltmp6, $4  }
0x11e: {  	s26 =	sadd.s32 $0x30, s10;
	s29 =	sor.u32 $0x1E800, s13  }
0x11f: {  	[tilespmem:s29], [sflag:$0x1] =	stream.linear.gather [hbm4b:s26+s3], $0x80, $0x38;
	[tilespmem:$0x1FE00] =	vst v63  }
0x120: {  	s10 =	sadd.s32 $0x40, s10;
	s13 =	sor.u32 $0x1E900, s13  }
0x121: {  	[tilespmem:s13], [sflag:$0x1] =	stream.linear.gather [hbm4b:s10+s3], $0x80, $0x38;
	[tilespmem:$0x1FE00] =	vst v63  }
.LBB2_7:
0x122: {  	_ =	swait.ge [sflag:s24], $0x280  }
0x123: {  	[sflag:s24] =	ssyncset.done $0x0  }
0x124: {  	[sflag:s24] =	ssyncadd.s32 $0xFFFFFD80  }
0x125: {  	_ =	swait.ge [sflag:s24], $0x280  }
0x126: {  	[sflag:s24] =	ssyncset.done $0x0  }
0x127: {  	[sflag:s24] =	ssyncadd.s32 $0xFFFFFD80  }
0x128: {  	_ =	swait.ge [sflag:s24], $0x280  }
0x129: {  	[sflag:s24] =	ssyncset.done $0x0  }
0x12a: {  	[sflag:s24] =	ssyncadd.s32 $0xFFFFFD80  }
0x12b: {  	_ =	swait.ge [sflag:s24], $0x280  }
0x12c: {  	[sflag:s24] =	ssyncset.done $0x0  }
0x12d: {  	[sflag:s24] =	ssyncadd.s32 $0xFFFFFD80  }
0x12e: {  	[bflag:$0x0] =	sbarrier.arrive $0xFFFF  }
0x12f: {  	s12 =	sld [smem:$0x7EF];
	_ =	sdelay $0x1  }
0x130: {  	s10 =	rddreg [dreg:$0x4]  }
0x131: {  	[hbm:s10], [sflag:s19] =	dma.local [spmem:s12], $0x780  }
0x132: {  	_ =	swait.ge [sflag:s28], $0x780  }
0x133: {  	s13 =	sld [smem:$0x7F0]  }
0x134: {  	[sflag:s28] =	ssyncset.done $0x0  }
0x135: {  	s16 =	rddreg [dreg:$0x5];
	[sflag:s28] =	ssyncadd.s32 $0xFFFFF880  }
0x136: {  	[hbm:s16], [sflag:s19] =	dma.local [spmem:s13], $0x780  }
0x137: {  	_ =	swait.ge [sflag:s28], $0x780  }
0x138: {  	s14 =	sld [smem:$0x7F1]  }
0x139: {  	[sflag:s28] =	ssyncset.done $0x0  }
0x13a: {  	s18 =	rddreg [dreg:$0x6];
	[sflag:s28] =	ssyncadd.s32 $0xFFFFF880  }
0x13b: {  	[hbm:s18], [sflag:s19] =	dma.local [spmem:s14], $0x780  }
0x13c: {  	_ =	swait.ge [sflag:s28], $0x780  }
0x13d: {  	s15 =	sld [smem:$0x7F2]  }
0x13e: {  	[sflag:s28] =	ssyncset.done $0x0  }
0x13f: {  	s20 =	rddreg [dreg:$0x7];
	[sflag:s28] =	ssyncadd.s32 $0xFFFFF880  }
0x140: {  	[hbm:s20], [sflag:s19] =	dma.local [spmem:s15], $0x780  }
0x141: {  	_ =	swait.ge [sflag:s28], $0x780  }
0x142: {  	[sflag:s28] =	ssyncset.done $0x0  }
0x143: {  	s21 =	rddreg [dreg:$0x8];
	[sflag:s28] =	ssyncadd.s32 $0xFFFFF880  }
0x144: {  	[hbm:s21], [sflag:s19] =	dma.local [spmem:s31], $0x780  }
0x145: {  	_ =	swait.ge [sflag:s28], $0x780  }
0x146: {  	[sflag:s28] =	ssyncset.done $0x0  }
0x147: {  	s25 =	rddreg [dreg:$0x9];
	[sflag:s28] =	ssyncadd.s32 $0xFFFFF880  }
0x148: {  	[hbm:s25], [sflag:s19] =	dma.local [spmem:s0], $0x780  }
0x149: {  	_ =	swait.ge [sflag:s28], $0x780  }
0x14a: {  	[sflag:s28] =	ssyncset.done $0x0  }
0x14b: {  	s26 =	rddreg [dreg:$0xa];
	[sflag:s28] =	ssyncadd.s32 $0xFFFFF880  }
0x14c: {  	[hbm:s26], [sflag:s19] =	dma.local [spmem:s2], $0x780  }
0x14d: {  	_ =	swait.ge [sflag:s28], $0x780  }
0x14e: {  	[sflag:s28] =	ssyncset.done $0x0  }
0x14f: {  	s29 =	rddreg [dreg:$0xb];
	[sflag:s28] =	ssyncadd.s32 $0xFFFFF880  }
0x150: {  	[hbm:s29], [sflag:s19] =	dma.local [spmem:s11], $0x780  }
0x151: {  	_ =	swait.ge [sflag:s28], $0x780  }
0x152: {  	[sflag:s28] =	ssyncset.done $0x0  }
0x153: {  	[sflag:s28] =	ssyncadd.s32 $0xFFFFF880  }
0x154: {  	[spmem:s12], [sflag:s19] =	dma.local [hbm:s9], $0x780  }
0x155: {  	_ =	swait.ge [sflag:s28], $0x780  }
0x156: {  	[sflag:s28] =	ssyncset.done $0x0  }
0x157: {  	[sflag:s28] =	ssyncadd.s32 $0xFFFFF880  }
0x158: {  	[spmem:s13], [sflag:s19] =	dma.local [hbm:s9], $0x780  }
0x159: {  	_ =	swait.ge [sflag:s28], $0x780  }
0x15a: {  	[sflag:s28] =	ssyncset.done $0x0  }
0x15b: {  	[sflag:s28] =	ssyncadd.s32 $0xFFFFF880  }
0x15c: {  	[spmem:s14], [sflag:s19] =	dma.local [hbm:s9], $0x780  }
0x15d: {  	_ =	swait.ge [sflag:s28], $0x780  }
0x15e: {  	[sflag:s28] =	ssyncset.done $0x0  }
0x15f: {  	[sflag:s28] =	ssyncadd.s32 $0xFFFFF880  }
0x160: {  	[spmem:s15], [sflag:s19] =	dma.local [hbm:s9], $0x780  }
0x161: {  	_ =	swait.ge [sflag:s28], $0x780  }
0x162: {  	[sflag:s28] =	ssyncset.done $0x0  }
0x163: {  	[sflag:s28] =	ssyncadd.s32 $0xFFFFF880  }
0x164: {  	[spmem:s31], [sflag:s19] =	dma.local [hbm:s9], $0x780  }
0x165: {  	_ =	swait.ge [sflag:s28], $0x780  }
0x166: {  	[sflag:s28] =	ssyncset.done $0x0  }
0x167: {  	[sflag:s28] =	ssyncadd.s32 $0xFFFFF880  }
0x168: {  	[spmem:s0], [sflag:s19] =	dma.local [hbm:s9], $0x780  }
0x169: {  	_ =	swait.ge [sflag:s28], $0x780  }
0x16a: {  	[sflag:s28] =	ssyncset.done $0x0  }
0x16b: {  	[sflag:s28] =	ssyncadd.s32 $0xFFFFF880  }
0x16c: {  	[spmem:s2], [sflag:s19] =	dma.local [hbm:s9], $0x780  }
0x16d: {  	_ =	swait.ge [sflag:s28], $0x780  }
0x16e: {  	[sflag:s28] =	ssyncset.done $0x0  }
0x16f: {  	[sflag:s28] =	ssyncadd.s32 $0xFFFFF880  }
0x170: {  	[spmem:s11], [sflag:s19] =	dma.local [hbm:s9], $0x780  }
0x171: {  	_ =	swait.ge [sflag:s28], $0x780  }
0x172: {  	[sflag:s28] =	ssyncset.done $0x0  }
0x173: {  	[sflag:s28] =	ssyncadd.s32 $0xFFFFF880  }
0x174: {  	[bflag:$0x0] =	sbarrier.arrive $0xFFFF  }
0x175: {  	s14 =	simm.s32 $0x0;
	s15 =	simm.s32 $0x1E000;
	s13 =	rddreg [dreg:$0x1c]  }
0x176: {  	[tilespmem:s15], [sflag:$0x1] =	stream.linear.gather [hbm4b:s13+s14], $0x80, $0x38;
	[tilespmem:$0x1FE00] =	vst v63  }
0x177: {  	s16 =	simm.s32 $0x1E100;
	s20 =	sld [smem:$0x7F3]  }
0x178: {  	[tilespmem:s16], [sflag:$0x1] =	stream.linear.gather [hbm4b:s30+s14], $0x80, $0x38;
	[tilespmem:$0x1FE00] =	vst v63  }
0x179: {  	s18 =	simm.s32 $0x1E200;
	s25 =	sld [smem:$0x7F4]  }
0x17a: {  	[tilespmem:s18], [sflag:$0x1] =	stream.linear.gather [hbm4b:s20+s14], $0x80, $0x38;
	[tilespmem:$0x1FE00] =	vst v63  }
0x17b: {  	s21 =	simm.s32 $0x1E300;
	s29 =	sld [smem:$0x7F5]  }
0x17c: {  	[tilespmem:s21], [sflag:$0x1] =	stream.linear.gather [hbm4b:s25+s14], $0x80, $0x38;
	[tilespmem:$0x1FE00] =	vst v63  }
0x17d: {  	s26 =	simm.s32 $0x1E400;
	[smem:$0x7ED] =	sst s30  }
0x17e: {  	[tilespmem:s26], [sflag:$0x1] =	stream.linear.gather [hbm4b:s29+s14], $0x80, $0x38;
	[tilespmem:$0x1FE00] =	vst v63  }
0x17f: {  	s15 =	simm.s32 $0x1E500;
	s30 =	rddreg [dreg:$0x1e]  }
0x180: {  	[tilespmem:s15], [sflag:$0x1] =	stream.linear.gather [hbm4b:s30+s14], $0x80, $0x38;
	[tilespmem:$0x1FE00] =	vst v63  }
0x181: {  	s16 =	sadd.s32 $0x10, s30;
	s18 =	simm.s32 $0x1E600  }
0x182: {  	[tilespmem:s18], [sflag:$0x1] =	stream.linear.gather [hbm4b:s16+s14], $0x80, $0x38;
	[tilespmem:$0x1FE00] =	vst v63  }
0x183: {  	s20 =	sadd.s32 $0x20, s30;
	s21 =	simm.s32 $0x1E700  }
0x184: {  	[tilespmem:s21], [sflag:$0x1] =	stream.linear.gather [hbm4b:s20+s14], $0x80, $0x38;
	[tilespmem:$0x1FE00] =	vst v63  }
.Ltmp7:
0x185: {  	_ = 	snop;
	(pc) =	sbr.rel .LBB2_8-.Ltmp7, $4  }
0x186: {  	s25 =	sadd.s32 $0x30, s30;
	s26 =	simm.s32 $0x1E800  }
0x187: {  	[tilespmem:s26], [sflag:$0x1] =	stream.linear.gather [hbm4b:s25+s14], $0x80, $0x38;
	[tilespmem:$0x1FE00] =	vst v63  }
0x188: {  	s12 =	simm.s32 $0x0;
	s29 =	sadd.s32 $0x40, s30;
	s30 =	simm.s32 $0x1E900  }
0x189: {  	[tilespmem:s30], [sflag:$0x1] =	stream.linear.gather [hbm4b:s29+s14], $0x80, $0x38;
	[tilespmem:$0x1FE00] =	vst v63  }
.LBB2_12:
0x18a: {  	s10 =	sshll.u32 s16, $0x7  }
0x18b: {  	s12 =	sor.u32 $0x1E500, s15;
	s13 =	sadd.s32 $0x1EA00, s10  }
0x18c: {  	[spmem:s1] =	stream.indirect.scatter.add.f32 [tilespmem:s12], [sflag:$0x2], $0x1, s13, s23, $0xb8;
	[tilespmem:$0x1FE00] =	vst v63  }
0x18d: {  	s30 =	sadd.s32 $0x1EC80, s10  }
0x18e: {  	[spmem:s1] =	stream.indirect.scatter.add.f32 [tilespmem:s12], [sflag:$0x2], $0x1, s30, s23, $0xb8;
	[tilespmem:$0x1FE00] =	vst v63  }
0x18f: {  	s16 =	sadd.s32 $0x1EF00, s10  }
0x190: {  	[spmem:s1] =	stream.indirect.scatter.add.f32 [tilespmem:s12], [sflag:$0x2], $0x1, s16, s23, $0xb8;
	[tilespmem:$0x1FE00] =	vst v63  }
0x191: {  	s20 =	sadd.s32 $0x1F180, s10  }
0x192: {  	[spmem:s1] =	stream.indirect.scatter.add.f32 [tilespmem:s12], [sflag:$0x2], $0x1, s20, s23, $0xb8;
	[tilespmem:$0x1FE00] =	vst v63  }
0x193: {  	s21 =	sor.u32 $0x1E600, s15;
	s25 =	sadd.s32 $0x1EA80, s10  }
0x194: {  	[spmem:s1] =	stream.indirect.scatter.add.f32 [tilespmem:s21], [sflag:$0x2], $0x1, s25, s23, $0xb8;
	[tilespmem:$0x1FE00] =	vst v63  }
0x195: {  	s26 =	sadd.s32 $0x1ED00, s10  }
0x196: {  	[spmem:s1] =	stream.indirect.scatter.add.f32 [tilespmem:s21], [sflag:$0x2], $0x1, s26, s23, $0xb8;
	[tilespmem:$0x1FE00] =	vst v63  }
0x197: {  	s29 =	sadd.s32 $0x1EF80, s10  }
0x198: {  	[spmem:s1] =	stream.indirect.scatter.add.f32 [tilespmem:s21], [sflag:$0x2], $0x1, s29, s23, $0xb8;
	[tilespmem:$0x1FE00] =	vst v63  }
0x199: {  	s30 =	sadd.s32 $0x1F200, s10  }
0x19a: {  	[spmem:s1] =	stream.indirect.scatter.add.f32 [tilespmem:s21], [sflag:$0x2], $0x1, s30, s23, $0xb8;
	[tilespmem:$0x1FE00] =	vst v63  }
0x19b: {  	s16 =	sor.u32 $0x1E700, s15;
	s20 =	sadd.s32 $0x1EB00, s10  }
0x19c: {  	[spmem:s1] =	stream.indirect.scatter.add.f32 [tilespmem:s16], [sflag:$0x2], $0x1, s20, s23, $0xb8;
	[tilespmem:$0x1FE00] =	vst v63  }
0x19d: {  	s21 =	sadd.s32 $0x1ED80, s10  }
0x19e: {  	[spmem:s1] =	stream.indirect.scatter.add.f32 [tilespmem:s16], [sflag:$0x2], $0x1, s21, s23, $0xb8;
	[tilespmem:$0x1FE00] =	vst v63  }
0x19f: {  	s25 =	sor.u32 $0x1F000, s10  }
0x1a0: {  	[spmem:s1] =	stream.indirect.scatter.add.f32 [tilespmem:s16], [sflag:$0x2], $0x1, s25, s23, $0xb8;
	[tilespmem:$0x1FE00] =	vst v63  }
0x1a1: {  	s26 =	sadd.s32 $0x1F280, s10  }
0x1a2: {  	[spmem:s1] =	stream.indirect.scatter.add.f32 [tilespmem:s16], [sflag:$0x2], $0x1, s26, s23, $0xb8;
	[tilespmem:$0x1FE00] =	vst v63  }
0x1a3: {  	s29 =	sor.u32 $0x1E800, s15;
	s30 =	sadd.s32 $0x1EB80, s10  }
0x1a4: {  	[spmem:s1] =	stream.indirect.scatter.add.f32 [tilespmem:s29], [sflag:$0x2], $0x1, s30, s23, $0xb8;
	[tilespmem:$0x1FE00] =	vst v63  }
0x1a5: {  	s16 =	sadd.s32 $0x1EE00, s10  }
0x1a6: {  	[spmem:s1] =	stream.indirect.scatter.add.f32 [tilespmem:s29], [sflag:$0x2], $0x1, s16, s23, $0xb8;
	[tilespmem:$0x1FE00] =	vst v63  }
0x1a7: {  	s20 =	sadd.s32 $0x1F080, s10  }
0x1a8: {  	[spmem:s1] =	stream.indirect.scatter.add.f32 [tilespmem:s29], [sflag:$0x2], $0x1, s20, s23, $0xb8;
	[tilespmem:$0x1FE00] =	vst v63  }
0x1a9: {  	s21 =	sadd.s32 $0x1F300, s10  }
0x1aa: {  	[spmem:s1] =	stream.indirect.scatter.add.f32 [tilespmem:s29], [sflag:$0x2], $0x1, s21, s23, $0xb8;
	[tilespmem:$0x1FE00] =	vst v63  }
0x1ab: {  	s25 =	sor.u32 $0x1E900, s15;
	s26 =	sadd.s32 $0x1EC00, s10  }
0x1ac: {  	[spmem:s1] =	stream.indirect.scatter.add.f32 [tilespmem:s25], [sflag:$0x2], $0x1, s26, s23, $0xb8;
	[tilespmem:$0x1FE00] =	vst v63  }
0x1ad: {  	p0 =	slt.u32 s18, $0xC0;
	s29 =	sadd.s32 $0x1EE80, s10  }
0x1ae: {  	[spmem:s1] =	stream.indirect.scatter.add.f32 [tilespmem:s25], [sflag:$0x2], $0x1, s29, s23, $0xb8;
	[tilespmem:$0x1FE00] =	vst v63  }
.Ltmp8:
0x1af: {  	_ = 	snop;
	(pc) =	sbr.rel @!p0 .LBB2_13-.Ltmp8, $4  }
0x1b0: {  	s30 =	sadd.s32 $0x1F100, s10  }
0x1b1: {  	[spmem:s1] =	stream.indirect.scatter.add.f32 [tilespmem:s25], [sflag:$0x2], $0x1, s30, s23, $0xb8;
	[tilespmem:$0x1FE00] =	vst v63  }
0x1b2: {  	s12 =	smov.u32 s18;
	s10 =	sadd.s32 $0x1F380, s10  }
0x1b3: {  	[spmem:s1] =	stream.indirect.scatter.add.f32 [tilespmem:s25], [sflag:$0x2], $0x1, s10, s23, $0xb8;
	[tilespmem:$0x1FE00] =	vst v63  }
.LBB2_8:
0x1b4: {  	_ =	swait.ge [sflag:s22], $0x280  }
0x1b5: {  	s10 =	sshll.u32 s12, $0x7;
	[sflag:s22] =	ssyncset.done $0x0  }
0x1b6: {  	s15 =	sand.u32 $0x80, s10;
	[sflag:s22] =	ssyncadd.s32 $0xFFFFFD80  }
0x1b7: {  	s26 =	sand.u32 $0x700, s14;
	s18 =	sor.u32 $0x1E000, s15;
	_ =	swait.ge [sflag:s22], $0x280  }
0x1b8: {  	s13 =	sand.u32 $0x70, s14;
	s10 =	sadd.s32 s26, s18;
	[sflag:s22] =	ssyncset.done $0x0  }
0x1b9: {  	s10 =	sadd.s32 s13, s10;
	[sflag:s22] =	ssyncadd.s32 $0xFFFFFD80  }
0x1ba: {  	s16 =	sand.u32 $0x1, s12;
	v0 =	vld [tilespmem:s10+$0x0]  }
0x1bb: {  	p0 =	seq.s32 s16, $0x1;
	s16 =	simm.s32 $0x14  }
0x1bc: {  	s16 =	simm.s32 @!p0 $0x0  }
0x1bd: {  	s30 =	sadd.s32 $0x0, s16  }
0x1be: {  	s10 =	sshll.u32 s30, $0x7  }
0x1bf: {  	s10 =	sand.u32 $0x3FFFFF80, s10;
	v1 =	vand.u32 $0x2, v0  }
0x1c0: {  	s21 =	simm.s32 $0x20;
	s10 =	sor.u32 s13, s10;
	v2 =	vshrl.u32 v0, $0x2;
	v0 =	vand.u32 $0x1, v0;
	v1 =	vmul.u32 $0x3C0, v1  }
0x1c1: {  	s20 =	simm.s32 $0x1;
	s25 =	simm.s32 $0x10;
	s29 =	sand.u32 $0x700, s21;
	[tilespmem:s10+$0x1EA00] =	vst v2;
	v3 =	vadd.s32 v0, v2  }
0x1c2: {  	s26 =	simm.s32 $0x2;
	s29 =	sadd.s32 s29, s18;
	s13 =	sand.u32 $0x70, s25;
	[tilespmem:s10+$0x1EC80] =	vst v3;
	v1 =	vadd.s32 v2, v1  }
.LBB2_9:
0x1c3: {  	p0 =	sne.s32 s26, $0x27  }
0x1c4: {  	s29 =	sadd.s32 s13, s29;
	[tilespmem:s10+$0x1EF00] =	vst v1;
	v0 =	vadd.s32 v0, v1;
	s30 =	smov.u32 s26;
	s26 =	sadd.s32 $0x1, s26  }
0x1c5: {  	[tilespmem:s10+$0x1F180] =	vst v0  }
0x1c6: {  	v0 =	vld [tilespmem:s29+$0x0];
	_ =	sdelay $0x1  }
0x1c7: {  	s10 =	sshrl.u32 s20, $0x3;
	s20 =	smov.u32 s30  }
0x1c8: {  	s10 =	sadd.s32 s16, s10  }
.Ltmp9:
0x1c9: {  	s10 =	sshll.u32 s10, $0x7;
	(pc) =	sbr.rel @p0 .LBB2_9-.Ltmp9, $4  }
0x1ca: {  	s10 =	sand.u32 $0x3FFFFF80, s10;
	v1 =	vand.u32 $0x2, v0  }
0x1cb: {  	s21 =	sadd.s32 $0x20, s21;
	s10 =	sor.u32 s13, s10;
	v2 =	vshrl.u32 v0, $0x2;
	v0 =	vand.u32 $0x1, v0;
	v1 =	vmul.u32 $0x3C0, v1  }
0x1cc: {  	s25 =	sadd.s32 $0x10, s25;
	s29 =	sand.u32 $0x700, s21;
	v3 =	vadd.s32 v0, v2;
	[tilespmem:s10+$0x1EA00] =	vst v2  }
0x1cd: {  	s29 =	sadd.s32 s29, s18;
	s13 =	sand.u32 $0x70, s25;
	v1 =	vadd.s32 v2, v1;
	[tilespmem:s10+$0x1EC80] =	vst v3  }
0x1ce: {  	[tilespmem:s10+$0x1EF00] =	vst v1;
	v0 =	vadd.s32 v0, v1  }
0x1cf: {  	s18 =	sadd.s32 s13, s29;
	[tilespmem:s10+$0x1F180] =	vst v0  }
0x1d0: {  	v0 =	vld [tilespmem:s18+$0x0];
	_ =	sdelay $0x1  }
0x1d1: {  	s30 =	sshrl.u32 s20, $0x3  }
0x1d2: {  	s10 =	sadd.s32 s16, s30  }
0x1d3: {  	s10 =	sshll.u32 s10, $0x7  }
0x1d4: {  	s10 =	sand.u32 $0x3FFFFF80, s10;
	v63 =	vand.u32 $0x2, v0  }
0x1d5: {  	s10 =	sor.u32 s13, s10;
	v2 =	vshrl.u32 v0, $0x2;
	v0 =	vand.u32 $0x1, v0;
	v1 =	vmul.u32 $0x3C0, v63  }
0x1d6: {  	[tilespmem:s10+$0x1EA00] =	vst v2;
	v3 =	vadd.s32 v0, v2  }
0x1d7: {  	[tilespmem:s10+$0x1EC80] =	vst v3;
	v1 =	vadd.s32 v2, v1  }
0x1d8: {  	p0 =	seq.s32 s12, $0x0;
	[tilespmem:s10+$0x1EF00] =	vst v1;
	v0 =	vadd.s32 v0, v1  }
0x1d9: {  	[tilespmem:s10+$0x1F180] =	vst v0;
	s10 =	simm.s32 @!p0 $0x2  }
0x1da: {  	_ =	swait.ge @!p0 [sflag:s10], $0x280  }
0x1db: {  	[sflag:s10] =	ssyncset.done @!p0 $0x0  }
0x1dc: {  	[sflag:s10] =	ssyncadd.s32 @!p0 $0xFFFFFD80  }
0x1dd: {  	_ =	swait.ge @!p0 [sflag:s10], $0x280  }
0x1de: {  	[sflag:s10] =	ssyncset.done @!p0 $0x0  }
0x1df: {  	p1 =	seq.s32 @!p0 s12, $0xBF;
	[sflag:s10] =	ssyncadd.s32 @!p0 $0xFFFFFD80  }
0x1e0: {  	p1 =	por p0, !p1;
	_ =	swait.ge @!p0 [sflag:s10], $0x280  }
.Ltmp10:
0x1e1: {  	[sflag:s10] =	ssyncset.done @!p0 $0x0;
	(pc) =	sbr.rel @!p1 .LBB2_12-.Ltmp10, $4  }
0x1e2: {  	[sflag:s10] =	ssyncadd.s32 @!p0 $0xFFFFFD80  }
0x1e3: {  	_ =	swait.ge @!p0 [sflag:s10], $0x280  }
0x1e4: {  	[sflag:s10] =	ssyncset.done @!p0 $0x0  }
0x1e5: {  	s18 =	simm.s32 @!p0 $0xC0;
	[sflag:s10] =	ssyncadd.s32 @!p0 $0xFFFFFD80  }
0x1e6: {  	s18 =	sadd.s32 @!p0 $0x1, s12  }
0x1e7: {  	s18 =	simm.s32 @p0 $0x1  }
0x1e8: {  	s10 =	smulhi.u32 $0xAAAAAAAB, s18;
	_ =	sdelay $0x1  }
0x1e9: {  	s10 =	sshrl.u32 s10, $0x1  }
0x1ea: {  	s25 =	smul.u32 $0x3, s10;
	_ =	sdelay $0x1  }
0x1eb: {  	s12 =	ssub.s32 s18, s25  }
0x1ec: {  	s10 =	sadd.s32 s17, s10;
	s12 =	smul.u32 $0x280, s12  }
0x1ed: {  	s10 =	smul.u32 $0x780, s10  }
0x1ee: {  	s12 =	sor.u32 s6, s12  }
0x1ef: {  	s10 =	sadd.s32 s10, s12  }
0x1f0: {  	s12 =	sxor.u32 $0x80, s15;
	s10 =	sshrl.u32 s10, $0x3  }
0x1f1: {  	s13 =	sor.u32 $0x1E000, s12;
	s20 =	sadd.s32 s7, s10  }
0x1f2: {  	[tilespmem:s13], [sflag:$0x1] =	stream.linear.gather [hbm4b:s20+s3], $0x80, $0x38;
	[tilespmem:$0x1FE00] =	vst v63  }
0x1f3: {  	s21 =	sor.u32 $0x1E100, s12;
	s26 =	sadd.s32 $0x10, s20  }
0x1f4: {  	[tilespmem:s21], [sflag:$0x1] =	stream.linear.gather [hbm4b:s26+s3], $0x80, $0x38;
	[tilespmem:$0x1FE00] =	vst v63  }
0x1f5: {  	s30 =	sor.u32 $0x1E200, s12;
	s29 =	sadd.s32 $0x20, s20  }
0x1f6: {  	[tilespmem:s30], [sflag:$0x1] =	stream.linear.gather [hbm4b:s29+s3], $0x80, $0x38;
	[tilespmem:$0x1FE00] =	vst v63  }
0x1f7: {  	s25 =	sor.u32 $0x1E300, s12;
	s21 =	sadd.s32 $0x30, s20  }
0x1f8: {  	[tilespmem:s25], [sflag:$0x1] =	stream.linear.gather [hbm4b:s21+s3], $0x80, $0x38;
	[tilespmem:$0x1FE00] =	vst v63  }
0x1f9: {  	s26 =	sadd.s32 $0x40, s20;
	s29 =	sor.u32 $0x1E400, s12  }
0x1fa: {  	[tilespmem:s29], [sflag:$0x1] =	stream.linear.gather [hbm4b:s26+s3], $0x80, $0x38;
	[tilespmem:$0x1FE00] =	vst v63  }
0x1fb: {  	s10 =	sadd.s32 s5, s10;
	s30 =	sor.u32 $0x1E500, s12  }
0x1fc: {  	[tilespmem:s30], [sflag:$0x1] =	stream.linear.gather [hbm4b:s10+s3], $0x80, $0x38;
	[tilespmem:$0x1FE00] =	vst v63  }
0x1fd: {  	s20 =	sadd.s32 $0x10, s10;
	s21 =	sor.u32 $0x1E600, s12  }
0x1fe: {  	[tilespmem:s21], [sflag:$0x1] =	stream.linear.gather [hbm4b:s20+s3], $0x80, $0x38;
	[tilespmem:$0x1FE00] =	vst v63  }
0x1ff: {  	s25 =	sadd.s32 $0x20, s10;
	s26 =	sor.u32 $0x1E700, s12  }
0x200: {  	[tilespmem:s26], [sflag:$0x1] =	stream.linear.gather [hbm4b:s25+s3], $0x80, $0x38;
	[tilespmem:$0x1FE00] =	vst v63  }
.Ltmp11:
0x201: {  	_ = 	snop;
	(pc) =	sbr.rel .LBB2_12-.Ltmp11, $4  }
0x202: {  	s29 =	sadd.s32 $0x30, s10;
	s30 =	sor.u32 $0x1E800, s12  }
0x203: {  	[tilespmem:s30], [sflag:$0x1] =	stream.linear.gather [hbm4b:s29+s3], $0x80, $0x38;
	[tilespmem:$0x1FE00] =	vst v63  }
0x204: {  	s10 =	sadd.s32 $0x40, s10;
	s12 =	sor.u32 $0x1E900, s12  }
0x205: {  	[tilespmem:s12], [sflag:$0x1] =	stream.linear.gather [hbm4b:s10+s3], $0x80, $0x38;
	[tilespmem:$0x1FE00] =	vst v63  }
.LBB2_13:
0x206: {  	_ =	swait.ge [sflag:s24], $0x280  }
0x207: {  	[sflag:s24] =	ssyncset.done $0x0  }
0x208: {  	[sflag:s24] =	ssyncadd.s32 $0xFFFFFD80  }
0x209: {  	_ =	swait.ge [sflag:s24], $0x280  }
0x20a: {  	[sflag:s24] =	ssyncset.done $0x0  }
0x20b: {  	[sflag:s24] =	ssyncadd.s32 $0xFFFFFD80  }
0x20c: {  	_ =	swait.ge [sflag:s24], $0x280  }
0x20d: {  	[sflag:s24] =	ssyncset.done $0x0  }
0x20e: {  	[sflag:s24] =	ssyncadd.s32 $0xFFFFFD80  }
0x20f: {  	_ =	swait.ge [sflag:s24], $0x280  }
0x210: {  	[sflag:s24] =	ssyncset.done $0x0  }
0x211: {  	[sflag:s24] =	ssyncadd.s32 $0xFFFFFD80  }
0x212: {  	[bflag:$0x0] =	sbarrier.arrive $0xFFFF  }
0x213: {  	s12 =	sld [smem:$0x7EF];
	_ =	sdelay $0x1  }
0x214: {  	s10 =	rddreg [dreg:$0x1b]  }
0x215: {  	[hbm:s10], [sflag:s19] =	dma.local [spmem:s12], $0x780  }
0x216: {  	_ =	swait.ge [sflag:s28], $0x780  }
0x217: {  	s13 =	sld [smem:$0x7F0]  }
0x218: {  	[sflag:s28] =	ssyncset.done $0x0  }
0x219: {  	s18 =	rddreg [dreg:$0xc];
	[sflag:s28] =	ssyncadd.s32 $0xFFFFF880  }
0x21a: {  	[hbm:s18], [sflag:s19] =	dma.local [spmem:s13], $0x780  }
0x21b: {  	_ =	swait.ge [sflag:s28], $0x780  }
0x21c: {  	s14 =	sld [smem:$0x7F1]  }
0x21d: {  	[sflag:s28] =	ssyncset.done $0x0  }
0x21e: {  	s20 =	rddreg [dreg:$0xe];
	[sflag:s28] =	ssyncadd.s32 $0xFFFFF880  }
0x21f: {  	[hbm:s20], [sflag:s19] =	dma.local [spmem:s14], $0x780  }
0x220: {  	_ =	swait.ge [sflag:s28], $0x780  }
0x221: {  	s15 =	sld [smem:$0x7F2]  }
0x222: {  	[sflag:s28] =	ssyncset.done $0x0  }
0x223: {  	s21 =	rddreg [dreg:$0x10];
	[sflag:s28] =	ssyncadd.s32 $0xFFFFF880  }
0x224: {  	[hbm:s21], [sflag:s19] =	dma.local [spmem:s15], $0x780  }
0x225: {  	_ =	swait.ge [sflag:s28], $0x780  }
0x226: {  	[sflag:s28] =	ssyncset.done $0x0  }
0x227: {  	s25 =	rddreg [dreg:$0x12];
	[sflag:s28] =	ssyncadd.s32 $0xFFFFF880  }
0x228: {  	[hbm:s25], [sflag:s19] =	dma.local [spmem:s31], $0x780  }
0x229: {  	_ =	swait.ge [sflag:s28], $0x780  }
0x22a: {  	[sflag:s28] =	ssyncset.done $0x0  }
0x22b: {  	s26 =	rddreg [dreg:$0x14];
	[sflag:s28] =	ssyncadd.s32 $0xFFFFF880  }
0x22c: {  	[hbm:s26], [sflag:s19] =	dma.local [spmem:s0], $0x780  }
0x22d: {  	_ =	swait.ge [sflag:s28], $0x780  }
0x22e: {  	[sflag:s28] =	ssyncset.done $0x0  }
0x22f: {  	s29 =	rddreg [dreg:$0x16];
	[sflag:s28] =	ssyncadd.s32 $0xFFFFF880  }
0x230: {  	[hbm:s29], [sflag:s19] =	dma.local [spmem:s2], $0x780  }
0x231: {  	_ =	swait.ge [sflag:s28], $0x780  }
0x232: {  	[sflag:s28] =	ssyncset.done $0x0  }
0x233: {  	s30 =	rddreg [dreg:$0x1a];
	[sflag:s28] =	ssyncadd.s32 $0xFFFFF880  }
0x234: {  	[hbm:s30], [sflag:s19] =	dma.local [spmem:s11], $0x780  }
0x235: {  	_ =	swait.ge [sflag:s28], $0x780  }
0x236: {  	[sflag:s28] =	ssyncset.done $0x0  }
0x237: {  	[sflag:s28] =	ssyncadd.s32 $0xFFFFF880  }
0x238: {  	[spmem:s12], [sflag:s19] =	dma.local [hbm:s9], $0x780  }
0x239: {  	_ =	swait.ge [sflag:s28], $0x780  }
0x23a: {  	[sflag:s28] =	ssyncset.done $0x0  }
0x23b: {  	[sflag:s28] =	ssyncadd.s32 $0xFFFFF880  }
0x23c: {  	[spmem:s13], [sflag:s19] =	dma.local [hbm:s9], $0x780  }
0x23d: {  	_ =	swait.ge [sflag:s28], $0x780  }
0x23e: {  	[sflag:s28] =	ssyncset.done $0x0  }
0x23f: {  	[sflag:s28] =	ssyncadd.s32 $0xFFFFF880  }
0x240: {  	[spmem:s14], [sflag:s19] =	dma.local [hbm:s9], $0x780  }
0x241: {  	_ =	swait.ge [sflag:s28], $0x780  }
0x242: {  	[sflag:s28] =	ssyncset.done $0x0  }
0x243: {  	[sflag:s28] =	ssyncadd.s32 $0xFFFFF880  }
0x244: {  	[spmem:s15], [sflag:s19] =	dma.local [hbm:s9], $0x780  }
0x245: {  	_ =	swait.ge [sflag:s28], $0x780  }
0x246: {  	[sflag:s28] =	ssyncset.done $0x0  }
0x247: {  	[sflag:s28] =	ssyncadd.s32 $0xFFFFF880  }
0x248: {  	[spmem:s31], [sflag:s19] =	dma.local [hbm:s9], $0x780  }
0x249: {  	_ =	swait.ge [sflag:s28], $0x780  }
0x24a: {  	[sflag:s28] =	ssyncset.done $0x0  }
0x24b: {  	[sflag:s28] =	ssyncadd.s32 $0xFFFFF880  }
0x24c: {  	[spmem:s0], [sflag:s19] =	dma.local [hbm:s9], $0x780  }
0x24d: {  	_ =	swait.ge [sflag:s28], $0x780  }
0x24e: {  	[sflag:s28] =	ssyncset.done $0x0  }
0x24f: {  	[sflag:s28] =	ssyncadd.s32 $0xFFFFF880  }
0x250: {  	[spmem:s2], [sflag:s19] =	dma.local [hbm:s9], $0x780  }
0x251: {  	_ =	swait.ge [sflag:s28], $0x780  }
0x252: {  	[sflag:s28] =	ssyncset.done $0x0  }
0x253: {  	[sflag:s28] =	ssyncadd.s32 $0xFFFFF880  }
0x254: {  	[spmem:s11], [sflag:s19] =	dma.local [hbm:s9], $0x780  }
0x255: {  	_ =	swait.ge [sflag:s28], $0x780  }
0x256: {  	[sflag:s28] =	ssyncset.done $0x0  }
0x257: {  	[sflag:s28] =	ssyncadd.s32 $0xFFFFF880  }
0x258: {  	[bflag:$0x0] =	sbarrier.arrive $0xFFFF  }
0x259: {  	s12 =	rddreg [dreg:$0x1c]  }
0x25a: {  	s13 =	simm.s32 $0x1E000;
	s14 =	simm.s32 $0x0;
	s16 =	sld [smem:$0x7ED]  }
0x25b: {  	[tilespmem:s13], [sflag:$0x1] =	stream.linear.gather [hbm4b:s12+s14], $0x80, $0x38;
	[tilespmem:$0x1FE00] =	vst v63  }
0x25c: {  	s15 =	simm.s32 $0x1E100;
	s20 =	sld [smem:$0x7F3]  }
0x25d: {  	[tilespmem:s15], [sflag:$0x1] =	stream.linear.gather [hbm4b:s16+s14], $0x80, $0x38;
	[tilespmem:$0x1FE00] =	vst v63  }
0x25e: {  	s18 =	simm.s32 $0x1E200;
	s25 =	sld [smem:$0x7F4]  }
0x25f: {  	[tilespmem:s18], [sflag:$0x1] =	stream.linear.gather [hbm4b:s20+s14], $0x80, $0x38;
	[tilespmem:$0x1FE00] =	vst v63  }
0x260: {  	s21 =	simm.s32 $0x1E300;
	s29 =	sld [smem:$0x7F5]  }
0x261: {  	[tilespmem:s21], [sflag:$0x1] =	stream.linear.gather [hbm4b:s25+s14], $0x80, $0x38;
	[tilespmem:$0x1FE00] =	vst v63  }
0x262: {  	s26 =	simm.s32 $0x1E400  }
0x263: {  	[tilespmem:s26], [sflag:$0x1] =	stream.linear.gather [hbm4b:s29+s14], $0x80, $0x38;
	[tilespmem:$0x1FE00] =	vst v63  }
0x264: {  	s30 =	rddreg [dreg:$0x1f];
	s15 =	simm.s32 $0x1E500  }
0x265: {  	[tilespmem:s15], [sflag:$0x1] =	stream.linear.gather [hbm4b:s30+s14], $0x80, $0x38;
	[tilespmem:$0x1FE00] =	vst v63  }
0x266: {  	s16 =	sadd.s32 $0x10, s30;
	s18 =	simm.s32 $0x1E600  }
0x267: {  	[tilespmem:s18], [sflag:$0x1] =	stream.linear.gather [hbm4b:s16+s14], $0x80, $0x38;
	[tilespmem:$0x1FE00] =	vst v63  }
0x268: {  	s20 =	sadd.s32 $0x20, s30;
	s21 =	simm.s32 $0x1E700  }
0x269: {  	[tilespmem:s21], [sflag:$0x1] =	stream.linear.gather [hbm4b:s20+s14], $0x80, $0x38;
	[tilespmem:$0x1FE00] =	vst v63  }
.Ltmp12:
0x26a: {  	_ = 	snop;
	(pc) =	sbr.rel .LBB2_14-.Ltmp12, $4  }
0x26b: {  	s25 =	sadd.s32 $0x30, s30;
	s26 =	simm.s32 $0x1E800  }
0x26c: {  	[tilespmem:s26], [sflag:$0x1] =	stream.linear.gather [hbm4b:s25+s14], $0x80, $0x38;
	[tilespmem:$0x1FE00] =	vst v63  }
0x26d: {  	s29 =	sadd.s32 $0x40, s30;
	s30 =	simm.s32 $0x1E900;
	s16 =	simm.s32 $0x0  }
0x26e: {  	[tilespmem:s30], [sflag:$0x1] =	stream.linear.gather [hbm4b:s29+s14], $0x80, $0x38;
	[tilespmem:$0x1FE00] =	vst v63  }
.LBB2_18:
0x26f: {  	s10 =	sshll.u32 s15, $0x7  }
0x270: {  	s13 =	sor.u32 $0x1E500, s12;
	s15 =	sadd.s32 $0x1EA00, s10  }
0x271: {  	[spmem:s1] =	stream.indirect.scatter.add.f32 [tilespmem:s13], [sflag:$0x2], $0x1, s15, s23, $0xb8;
	[tilespmem:$0x1FE00] =	vst v63  }
0x272: {  	s30 =	sadd.s32 $0x1EC80, s10  }
0x273: {  	[spmem:s1] =	stream.indirect.scatter.add.f32 [tilespmem:s13], [sflag:$0x2], $0x1, s30, s23, $0xb8;
	[tilespmem:$0x1FE00] =	vst v63  }
0x274: {  	s16 =	sadd.s32 $0x1EF00, s10  }
0x275: {  	[spmem:s1] =	stream.indirect.scatter.add.f32 [tilespmem:s13], [sflag:$0x2], $0x1, s16, s23, $0xb8;
	[tilespmem:$0x1FE00] =	vst v63  }
0x276: {  	s20 =	sadd.s32 $0x1F180, s10  }
0x277: {  	[spmem:s1] =	stream.indirect.scatter.add.f32 [tilespmem:s13], [sflag:$0x2], $0x1, s20, s23, $0xb8;
	[tilespmem:$0x1FE00] =	vst v63  }
0x278: {  	s21 =	sor.u32 $0x1E600, s12;
	s25 =	sadd.s32 $0x1EA80, s10  }
0x279: {  	[spmem:s1] =	stream.indirect.scatter.add.f32 [tilespmem:s21], [sflag:$0x2], $0x1, s25, s23, $0xb8;
	[tilespmem:$0x1FE00] =	vst v63  }
0x27a: {  	s26 =	sadd.s32 $0x1ED00, s10  }
0x27b: {  	[spmem:s1] =	stream.indirect.scatter.add.f32 [tilespmem:s21], [sflag:$0x2], $0x1, s26, s23, $0xb8;
	[tilespmem:$0x1FE00] =	vst v63  }
0x27c: {  	s29 =	sadd.s32 $0x1EF80, s10  }
0x27d: {  	[spmem:s1] =	stream.indirect.scatter.add.f32 [tilespmem:s21], [sflag:$0x2], $0x1, s29, s23, $0xb8;
	[tilespmem:$0x1FE00] =	vst v63  }
0x27e: {  	s30 =	sadd.s32 $0x1F200, s10  }
0x27f: {  	[spmem:s1] =	stream.indirect.scatter.add.f32 [tilespmem:s21], [sflag:$0x2], $0x1, s30, s23, $0xb8;
	[tilespmem:$0x1FE00] =	vst v63  }
0x280: {  	s16 =	sor.u32 $0x1E700, s12;
	s20 =	sadd.s32 $0x1EB00, s10  }
0x281: {  	[spmem:s1] =	stream.indirect.scatter.add.f32 [tilespmem:s16], [sflag:$0x2], $0x1, s20, s23, $0xb8;
	[tilespmem:$0x1FE00] =	vst v63  }
0x282: {  	s21 =	sadd.s32 $0x1ED80, s10  }
0x283: {  	[spmem:s1] =	stream.indirect.scatter.add.f32 [tilespmem:s16], [sflag:$0x2], $0x1, s21, s23, $0xb8;
	[tilespmem:$0x1FE00] =	vst v63  }
0x284: {  	s25 =	sor.u32 $0x1F000, s10  }
0x285: {  	[spmem:s1] =	stream.indirect.scatter.add.f32 [tilespmem:s16], [sflag:$0x2], $0x1, s25, s23, $0xb8;
	[tilespmem:$0x1FE00] =	vst v63  }
0x286: {  	s26 =	sadd.s32 $0x1F280, s10  }
0x287: {  	[spmem:s1] =	stream.indirect.scatter.add.f32 [tilespmem:s16], [sflag:$0x2], $0x1, s26, s23, $0xb8;
	[tilespmem:$0x1FE00] =	vst v63  }
0x288: {  	s29 =	sor.u32 $0x1E800, s12;
	s30 =	sadd.s32 $0x1EB80, s10  }
0x289: {  	[spmem:s1] =	stream.indirect.scatter.add.f32 [tilespmem:s29], [sflag:$0x2], $0x1, s30, s23, $0xb8;
	[tilespmem:$0x1FE00] =	vst v63  }
0x28a: {  	s16 =	sadd.s32 $0x1EE00, s10  }
0x28b: {  	[spmem:s1] =	stream.indirect.scatter.add.f32 [tilespmem:s29], [sflag:$0x2], $0x1, s16, s23, $0xb8;
	[tilespmem:$0x1FE00] =	vst v63  }
0x28c: {  	s20 =	sadd.s32 $0x1F080, s10  }
0x28d: {  	[spmem:s1] =	stream.indirect.scatter.add.f32 [tilespmem:s29], [sflag:$0x2], $0x1, s20, s23, $0xb8;
	[tilespmem:$0x1FE00] =	vst v63  }
0x28e: {  	s21 =	sadd.s32 $0x1F300, s10  }
0x28f: {  	[spmem:s1] =	stream.indirect.scatter.add.f32 [tilespmem:s29], [sflag:$0x2], $0x1, s21, s23, $0xb8;
	[tilespmem:$0x1FE00] =	vst v63  }
0x290: {  	s25 =	sor.u32 $0x1E900, s12;
	s26 =	sadd.s32 $0x1EC00, s10  }
0x291: {  	[spmem:s1] =	stream.indirect.scatter.add.f32 [tilespmem:s25], [sflag:$0x2], $0x1, s26, s23, $0xb8;
	[tilespmem:$0x1FE00] =	vst v63  }
0x292: {  	p0 =	slt.u32 s18, $0xC0;
	s29 =	sadd.s32 $0x1EE80, s10  }
0x293: {  	[spmem:s1] =	stream.indirect.scatter.add.f32 [tilespmem:s25], [sflag:$0x2], $0x1, s29, s23, $0xb8;
	[tilespmem:$0x1FE00] =	vst v63  }
.Ltmp13:
0x294: {  	_ = 	snop;
	(pc) =	sbr.rel @!p0 .LBB2_19-.Ltmp13, $4  }
0x295: {  	s30 =	sadd.s32 $0x1F100, s10  }
0x296: {  	[spmem:s1] =	stream.indirect.scatter.add.f32 [tilespmem:s25], [sflag:$0x2], $0x1, s30, s23, $0xb8;
	[tilespmem:$0x1FE00] =	vst v63  }
0x297: {  	s16 =	smov.u32 s18;
	s10 =	sadd.s32 $0x1F380, s10  }
0x298: {  	[spmem:s1] =	stream.indirect.scatter.add.f32 [tilespmem:s25], [sflag:$0x2], $0x1, s10, s23, $0xb8;
	[tilespmem:$0x1FE00] =	vst v63  }
.LBB2_14:
0x299: {  	_ =	swait.ge [sflag:s22], $0x280  }
0x29a: {  	s10 =	sshll.u32 s16, $0x7;
	[sflag:s22] =	ssyncset.done $0x0  }
0x29b: {  	s12 =	sand.u32 $0x80, s10;
	[sflag:s22] =	ssyncadd.s32 $0xFFFFFD80  }
0x29c: {  	s26 =	sand.u32 $0x700, s14;
	s18 =	sor.u32 $0x1E000, s12;
	_ =	swait.ge [sflag:s22], $0x280  }
0x29d: {  	s13 =	sand.u32 $0x70, s14;
	s10 =	sadd.s32 s26, s18;
	[sflag:s22] =	ssyncset.done $0x0  }
0x29e: {  	s10 =	sadd.s32 s13, s10;
	[sflag:s22] =	ssyncadd.s32 $0xFFFFFD80  }
0x29f: {  	s15 =	sand.u32 $0x1, s16;
	v0 =	vld [tilespmem:s10+$0x0]  }
0x2a0: {  	p0 =	seq.s32 s15, $0x1;
	s15 =	simm.s32 $0x14  }
0x2a1: {  	s15 =	simm.s32 @!p0 $0x0  }
0x2a2: {  	s30 =	sadd.s32 $0x0, s15  }
0x2a3: {  	s10 =	sshll.u32 s30, $0x7  }
0x2a4: {  	s10 =	sand.u32 $0x3FFFFF80, s10;
	v1 =	vand.u32 $0x2, v0  }
0x2a5: {  	s21 =	simm.s32 $0x20;
	s10 =	sor.u32 s13, s10;
	v2 =	vshrl.u32 v0, $0x2;
	v0 =	vand.u32 $0x1, v0;
	v1 =	vmul.u32 $0x3C0, v1  }
0x2a6: {  	s20 =	simm.s32 $0x1;
	s25 =	simm.s32 $0x10;
	s29 =	sand.u32 $0x700, s21;
	[tilespmem:s10+$0x1EA00] =	vst v2;
	v3 =	vadd.s32 v0, v2  }
0x2a7: {  	s26 =	simm.s32 $0x2;
	s29 =	sadd.s32 s29, s18;
	s13 =	sand.u32 $0x70, s25;
	[tilespmem:s10+$0x1EC80] =	vst v3;
	v1 =	vadd.s32 v2, v1  }
.LBB2_15:
0x2a8: {  	p0 =	sne.s32 s26, $0x27  }
0x2a9: {  	s29 =	sadd.s32 s13, s29;
	[tilespmem:s10+$0x1EF00] =	vst v1;
	v0 =	vadd.s32 v0, v1;
	s30 =	smov.u32 s26;
	s26 =	sadd.s32 $0x1, s26  }
0x2aa: {  	[tilespmem:s10+$0x1F180] =	vst v0  }
0x2ab: {  	v0 =	vld [tilespmem:s29+$0x0];
	_ =	sdelay $0x1  }
0x2ac: {  	s10 =	sshrl.u32 s20, $0x3;
	s20 =	smov.u32 s30  }
0x2ad: {  	s10 =	sadd.s32 s15, s10  }
.Ltmp14:
0x2ae: {  	s10 =	sshll.u32 s10, $0x7;
	(pc) =	sbr.rel @p0 .LBB2_15-.Ltmp14, $4  }
0x2af: {  	s10 =	sand.u32 $0x3FFFFF80, s10;
	v1 =	vand.u32 $0x2, v0  }
0x2b0: {  	s21 =	sadd.s32 $0x20, s21;
	s10 =	sor.u32 s13, s10;
	v2 =	vshrl.u32 v0, $0x2;
	v0 =	vand.u32 $0x1, v0;
	v1 =	vmul.u32 $0x3C0, v1  }
0x2b1: {  	s25 =	sadd.s32 $0x10, s25;
	s29 =	sand.u32 $0x700, s21;
	v3 =	vadd.s32 v0, v2;
	[tilespmem:s10+$0x1EA00] =	vst v2  }
0x2b2: {  	s29 =	sadd.s32 s29, s18;
	s13 =	sand.u32 $0x70, s25;
	v1 =	vadd.s32 v2, v1;
	[tilespmem:s10+$0x1EC80] =	vst v3  }
0x2b3: {  	[tilespmem:s10+$0x1EF00] =	vst v1;
	v0 =	vadd.s32 v0, v1  }
0x2b4: {  	s18 =	sadd.s32 s13, s29;
	[tilespmem:s10+$0x1F180] =	vst v0  }
0x2b5: {  	v0 =	vld [tilespmem:s18+$0x0];
	_ =	sdelay $0x1  }
0x2b6: {  	s30 =	sshrl.u32 s20, $0x3  }
0x2b7: {  	s10 =	sadd.s32 s15, s30  }
0x2b8: {  	s10 =	sshll.u32 s10, $0x7  }
0x2b9: {  	s10 =	sand.u32 $0x3FFFFF80, s10;
	v63 =	vand.u32 $0x2, v0  }
0x2ba: {  	s10 =	sor.u32 s13, s10;
	v2 =	vshrl.u32 v0, $0x2;
	v0 =	vand.u32 $0x1, v0;
	v1 =	vmul.u32 $0x3C0, v63  }
0x2bb: {  	[tilespmem:s10+$0x1EA00] =	vst v2;
	v3 =	vadd.s32 v0, v2  }
0x2bc: {  	[tilespmem:s10+$0x1EC80] =	vst v3;
	v1 =	vadd.s32 v2, v1  }
0x2bd: {  	p0 =	seq.s32 s16, $0x0;
	[tilespmem:s10+$0x1EF00] =	vst v1;
	v0 =	vadd.s32 v0, v1  }
0x2be: {  	[tilespmem:s10+$0x1F180] =	vst v0;
	s10 =	simm.s32 @!p0 $0x2  }
0x2bf: {  	_ =	swait.ge @!p0 [sflag:s10], $0x280  }
0x2c0: {  	[sflag:s10] =	ssyncset.done @!p0 $0x0  }
0x2c1: {  	[sflag:s10] =	ssyncadd.s32 @!p0 $0xFFFFFD80  }
0x2c2: {  	_ =	swait.ge @!p0 [sflag:s10], $0x280  }
0x2c3: {  	[sflag:s10] =	ssyncset.done @!p0 $0x0  }
0x2c4: {  	p1 =	seq.s32 @!p0 s16, $0xBF;
	[sflag:s10] =	ssyncadd.s32 @!p0 $0xFFFFFD80  }
0x2c5: {  	p1 =	por p0, !p1;
	_ =	swait.ge @!p0 [sflag:s10], $0x280  }
.Ltmp15:
0x2c6: {  	[sflag:s10] =	ssyncset.done @!p0 $0x0;
	(pc) =	sbr.rel @!p1 .LBB2_18-.Ltmp15, $4  }
0x2c7: {  	[sflag:s10] =	ssyncadd.s32 @!p0 $0xFFFFFD80  }
0x2c8: {  	_ =	swait.ge @!p0 [sflag:s10], $0x280  }
0x2c9: {  	[sflag:s10] =	ssyncset.done @!p0 $0x0  }
0x2ca: {  	s18 =	simm.s32 @!p0 $0xC0;
	[sflag:s10] =	ssyncadd.s32 @!p0 $0xFFFFFD80  }
0x2cb: {  	s18 =	sadd.s32 @!p0 $0x1, s16  }
0x2cc: {  	s18 =	simm.s32 @p0 $0x1  }
0x2cd: {  	s10 =	smulhi.u32 $0xAAAAAAAB, s18;
	_ =	sdelay $0x1  }
0x2ce: {  	s10 =	sshrl.u32 s10, $0x1  }
0x2cf: {  	s13 =	smul.u32 $0x3, s10;
	_ =	sdelay $0x1  }
0x2d0: {  	s13 =	ssub.s32 s18, s13  }
0x2d1: {  	s10 =	sadd.s32 s17, s10;
	s13 =	smul.u32 $0x280, s13  }
0x2d2: {  	s10 =	smul.u32 $0x780, s10  }
0x2d3: {  	s13 =	sor.u32 s6, s13  }
0x2d4: {  	s10 =	sadd.s32 s10, s13  }
0x2d5: {  	s13 =	sxor.u32 $0x80, s12;
	s10 =	sshrl.u32 s10, $0x3  }
0x2d6: {  	s25 =	sor.u32 $0x1E000, s13;
	s20 =	sadd.s32 s7, s10  }
0x2d7: {  	[tilespmem:s25], [sflag:$0x1] =	stream.linear.gather [hbm4b:s20+s3], $0x80, $0x38;
	[tilespmem:$0x1FE00] =	vst v63  }
0x2d8: {  	s21 =	sor.u32 $0x1E100, s13;
	s26 =	sadd.s32 $0x10, s20  }
0x2d9: {  	[tilespmem:s21], [sflag:$0x1] =	stream.linear.gather [hbm4b:s26+s3], $0x80, $0x38;
	[tilespmem:$0x1FE00] =	vst v63  }
0x2da: {  	s30 =	sor.u32 $0x1E200, s13;
	s29 =	sadd.s32 $0x20, s20  }
0x2db: {  	[tilespmem:s30], [sflag:$0x1] =	stream.linear.gather [hbm4b:s29+s3], $0x80, $0x38;
	[tilespmem:$0x1FE00] =	vst v63  }
0x2dc: {  	s25 =	sor.u32 $0x1E300, s13;
	s21 =	sadd.s32 $0x30, s20  }
0x2dd: {  	[tilespmem:s25], [sflag:$0x1] =	stream.linear.gather [hbm4b:s21+s3], $0x80, $0x38;
	[tilespmem:$0x1FE00] =	vst v63  }
0x2de: {  	s26 =	sadd.s32 $0x40, s20;
	s29 =	sor.u32 $0x1E400, s13  }
0x2df: {  	[tilespmem:s29], [sflag:$0x1] =	stream.linear.gather [hbm4b:s26+s3], $0x80, $0x38;
	[tilespmem:$0x1FE00] =	vst v63  }
0x2e0: {  	s10 =	sadd.s32 s8, s10;
	s30 =	sor.u32 $0x1E500, s13  }
0x2e1: {  	[tilespmem:s30], [sflag:$0x1] =	stream.linear.gather [hbm4b:s10+s3], $0x80, $0x38;
	[tilespmem:$0x1FE00] =	vst v63  }
0x2e2: {  	s20 =	sadd.s32 $0x10, s10;
	s21 =	sor.u32 $0x1E600, s13  }
0x2e3: {  	[tilespmem:s21], [sflag:$0x1] =	stream.linear.gather [hbm4b:s20+s3], $0x80, $0x38;
	[tilespmem:$0x1FE00] =	vst v63  }
0x2e4: {  	s25 =	sadd.s32 $0x20, s10;
	s26 =	sor.u32 $0x1E700, s13  }
0x2e5: {  	[tilespmem:s26], [sflag:$0x1] =	stream.linear.gather [hbm4b:s25+s3], $0x80, $0x38;
	[tilespmem:$0x1FE00] =	vst v63  }
.Ltmp16:
0x2e6: {  	_ = 	snop;
	(pc) =	sbr.rel .LBB2_18-.Ltmp16, $4  }
0x2e7: {  	s29 =	sadd.s32 $0x30, s10;
	s30 =	sor.u32 $0x1E800, s13  }
0x2e8: {  	[tilespmem:s30], [sflag:$0x1] =	stream.linear.gather [hbm4b:s29+s3], $0x80, $0x38;
	[tilespmem:$0x1FE00] =	vst v63  }
0x2e9: {  	s10 =	sadd.s32 $0x40, s10;
	s13 =	sor.u32 $0x1E900, s13  }
0x2ea: {  	[tilespmem:s13], [sflag:$0x1] =	stream.linear.gather [hbm4b:s10+s3], $0x80, $0x38;
	[tilespmem:$0x1FE00] =	vst v63  }
.LBB2_20:
0x2eb: {  	_ =	sfence.sel $0x180000  }
0x2ec: {  	[bflag:$0x0] =	sbarrier.arrive $0xFFFF  }
0x2ed: {  	_ =	strace $0x90000047  }
0x2ee: {  	s0 =	stileid.u32;
	[bflag:$0x2] =	sbarrier.arrive $0xFFFF  }
0x2ef: {  	p0 =	sne.s32 s0, $0x0;
	s0 =	rddreg [dreg:$0x2]  }
0x2f0: {  	s0 =	sadd.s32 @!p0 $0x100000, s0  }
0x2f1: {  	[sflag:s0] =	ssyncadd.tile.s32 @!p0 $0x1;
	_ =	shalt  }
.Lfunc_end2:
_tile_overlayer_lowered:
.L_overlay_start_2:
0x2f2: {  	(tag) =	ssettag $0x2  }
0x2f3: {  	s0 =	rddreg [dreg:$0x0];
	s2 =	stileid.u32  }
0x2f4: {  	s1 =	rddreg [dreg:$0x1];
	p0 =	sne.s32 s2, $0x0  }
0x2f5: {  	s3 =	rddreg [dreg:$0x2];
	[bflag:$0x3] =	sbarrier.arrive $0xFFFF;
	s2 =	simm.s32 @!p0 $0x1C03  }
0x2f6: {  	[timem:s3], [sflag:s2] =	dma.local @!p0 [hbm:s0], s1  }
0x2f7: {  	s0 =	simm.s32 @!p0 $0x3  }
0x2f8: {  	_ =	swait.ge @!p0 [sflag:s0], s1  }
0x2f9: {  	s1 =	ssub.s32 @!p0 $0x0, s1;
	[sflag:s0] =	ssyncset.done @!p0 $0x0  }
0x2fa: {  	[sflag:s0] =	ssyncadd.s32 @!p0 s1  }
0x2fb: {  	[bflag:$0x3] =	sbarrier.arrive $0xFFFF  }
0x2fc: {  	_ =	shalt  }

</sc_bundles>
